<compile_context>
chip_gen: v7x
topology: tpu7x:2x2x1
jax: 0.10.2.dev20260603
libtpu: 0.0.44.dev20260713+nightly
codegen_flags: <defaults>
</compile_context>

<pallas_src>
import functools

import jax
import jax.numpy as jnp
from jax import lax
from jax.experimental import pallas as pl
from jax.experimental.pallas import tpu as pltpu
from jax.experimental.pallas import tpu_sc as plsc

INPUT_DIM = 1024
OUTPUT_DIM = 1024
K_DIM = 512
HEADS = 4
KNN = 16
N_KEYS = 256
SIZE = N_KEYS * N_KEYS
V_DIM = OUTPUT_DIM
TOKENS = 2048

TOK_BLK = 256
GRID = TOKENS // TOK_BLK
HALF = K_DIM // 2

_NEG = float("-inf")
_BIG = 1 << 30


def _dotg(a, b):
    return lax.dot_general(a, b, (((1,), (1,)), ((), ())),
                           preferred_element_type=jnp.float32)


def _top16_t(s, payload=None):
    C = s.shape[1]
    iota0 = lax.broadcasted_iota(jnp.int32, s.shape, 0)
    iota16 = lax.broadcasted_iota(jnp.int32, (KNN, C), 0)

    def body(i, carry):
        cur, vals, idxs = carry
        m = jnp.max(cur, axis=0, keepdims=True)
        ismax = cur == m
        pos = jnp.min(jnp.where(ismax, iota0, _BIG), axis=0, keepdims=True)
        hit = iota0 == pos
        if payload is None:
            pick = pos
        else:
            pick = jnp.sum(jnp.where(hit, payload, 0), axis=0, keepdims=True)
        sel = iota16 == i
        vals = jnp.where(sel, m, vals)
        idxs = jnp.where(sel, pick, idxs)
        cur = jnp.where(hit, _NEG, cur)
        return cur, vals, idxs

    _, vals, idxs = lax.fori_loop(
        0, KNN, body,
        (s, jnp.zeros((KNN, C), jnp.float32), jnp.zeros((KNN, C), jnp.int32)),
        unroll=2)
    return vals, idxs


def _topk_body(x_ref, keys_ref, wq_ref, bq_ref, idx_ref, w_ref):
    x = x_ref[...]
    B = x.shape[0]
    q = _dotg(x, wq_ref[...]) + bq_ref[...]
    s12t = jnp.concatenate(
        [_dotg(keys_ref[h, 0], q[:, h * K_DIM:h * K_DIM + HALF])
         for h in range(HEADS)]
        + [_dotg(keys_ref[h, 1], q[:, h * K_DIM + HALF:(h + 1) * K_DIM])
           for h in range(HEADS)], axis=1)
    sv, si = _top16_t(s12t)
    s1v, i1 = sv[:, :4 * B], si[:, :4 * B]
    s2v, i2 = sv[:, 4 * B:], si[:, 4 * B:]
    rows_v, rows_i = [], []
    for j in range(KNN):
        lmax = max(l + 1 for l in range(KNN) if (j + 1) * (l + 1) <= KNN)
        rows_v.append(s1v[j:j + 1] + s2v[:lmax])
        rows_i.append(i1[j:j + 1] * N_KEYS + i2[:lmax])
    pad = 64 - sum(r.shape[0] for r in rows_v)
    rows_v.append(jnp.full((pad, 4 * B), _NEG, jnp.float32))
    rows_i.append(jnp.zeros((pad, 4 * B), jnp.int32))
    comb_v = jnp.concatenate(rows_v, axis=0)
    comb_i = jnp.concatenate(rows_i, axis=0)
    cv, ci = _top16_t(comb_v, payload=comb_i)
    m = jnp.max(cv, axis=0, keepdims=True)
    e = jnp.exp(cv - m)
    sm = e / jnp.sum(e, axis=0, keepdims=True)
    idx_ref[...] = jnp.concatenate(
        [ci[:, h * B:(h + 1) * B].T for h in range(HEADS)], axis=1)
    w_ref[...] = jnp.concatenate(
        [sm[:, h * B:(h + 1) * B].T for h in range(HEADS)], axis=1)


def _score_topk(x, keys4, Wq, bq):
    return pl.pallas_call(
        _topk_body,
        grid=(GRID,),
        in_specs=[
            pl.BlockSpec((TOK_BLK, INPUT_DIM), lambda i: (i, 0)),
            pl.BlockSpec((HEADS, 2, N_KEYS, HALF), lambda i: (0, 0, 0, 0)),
            pl.BlockSpec((HEADS * K_DIM, INPUT_DIM), lambda i: (0, 0)),
            pl.BlockSpec((HEADS * K_DIM,), lambda i: (0,)),
        ],
        out_specs=[
            pl.BlockSpec((TOK_BLK, HEADS * KNN), lambda i: (i, 0)),
            pl.BlockSpec((TOK_BLK, HEADS * KNN), lambda i: (i, 0)),
        ],
        out_shape=[
            jax.ShapeDtypeStruct((TOKENS, HEADS * KNN), jnp.int32),
            jax.ShapeDtypeStruct((TOKENS, HEADS * KNN), jnp.float32),
        ],
    )(x, keys4, Wq, bq)


_NC, _NS = 2, 16
_NW = _NC * _NS
_TPW = TOKENS // _NW
_HB = HEADS * KNN // 2


def _embbag(values, idx, w):
    mesh = plsc.VectorSubcoreMesh(core_axis_name="c", subcore_axis_name="s")

    @functools.partial(
        pl.kernel,
        out_type=jax.ShapeDtypeStruct((TOKENS, V_DIM), jnp.float32),
        mesh=mesh,
        scratch_types=[
            pltpu.VMEM((_TPW, HEADS * KNN), jnp.int32),
            pltpu.VMEM((_TPW * HEADS * KNN,), jnp.float32),
            pltpu.VMEM((_HB, V_DIM), jnp.float32),
            pltpu.VMEM((_HB, V_DIM), jnp.float32),
            pltpu.VMEM((V_DIM,), jnp.float32),
            pltpu.SemaphoreType.DMA,
            pltpu.SemaphoreType.DMA,
        ],
    )
    def k(values_hbm, idx_hbm, w_hbm, out_hbm,
          idx_v, w_v, buf_a, buf_b, out_v, sem_a, sem_b):
        wid = lax.axis_index("s") * _NC + lax.axis_index("c")
        base = wid * _TPW
        pltpu.sync_copy(idx_hbm.at[pl.ds(base, _TPW), :], idx_v)
        pltpu.sync_copy(
            w_hbm.at[pl.ds(base * (HEADS * KNN), _TPW * HEADS * KNN)], w_v)

        def gather(tok, half, buf, sem):
            return pltpu.make_async_copy(
                values_hbm.at[idx_v.at[tok, pl.ds(half * _HB, _HB)]],
                buf, sem)

        def accum(buf, tok, half):
            for cc in range(V_DIM // 256):
                def row_body(j, acc, _cc=cc):
                    wbase = tok * (HEADS * KNN) + half * _HB
                    wrow = w_v[pl.ds(wbase + (j // 16) * 16, 16)]
                    wv = lax.gather(
                        wrow, jnp.full((16, 1), j % 16, jnp.int32),
                        lax.GatherDimensionNumbers(
                            offset_dims=(), collapsed_slice_dims=(0,),
                            start_index_map=(0,)),
                        (1,), mode=lax.GatherScatterMode.PROMISE_IN_BOUNDS)
                    return tuple(
                        acc[c] + wv * buf[j, pl.ds(_cc * 256 + c * 16, 16)]
                        for c in range(16))
                acc = lax.fori_loop(
                    0, _HB, row_body,
                    tuple(jnp.zeros((16,), jnp.float32) for _ in range(16)))
                for c in range(16):
                    dst = out_v.at[pl.ds(cc * 256 + c * 16, 16)]
                    if half == 0:
                        dst[...] = acc[c]
                    else:
                        plsc.addupdate(dst, acc[c])

        gather(0, 0, buf_a, sem_a).start()
        gather(0, 1, buf_b, sem_b).start()

        def tok_body(t, _):
            gather(t, 0, buf_a, sem_a).wait()
            accum(buf_a, t, 0)

            @pl.when(t < _TPW - 1)
            def _():
                gather(t + 1, 0, buf_a, sem_a).start()

            gather(t, 1, buf_b, sem_b).wait()
            accum(buf_b, t, 1)

            @pl.when(t < _TPW - 1)
            def _():
                gather(t + 1, 1, buf_b, sem_b).start()

            pltpu.sync_copy(out_v, out_hbm.at[base + t])
            return ()

        lax.fori_loop(0, _TPW, tok_body, ())

    return k(values, idx, w.reshape(-1))


def _proj_body(e_ref, x_ref, wsw_ref, bsw_ref, wvp_ref, bvp_ref, o_ref):
    x = x_ref[...]
    g = _dotg(x, wsw_ref[...]) + bsw_ref[...]
    h = e_ref[...] * (g * jax.nn.sigmoid(g))
    o_ref[...] = _dotg(h, wvp_ref[...]) + bvp_ref[...]


def _gate_proj(emb, x, Wsw, bsw, Wvp, bvp):
    return pl.pallas_call(
        _proj_body,
        grid=(GRID,),
        in_specs=[
            pl.BlockSpec((TOK_BLK, V_DIM), lambda i: (i, 0)),
            pl.BlockSpec((TOK_BLK, INPUT_DIM), lambda i: (i, 0)),
            pl.BlockSpec((V_DIM, INPUT_DIM), lambda i: (0, 0)),
            pl.BlockSpec((V_DIM,), lambda i: (0,)),
            pl.BlockSpec((OUTPUT_DIM, V_DIM), lambda i: (0, 0)),
            pl.BlockSpec((OUTPUT_DIM,), lambda i: (0,)),
        ],
        out_specs=pl.BlockSpec((TOK_BLK, OUTPUT_DIM), lambda i: (i, 0)),
        out_shape=jax.ShapeDtypeStruct((TOKENS, OUTPUT_DIM), jnp.float32),
    )(emb, x, Wsw, bsw, Wvp, bvp)


def kernel(x, keys, values, Wq, bq, Wvp, bvp, Wsw, bsw):
    keys4 = keys.reshape(HEADS, 2, N_KEYS, HALF)
    idx, w = _score_topk(x, keys4, Wq, bq)
    emb = _embbag(values, idx, w)
    return _gate_proj(emb, x, Wsw, bsw, Wvp, bvp)

# --- scband reference (transcript-rebuilt; emitter-appended) ---
"""Pipeline reference for scband-hashing-memory-8529805050327 (READ-ONLY COPY).

The authoritative reference and input builder live on the scoring server;
editing this copy changes nothing except your own understanding.
"""

import jax, jax.numpy as jnp
import numpy as np

INPUT_DIM = 1024
OUTPUT_DIM = 1024
K_DIM = 512
HEADS = 4
KNN = 16
N_KEYS = 256
SIZE = N_KEYS * N_KEYS
V_DIM = OUTPUT_DIM
TOKENS = 2048


def setup_inputs(seed: int = 0) -> dict:
    key = jax.random.key(seed)
    ks = jax.random.split(key, 8)
    x = jax.random.normal(ks[0], (TOKENS, INPUT_DIM), dtype=jnp.float32)
    # keys: uniform(-1/sqrt(k_dim), 1/sqrt(k_dim)), shape [2*heads*n_keys, k_dim//2]
    bound = 1.0 / np.sqrt(K_DIM)
    keys = jax.random.uniform(ks[1], (2 * HEADS * N_KEYS, K_DIM // 2), minval=-bound, maxval=bound, dtype=jnp.float32)
    # values: normal(0, v_dim**-0.5)
    values = jax.random.normal(ks[2], (SIZE, V_DIM), dtype=jnp.float32) * (V_DIM ** -0.5)
    std = OUTPUT_DIM ** -0.5
    # query projection: Linear(input_dim, heads*k_dim, bias=True), trunc_normal init
    Wq = jax.random.truncated_normal(ks[3], -3.0, 3.0, (HEADS * K_DIM, INPUT_DIM), dtype=jnp.float32) * std
    bq = jnp.zeros((HEADS * K_DIM,), dtype=jnp.float32)
    # value_proj: Linear(v_dim, output_dim)
    Wvp = jax.random.truncated_normal(ks[4], -3.0, 3.0, (OUTPUT_DIM, V_DIM), dtype=jnp.float32) * std
    bvp = jnp.zeros((OUTPUT_DIM,), dtype=jnp.float32)
    # swilu_projection: Linear(input_dim, v_dim)
    Wsw = jax.random.normal(ks[5], (V_DIM, INPUT_DIM), dtype=jnp.float32) * (INPUT_DIM ** -0.5)
    bsw = jnp.zeros((V_DIM,), dtype=jnp.float32)
    return {"x": x, "keys": keys, "values": values, "Wq": Wq, "bq": bq,
            "Wvp": Wvp, "bvp": bvp, "Wsw": Wsw, "bsw": bsw}


def reference(x, keys, values, Wq, bq, Wvp, bvp, Wsw, bsw):
    bs = x.shape[0]
    half = K_DIM // 2
    # QueryMLP: single Linear, output reshaped to [bs*heads, k_dim]
    query = x @ Wq.T + bq                          # [bs, heads*k_dim]
    q = query.reshape(bs, HEADS, 2, half)          # split each head's query in halves
    K = keys.reshape(HEADS, 2, N_KEYS, half)       # product sub-keys per head
    s1 = jnp.einsum('bhd,hnd->bhn', q[:, :, 0], K[:, 0])   # [bs, heads, n_keys]
    s2 = jnp.einsum('bhd,hnd->bhn', q[:, :, 1], K[:, 1])
    s1v, i1 = jax.lax.top_k(s1, KNN)               # [bs, heads, knn]
    s2v, i2 = jax.lax.top_k(s2, KNN)
    all_scores = (s1v[..., :, None] + s2v[..., None, :]).reshape(bs, HEADS, KNN * KNN)
    all_indices = (i1[..., :, None] * N_KEYS + i2[..., None, :]).reshape(bs, HEADS, KNN * KNN)
    scores, best = jax.lax.top_k(all_scores, KNN)  # [bs, heads, knn]
    indices = jnp.take_along_axis(all_indices, best, axis=-1)
    scores = jax.nn.softmax(scores, axis=-1)       # softmax over knn per head
    indices = indices.reshape(bs, HEADS * KNN)
    scores = scores.reshape(bs, HEADS * KNN)
    # xFormerEmbeddingBag: gather + weighted sum
    emb = jnp.take(values, indices.reshape(-1), axis=0).reshape(bs, HEADS * KNN, V_DIM)
    output = (emb * scores[..., None]).sum(axis=1)  # [bs, v_dim]
    # swilu gating then value projection
    output = output * jax.nn.silu(x @ Wsw.T + bsw)
    output = output @ Wvp.T + bvp
    return output

if __name__ == "__main__":
    import jax
    _d = setup_inputs()
    print(jax.jit(kernel)(*tuple(_d.values())))

</pallas_src>

<mosaic_0001>
#map = affine_map<(d0, d1) -> (0, 0)>
#map1 = affine_map<(d0, d1) -> (0)>
module attributes {stable_mosaic.version = 14 : i64} {
  func.func @k(%arg0: i32, %arg1: i32, %arg2: memref<65536x1024xf32, #tpu.memory_space<hbm>>, %arg3: memref<2048x64xi32, #tpu.memory_space<hbm>>, %arg4: memref<131072xf32, #tpu.memory_space<hbm>>, %arg5: memref<2048x1024xf32, #tpu.memory_space<hbm>>, %arg6: memref<64x64xi32, #tpu.memory_space<vmem>>, %arg7: memref<4096xf32, #tpu.memory_space<vmem>>, %arg8: memref<32x1024xf32, #tpu.memory_space<vmem>>, %arg9: memref<32x1024xf32, #tpu.memory_space<vmem>>, %arg10: memref<1024xf32, #tpu.memory_space<vmem>>, %arg11: memref<!tpu.dma_semaphore, #tpu.memory_space<semaphore_mem>>, %arg12: memref<!tpu.dma_semaphore, #tpu.memory_space<semaphore_mem>>) attributes {dimension_semantics = [#tpu.dimension_semantics<core_parallel>, #tpu.dimension_semantics<subcore_parallel>], iteration_bounds = array<i64: 2, 16>, scalar_prefetch = 0 : i64, scratch_operands = 7 : i64, tpu.core_type = #tpu.core_type<sc_vector_subcore>, window_params = [{transform_indices = #map}, {transform_indices = #map}, {transform_indices = #map1}, {transform_indices = #map}]} {
    %mul3A = arith.constant 2 : i32
    %mul3A_0 = arith.muli %arg1, %mul3A : i32
    %add3A = arith.addi %mul3A_0, %arg0 : i32
    %mul3A_1 = arith.constant 64 : i32
    %mul3A_2 = arith.muli %add3A, %mul3A_1 : i32
    "tpu.region"() ({
      %run_scoped3A = tpu.sem_alloc : memref<!tpu.dma_semaphore, #tpu.memory_space<semaphore_mem>>
      %dma_start3A_22 = arith.constant 0 : i32
      %dma_start3A_23 = tpu.memref_slice %arg3[%mul3A_2, %dma_start3A_22] : memref<2048x64xi32, #tpu.memory_space<hbm>> -> memref<64x64xi32, #tpu.memory_space<hbm>>
      %dma_start3A_24 = arith.constant 0 : i32
      %dma_start3A_25 = tpu.memref_slice %arg3[%mul3A_2, %dma_start3A_24] : memref<2048x64xi32, #tpu.memory_space<hbm>> -> memref<64x64xi32, #tpu.memory_space<hbm>>
      tpu.enqueue_dma source(%dma_start3A_25 : memref<64x64xi32, #tpu.memory_space<hbm>>) target(%arg6 : memref<64x64xi32, #tpu.memory_space<vmem>>) target_semaphore(%run_scoped3A : memref<!tpu.dma_semaphore, #tpu.memory_space<semaphore_mem>>)
      %dma_wait3A = arith.constant 0 : i32
      %dma_wait3A_26 = tpu.memref_slice %arg3[%mul3A_2, %dma_wait3A] : memref<2048x64xi32, #tpu.memory_space<hbm>> -> memref<64x64xi32, #tpu.memory_space<hbm>>
      %dma_wait3A_27 = arith.constant 0 : i32
      %dma_wait3A_28 = tpu.memref_slice %arg3[%mul3A_2, %dma_wait3A_27] : memref<2048x64xi32, #tpu.memory_space<hbm>> -> memref<64x64xi32, #tpu.memory_space<hbm>>
      tpu.wait_dma2 semaphore(%run_scoped3A : memref<!tpu.dma_semaphore, #tpu.memory_space<semaphore_mem>>) src(%dma_wait3A_28 : memref<64x64xi32, #tpu.memory_space<hbm>>) dst(%arg6 : memref<64x64xi32, #tpu.memory_space<vmem>>)
      tpu.yield
    }) : () -> ()
    %mul3A_3 = arith.constant 64 : i32
    %mul3A_4 = arith.muli %mul3A_2, %mul3A_3 : i32
    "tpu.region"() ({
      %run_scoped3A = tpu.sem_alloc : memref<!tpu.dma_semaphore, #tpu.memory_space<semaphore_mem>>
      %dma_start3A_22 = tpu.memref_slice %arg4[%mul3A_4] : memref<131072xf32, #tpu.memory_space<hbm>> -> memref<4096xf32, #tpu.memory_space<hbm>>
      %dma_start3A_23 = tpu.memref_slice %arg4[%mul3A_4] : memref<131072xf32, #tpu.memory_space<hbm>> -> memref<4096xf32, #tpu.memory_space<hbm>>
      tpu.enqueue_dma source(%dma_start3A_23 : memref<4096xf32, #tpu.memory_space<hbm>>) target(%arg7 : memref<4096xf32, #tpu.memory_space<vmem>>) target_semaphore(%run_scoped3A : memref<!tpu.dma_semaphore, #tpu.memory_space<semaphore_mem>>)
      %dma_wait3A = tpu.memref_slice %arg4[%mul3A_4] : memref<131072xf32, #tpu.memory_space<hbm>> -> memref<4096xf32, #tpu.memory_space<hbm>>
      %dma_wait3A_24 = tpu.memref_slice %arg4[%mul3A_4] : memref<131072xf32, #tpu.memory_space<hbm>> -> memref<4096xf32, #tpu.memory_space<hbm>>
      tpu.wait_dma2 semaphore(%run_scoped3A : memref<!tpu.dma_semaphore, #tpu.memory_space<semaphore_mem>>) src(%dma_wait3A_24 : memref<4096xf32, #tpu.memory_space<hbm>>) dst(%arg7 : memref<4096xf32, #tpu.memory_space<vmem>>)
      tpu.yield
    }) : () -> ()
    %dma_start3A = arith.constant 0 : i32
    %dma_start3A_5 = arith.constant 0 : i32
    %dma_start3A_6 = tpu.memref_slice %arg6[%dma_start3A, %dma_start3A_5] : memref<64x64xi32, #tpu.memory_space<vmem>> -> memref<1x32xi32, #tpu.memory_space<vmem>>
    %dma_start3A_7 = tpu.memref_squeeze %dma_start3A_6 : memref<1x32xi32, #tpu.memory_space<vmem>> -> memref<32xi32, #tpu.memory_space<vmem>>
    %dma_start3A_8 = arith.constant 0 : i32
    %dma_start3A_9 = arith.constant 0 : i32
    %dma_start3A_10 = tpu.memref_slice %arg2[%dma_start3A_8, %dma_start3A_9] : memref<65536x1024xf32, #tpu.memory_space<hbm>> -> memref<65536x1024xf32, #tpu.memory_space<hbm>>
    tpu.enqueue_indirect_dma source(%dma_start3A_10 : memref<65536x1024xf32, #tpu.memory_space<hbm>>) target(%arg8 : memref<32x1024xf32, #tpu.memory_space<vmem>>) offsets(%dma_start3A_7 : memref<32xi32, #tpu.memory_space<vmem>>) semaphore(%arg11 : memref<!tpu.dma_semaphore, #tpu.memory_space<semaphore_mem>>)
    %dma_start3A_11 = arith.constant 0 : i32
    %dma_start3A_12 = arith.constant 32 : i32
    %dma_start3A_13 = tpu.memref_slice %arg6[%dma_start3A_11, %dma_start3A_12] : memref<64x64xi32, #tpu.memory_space<vmem>> -> memref<1x32xi32, #tpu.memory_space<vmem>>
    %dma_start3A_14 = tpu.memref_squeeze %dma_start3A_13 : memref<1x32xi32, #tpu.memory_space<vmem>> -> memref<32xi32, #tpu.memory_space<vmem>>
    %dma_start3A_15 = arith.constant 0 : i32
    %dma_start3A_16 = arith.constant 0 : i32
    %dma_start3A_17 = tpu.memref_slice %arg2[%dma_start3A_15, %dma_start3A_16] : memref<65536x1024xf32, #tpu.memory_space<hbm>> -> memref<65536x1024xf32, #tpu.memory_space<hbm>>
    tpu.enqueue_indirect_dma source(%dma_start3A_17 : memref<65536x1024xf32, #tpu.memory_space<hbm>>) target(%arg9 : memref<32x1024xf32, #tpu.memory_space<vmem>>) offsets(%dma_start3A_14 : memref<32xi32, #tpu.memory_space<vmem>>) semaphore(%arg12 : memref<!tpu.dma_semaphore, #tpu.memory_space<semaphore_mem>>)
    %scan3A = arith.constant 0 : i32
    %scan3A_18 = arith.constant 64 : i32
    %scan3A_19 = arith.addi %scan3A, %scan3A_18 : i32
    %scan3A_20 = arith.constant 1 : i32
    scf.for %scan3A_22 = %scan3A to %scan3A_19 step %scan3A_20  : i32 {
      %dma_wait3A = arith.constant 0 : i32
      %dma_wait3A_23 = tpu.memref_slice %arg6[%scan3A_22, %dma_wait3A] : memref<64x64xi32, #tpu.memory_space<vmem>> -> memref<1x32xi32, #tpu.memory_space<vmem>>
      %dma_wait3A_24 = tpu.memref_squeeze %dma_wait3A_23 : memref<1x32xi32, #tpu.memory_space<vmem>> -> memref<32xi32, #tpu.memory_space<vmem>>
      %dma_wait3A_25 = arith.constant 0 : i32
      %dma_wait3A_26 = arith.constant 0 : i32
      %dma_wait3A_27 = tpu.memref_slice %arg2[%dma_wait3A_25, %dma_wait3A_26] : memref<65536x1024xf32, #tpu.memory_space<hbm>> -> memref<65536x1024xf32, #tpu.memory_space<hbm>>
      tpu.wait_indirect_dma semaphore(%arg11 : memref<!tpu.dma_semaphore, #tpu.memory_space<semaphore_mem>>) src(%dma_wait3A_27 : memref<65536x1024xf32, #tpu.memory_space<hbm>>) dst(%arg8 : memref<32x1024xf32, #tpu.memory_space<vmem>>)
      %broadcast_in_dim3A = arith.constant 0.000000e+00 : f32
      %broadcast_in_dim3A_28 = vector.broadcast %broadcast_in_dim3A : f32 to vector<16xf32>
      %broadcast_in_dim3A_29 = arith.constant 0.000000e+00 : f32
      %broadcast_in_dim3A_30 = vector.broadcast %broadcast_in_dim3A_29 : f32 to vector<16xf32>
      %broadcast_in_dim3A_31 = arith.constant 0.000000e+00 : f32
      %broadcast_in_dim3A_32 = vector.broadcast %broadcast_in_dim3A_31 : f32 to vector<16xf32>
      %broadcast_in_dim3A_33 = arith.constant 0.000000e+00 : f32
      %broadcast_in_dim3A_34 = vector.broadcast %broadcast_in_dim3A_33 : f32 to vector<16xf32>
      %broadcast_in_dim3A_35 = arith.constant 0.000000e+00 : f32
      %broadcast_in_dim3A_36 = vector.broadcast %broadcast_in_dim3A_35 : f32 to vector<16xf32>
      %broadcast_in_dim3A_37 = arith.constant 0.000000e+00 : f32
      %broadcast_in_dim3A_38 = vector.broadcast %broadcast_in_dim3A_37 : f32 to vector<16xf32>
      %broadcast_in_dim3A_39 = arith.constant 0.000000e+00 : f32
      %broadcast_in_dim3A_40 = vector.broadcast %broadcast_in_dim3A_39 : f32 to vector<16xf32>
      %broadcast_in_dim3A_41 = arith.constant 0.000000e+00 : f32
      %broadcast_in_dim3A_42 = vector.broadcast %broadcast_in_dim3A_41 : f32 to vector<16xf32>
      %broadcast_in_dim3A_43 = arith.constant 0.000000e+00 : f32
      %broadcast_in_dim3A_44 = vector.broadcast %broadcast_in_dim3A_43 : f32 to vector<16xf32>
      %broadcast_in_dim3A_45 = arith.constant 0.000000e+00 : f32
      %broadcast_in_dim3A_46 = vector.broadcast %broadcast_in_dim3A_45 : f32 to vector<16xf32>
      %broadcast_in_dim3A_47 = arith.constant 0.000000e+00 : f32
      %broadcast_in_dim3A_48 = vector.broadcast %broadcast_in_dim3A_47 : f32 to vector<16xf32>
      %broadcast_in_dim3A_49 = arith.constant 0.000000e+00 : f32
      %broadcast_in_dim3A_50 = vector.broadcast %broadcast_in_dim3A_49 : f32 to vector<16xf32>
      %broadcast_in_dim3A_51 = arith.constant 0.000000e+00 : f32
      %broadcast_in_dim3A_52 = vector.broadcast %broadcast_in_dim3A_51 : f32 to vector<16xf32>
      %broadcast_in_dim3A_53 = arith.constant 0.000000e+00 : f32
      %broadcast_in_dim3A_54 = vector.broadcast %broadcast_in_dim3A_53 : f32 to vector<16xf32>
      %broadcast_in_dim3A_55 = arith.constant 0.000000e+00 : f32
      %broadcast_in_dim3A_56 = vector.broadcast %broadcast_in_dim3A_55 : f32 to vector<16xf32>
      %broadcast_in_dim3A_57 = arith.constant 0.000000e+00 : f32
      %broadcast_in_dim3A_58 = vector.broadcast %broadcast_in_dim3A_57 : f32 to vector<16xf32>
      %scan3A_59 = arith.constant 0 : i32
      %scan3A_60 = arith.constant 32 : i32
      %scan3A_61 = arith.addi %scan3A_59, %scan3A_60 : i32
      %scan3A_62 = arith.constant 1 : i32
      %scan3A_63:16 = scf.for %scan3A_856 = %scan3A_59 to %scan3A_61 step %scan3A_62 iter_args(%scan3A_857 = %broadcast_in_dim3A_28, %scan3A_858 = %broadcast_in_dim3A_30, %scan3A_859 = %broadcast_in_dim3A_32, %scan3A_860 = %broadcast_in_dim3A_34, %scan3A_861 = %broadcast_in_dim3A_36, %scan3A_862 = %broadcast_in_dim3A_38, %scan3A_863 = %broadcast_in_dim3A_40, %scan3A_864 = %broadcast_in_dim3A_42, %scan3A_865 = %broadcast_in_dim3A_44, %scan3A_866 = %broadcast_in_dim3A_46, %scan3A_867 = %broadcast_in_dim3A_48, %scan3A_868 = %broadcast_in_dim3A_50, %scan3A_869 = %broadcast_in_dim3A_52, %scan3A_870 = %broadcast_in_dim3A_54, %scan3A_871 = %broadcast_in_dim3A_56, %scan3A_872 = %broadcast_in_dim3A_58) -> (vector<16xf32>, vector<16xf32>, vector<16xf32>, vector<16xf32>, vector<16xf32>, vector<16xf32>, vector<16xf32>, vector<16xf32>, vector<16xf32>, vector<16xf32>, vector<16xf32>, vector<16xf32>, vector<16xf32>, vector<16xf32>, vector<16xf32>, vector<16xf32>)  : i32 {
        %mul3A_873 = arith.constant 64 : i32
        %mul3A_874 = arith.muli %scan3A_22, %mul3A_873 : i32
        %add3A_875 = arith.constant 0 : i32
        %add3A_876 = arith.addi %mul3A_874, %add3A_875 : i32
        %jit3A = arith.constant 16 : i32
        %div3A = arith.divsi %scan3A_856, %jit3A : i32
        %sign3A = arith.constant 0 : i32
        %sign3A_877 = arith.cmpi sgt, %scan3A_856, %sign3A : i32
        %sign3A_878 = arith.extui %sign3A_877 : i1 to i32
        %sign3A_879 = arith.constant 0 : i32
        %sign3A_880 = arith.cmpi slt, %scan3A_856, %sign3A_879 : i32
        %sign3A_881 = arith.extui %sign3A_880 : i1 to i32
        %sign3A_882 = arith.subi %sign3A_878, %sign3A_881 : i32
        %sign3A_883 = arith.constant 0 : i32
        %sign3A_884 = arith.cmpi sgt, %jit3A, %sign3A_883 : i32
        %sign3A_885 = arith.extui %sign3A_884 : i1 to i32
        %sign3A_886 = arith.constant 0 : i32
        %sign3A_887 = arith.cmpi slt, %jit3A, %sign3A_886 : i32
        %sign3A_888 = arith.extui %sign3A_887 : i1 to i32
        %sign3A_889 = arith.subi %sign3A_885, %sign3A_888 : i32
        %ne3A = arith.cmpi ne, %sign3A_882, %sign3A_889 : i32
        %rem3A = arith.remsi %scan3A_856, %jit3A : i32
        %ne3A_890 = arith.constant 0 : i32
        %ne3A_891 = arith.cmpi ne, %rem3A, %ne3A_890 : i32
        %and3A = arith.andi %ne3A, %ne3A_891 : i1
        %sub3A = arith.constant 1 : i32
        %sub3A_892 = arith.subi %div3A, %sub3A : i32
        %select_n3A = arith.select %and3A, %sub3A_892, %div3A : i32
        %mul3A_893 = arith.constant 16 : i32
        %mul3A_894 = arith.muli %select_n3A, %mul3A_893 : i32
        %add3A_895 = arith.addi %add3A_876, %mul3A_894 : i32
        %get3A = arith.index_cast %add3A_895 : i32 to index
        %get3A_896 = tpu.vector_load %arg7[%get3A] {strides = array<i32>} : memref<4096xf32, #tpu.memory_space<vmem>>, vector<16xf32>,
        %get3A_897 = vector.shape_cast %get3A_896 : vector<16xf32> to vector<16xf32>
        %jit3A_898 = arith.constant 16 : i32
        %eq3A = arith.constant 0 : i32
        %eq3A_899 = arith.cmpi eq, %jit3A_898, %eq3A : i32
        %jit3A_900 = arith.constant 1 : i32
        %select_n3A_901 = arith.select %eq3A_899, %jit3A_900, %jit3A_898 : i32
        %rem3A_902 = arith.remsi %scan3A_856, %select_n3A_901 : i32
        %ne3A_903 = arith.constant 0 : i32
        %ne3A_904 = arith.cmpi ne, %rem3A_902, %ne3A_903 : i32
        %lt3A_905 = arith.constant 0 : i32
        %lt3A_906 = arith.cmpi slt, %rem3A_902, %lt3A_905 : i32
        %lt3A_907 = arith.constant 0 : i32
        %lt3A_908 = arith.cmpi slt, %select_n3A_901, %lt3A_907 : i32
        %ne3A_909 = arith.xori %lt3A_906, %lt3A_908 : i1
        %and3A_910 = arith.andi %ne3A_909, %ne3A_904 : i1
        %add3A_911 = arith.addi %rem3A_902, %select_n3A_901 : i32
        %select_n3A_912 = arith.select %and3A_910, %add3A_911, %rem3A_902 : i32
        %broadcast_in_dim3A_913 = vector.broadcast %select_n3A_912 : i32 to vector<16x1xi32>
        %gather3A = vector.shape_cast %broadcast_in_dim3A_913 : vector<16x1xi32> to vector<16xi32>
        %gather3A_914 = tpu.dynamic_gather %get3A_897[%gather3A] in [0] : vector<16xf32>, vector<16xi32> -> vector<16xf32>
        %get3A_915 = arith.index_cast %scan3A_856 : i32 to index
        %get3A_916 = arith.constant 0 : index
        %get3A_917 = tpu.vector_load %arg8[%get3A_915, %get3A_916] {strides = array<i32>} : memref<32x1024xf32, #tpu.memory_space<vmem>>, vector<1x16xf32>,
        %get3A_918 = vector.shape_cast %get3A_917 : vector<1x16xf32> to vector<16xf32>
        %mul3A_919 = arith.mulf %gather3A_914, %get3A_918 : vector<16xf32>
        %add3A_920 = arith.addf %scan3A_857, %mul3A_919 : vector<16xf32>
        %get3A_921 = arith.index_cast %scan3A_856 : i32 to index
        %get3A_922 = arith.constant 16 : index
        %get3A_923 = tpu.vector_load %arg8[%get3A_921, %get3A_922] {strides = array<i32>} : memref<32x1024xf32, #tpu.memory_space<vmem>>, vector<1x16xf32>,
        %get3A_924 = vector.shape_cast %get3A_923 : vector<1x16xf32> to vector<16xf32>
        %mul3A_925 = arith.mulf %gather3A_914, %get3A_924 : vector<16xf32>
        %add3A_926 = arith.addf %scan3A_858, %mul3A_925 : vector<16xf32>
        %get3A_927 = arith.index_cast %scan3A_856 : i32 to index
        %get3A_928 = arith.constant 32 : index
        %get3A_929 = tpu.vector_load %arg8[%get3A_927, %get3A_928] {strides = array<i32>} : memref<32x1024xf32, #tpu.memory_space<vmem>>, vector<1x16xf32>,
        %get3A_930 = vector.shape_cast %get3A_929 : vector<1x16xf32> to vector<16xf32>
        %mul3A_931 = arith.mulf %gather3A_914, %get3A_930 : vector<16xf32>
        %add3A_932 = arith.addf %scan3A_859, %mul3A_931 : vector<16xf32>
        %get3A_933 = arith.index_cast %scan3A_856 : i32 to index
        %get3A_934 = arith.constant 48 : index
        %get3A_935 = tpu.vector_load %arg8[%get3A_933, %get3A_934] {strides = array<i32>} : memref<32x1024xf32, #tpu.memory_space<vmem>>, vector<1x16xf32>,
        %get3A_936 = vector.shape_cast %get3A_935 : vector<1x16xf32> to vector<16xf32>
        %mul3A_937 = arith.mulf %gather3A_914, %get3A_936 : vector<16xf32>
        %add3A_938 = arith.addf %scan3A_860, %mul3A_937 : vector<16xf32>
        %get3A_939 = arith.index_cast %scan3A_856 : i32 to index
        %get3A_940 = arith.constant 64 : index
        %get3A_941 = tpu.vector_load %arg8[%get3A_939, %get3A_940] {strides = array<i32>} : memref<32x1024xf32, #tpu.memory_space<vmem>>, vector<1x16xf32>,
        %get3A_942 = vector.shape_cast %get3A_941 : vector<1x16xf32> to vector<16xf32>
        %mul3A_943 = arith.mulf %gather3A_914, %get3A_942 : vector<16xf32>
        %add3A_944 = arith.addf %scan3A_861, %mul3A_943 : vector<16xf32>
        %get3A_945 = arith.index_cast %scan3A_856 : i32 to index
        %get3A_946 = arith.constant 80 : index
        %get3A_947 = tpu.vector_load %arg8[%get3A_945, %get3A_946] {strides = array<i32>} : memref<32x1024xf32, #tpu.memory_space<vmem>>, vector<1x16xf32>,
        %get3A_948 = vector.shape_cast %get3A_947 : vector<1x16xf32> to vector<16xf32>
        %mul3A_949 = arith.mulf %gather3A_914, %get3A_948 : vector<16xf32>
        %add3A_950 = arith.addf %scan3A_862, %mul3A_949 : vector<16xf32>
        %get3A_951 = arith.index_cast %scan3A_856 : i32 to index
        %get3A_952 = arith.constant 96 : index
        %get3A_953 = tpu.vector_load %arg8[%get3A_951, %get3A_952] {strides = array<i32>} : memref<32x1024xf32, #tpu.memory_space<vmem>>, vector<1x16xf32>,
        %get3A_954 = vector.shape_cast %get3A_953 : vector<1x16xf32> to vector<16xf32>
        %mul3A_955 = arith.mulf %gather3A_914, %get3A_954 : vector<16xf32>
        %add3A_956 = arith.addf %scan3A_863, %mul3A_955 : vector<16xf32>
        %get3A_957 = arith.index_cast %scan3A_856 : i32 to index
        %get3A_958 = arith.constant 112 : index
        %get3A_959 = tpu.vector_load %arg8[%get3A_957, %get3A_958] {strides = array<i32>} : memref<32x1024xf32, #tpu.memory_space<vmem>>, vector<1x16xf32>,
        %get3A_960 = vector.shape_cast %get3A_959 : vector<1x16xf32> to vector<16xf32>
        %mul3A_961 = arith.mulf %gather3A_914, %get3A_960 : vector<16xf32>
        %add3A_962 = arith.addf %scan3A_864, %mul3A_961 : vector<16xf32>
        %get3A_963 = arith.index_cast %scan3A_856 : i32 to index
        %get3A_964 = arith.constant 128 : index
        %get3A_965 = tpu.vector_load %arg8[%get3A_963, %get3A_964] {strides = array<i32>} : memref<32x1024xf32, #tpu.memory_space<vmem>>, vector<1x16xf32>,
        %get3A_966 = vector.shape_cast %get3A_965 : vector<1x16xf32> to vector<16xf32>
        %mul3A_967 = arith.mulf %gather3A_914, %get3A_966 : vector<16xf32>
        %add3A_968 = arith.addf %scan3A_865, %mul3A_967 : vector<16xf32>
        %get3A_969 = arith.index_cast %scan3A_856 : i32 to index
        %get3A_970 = arith.constant 144 : index
        %get3A_971 = tpu.vector_load %arg8[%get3A_969, %get3A_970] {strides = array<i32>} : memref<32x1024xf32, #tpu.memory_space<vmem>>, vector<1x16xf32>,
        %get3A_972 = vector.shape_cast %get3A_971 : vector<1x16xf32> to vector<16xf32>
        %mul3A_973 = arith.mulf %gather3A_914, %get3A_972 : vector<16xf32>
        %add3A_974 = arith.addf %scan3A_866, %mul3A_973 : vector<16xf32>
        %get3A_975 = arith.index_cast %scan3A_856 : i32 to index
        %get3A_976 = arith.constant 160 : index
        %get3A_977 = tpu.vector_load %arg8[%get3A_975, %get3A_976] {strides = array<i32>} : memref<32x1024xf32, #tpu.memory_space<vmem>>, vector<1x16xf32>,
        %get3A_978 = vector.shape_cast %get3A_977 : vector<1x16xf32> to vector<16xf32>
        %mul3A_979 = arith.mulf %gather3A_914, %get3A_978 : vector<16xf32>
        %add3A_980 = arith.addf %scan3A_867, %mul3A_979 : vector<16xf32>
        %get3A_981 = arith.index_cast %scan3A_856 : i32 to index
        %get3A_982 = arith.constant 176 : index
        %get3A_983 = tpu.vector_load %arg8[%get3A_981, %get3A_982] {strides = array<i32>} : memref<32x1024xf32, #tpu.memory_space<vmem>>, vector<1x16xf32>,
        %get3A_984 = vector.shape_cast %get3A_983 : vector<1x16xf32> to vector<16xf32>
        %mul3A_985 = arith.mulf %gather3A_914, %get3A_984 : vector<16xf32>
        %add3A_986 = arith.addf %scan3A_868, %mul3A_985 : vector<16xf32>
        %get3A_987 = arith.index_cast %scan3A_856 : i32 to index
        %get3A_988 = arith.constant 192 : index
        %get3A_989 = tpu.vector_load %arg8[%get3A_987, %get3A_988] {strides = array<i32>} : memref<32x1024xf32, #tpu.memory_space<vmem>>, vector<1x16xf32>,
        %get3A_990 = vector.shape_cast %get3A_989 : vector<1x16xf32> to vector<16xf32>
        %mul3A_991 = arith.mulf %gather3A_914, %get3A_990 : vector<16xf32>
        %add3A_992 = arith.addf %scan3A_869, %mul3A_991 : vector<16xf32>
        %get3A_993 = arith.index_cast %scan3A_856 : i32 to index
        %get3A_994 = arith.constant 208 : index
        %get3A_995 = tpu.vector_load %arg8[%get3A_993, %get3A_994] {strides = array<i32>} : memref<32x1024xf32, #tpu.memory_space<vmem>>, vector<1x16xf32>,
        %get3A_996 = vector.shape_cast %get3A_995 : vector<1x16xf32> to vector<16xf32>
        %mul3A_997 = arith.mulf %gather3A_914, %get3A_996 : vector<16xf32>
        %add3A_998 = arith.addf %scan3A_870, %mul3A_997 : vector<16xf32>
        %get3A_999 = arith.index_cast %scan3A_856 : i32 to index
        %get3A_1000 = arith.constant 224 : index
        %get3A_1001 = tpu.vector_load %arg8[%get3A_999, %get3A_1000] {strides = array<i32>} : memref<32x1024xf32, #tpu.memory_space<vmem>>, vector<1x16xf32>,
        %get3A_1002 = vector.shape_cast %get3A_1001 : vector<1x16xf32> to vector<16xf32>
        %mul3A_1003 = arith.mulf %gather3A_914, %get3A_1002 : vector<16xf32>
        %add3A_1004 = arith.addf %scan3A_871, %mul3A_1003 : vector<16xf32>
        %get3A_1005 = arith.index_cast %scan3A_856 : i32 to index
        %get3A_1006 = arith.constant 240 : index
        %get3A_1007 = tpu.vector_load %arg8[%get3A_1005, %get3A_1006] {strides = array<i32>} : memref<32x1024xf32, #tpu.memory_space<vmem>>, vector<1x16xf32>,
        %get3A_1008 = vector.shape_cast %get3A_1007 : vector<1x16xf32> to vector<16xf32>
        %mul3A_1009 = arith.mulf %gather3A_914, %get3A_1008 : vector<16xf32>
        %add3A_1010 = arith.addf %scan3A_872, %mul3A_1009 : vector<16xf32>
        scf.yield %add3A_920, %add3A_926, %add3A_932, %add3A_938, %add3A_944, %add3A_950, %add3A_956, %add3A_962, %add3A_968, %add3A_974, %add3A_980, %add3A_986, %add3A_992, %add3A_998, %add3A_1004, %add3A_1010 : vector<16xf32>, vector<16xf32>, vector<16xf32>, vector<16xf32>, vector<16xf32>, vector<16xf32>, vector<16xf32>, vector<16xf32>, vector<16xf32>, vector<16xf32>, vector<16xf32>, vector<16xf32>, vector<16xf32>, vector<16xf32>, vector<16xf32>, vector<16xf32>
      }
      %scan3A_64 = arith.constant 32 : i32
      %swap3A = arith.constant 0 : index
      %swap3A_65 = tpu.vector_load %arg10[%swap3A] {strides = array<i32>} : memref<1024xf32, #tpu.memory_space<vmem>>, vector<16xf32>,
      %swap3A_66 = vector.shape_cast %swap3A_65 : vector<16xf32> to vector<16xf32>
      %swap3A_67 = vector.shape_cast %scan3A_63#0 : vector<16xf32> to vector<16xf32>
      tpu.vector_store %arg10[%swap3A], %swap3A_67 {strides = array<i32>} : memref<1024xf32, #tpu.memory_space<vmem>>, vector<16xf32>,
      %swap3A_68 = arith.constant 16 : index
      %swap3A_69 = tpu.vector_load %arg10[%swap3A_68] {strides = array<i32>} : memref<1024xf32, #tpu.memory_space<vmem>>, vector<16xf32>,
      %swap3A_70 = vector.shape_cast %swap3A_69 : vector<16xf32> to vector<16xf32>
      %swap3A_71 = vector.shape_cast %scan3A_63#1 : vector<16xf32> to vector<16xf32>
      tpu.vector_store %arg10[%swap3A_68], %swap3A_71 {strides = array<i32>} : memref<1024xf32, #tpu.memory_space<vmem>>, vector<16xf32>,
      %swap3A_72 = arith.constant 32 : index
      %swap3A_73 = tpu.vector_load %arg10[%swap3A_72] {strides = array<i32>} : memref<1024xf32, #tpu.memory_space<vmem>>, vector<16xf32>,
      %swap3A_74 = vector.shape_cast %swap3A_73 : vector<16xf32> to vector<16xf32>
      %swap3A_75 = vector.shape_cast %scan3A_63#2 : vector<16xf32> to vector<16xf32>
      tpu.vector_store %arg10[%swap3A_72], %swap3A_75 {strides = array<i32>} : memref<1024xf32, #tpu.memory_space<vmem>>, vector<16xf32>,
      %swap3A_76 = arith.constant 48 : index
      %swap3A_77 = tpu.vector_load %arg10[%swap3A_76] {strides = array<i32>} : memref<1024xf32, #tpu.memory_space<vmem>>, vector<16xf32>,
      %swap3A_78 = vector.shape_cast %swap3A_77 : vector<16xf32> to vector<16xf32>
      %swap3A_79 = vector.shape_cast %scan3A_63#3 : vector<16xf32> to vector<16xf32>
      tpu.vector_store %arg10[%swap3A_76], %swap3A_79 {strides = array<i32>} : memref<1024xf32, #tpu.memory_space<vmem>>, vector<16xf32>,
      %swap3A_80 = arith.constant 64 : index
      %swap3A_81 = tpu.vector_load %arg10[%swap3A_80] {strides = array<i32>} : memref<1024xf32, #tpu.memory_space<vmem>>, vector<16xf32>,
      %swap3A_82 = vector.shape_cast %swap3A_81 : vector<16xf32> to vector<16xf32>
      %swap3A_83 = vector.shape_cast %scan3A_63#4 : vector<16xf32> to vector<16xf32>
      tpu.vector_store %arg10[%swap3A_80], %swap3A_83 {strides = array<i32>} : memref<1024xf32, #tpu.memory_space<vmem>>, vector<16xf32>,
      %swap3A_84 = arith.constant 80 : index
      %swap3A_85 = tpu.vector_load %arg10[%swap3A_84] {strides = array<i32>} : memref<1024xf32, #tpu.memory_space<vmem>>, vector<16xf32>,
      %swap3A_86 = vector.shape_cast %swap3A_85 : vector<16xf32> to vector<16xf32>
      %swap3A_87 = vector.shape_cast %scan3A_63#5 : vector<16xf32> to vector<16xf32>
      tpu.vector_store %arg10[%swap3A_84], %swap3A_87 {strides = array<i32>} : memref<1024xf32, #tpu.memory_space<vmem>>, vector<16xf32>,
      %swap3A_88 = arith.constant 96 : index
      %swap3A_89 = tpu.vector_load %arg10[%swap3A_88] {strides = array<i32>} : memref<1024xf32, #tpu.memory_space<vmem>>, vector<16xf32>,
      %swap3A_90 = vector.shape_cast %swap3A_89 : vector<16xf32> to vector<16xf32>
      %swap3A_91 = vector.shape_cast %scan3A_63#6 : vector<16xf32> to vector<16xf32>
      tpu.vector_store %arg10[%swap3A_88], %swap3A_91 {strides = array<i32>} : memref<1024xf32, #tpu.memory_space<vmem>>, vector<16xf32>,
      %swap3A_92 = arith.constant 112 : index
      %swap3A_93 = tpu.vector_load %arg10[%swap3A_92] {strides = array<i32>} : memref<1024xf32, #tpu.memory_space<vmem>>, vector<16xf32>,
      %swap3A_94 = vector.shape_cast %swap3A_93 : vector<16xf32> to vector<16xf32>
      %swap3A_95 = vector.shape_cast %scan3A_63#7 : vector<16xf32> to vector<16xf32>
      tpu.vector_store %arg10[%swap3A_92], %swap3A_95 {strides = array<i32>} : memref<1024xf32, #tpu.memory_space<vmem>>, vector<16xf32>,
      %swap3A_96 = arith.constant 128 : index
      %swap3A_97 = tpu.vector_load %arg10[%swap3A_96] {strides = array<i32>} : memref<1024xf32, #tpu.memory_space<vmem>>, vector<16xf32>,
      %swap3A_98 = vector.shape_cast %swap3A_97 : vector<16xf32> to vector<16xf32>
      %swap3A_99 = vector.shape_cast %scan3A_63#8 : vector<16xf32> to vector<16xf32>
      tpu.vector_store %arg10[%swap3A_96], %swap3A_99 {strides = array<i32>} : memref<1024xf32, #tpu.memory_space<vmem>>, vector<16xf32>,
      %swap3A_100 = arith.constant 144 : index
      %swap3A_101 = tpu.vector_load %arg10[%swap3A_100] {strides = array<i32>} : memref<1024xf32, #tpu.memory_space<vmem>>, vector<16xf32>,
      %swap3A_102 = vector.shape_cast %swap3A_101 : vector<16xf32> to vector<16xf32>
      %swap3A_103 = vector.shape_cast %scan3A_63#9 : vector<16xf32> to vector<16xf32>
      tpu.vector_store %arg10[%swap3A_100], %swap3A_103 {strides = array<i32>} : memref<1024xf32, #tpu.memory_space<vmem>>, vector<16xf32>,
      %swap3A_104 = arith.constant 160 : index
      %swap3A_105 = tpu.vector_load %arg10[%swap3A_104] {strides = array<i32>} : memref<1024xf32, #tpu.memory_space<vmem>>, vector<16xf32>,
      %swap3A_106 = vector.shape_cast %swap3A_105 : vector<16xf32> to vector<16xf32>
      %swap3A_107 = vector.shape_cast %scan3A_63#10 : vector<16xf32> to vector<16xf32>
      tpu.vector_store %arg10[%swap3A_104], %swap3A_107 {strides = array<i32>} : memref<1024xf32, #tpu.memory_space<vmem>>, vector<16xf32>,
      %swap3A_108 = arith.constant 176 : index
      %swap3A_109 = tpu.vector_load %arg10[%swap3A_108] {strides = array<i32>} : memref<1024xf32, #tpu.memory_space<vmem>>, vector<16xf32>,
      %swap3A_110 = vector.shape_cast %swap3A_109 : vector<16xf32> to vector<16xf32>
      %swap3A_111 = vector.shape_cast %scan3A_63#11 : vector<16xf32> to vector<16xf32>
      tpu.vector_store %arg10[%swap3A_108], %swap3A_111 {strides = array<i32>} : memref<1024xf32, #tpu.memory_space<vmem>>, vector<16xf32>,
      %swap3A_112 = arith.constant 192 : index
      %swap3A_113 = tpu.vector_load %arg10[%swap3A_112] {strides = array<i32>} : memref<1024xf32, #tpu.memory_space<vmem>>, vector<16xf32>,
      %swap3A_114 = vector.shape_cast %swap3A_113 : vector<16xf32> to vector<16xf32>
      %swap3A_115 = vector.shape_cast %scan3A_63#12 : vector<16xf32> to vector<16xf32>
      tpu.vector_store %arg10[%swap3A_112], %swap3A_115 {strides = array<i32>} : memref<1024xf32, #tpu.memory_space<vmem>>, vector<16xf32>,
      %swap3A_116 = arith.constant 208 : index
      %swap3A_117 = tpu.vector_load %arg10[%swap3A_116] {strides = array<i32>} : memref<1024xf32, #tpu.memory_space<vmem>>, vector<16xf32>,
      %swap3A_118 = vector.shape_cast %swap3A_117 : vector<16xf32> to vector<16xf32>
      %swap3A_119 = vector.shape_cast %scan3A_63#13 : vector<16xf32> to vector<16xf32>
      tpu.vector_store %arg10[%swap3A_116], %swap3A_119 {strides = array<i32>} : memref<1024xf32, #tpu.memory_space<vmem>>, vector<16xf32>,
      %swap3A_120 = arith.constant 224 : index
      %swap3A_121 = tpu.vector_load %arg10[%swap3A_120] {strides = array<i32>} : memref<1024xf32, #tpu.memory_space<vmem>>, vector<16xf32>,
      %swap3A_122 = vector.shape_cast %swap3A_121 : vector<16xf32> to vector<16xf32>
      %swap3A_123 = vector.shape_cast %scan3A_63#14 : vector<16xf32> to vector<16xf32>
      tpu.vector_store %arg10[%swap3A_120], %swap3A_123 {strides = array<i32>} : memref<1024xf32, #tpu.memory_space<vmem>>, vector<16xf32>,
      %swap3A_124 = arith.constant 240 : index
      %swap3A_125 = tpu.vector_load %arg10[%swap3A_124] {strides = array<i32>} : memref<1024xf32, #tpu.memory_space<vmem>>, vector<16xf32>,
      %swap3A_126 = vector.shape_cast %swap3A_125 : vector<16xf32> to vector<16xf32>
      %swap3A_127 = vector.shape_cast %scan3A_63#15 : vector<16xf32> to vector<16xf32>
      tpu.vector_store %arg10[%swap3A_124], %swap3A_127 {strides = array<i32>} : memref<1024xf32, #tpu.memory_space<vmem>>, vector<16xf32>,
      %broadcast_in_dim3A_128 = arith.constant 0.000000e+00 : f32
      %broadcast_in_dim3A_129 = vector.broadcast %broadcast_in_dim3A_128 : f32 to vector<16xf32>
      %broadcast_in_dim3A_130 = arith.constant 0.000000e+00 : f32
      %broadcast_in_dim3A_131 = vector.broadcast %broadcast_in_dim3A_130 : f32 to vector<16xf32>
      %broadcast_in_dim3A_132 = arith.constant 0.000000e+00 : f32
      %broadcast_in_dim3A_133 = vector.broadcast %broadcast_in_dim3A_132 : f32 to vector<16xf32>
      %broadcast_in_dim3A_134 = arith.constant 0.000000e+00 : f32
      %broadcast_in_dim3A_135 = vector.broadcast %broadcast_in_dim3A_134 : f32 to vector<16xf32>
      %broadcast_in_dim3A_136 = arith.constant 0.000000e+00 : f32
      %broadcast_in_dim3A_137 = vector.broadcast %broadcast_in_dim3A_136 : f32 to vector<16xf32>
      %broadcast_in_dim3A_138 = arith.constant 0.000000e+00 : f32
      %broadcast_in_dim3A_139 = vector.broadcast %broadcast_in_dim3A_138 : f32 to vector<16xf32>
      %broadcast_in_dim3A_140 = arith.constant 0.000000e+00 : f32
      %broadcast_in_dim3A_141 = vector.broadcast %broadcast_in_dim3A_140 : f32 to vector<16xf32>
      %broadcast_in_dim3A_142 = arith.constant 0.000000e+00 : f32
      %broadcast_in_dim3A_143 = vector.broadcast %broadcast_in_dim3A_142 : f32 to vector<16xf32>
      %broadcast_in_dim3A_144 = arith.constant 0.000000e+00 : f32
      %broadcast_in_dim3A_145 = vector.broadcast %broadcast_in_dim3A_144 : f32 to vector<16xf32>
      %broadcast_in_dim3A_146 = arith.constant 0.000000e+00 : f32
      %broadcast_in_dim3A_147 = vector.broadcast %broadcast_in_dim3A_146 : f32 to vector<16xf32>
      %broadcast_in_dim3A_148 = arith.constant 0.000000e+00 : f32
      %broadcast_in_dim3A_149 = vector.broadcast %broadcast_in_dim3A_148 : f32 to vector<16xf32>
      %broadcast_in_dim3A_150 = arith.constant 0.000000e+00 : f32
      %broadcast_in_dim3A_151 = vector.broadcast %broadcast_in_dim3A_150 : f32 to vector<16xf32>
      %broadcast_in_dim3A_152 = arith.constant 0.000000e+00 : f32
      %broadcast_in_dim3A_153 = vector.broadcast %broadcast_in_dim3A_152 : f32 to vector<16xf32>
      %broadcast_in_dim3A_154 = arith.constant 0.000000e+00 : f32
      %broadcast_in_dim3A_155 = vector.broadcast %broadcast_in_dim3A_154 : f32 to vector<16xf32>
      %broadcast_in_dim3A_156 = arith.constant 0.000000e+00 : f32
      %broadcast_in_dim3A_157 = vector.broadcast %broadcast_in_dim3A_156 : f32 to vector<16xf32>
      %broadcast_in_dim3A_158 = arith.constant 0.000000e+00 : f32
      %broadcast_in_dim3A_159 = vector.broadcast %broadcast_in_dim3A_158 : f32 to vector<16xf32>
      %scan3A_160 = arith.constant 0 : i32
      %scan3A_161 = arith.constant 32 : i32
      %scan3A_162 = arith.addi %scan3A_160, %scan3A_161 : i32
      %scan3A_163 = arith.constant 1 : i32
      %scan3A_164:16 = scf.for %scan3A_856 = %scan3A_160 to %scan3A_162 step %scan3A_163 iter_args(%scan3A_857 = %broadcast_in_dim3A_129, %scan3A_858 = %broadcast_in_dim3A_131, %scan3A_859 = %broadcast_in_dim3A_133, %scan3A_860 = %broadcast_in_dim3A_135, %scan3A_861 = %broadcast_in_dim3A_137, %scan3A_862 = %broadcast_in_dim3A_139, %scan3A_863 = %broadcast_in_dim3A_141, %scan3A_864 = %broadcast_in_dim3A_143, %scan3A_865 = %broadcast_in_dim3A_145, %scan3A_866 = %broadcast_in_dim3A_147, %scan3A_867 = %broadcast_in_dim3A_149, %scan3A_868 = %broadcast_in_dim3A_151, %scan3A_869 = %broadcast_in_dim3A_153, %scan3A_870 = %broadcast_in_dim3A_155, %scan3A_871 = %broadcast_in_dim3A_157, %scan3A_872 = %broadcast_in_dim3A_159) -> (vector<16xf32>, vector<16xf32>, vector<16xf32>, vector<16xf32>, vector<16xf32>, vector<16xf32>, vector<16xf32>, vector<16xf32>, vector<16xf32>, vector<16xf32>, vector<16xf32>, vector<16xf32>, vector<16xf32>, vector<16xf32>, vector<16xf32>, vector<16xf32>)  : i32 {
        %mul3A_873 = arith.constant 64 : i32
        %mul3A_874 = arith.muli %scan3A_22, %mul3A_873 : i32
        %add3A_875 = arith.constant 0 : i32
        %add3A_876 = arith.addi %mul3A_874, %add3A_875 : i32
        %jit3A = arith.constant 16 : i32
        %div3A = arith.divsi %scan3A_856, %jit3A : i32
        %sign3A = arith.constant 0 : i32
        %sign3A_877 = arith.cmpi sgt, %scan3A_856, %sign3A : i32
        %sign3A_878 = arith.extui %sign3A_877 : i1 to i32
        %sign3A_879 = arith.constant 0 : i32
        %sign3A_880 = arith.cmpi slt, %scan3A_856, %sign3A_879 : i32
        %sign3A_881 = arith.extui %sign3A_880 : i1 to i32
        %sign3A_882 = arith.subi %sign3A_878, %sign3A_881 : i32
        %sign3A_883 = arith.constant 0 : i32
        %sign3A_884 = arith.cmpi sgt, %jit3A, %sign3A_883 : i32
        %sign3A_885 = arith.extui %sign3A_884 : i1 to i32
        %sign3A_886 = arith.constant 0 : i32
        %sign3A_887 = arith.cmpi slt, %jit3A, %sign3A_886 : i32
        %sign3A_888 = arith.extui %sign3A_887 : i1 to i32
        %sign3A_889 = arith.subi %sign3A_885, %sign3A_888 : i32
        %ne3A = arith.cmpi ne, %sign3A_882, %sign3A_889 : i32
        %rem3A = arith.remsi %scan3A_856, %jit3A : i32
        %ne3A_890 = arith.constant 0 : i32
        %ne3A_891 = arith.cmpi ne, %rem3A, %ne3A_890 : i32
        %and3A = arith.andi %ne3A, %ne3A_891 : i1
        %sub3A = arith.constant 1 : i32
        %sub3A_892 = arith.subi %div3A, %sub3A : i32
        %select_n3A = arith.select %and3A, %sub3A_892, %div3A : i32
        %mul3A_893 = arith.constant 16 : i32
        %mul3A_894 = arith.muli %select_n3A, %mul3A_893 : i32
        %add3A_895 = arith.addi %add3A_876, %mul3A_894 : i32
        %get3A = arith.index_cast %add3A_895 : i32 to index
        %get3A_896 = tpu.vector_load %arg7[%get3A] {strides = array<i32>} : memref<4096xf32, #tpu.memory_space<vmem>>, vector<16xf32>,
        %get3A_897 = vector.shape_cast %get3A_896 : vector<16xf32> to vector<16xf32>
        %jit3A_898 = arith.constant 16 : i32
        %eq3A = arith.constant 0 : i32
        %eq3A_899 = arith.cmpi eq, %jit3A_898, %eq3A : i32
        %jit3A_900 = arith.constant 1 : i32
        %select_n3A_901 = arith.select %eq3A_899, %jit3A_900, %jit3A_898 : i32
        %rem3A_902 = arith.remsi %scan3A_856, %select_n3A_901 : i32
        %ne3A_903 = arith.constant 0 : i32
        %ne3A_904 = arith.cmpi ne, %rem3A_902, %ne3A_903 : i32
        %lt3A_905 = arith.constant 0 : i32
        %lt3A_906 = arith.cmpi slt, %rem3A_902, %lt3A_905 : i32
        %lt3A_907 = arith.constant 0 : i32
        %lt3A_908 = arith.cmpi slt, %select_n3A_901, %lt3A_907 : i32
        %ne3A_909 = arith.xori %lt3A_906, %lt3A_908 : i1
        %and3A_910 = arith.andi %ne3A_909, %ne3A_904 : i1
        %add3A_911 = arith.addi %rem3A_902, %select_n3A_901 : i32
        %select_n3A_912 = arith.select %and3A_910, %add3A_911, %rem3A_902 : i32
        %broadcast_in_dim3A_913 = vector.broadcast %select_n3A_912 : i32 to vector<16x1xi32>
        %gather3A = vector.shape_cast %broadcast_in_dim3A_913 : vector<16x1xi32> to vector<16xi32>
        %gather3A_914 = tpu.dynamic_gather %get3A_897[%gather3A] in [0] : vector<16xf32>, vector<16xi32> -> vector<16xf32>
        %get3A_915 = arith.index_cast %scan3A_856 : i32 to index
        %get3A_916 = arith.constant 256 : index
        %get3A_917 = tpu.vector_load %arg8[%get3A_915, %get3A_916] {strides = array<i32>} : memref<32x1024xf32, #tpu.memory_space<vmem>>, vector<1x16xf32>,
        %get3A_918 = vector.shape_cast %get3A_917 : vector<1x16xf32> to vector<16xf32>
        %mul3A_919 = arith.mulf %gather3A_914, %get3A_918 : vector<16xf32>
        %add3A_920 = arith.addf %scan3A_857, %mul3A_919 : vector<16xf32>
        %get3A_921 = arith.index_cast %scan3A_856 : i32 to index
        %get3A_922 = arith.constant 272 : index
        %get3A_923 = tpu.vector_load %arg8[%get3A_921, %get3A_922] {strides = array<i32>} : memref<32x1024xf32, #tpu.memory_space<vmem>>, vector<1x16xf32>,
        %get3A_924 = vector.shape_cast %get3A_923 : vector<1x16xf32> to vector<16xf32>
        %mul3A_925 = arith.mulf %gather3A_914, %get3A_924 : vector<16xf32>
        %add3A_926 = arith.addf %scan3A_858, %mul3A_925 : vector<16xf32>
        %get3A_927 = arith.index_cast %scan3A_856 : i32 to index
        %get3A_928 = arith.constant 288 : index
        %get3A_929 = tpu.vector_load %arg8[%get3A_927, %get3A_928] {strides = array<i32>} : memref<32x1024xf32, #tpu.memory_space<vmem>>, vector<1x16xf32>,
        %get3A_930 = vector.shape_cast %get3A_929 : vector<1x16xf32> to vector<16xf32>
        %mul3A_931 = arith.mulf %gather3A_914, %get3A_930 : vector<16xf32>
        %add3A_932 = arith.addf %scan3A_859, %mul3A_931 : vector<16xf32>
        %get3A_933 = arith.index_cast %scan3A_856 : i32 to index
        %get3A_934 = arith.constant 304 : index
        %get3A_935 = tpu.vector_load %arg8[%get3A_933, %get3A_934] {strides = array<i32>} : memref<32x1024xf32, #tpu.memory_space<vmem>>, vector<1x16xf32>,
        %get3A_936 = vector.shape_cast %get3A_935 : vector<1x16xf32> to vector<16xf32>
        %mul3A_937 = arith.mulf %gather3A_914, %get3A_936 : vector<16xf32>
        %add3A_938 = arith.addf %scan3A_860, %mul3A_937 : vector<16xf32>
        %get3A_939 = arith.index_cast %scan3A_856 : i32 to index
        %get3A_940 = arith.constant 320 : index
        %get3A_941 = tpu.vector_load %arg8[%get3A_939, %get3A_940] {strides = array<i32>} : memref<32x1024xf32, #tpu.memory_space<vmem>>, vector<1x16xf32>,
        %get3A_942 = vector.shape_cast %get3A_941 : vector<1x16xf32> to vector<16xf32>
        %mul3A_943 = arith.mulf %gather3A_914, %get3A_942 : vector<16xf32>
        %add3A_944 = arith.addf %scan3A_861, %mul3A_943 : vector<16xf32>
        %get3A_945 = arith.index_cast %scan3A_856 : i32 to index
        %get3A_946 = arith.constant 336 : index
        %get3A_947 = tpu.vector_load %arg8[%get3A_945, %get3A_946] {strides = array<i32>} : memref<32x1024xf32, #tpu.memory_space<vmem>>, vector<1x16xf32>,
        %get3A_948 = vector.shape_cast %get3A_947 : vector<1x16xf32> to vector<16xf32>
        %mul3A_949 = arith.mulf %gather3A_914, %get3A_948 : vector<16xf32>
        %add3A_950 = arith.addf %scan3A_862, %mul3A_949 : vector<16xf32>
        %get3A_951 = arith.index_cast %scan3A_856 : i32 to index
        %get3A_952 = arith.constant 352 : index
        %get3A_953 = tpu.vector_load %arg8[%get3A_951, %get3A_952] {strides = array<i32>} : memref<32x1024xf32, #tpu.memory_space<vmem>>, vector<1x16xf32>,
        %get3A_954 = vector.shape_cast %get3A_953 : vector<1x16xf32> to vector<16xf32>
        %mul3A_955 = arith.mulf %gather3A_914, %get3A_954 : vector<16xf32>
        %add3A_956 = arith.addf %scan3A_863, %mul3A_955 : vector<16xf32>
        %get3A_957 = arith.index_cast %scan3A_856 : i32 to index
        %get3A_958 = arith.constant 368 : index
        %get3A_959 = tpu.vector_load %arg8[%get3A_957, %get3A_958] {strides = array<i32>} : memref<32x1024xf32, #tpu.memory_space<vmem>>, vector<1x16xf32>,
        %get3A_960 = vector.shape_cast %get3A_959 : vector<1x16xf32> to vector<16xf32>
        %mul3A_961 = arith.mulf %gather3A_914, %get3A_960 : vector<16xf32>
        %add3A_962 = arith.addf %scan3A_864, %mul3A_961 : vector<16xf32>
        %get3A_963 = arith.index_cast %scan3A_856 : i32 to index
        %get3A_964 = arith.constant 384 : index
        %get3A_965 = tpu.vector_load %arg8[%get3A_963, %get3A_964] {strides = array<i32>} : memref<32x1024xf32, #tpu.memory_space<vmem>>, vector<1x16xf32>,
        %get3A_966 = vector.shape_cast %get3A_965 : vector<1x16xf32> to vector<16xf32>
        %mul3A_967 = arith.mulf %gather3A_914, %get3A_966 : vector<16xf32>
        %add3A_968 = arith.addf %scan3A_865, %mul3A_967 : vector<16xf32>
        %get3A_969 = arith.index_cast %scan3A_856 : i32 to index
        %get3A_970 = arith.constant 400 : index
        %get3A_971 = tpu.vector_load %arg8[%get3A_969, %get3A_970] {strides = array<i32>} : memref<32x1024xf32, #tpu.memory_space<vmem>>, vector<1x16xf32>,
        %get3A_972 = vector.shape_cast %get3A_971 : vector<1x16xf32> to vector<16xf32>
        %mul3A_973 = arith.mulf %gather3A_914, %get3A_972 : vector<16xf32>
        %add3A_974 = arith.addf %scan3A_866, %mul3A_973 : vector<16xf32>
        %get3A_975 = arith.index_cast %scan3A_856 : i32 to index
        %get3A_976 = arith.constant 416 : index
        %get3A_977 = tpu.vector_load %arg8[%get3A_975, %get3A_976] {strides = array<i32>} : memref<32x1024xf32, #tpu.memory_space<vmem>>, vector<1x16xf32>,
        %get3A_978 = vector.shape_cast %get3A_977 : vector<1x16xf32> to vector<16xf32>
        %mul3A_979 = arith.mulf %gather3A_914, %get3A_978 : vector<16xf32>
        %add3A_980 = arith.addf %scan3A_867, %mul3A_979 : vector<16xf32>
        %get3A_981 = arith.index_cast %scan3A_856 : i32 to index
        %get3A_982 = arith.constant 432 : index
        %get3A_983 = tpu.vector_load %arg8[%get3A_981, %get3A_982] {strides = array<i32>} : memref<32x1024xf32, #tpu.memory_space<vmem>>, vector<1x16xf32>,
        %get3A_984 = vector.shape_cast %get3A_983 : vector<1x16xf32> to vector<16xf32>
        %mul3A_985 = arith.mulf %gather3A_914, %get3A_984 : vector<16xf32>
        %add3A_986 = arith.addf %scan3A_868, %mul3A_985 : vector<16xf32>
        %get3A_987 = arith.index_cast %scan3A_856 : i32 to index
        %get3A_988 = arith.constant 448 : index
        %get3A_989 = tpu.vector_load %arg8[%get3A_987, %get3A_988] {strides = array<i32>} : memref<32x1024xf32, #tpu.memory_space<vmem>>, vector<1x16xf32>,
        %get3A_990 = vector.shape_cast %get3A_989 : vector<1x16xf32> to vector<16xf32>
        %mul3A_991 = arith.mulf %gather3A_914, %get3A_990 : vector<16xf32>
        %add3A_992 = arith.addf %scan3A_869, %mul3A_991 : vector<16xf32>
        %get3A_993 = arith.index_cast %scan3A_856 : i32 to index
        %get3A_994 = arith.constant 464 : index
        %get3A_995 = tpu.vector_load %arg8[%get3A_993, %get3A_994] {strides = array<i32>} : memref<32x1024xf32, #tpu.memory_space<vmem>>, vector<1x16xf32>,
        %get3A_996 = vector.shape_cast %get3A_995 : vector<1x16xf32> to vector<16xf32>
        %mul3A_997 = arith.mulf %gather3A_914, %get3A_996 : vector<16xf32>
        %add3A_998 = arith.addf %scan3A_870, %mul3A_997 : vector<16xf32>
        %get3A_999 = arith.index_cast %scan3A_856 : i32 to index
        %get3A_1000 = arith.constant 480 : index
        %get3A_1001 = tpu.vector_load %arg8[%get3A_999, %get3A_1000] {strides = array<i32>} : memref<32x1024xf32, #tpu.memory_space<vmem>>, vector<1x16xf32>,
        %get3A_1002 = vector.shape_cast %get3A_1001 : vector<1x16xf32> to vector<16xf32>
        %mul3A_1003 = arith.mulf %gather3A_914, %get3A_1002 : vector<16xf32>
        %add3A_1004 = arith.addf %scan3A_871, %mul3A_1003 : vector<16xf32>
        %get3A_1005 = arith.index_cast %scan3A_856 : i32 to index
        %get3A_1006 = arith.constant 496 : index
        %get3A_1007 = tpu.vector_load %arg8[%get3A_1005, %get3A_1006] {strides = array<i32>} : memref<32x1024xf32, #tpu.memory_space<vmem>>, vector<1x16xf32>,
        %get3A_1008 = vector.shape_cast %get3A_1007 : vector<1x16xf32> to vector<16xf32>
        %mul3A_1009 = arith.mulf %gather3A_914, %get3A_1008 : vector<16xf32>
        %add3A_1010 = arith.addf %scan3A_872, %mul3A_1009 : vector<16xf32>
        scf.yield %add3A_920, %add3A_926, %add3A_932, %add3A_938, %add3A_944, %add3A_950, %add3A_956, %add3A_962, %add3A_968, %add3A_974, %add3A_980, %add3A_986, %add3A_992, %add3A_998, %add3A_1004, %add3A_1010 : vector<16xf32>, vector<16xf32>, vector<16xf32>, vector<16xf32>, vector<16xf32>, vector<16xf32>, vector<16xf32>, vector<16xf32>, vector<16xf32>, vector<16xf32>, vector<16xf32>, vector<16xf32>, vector<16xf32>, vector<16xf32>, vector<16xf32>, vector<16xf32>
      }
      %scan3A_165 = arith.constant 32 : i32
      %swap3A_166 = arith.constant 256 : index
      %swap3A_167 = tpu.vector_load %arg10[%swap3A_166] {strides = array<i32>} : memref<1024xf32, #tpu.memory_space<vmem>>, vector<16xf32>,
      %swap3A_168 = vector.shape_cast %swap3A_167 : vector<16xf32> to vector<16xf32>
      %swap3A_169 = vector.shape_cast %scan3A_164#0 : vector<16xf32> to vector<16xf32>
      tpu.vector_store %arg10[%swap3A_166], %swap3A_169 {strides = array<i32>} : memref<1024xf32, #tpu.memory_space<vmem>>, vector<16xf32>,
      %swap3A_170 = arith.constant 272 : index
      %swap3A_171 = tpu.vector_load %arg10[%swap3A_170] {strides = array<i32>} : memref<1024xf32, #tpu.memory_space<vmem>>, vector<16xf32>,
      %swap3A_172 = vector.shape_cast %swap3A_171 : vector<16xf32> to vector<16xf32>
      %swap3A_173 = vector.shape_cast %scan3A_164#1 : vector<16xf32> to vector<16xf32>
      tpu.vector_store %arg10[%swap3A_170], %swap3A_173 {strides = array<i32>} : memref<1024xf32, #tpu.memory_space<vmem>>, vector<16xf32>,
      %swap3A_174 = arith.constant 288 : index
      %swap3A_175 = tpu.vector_load %arg10[%swap3A_174] {strides = array<i32>} : memref<1024xf32, #tpu.memory_space<vmem>>, vector<16xf32>,
      %swap3A_176 = vector.shape_cast %swap3A_175 : vector<16xf32> to vector<16xf32>
      %swap3A_177 = vector.shape_cast %scan3A_164#2 : vector<16xf32> to vector<16xf32>
      tpu.vector_store %arg10[%swap3A_174], %swap3A_177 {strides = array<i32>} : memref<1024xf32, #tpu.memory_space<vmem>>, vector<16xf32>,
      %swap3A_178 = arith.constant 304 : index
      %swap3A_179 = tpu.vector_load %arg10[%swap3A_178] {strides = array<i32>} : memref<1024xf32, #tpu.memory_space<vmem>>, vector<16xf32>,
      %swap3A_180 = vector.shape_cast %swap3A_179 : vector<16xf32> to vector<16xf32>
      %swap3A_181 = vector.shape_cast %scan3A_164#3 : vector<16xf32> to vector<16xf32>
      tpu.vector_store %arg10[%swap3A_178], %swap3A_181 {strides = array<i32>} : memref<1024xf32, #tpu.memory_space<vmem>>, vector<16xf32>,
      %swap3A_182 = arith.constant 320 : index
      %swap3A_183 = tpu.vector_load %arg10[%swap3A_182] {strides = array<i32>} : memref<1024xf32, #tpu.memory_space<vmem>>, vector<16xf32>,
      %swap3A_184 = vector.shape_cast %swap3A_183 : vector<16xf32> to vector<16xf32>
      %swap3A_185 = vector.shape_cast %scan3A_164#4 : vector<16xf32> to vector<16xf32>
      tpu.vector_store %arg10[%swap3A_182], %swap3A_185 {strides = array<i32>} : memref<1024xf32, #tpu.memory_space<vmem>>, vector<16xf32>,
      %swap3A_186 = arith.constant 336 : index
      %swap3A_187 = tpu.vector_load %arg10[%swap3A_186] {strides = array<i32>} : memref<1024xf32, #tpu.memory_space<vmem>>, vector<16xf32>,
      %swap3A_188 = vector.shape_cast %swap3A_187 : vector<16xf32> to vector<16xf32>
      %swap3A_189 = vector.shape_cast %scan3A_164#5 : vector<16xf32> to vector<16xf32>
      tpu.vector_store %arg10[%swap3A_186], %swap3A_189 {strides = array<i32>} : memref<1024xf32, #tpu.memory_space<vmem>>, vector<16xf32>,
      %swap3A_190 = arith.constant 352 : index
      %swap3A_191 = tpu.vector_load %arg10[%swap3A_190] {strides = array<i32>} : memref<1024xf32, #tpu.memory_space<vmem>>, vector<16xf32>,
      %swap3A_192 = vector.shape_cast %swap3A_191 : vector<16xf32> to vector<16xf32>
      %swap3A_193 = vector.shape_cast %scan3A_164#6 : vector<16xf32> to vector<16xf32>
      tpu.vector_store %arg10[%swap3A_190], %swap3A_193 {strides = array<i32>} : memref<1024xf32, #tpu.memory_space<vmem>>, vector<16xf32>,
      %swap3A_194 = arith.constant 368 : index
      %swap3A_195 = tpu.vector_load %arg10[%swap3A_194] {strides = array<i32>} : memref<1024xf32, #tpu.memory_space<vmem>>, vector<16xf32>,
      %swap3A_196 = vector.shape_cast %swap3A_195 : vector<16xf32> to vector<16xf32>
      %swap3A_197 = vector.shape_cast %scan3A_164#7 : vector<16xf32> to vector<16xf32>
      tpu.vector_store %arg10[%swap3A_194], %swap3A_197 {strides = array<i32>} : memref<1024xf32, #tpu.memory_space<vmem>>, vector<16xf32>,
      %swap3A_198 = arith.constant 384 : index
      %swap3A_199 = tpu.vector_load %arg10[%swap3A_198] {strides = array<i32>} : memref<1024xf32, #tpu.memory_space<vmem>>, vector<16xf32>,
      %swap3A_200 = vector.shape_cast %swap3A_199 : vector<16xf32> to vector<16xf32>
      %swap3A_201 = vector.shape_cast %scan3A_164#8 : vector<16xf32> to vector<16xf32>
      tpu.vector_store %arg10[%swap3A_198], %swap3A_201 {strides = array<i32>} : memref<1024xf32, #tpu.memory_space<vmem>>, vector<16xf32>,
      %swap3A_202 = arith.constant 400 : index
      %swap3A_203 = tpu.vector_load %arg10[%swap3A_202] {strides = array<i32>} : memref<1024xf32, #tpu.memory_space<vmem>>, vector<16xf32>,
      %swap3A_204 = vector.shape_cast %swap3A_203 : vector<16xf32> to vector<16xf32>
      %swap3A_205 = vector.shape_cast %scan3A_164#9 : vector<16xf32> to vector<16xf32>
      tpu.vector_store %arg10[%swap3A_202], %swap3A_205 {strides = array<i32>} : memref<1024xf32, #tpu.memory_space<vmem>>, vector<16xf32>,
      %swap3A_206 = arith.constant 416 : index
      %swap3A_207 = tpu.vector_load %arg10[%swap3A_206] {strides = array<i32>} : memref<1024xf32, #tpu.memory_space<vmem>>, vector<16xf32>,
      %swap3A_208 = vector.shape_cast %swap3A_207 : vector<16xf32> to vector<16xf32>
      %swap3A_209 = vector.shape_cast %scan3A_164#10 : vector<16xf32> to vector<16xf32>
      tpu.vector_store %arg10[%swap3A_206], %swap3A_209 {strides = array<i32>} : memref<1024xf32, #tpu.memory_space<vmem>>, vector<16xf32>,
      %swap3A_210 = arith.constant 432 : index
      %swap3A_211 = tpu.vector_load %arg10[%swap3A_210] {strides = array<i32>} : memref<1024xf32, #tpu.memory_space<vmem>>, vector<16xf32>,
      %swap3A_212 = vector.shape_cast %swap3A_211 : vector<16xf32> to vector<16xf32>
      %swap3A_213 = vector.shape_cast %scan3A_164#11 : vector<16xf32> to vector<16xf32>
      tpu.vector_store %arg10[%swap3A_210], %swap3A_213 {strides = array<i32>} : memref<1024xf32, #tpu.memory_space<vmem>>, vector<16xf32>,
      %swap3A_214 = arith.constant 448 : index
      %swap3A_215 = tpu.vector_load %arg10[%swap3A_214] {strides = array<i32>} : memref<1024xf32, #tpu.memory_space<vmem>>, vector<16xf32>,
      %swap3A_216 = vector.shape_cast %swap3A_215 : vector<16xf32> to vector<16xf32>
      %swap3A_217 = vector.shape_cast %scan3A_164#12 : vector<16xf32> to vector<16xf32>
      tpu.vector_store %arg10[%swap3A_214], %swap3A_217 {strides = array<i32>} : memref<1024xf32, #tpu.memory_space<vmem>>, vector<16xf32>,
      %swap3A_218 = arith.constant 464 : index
      %swap3A_219 = tpu.vector_load %arg10[%swap3A_218] {strides = array<i32>} : memref<1024xf32, #tpu.memory_space<vmem>>, vector<16xf32>,
      %swap3A_220 = vector.shape_cast %swap3A_219 : vector<16xf32> to vector<16xf32>
      %swap3A_221 = vector.shape_cast %scan3A_164#13 : vector<16xf32> to vector<16xf32>
      tpu.vector_store %arg10[%swap3A_218], %swap3A_221 {strides = array<i32>} : memref<1024xf32, #tpu.memory_space<vmem>>, vector<16xf32>,
      %swap3A_222 = arith.constant 480 : index
      %swap3A_223 = tpu.vector_load %arg10[%swap3A_222] {strides = array<i32>} : memref<1024xf32, #tpu.memory_space<vmem>>, vector<16xf32>,
      %swap3A_224 = vector.shape_cast %swap3A_223 : vector<16xf32> to vector<16xf32>
      %swap3A_225 = vector.shape_cast %scan3A_164#14 : vector<16xf32> to vector<16xf32>
      tpu.vector_store %arg10[%swap3A_222], %swap3A_225 {strides = array<i32>} : memref<1024xf32, #tpu.memory_space<vmem>>, vector<16xf32>,
      %swap3A_226 = arith.constant 496 : index
      %swap3A_227 = tpu.vector_load %arg10[%swap3A_226] {strides = array<i32>} : memref<1024xf32, #tpu.memory_space<vmem>>, vector<16xf32>,
      %swap3A_228 = vector.shape_cast %swap3A_227 : vector<16xf32> to vector<16xf32>
      %swap3A_229 = vector.shape_cast %scan3A_164#15 : vector<16xf32> to vector<16xf32>
      tpu.vector_store %arg10[%swap3A_226], %swap3A_229 {strides = array<i32>} : memref<1024xf32, #tpu.memory_space<vmem>>, vector<16xf32>,
      %broadcast_in_dim3A_230 = arith.constant 0.000000e+00 : f32
      %broadcast_in_dim3A_231 = vector.broadcast %broadcast_in_dim3A_230 : f32 to vector<16xf32>
      %broadcast_in_dim3A_232 = arith.constant 0.000000e+00 : f32
      %broadcast_in_dim3A_233 = vector.broadcast %broadcast_in_dim3A_232 : f32 to vector<16xf32>
      %broadcast_in_dim3A_234 = arith.constant 0.000000e+00 : f32
      %broadcast_in_dim3A_235 = vector.broadcast %broadcast_in_dim3A_234 : f32 to vector<16xf32>
      %broadcast_in_dim3A_236 = arith.constant 0.000000e+00 : f32
      %broadcast_in_dim3A_237 = vector.broadcast %broadcast_in_dim3A_236 : f32 to vector<16xf32>
      %broadcast_in_dim3A_238 = arith.constant 0.000000e+00 : f32
      %broadcast_in_dim3A_239 = vector.broadcast %broadcast_in_dim3A_238 : f32 to vector<16xf32>
      %broadcast_in_dim3A_240 = arith.constant 0.000000e+00 : f32
      %broadcast_in_dim3A_241 = vector.broadcast %broadcast_in_dim3A_240 : f32 to vector<16xf32>
      %broadcast_in_dim3A_242 = arith.constant 0.000000e+00 : f32
      %broadcast_in_dim3A_243 = vector.broadcast %broadcast_in_dim3A_242 : f32 to vector<16xf32>
      %broadcast_in_dim3A_244 = arith.constant 0.000000e+00 : f32
      %broadcast_in_dim3A_245 = vector.broadcast %broadcast_in_dim3A_244 : f32 to vector<16xf32>
      %broadcast_in_dim3A_246 = arith.constant 0.000000e+00 : f32
      %broadcast_in_dim3A_247 = vector.broadcast %broadcast_in_dim3A_246 : f32 to vector<16xf32>
      %broadcast_in_dim3A_248 = arith.constant 0.000000e+00 : f32
      %broadcast_in_dim3A_249 = vector.broadcast %broadcast_in_dim3A_248 : f32 to vector<16xf32>
      %broadcast_in_dim3A_250 = arith.constant 0.000000e+00 : f32
      %broadcast_in_dim3A_251 = vector.broadcast %broadcast_in_dim3A_250 : f32 to vector<16xf32>
      %broadcast_in_dim3A_252 = arith.constant 0.000000e+00 : f32
      %broadcast_in_dim3A_253 = vector.broadcast %broadcast_in_dim3A_252 : f32 to vector<16xf32>
      %broadcast_in_dim3A_254 = arith.constant 0.000000e+00 : f32
      %broadcast_in_dim3A_255 = vector.broadcast %broadcast_in_dim3A_254 : f32 to vector<16xf32>
      %broadcast_in_dim3A_256 = arith.constant 0.000000e+00 : f32
      %broadcast_in_dim3A_257 = vector.broadcast %broadcast_in_dim3A_256 : f32 to vector<16xf32>
      %broadcast_in_dim3A_258 = arith.constant 0.000000e+00 : f32
      %broadcast_in_dim3A_259 = vector.broadcast %broadcast_in_dim3A_258 : f32 to vector<16xf32>
      %broadcast_in_dim3A_260 = arith.constant 0.000000e+00 : f32
      %broadcast_in_dim3A_261 = vector.broadcast %broadcast_in_dim3A_260 : f32 to vector<16xf32>
      %scan3A_262 = arith.constant 0 : i32
      %scan3A_263 = arith.constant 32 : i32
      %scan3A_264 = arith.addi %scan3A_262, %scan3A_263 : i32
      %scan3A_265 = arith.constant 1 : i32
      %scan3A_266:16 = scf.for %scan3A_856 = %scan3A_262 to %scan3A_264 step %scan3A_265 iter_args(%scan3A_857 = %broadcast_in_dim3A_231, %scan3A_858 = %broadcast_in_dim3A_233, %scan3A_859 = %broadcast_in_dim3A_235, %scan3A_860 = %broadcast_in_dim3A_237, %scan3A_861 = %broadcast_in_dim3A_239, %scan3A_862 = %broadcast_in_dim3A_241, %scan3A_863 = %broadcast_in_dim3A_243, %scan3A_864 = %broadcast_in_dim3A_245, %scan3A_865 = %broadcast_in_dim3A_247, %scan3A_866 = %broadcast_in_dim3A_249, %scan3A_867 = %broadcast_in_dim3A_251, %scan3A_868 = %broadcast_in_dim3A_253, %scan3A_869 = %broadcast_in_dim3A_255, %scan3A_870 = %broadcast_in_dim3A_257, %scan3A_871 = %broadcast_in_dim3A_259, %scan3A_872 = %broadcast_in_dim3A_261) -> (vector<16xf32>, vector<16xf32>, vector<16xf32>, vector<16xf32>, vector<16xf32>, vector<16xf32>, vector<16xf32>, vector<16xf32>, vector<16xf32>, vector<16xf32>, vector<16xf32>, vector<16xf32>, vector<16xf32>, vector<16xf32>, vector<16xf32>, vector<16xf32>)  : i32 {
        %mul3A_873 = arith.constant 64 : i32
        %mul3A_874 = arith.muli %scan3A_22, %mul3A_873 : i32
        %add3A_875 = arith.constant 0 : i32
        %add3A_876 = arith.addi %mul3A_874, %add3A_875 : i32
        %jit3A = arith.constant 16 : i32
        %div3A = arith.divsi %scan3A_856, %jit3A : i32
        %sign3A = arith.constant 0 : i32
        %sign3A_877 = arith.cmpi sgt, %scan3A_856, %sign3A : i32
        %sign3A_878 = arith.extui %sign3A_877 : i1 to i32
        %sign3A_879 = arith.constant 0 : i32
        %sign3A_880 = arith.cmpi slt, %scan3A_856, %sign3A_879 : i32
        %sign3A_881 = arith.extui %sign3A_880 : i1 to i32
        %sign3A_882 = arith.subi %sign3A_878, %sign3A_881 : i32
        %sign3A_883 = arith.constant 0 : i32
        %sign3A_884 = arith.cmpi sgt, %jit3A, %sign3A_883 : i32
        %sign3A_885 = arith.extui %sign3A_884 : i1 to i32
        %sign3A_886 = arith.constant 0 : i32
        %sign3A_887 = arith.cmpi slt, %jit3A, %sign3A_886 : i32
        %sign3A_888 = arith.extui %sign3A_887 : i1 to i32
        %sign3A_889 = arith.subi %sign3A_885, %sign3A_888 : i32
        %ne3A = arith.cmpi ne, %sign3A_882, %sign3A_889 : i32
        %rem3A = arith.remsi %scan3A_856, %jit3A : i32
        %ne3A_890 = arith.constant 0 : i32
        %ne3A_891 = arith.cmpi ne, %rem3A, %ne3A_890 : i32
        %and3A = arith.andi %ne3A, %ne3A_891 : i1
        %sub3A = arith.constant 1 : i32
        %sub3A_892 = arith.subi %div3A, %sub3A : i32
        %select_n3A = arith.select %and3A, %sub3A_892, %div3A : i32
        %mul3A_893 = arith.constant 16 : i32
        %mul3A_894 = arith.muli %select_n3A, %mul3A_893 : i32
        %add3A_895 = arith.addi %add3A_876, %mul3A_894 : i32
        %get3A = arith.index_cast %add3A_895 : i32 to index
        %get3A_896 = tpu.vector_load %arg7[%get3A] {strides = array<i32>} : memref<4096xf32, #tpu.memory_space<vmem>>, vector<16xf32>,
        %get3A_897 = vector.shape_cast %get3A_896 : vector<16xf32> to vector<16xf32>
        %jit3A_898 = arith.constant 16 : i32
        %eq3A = arith.constant 0 : i32
        %eq3A_899 = arith.cmpi eq, %jit3A_898, %eq3A : i32
        %jit3A_900 = arith.constant 1 : i32
        %select_n3A_901 = arith.select %eq3A_899, %jit3A_900, %jit3A_898 : i32
        %rem3A_902 = arith.remsi %scan3A_856, %select_n3A_901 : i32
        %ne3A_903 = arith.constant 0 : i32
        %ne3A_904 = arith.cmpi ne, %rem3A_902, %ne3A_903 : i32
        %lt3A_905 = arith.constant 0 : i32
        %lt3A_906 = arith.cmpi slt, %rem3A_902, %lt3A_905 : i32
        %lt3A_907 = arith.constant 0 : i32
        %lt3A_908 = arith.cmpi slt, %select_n3A_901, %lt3A_907 : i32
        %ne3A_909 = arith.xori %lt3A_906, %lt3A_908 : i1
        %and3A_910 = arith.andi %ne3A_909, %ne3A_904 : i1
        %add3A_911 = arith.addi %rem3A_902, %select_n3A_901 : i32
        %select_n3A_912 = arith.select %and3A_910, %add3A_911, %rem3A_902 : i32
        %broadcast_in_dim3A_913 = vector.broadcast %select_n3A_912 : i32 to vector<16x1xi32>
        %gather3A = vector.shape_cast %broadcast_in_dim3A_913 : vector<16x1xi32> to vector<16xi32>
        %gather3A_914 = tpu.dynamic_gather %get3A_897[%gather3A] in [0] : vector<16xf32>, vector<16xi32> -> vector<16xf32>
        %get3A_915 = arith.index_cast %scan3A_856 : i32 to index
        %get3A_916 = arith.constant 512 : index
        %get3A_917 = tpu.vector_load %arg8[%get3A_915, %get3A_916] {strides = array<i32>} : memref<32x1024xf32, #tpu.memory_space<vmem>>, vector<1x16xf32>,
        %get3A_918 = vector.shape_cast %get3A_917 : vector<1x16xf32> to vector<16xf32>
        %mul3A_919 = arith.mulf %gather3A_914, %get3A_918 : vector<16xf32>
        %add3A_920 = arith.addf %scan3A_857, %mul3A_919 : vector<16xf32>
        %get3A_921 = arith.index_cast %scan3A_856 : i32 to index
        %get3A_922 = arith.constant 528 : index
        %get3A_923 = tpu.vector_load %arg8[%get3A_921, %get3A_922] {strides = array<i32>} : memref<32x1024xf32, #tpu.memory_space<vmem>>, vector<1x16xf32>,
        %get3A_924 = vector.shape_cast %get3A_923 : vector<1x16xf32> to vector<16xf32>
        %mul3A_925 = arith.mulf %gather3A_914, %get3A_924 : vector<16xf32>
        %add3A_926 = arith.addf %scan3A_858, %mul3A_925 : vector<16xf32>
        %get3A_927 = arith.index_cast %scan3A_856 : i32 to index
        %get3A_928 = arith.constant 544 : index
        %get3A_929 = tpu.vector_load %arg8[%get3A_927, %get3A_928] {strides = array<i32>} : memref<32x1024xf32, #tpu.memory_space<vmem>>, vector<1x16xf32>,
        %get3A_930 = vector.shape_cast %get3A_929 : vector<1x16xf32> to vector<16xf32>
        %mul3A_931 = arith.mulf %gather3A_914, %get3A_930 : vector<16xf32>
        %add3A_932 = arith.addf %scan3A_859, %mul3A_931 : vector<16xf32>
        %get3A_933 = arith.index_cast %scan3A_856 : i32 to index
        %get3A_934 = arith.constant 560 : index
        %get3A_935 = tpu.vector_load %arg8[%get3A_933, %get3A_934] {strides = array<i32>} : memref<32x1024xf32, #tpu.memory_space<vmem>>, vector<1x16xf32>,
        %get3A_936 = vector.shape_cast %get3A_935 : vector<1x16xf32> to vector<16xf32>
        %mul3A_937 = arith.mulf %gather3A_914, %get3A_936 : vector<16xf32>
        %add3A_938 = arith.addf %scan3A_860, %mul3A_937 : vector<16xf32>
        %get3A_939 = arith.index_cast %scan3A_856 : i32 to index
        %get3A_940 = arith.constant 576 : index
        %get3A_941 = tpu.vector_load %arg8[%get3A_939, %get3A_940] {strides = array<i32>} : memref<32x1024xf32, #tpu.memory_space<vmem>>, vector<1x16xf32>,
        %get3A_942 = vector.shape_cast %get3A_941 : vector<1x16xf32> to vector<16xf32>
        %mul3A_943 = arith.mulf %gather3A_914, %get3A_942 : vector<16xf32>
        %add3A_944 = arith.addf %scan3A_861, %mul3A_943 : vector<16xf32>
        %get3A_945 = arith.index_cast %scan3A_856 : i32 to index
        %get3A_946 = arith.constant 592 : index
        %get3A_947 = tpu.vector_load %arg8[%get3A_945, %get3A_946] {strides = array<i32>} : memref<32x1024xf32, #tpu.memory_space<vmem>>, vector<1x16xf32>,
        %get3A_948 = vector.shape_cast %get3A_947 : vector<1x16xf32> to vector<16xf32>
        %mul3A_949 = arith.mulf %gather3A_914, %get3A_948 : vector<16xf32>
        %add3A_950 = arith.addf %scan3A_862, %mul3A_949 : vector<16xf32>
        %get3A_951 = arith.index_cast %scan3A_856 : i32 to index
        %get3A_952 = arith.constant 608 : index
        %get3A_953 = tpu.vector_load %arg8[%get3A_951, %get3A_952] {strides = array<i32>} : memref<32x1024xf32, #tpu.memory_space<vmem>>, vector<1x16xf32>,
        %get3A_954 = vector.shape_cast %get3A_953 : vector<1x16xf32> to vector<16xf32>
        %mul3A_955 = arith.mulf %gather3A_914, %get3A_954 : vector<16xf32>
        %add3A_956 = arith.addf %scan3A_863, %mul3A_955 : vector<16xf32>
        %get3A_957 = arith.index_cast %scan3A_856 : i32 to index
        %get3A_958 = arith.constant 624 : index
        %get3A_959 = tpu.vector_load %arg8[%get3A_957, %get3A_958] {strides = array<i32>} : memref<32x1024xf32, #tpu.memory_space<vmem>>, vector<1x16xf32>,
        %get3A_960 = vector.shape_cast %get3A_959 : vector<1x16xf32> to vector<16xf32>
        %mul3A_961 = arith.mulf %gather3A_914, %get3A_960 : vector<16xf32>
        %add3A_962 = arith.addf %scan3A_864, %mul3A_961 : vector<16xf32>
        %get3A_963 = arith.index_cast %scan3A_856 : i32 to index
        %get3A_964 = arith.constant 640 : index
        %get3A_965 = tpu.vector_load %arg8[%get3A_963, %get3A_964] {strides = array<i32>} : memref<32x1024xf32, #tpu.memory_space<vmem>>, vector<1x16xf32>,
        %get3A_966 = vector.shape_cast %get3A_965 : vector<1x16xf32> to vector<16xf32>
        %mul3A_967 = arith.mulf %gather3A_914, %get3A_966 : vector<16xf32>
        %add3A_968 = arith.addf %scan3A_865, %mul3A_967 : vector<16xf32>
        %get3A_969 = arith.index_cast %scan3A_856 : i32 to index
        %get3A_970 = arith.constant 656 : index
        %get3A_971 = tpu.vector_load %arg8[%get3A_969, %get3A_970] {strides = array<i32>} : memref<32x1024xf32, #tpu.memory_space<vmem>>, vector<1x16xf32>,
        %get3A_972 = vector.shape_cast %get3A_971 : vector<1x16xf32> to vector<16xf32>
        %mul3A_973 = arith.mulf %gather3A_914, %get3A_972 : vector<16xf32>
        %add3A_974 = arith.addf %scan3A_866, %mul3A_973 : vector<16xf32>
        %get3A_975 = arith.index_cast %scan3A_856 : i32 to index
        %get3A_976 = arith.constant 672 : index
        %get3A_977 = tpu.vector_load %arg8[%get3A_975, %get3A_976] {strides = array<i32>} : memref<32x1024xf32, #tpu.memory_space<vmem>>, vector<1x16xf32>,
        %get3A_978 = vector.shape_cast %get3A_977 : vector<1x16xf32> to vector<16xf32>
        %mul3A_979 = arith.mulf %gather3A_914, %get3A_978 : vector<16xf32>
        %add3A_980 = arith.addf %scan3A_867, %mul3A_979 : vector<16xf32>
        %get3A_981 = arith.index_cast %scan3A_856 : i32 to index
        %get3A_982 = arith.constant 688 : index
        %get3A_983 = tpu.vector_load %arg8[%get3A_981, %get3A_982] {strides = array<i32>} : memref<32x1024xf32, #tpu.memory_space<vmem>>, vector<1x16xf32>,
        %get3A_984 = vector.shape_cast %get3A_983 : vector<1x16xf32> to vector<16xf32>
        %mul3A_985 = arith.mulf %gather3A_914, %get3A_984 : vector<16xf32>
        %add3A_986 = arith.addf %scan3A_868, %mul3A_985 : vector<16xf32>
        %get3A_987 = arith.index_cast %scan3A_856 : i32 to index
        %get3A_988 = arith.constant 704 : index
        %get3A_989 = tpu.vector_load %arg8[%get3A_987, %get3A_988] {strides = array<i32>} : memref<32x1024xf32, #tpu.memory_space<vmem>>, vector<1x16xf32>,
        %get3A_990 = vector.shape_cast %get3A_989 : vector<1x16xf32> to vector<16xf32>
        %mul3A_991 = arith.mulf %gather3A_914, %get3A_990 : vector<16xf32>
        %add3A_992 = arith.addf %scan3A_869, %mul3A_991 : vector<16xf32>
        %get3A_993 = arith.index_cast %scan3A_856 : i32 to index
        %get3A_994 = arith.constant 720 : index
        %get3A_995 = tpu.vector_load %arg8[%get3A_993, %get3A_994] {strides = array<i32>} : memref<32x1024xf32, #tpu.memory_space<vmem>>, vector<1x16xf32>,
        %get3A_996 = vector.shape_cast %get3A_995 : vector<1x16xf32> to vector<16xf32>
        %mul3A_997 = arith.mulf %gather3A_914, %get3A_996 : vector<16xf32>
        %add3A_998 = arith.addf %scan3A_870, %mul3A_997 : vector<16xf32>
        %get3A_999 = arith.index_cast %scan3A_856 : i32 to index
        %get3A_1000 = arith.constant 736 : index
        %get3A_1001 = tpu.vector_load %arg8[%get3A_999, %get3A_1000] {strides = array<i32>} : memref<32x1024xf32, #tpu.memory_space<vmem>>, vector<1x16xf32>,
        %get3A_1002 = vector.shape_cast %get3A_1001 : vector<1x16xf32> to vector<16xf32>
        %mul3A_1003 = arith.mulf %gather3A_914, %get3A_1002 : vector<16xf32>
        %add3A_1004 = arith.addf %scan3A_871, %mul3A_1003 : vector<16xf32>
        %get3A_1005 = arith.index_cast %scan3A_856 : i32 to index
        %get3A_1006 = arith.constant 752 : index
        %get3A_1007 = tpu.vector_load %arg8[%get3A_1005, %get3A_1006] {strides = array<i32>} : memref<32x1024xf32, #tpu.memory_space<vmem>>, vector<1x16xf32>,
        %get3A_1008 = vector.shape_cast %get3A_1007 : vector<1x16xf32> to vector<16xf32>
        %mul3A_1009 = arith.mulf %gather3A_914, %get3A_1008 : vector<16xf32>
        %add3A_1010 = arith.addf %scan3A_872, %mul3A_1009 : vector<16xf32>
        scf.yield %add3A_920, %add3A_926, %add3A_932, %add3A_938, %add3A_944, %add3A_950, %add3A_956, %add3A_962, %add3A_968, %add3A_974, %add3A_980, %add3A_986, %add3A_992, %add3A_998, %add3A_1004, %add3A_1010 : vector<16xf32>, vector<16xf32>, vector<16xf32>, vector<16xf32>, vector<16xf32>, vector<16xf32>, vector<16xf32>, vector<16xf32>, vector<16xf32>, vector<16xf32>, vector<16xf32>, vector<16xf32>, vector<16xf32>, vector<16xf32>, vector<16xf32>, vector<16xf32>
      }
      %scan3A_267 = arith.constant 32 : i32
      %swap3A_268 = arith.constant 512 : index
      %swap3A_269 = tpu.vector_load %arg10[%swap3A_268] {strides = array<i32>} : memref<1024xf32, #tpu.memory_space<vmem>>, vector<16xf32>,
      %swap3A_270 = vector.shape_cast %swap3A_269 : vector<16xf32> to vector<16xf32>
      %swap3A_271 = vector.shape_cast %scan3A_266#0 : vector<16xf32> to vector<16xf32>
      tpu.vector_store %arg10[%swap3A_268], %swap3A_271 {strides = array<i32>} : memref<1024xf32, #tpu.memory_space<vmem>>, vector<16xf32>,
      %swap3A_272 = arith.constant 528 : index
      %swap3A_273 = tpu.vector_load %arg10[%swap3A_272] {strides = array<i32>} : memref<1024xf32, #tpu.memory_space<vmem>>, vector<16xf32>,
      %swap3A_274 = vector.shape_cast %swap3A_273 : vector<16xf32> to vector<16xf32>
      %swap3A_275 = vector.shape_cast %scan3A_266#1 : vector<16xf32> to vector<16xf32>
      tpu.vector_store %arg10[%swap3A_272], %swap3A_275 {strides = array<i32>} : memref<1024xf32, #tpu.memory_space<vmem>>, vector<16xf32>,
      %swap3A_276 = arith.constant 544 : index
      %swap3A_277 = tpu.vector_load %arg10[%swap3A_276] {strides = array<i32>} : memref<1024xf32, #tpu.memory_space<vmem>>, vector<16xf32>,
      %swap3A_278 = vector.shape_cast %swap3A_277 : vector<16xf32> to vector<16xf32>
      %swap3A_279 = vector.shape_cast %scan3A_266#2 : vector<16xf32> to vector<16xf32>
      tpu.vector_store %arg10[%swap3A_276], %swap3A_279 {strides = array<i32>} : memref<1024xf32, #tpu.memory_space<vmem>>, vector<16xf32>,
      %swap3A_280 = arith.constant 560 : index
      %swap3A_281 = tpu.vector_load %arg10[%swap3A_280] {strides = array<i32>} : memref<1024xf32, #tpu.memory_space<vmem>>, vector<16xf32>,
      %swap3A_282 = vector.shape_cast %swap3A_281 : vector<16xf32> to vector<16xf32>
      %swap3A_283 = vector.shape_cast %scan3A_266#3 : vector<16xf32> to vector<16xf32>
      tpu.vector_store %arg10[%swap3A_280], %swap3A_283 {strides = array<i32>} : memref<1024xf32, #tpu.memory_space<vmem>>, vector<16xf32>,
      %swap3A_284 = arith.constant 576 : index
      %swap3A_285 = tpu.vector_load %arg10[%swap3A_284] {strides = array<i32>} : memref<1024xf32, #tpu.memory_space<vmem>>, vector<16xf32>,
      %swap3A_286 = vector.shape_cast %swap3A_285 : vector<16xf32> to vector<16xf32>
      %swap3A_287 = vector.shape_cast %scan3A_266#4 : vector<16xf32> to vector<16xf32>
      tpu.vector_store %arg10[%swap3A_284], %swap3A_287 {strides = array<i32>} : memref<1024xf32, #tpu.memory_space<vmem>>, vector<16xf32>,
      %swap3A_288 = arith.constant 592 : index
      %swap3A_289 = tpu.vector_load %arg10[%swap3A_288] {strides = array<i32>} : memref<1024xf32, #tpu.memory_space<vmem>>, vector<16xf32>,
      %swap3A_290 = vector.shape_cast %swap3A_289 : vector<16xf32> to vector<16xf32>
      %swap3A_291 = vector.shape_cast %scan3A_266#5 : vector<16xf32> to vector<16xf32>
      tpu.vector_store %arg10[%swap3A_288], %swap3A_291 {strides = array<i32>} : memref<1024xf32, #tpu.memory_space<vmem>>, vector<16xf32>,
      %swap3A_292 = arith.constant 608 : index
      %swap3A_293 = tpu.vector_load %arg10[%swap3A_292] {strides = array<i32>} : memref<1024xf32, #tpu.memory_space<vmem>>, vector<16xf32>,
      %swap3A_294 = vector.shape_cast %swap3A_293 : vector<16xf32> to vector<16xf32>
      %swap3A_295 = vector.shape_cast %scan3A_266#6 : vector<16xf32> to vector<16xf32>
      tpu.vector_store %arg10[%swap3A_292], %swap3A_295 {strides = array<i32>} : memref<1024xf32, #tpu.memory_space<vmem>>, vector<16xf32>,
      %swap3A_296 = arith.constant 624 : index
      %swap3A_297 = tpu.vector_load %arg10[%swap3A_296] {strides = array<i32>} : memref<1024xf32, #tpu.memory_space<vmem>>, vector<16xf32>,
      %swap3A_298 = vector.shape_cast %swap3A_297 : vector<16xf32> to vector<16xf32>
      %swap3A_299 = vector.shape_cast %scan3A_266#7 : vector<16xf32> to vector<16xf32>
      tpu.vector_store %arg10[%swap3A_296], %swap3A_299 {strides = array<i32>} : memref<1024xf32, #tpu.memory_space<vmem>>, vector<16xf32>,
      %swap3A_300 = arith.constant 640 : index
      %swap3A_301 = tpu.vector_load %arg10[%swap3A_300] {strides = array<i32>} : memref<1024xf32, #tpu.memory_space<vmem>>, vector<16xf32>,
      %swap3A_302 = vector.shape_cast %swap3A_301 : vector<16xf32> to vector<16xf32>
      %swap3A_303 = vector.shape_cast %scan3A_266#8 : vector<16xf32> to vector<16xf32>
      tpu.vector_store %arg10[%swap3A_300], %swap3A_303 {strides = array<i32>} : memref<1024xf32, #tpu.memory_space<vmem>>, vector<16xf32>,
      %swap3A_304 = arith.constant 656 : index
      %swap3A_305 = tpu.vector_load %arg10[%swap3A_304] {strides = array<i32>} : memref<1024xf32, #tpu.memory_space<vmem>>, vector<16xf32>,
      %swap3A_306 = vector.shape_cast %swap3A_305 : vector<16xf32> to vector<16xf32>
      %swap3A_307 = vector.shape_cast %scan3A_266#9 : vector<16xf32> to vector<16xf32>
      tpu.vector_store %arg10[%swap3A_304], %swap3A_307 {strides = array<i32>} : memref<1024xf32, #tpu.memory_space<vmem>>, vector<16xf32>,
      %swap3A_308 = arith.constant 672 : index
      %swap3A_309 = tpu.vector_load %arg10[%swap3A_308] {strides = array<i32>} : memref<1024xf32, #tpu.memory_space<vmem>>, vector<16xf32>,
      %swap3A_310 = vector.shape_cast %swap3A_309 : vector<16xf32> to vector<16xf32>
      %swap3A_311 = vector.shape_cast %scan3A_266#10 : vector<16xf32> to vector<16xf32>
      tpu.vector_store %arg10[%swap3A_308], %swap3A_311 {strides = array<i32>} : memref<1024xf32, #tpu.memory_space<vmem>>, vector<16xf32>,
      %swap3A_312 = arith.constant 688 : index
      %swap3A_313 = tpu.vector_load %arg10[%swap3A_312] {strides = array<i32>} : memref<1024xf32, #tpu.memory_space<vmem>>, vector<16xf32>,
      %swap3A_314 = vector.shape_cast %swap3A_313 : vector<16xf32> to vector<16xf32>
      %swap3A_315 = vector.shape_cast %scan3A_266#11 : vector<16xf32> to vector<16xf32>
      tpu.vector_store %arg10[%swap3A_312], %swap3A_315 {strides = array<i32>} : memref<1024xf32, #tpu.memory_space<vmem>>, vector<16xf32>,
      %swap3A_316 = arith.constant 704 : index
      %swap3A_317 = tpu.vector_load %arg10[%swap3A_316] {strides = array<i32>} : memref<1024xf32, #tpu.memory_space<vmem>>, vector<16xf32>,
      %swap3A_318 = vector.shape_cast %swap3A_317 : vector<16xf32> to vector<16xf32>
      %swap3A_319 = vector.shape_cast %scan3A_266#12 : vector<16xf32> to vector<16xf32>
      tpu.vector_store %arg10[%swap3A_316], %swap3A_319 {strides = array<i32>} : memref<1024xf32, #tpu.memory_space<vmem>>, vector<16xf32>,
      %swap3A_320 = arith.constant 720 : index
      %swap3A_321 = tpu.vector_load %arg10[%swap3A_320] {strides = array<i32>} : memref<1024xf32, #tpu.memory_space<vmem>>, vector<16xf32>,
      %swap3A_322 = vector.shape_cast %swap3A_321 : vector<16xf32> to vector<16xf32>
      %swap3A_323 = vector.shape_cast %scan3A_266#13 : vector<16xf32> to vector<16xf32>
      tpu.vector_store %arg10[%swap3A_320], %swap3A_323 {strides = array<i32>} : memref<1024xf32, #tpu.memory_space<vmem>>, vector<16xf32>,
      %swap3A_324 = arith.constant 736 : index
      %swap3A_325 = tpu.vector_load %arg10[%swap3A_324] {strides = array<i32>} : memref<1024xf32, #tpu.memory_space<vmem>>, vector<16xf32>,
      %swap3A_326 = vector.shape_cast %swap3A_325 : vector<16xf32> to vector<16xf32>
      %swap3A_327 = vector.shape_cast %scan3A_266#14 : vector<16xf32> to vector<16xf32>
      tpu.vector_store %arg10[%swap3A_324], %swap3A_327 {strides = array<i32>} : memref<1024xf32, #tpu.memory_space<vmem>>, vector<16xf32>,
      %swap3A_328 = arith.constant 752 : index
      %swap3A_329 = tpu.vector_load %arg10[%swap3A_328] {strides = array<i32>} : memref<1024xf32, #tpu.memory_space<vmem>>, vector<16xf32>,
      %swap3A_330 = vector.shape_cast %swap3A_329 : vector<16xf32> to vector<16xf32>
      %swap3A_331 = vector.shape_cast %scan3A_266#15 : vector<16xf32> to vector<16xf32>
      tpu.vector_store %arg10[%swap3A_328], %swap3A_331 {strides = array<i32>} : memref<1024xf32, #tpu.memory_space<vmem>>, vector<16xf32>,
      %broadcast_in_dim3A_332 = arith.constant 0.000000e+00 : f32
      %broadcast_in_dim3A_333 = vector.broadcast %broadcast_in_dim3A_332 : f32 to vector<16xf32>
      %broadcast_in_dim3A_334 = arith.constant 0.000000e+00 : f32
      %broadcast_in_dim3A_335 = vector.broadcast %broadcast_in_dim3A_334 : f32 to vector<16xf32>
      %broadcast_in_dim3A_336 = arith.constant 0.000000e+00 : f32
      %broadcast_in_dim3A_337 = vector.broadcast %broadcast_in_dim3A_336 : f32 to vector<16xf32>
      %broadcast_in_dim3A_338 = arith.constant 0.000000e+00 : f32
      %broadcast_in_dim3A_339 = vector.broadcast %broadcast_in_dim3A_338 : f32 to vector<16xf32>
      %broadcast_in_dim3A_340 = arith.constant 0.000000e+00 : f32
      %broadcast_in_dim3A_341 = vector.broadcast %broadcast_in_dim3A_340 : f32 to vector<16xf32>
      %broadcast_in_dim3A_342 = arith.constant 0.000000e+00 : f32
      %broadcast_in_dim3A_343 = vector.broadcast %broadcast_in_dim3A_342 : f32 to vector<16xf32>
      %broadcast_in_dim3A_344 = arith.constant 0.000000e+00 : f32
      %broadcast_in_dim3A_345 = vector.broadcast %broadcast_in_dim3A_344 : f32 to vector<16xf32>
      %broadcast_in_dim3A_346 = arith.constant 0.000000e+00 : f32
      %broadcast_in_dim3A_347 = vector.broadcast %broadcast_in_dim3A_346 : f32 to vector<16xf32>
      %broadcast_in_dim3A_348 = arith.constant 0.000000e+00 : f32
      %broadcast_in_dim3A_349 = vector.broadcast %broadcast_in_dim3A_348 : f32 to vector<16xf32>
      %broadcast_in_dim3A_350 = arith.constant 0.000000e+00 : f32
      %broadcast_in_dim3A_351 = vector.broadcast %broadcast_in_dim3A_350 : f32 to vector<16xf32>
      %broadcast_in_dim3A_352 = arith.constant 0.000000e+00 : f32
      %broadcast_in_dim3A_353 = vector.broadcast %broadcast_in_dim3A_352 : f32 to vector<16xf32>
      %broadcast_in_dim3A_354 = arith.constant 0.000000e+00 : f32
      %broadcast_in_dim3A_355 = vector.broadcast %broadcast_in_dim3A_354 : f32 to vector<16xf32>
      %broadcast_in_dim3A_356 = arith.constant 0.000000e+00 : f32
      %broadcast_in_dim3A_357 = vector.broadcast %broadcast_in_dim3A_356 : f32 to vector<16xf32>
      %broadcast_in_dim3A_358 = arith.constant 0.000000e+00 : f32
      %broadcast_in_dim3A_359 = vector.broadcast %broadcast_in_dim3A_358 : f32 to vector<16xf32>
      %broadcast_in_dim3A_360 = arith.constant 0.000000e+00 : f32
      %broadcast_in_dim3A_361 = vector.broadcast %broadcast_in_dim3A_360 : f32 to vector<16xf32>
      %broadcast_in_dim3A_362 = arith.constant 0.000000e+00 : f32
      %broadcast_in_dim3A_363 = vector.broadcast %broadcast_in_dim3A_362 : f32 to vector<16xf32>
      %scan3A_364 = arith.constant 0 : i32
      %scan3A_365 = arith.constant 32 : i32
      %scan3A_366 = arith.addi %scan3A_364, %scan3A_365 : i32
      %scan3A_367 = arith.constant 1 : i32
      %scan3A_368:16 = scf.for %scan3A_856 = %scan3A_364 to %scan3A_366 step %scan3A_367 iter_args(%scan3A_857 = %broadcast_in_dim3A_333, %scan3A_858 = %broadcast_in_dim3A_335, %scan3A_859 = %broadcast_in_dim3A_337, %scan3A_860 = %broadcast_in_dim3A_339, %scan3A_861 = %broadcast_in_dim3A_341, %scan3A_862 = %broadcast_in_dim3A_343, %scan3A_863 = %broadcast_in_dim3A_345, %scan3A_864 = %broadcast_in_dim3A_347, %scan3A_865 = %broadcast_in_dim3A_349, %scan3A_866 = %broadcast_in_dim3A_351, %scan3A_867 = %broadcast_in_dim3A_353, %scan3A_868 = %broadcast_in_dim3A_355, %scan3A_869 = %broadcast_in_dim3A_357, %scan3A_870 = %broadcast_in_dim3A_359, %scan3A_871 = %broadcast_in_dim3A_361, %scan3A_872 = %broadcast_in_dim3A_363) -> (vector<16xf32>, vector<16xf32>, vector<16xf32>, vector<16xf32>, vector<16xf32>, vector<16xf32>, vector<16xf32>, vector<16xf32>, vector<16xf32>, vector<16xf32>, vector<16xf32>, vector<16xf32>, vector<16xf32>, vector<16xf32>, vector<16xf32>, vector<16xf32>)  : i32 {
        %mul3A_873 = arith.constant 64 : i32
        %mul3A_874 = arith.muli %scan3A_22, %mul3A_873 : i32
        %add3A_875 = arith.constant 0 : i32
        %add3A_876 = arith.addi %mul3A_874, %add3A_875 : i32
        %jit3A = arith.constant 16 : i32
        %div3A = arith.divsi %scan3A_856, %jit3A : i32
        %sign3A = arith.constant 0 : i32
        %sign3A_877 = arith.cmpi sgt, %scan3A_856, %sign3A : i32
        %sign3A_878 = arith.extui %sign3A_877 : i1 to i32
        %sign3A_879 = arith.constant 0 : i32
        %sign3A_880 = arith.cmpi slt, %scan3A_856, %sign3A_879 : i32
        %sign3A_881 = arith.extui %sign3A_880 : i1 to i32
        %sign3A_882 = arith.subi %sign3A_878, %sign3A_881 : i32
        %sign3A_883 = arith.constant 0 : i32
        %sign3A_884 = arith.cmpi sgt, %jit3A, %sign3A_883 : i32
        %sign3A_885 = arith.extui %sign3A_884 : i1 to i32
        %sign3A_886 = arith.constant 0 : i32
        %sign3A_887 = arith.cmpi slt, %jit3A, %sign3A_886 : i32
        %sign3A_888 = arith.extui %sign3A_887 : i1 to i32
        %sign3A_889 = arith.subi %sign3A_885, %sign3A_888 : i32
        %ne3A = arith.cmpi ne, %sign3A_882, %sign3A_889 : i32
        %rem3A = arith.remsi %scan3A_856, %jit3A : i32
        %ne3A_890 = arith.constant 0 : i32
        %ne3A_891 = arith.cmpi ne, %rem3A, %ne3A_890 : i32
        %and3A = arith.andi %ne3A, %ne3A_891 : i1
        %sub3A = arith.constant 1 : i32
        %sub3A_892 = arith.subi %div3A, %sub3A : i32
        %select_n3A = arith.select %and3A, %sub3A_892, %div3A : i32
        %mul3A_893 = arith.constant 16 : i32
        %mul3A_894 = arith.muli %select_n3A, %mul3A_893 : i32
        %add3A_895 = arith.addi %add3A_876, %mul3A_894 : i32
        %get3A = arith.index_cast %add3A_895 : i32 to index
        %get3A_896 = tpu.vector_load %arg7[%get3A] {strides = array<i32>} : memref<4096xf32, #tpu.memory_space<vmem>>, vector<16xf32>,
        %get3A_897 = vector.shape_cast %get3A_896 : vector<16xf32> to vector<16xf32>
        %jit3A_898 = arith.constant 16 : i32
        %eq3A = arith.constant 0 : i32
        %eq3A_899 = arith.cmpi eq, %jit3A_898, %eq3A : i32
        %jit3A_900 = arith.constant 1 : i32
        %select_n3A_901 = arith.select %eq3A_899, %jit3A_900, %jit3A_898 : i32
        %rem3A_902 = arith.remsi %scan3A_856, %select_n3A_901 : i32
        %ne3A_903 = arith.constant 0 : i32
        %ne3A_904 = arith.cmpi ne, %rem3A_902, %ne3A_903 : i32
        %lt3A_905 = arith.constant 0 : i32
        %lt3A_906 = arith.cmpi slt, %rem3A_902, %lt3A_905 : i32
        %lt3A_907 = arith.constant 0 : i32
        %lt3A_908 = arith.cmpi slt, %select_n3A_901, %lt3A_907 : i32
        %ne3A_909 = arith.xori %lt3A_906, %lt3A_908 : i1
        %and3A_910 = arith.andi %ne3A_909, %ne3A_904 : i1
        %add3A_911 = arith.addi %rem3A_902, %select_n3A_901 : i32
        %select_n3A_912 = arith.select %and3A_910, %add3A_911, %rem3A_902 : i32
        %broadcast_in_dim3A_913 = vector.broadcast %select_n3A_912 : i32 to vector<16x1xi32>
        %gather3A = vector.shape_cast %broadcast_in_dim3A_913 : vector<16x1xi32> to vector<16xi32>
        %gather3A_914 = tpu.dynamic_gather %get3A_897[%gather3A] in [0] : vector<16xf32>, vector<16xi32> -> vector<16xf32>
        %get3A_915 = arith.index_cast %scan3A_856 : i32 to index
        %get3A_916 = arith.constant 768 : index
        %get3A_917 = tpu.vector_load %arg8[%get3A_915, %get3A_916] {strides = array<i32>} : memref<32x1024xf32, #tpu.memory_space<vmem>>, vector<1x16xf32>,
        %get3A_918 = vector.shape_cast %get3A_917 : vector<1x16xf32> to vector<16xf32>
        %mul3A_919 = arith.mulf %gather3A_914, %get3A_918 : vector<16xf32>
        %add3A_920 = arith.addf %scan3A_857, %mul3A_919 : vector<16xf32>
        %get3A_921 = arith.index_cast %scan3A_856 : i32 to index
        %get3A_922 = arith.constant 784 : index
        %get3A_923 = tpu.vector_load %arg8[%get3A_921, %get3A_922] {strides = array<i32>} : memref<32x1024xf32, #tpu.memory_space<vmem>>, vector<1x16xf32>,
        %get3A_924 = vector.shape_cast %get3A_923 : vector<1x16xf32> to vector<16xf32>
        %mul3A_925 = arith.mulf %gather3A_914, %get3A_924 : vector<16xf32>
        %add3A_926 = arith.addf %scan3A_858, %mul3A_925 : vector<16xf32>
        %get3A_927 = arith.index_cast %scan3A_856 : i32 to index
        %get3A_928 = arith.constant 800 : index
        %get3A_929 = tpu.vector_load %arg8[%get3A_927, %get3A_928] {strides = array<i32>} : memref<32x1024xf32, #tpu.memory_space<vmem>>, vector<1x16xf32>,
        %get3A_930 = vector.shape_cast %get3A_929 : vector<1x16xf32> to vector<16xf32>
        %mul3A_931 = arith.mulf %gather3A_914, %get3A_930 : vector<16xf32>
        %add3A_932 = arith.addf %scan3A_859, %mul3A_931 : vector<16xf32>
        %get3A_933 = arith.index_cast %scan3A_856 : i32 to index
        %get3A_934 = arith.constant 816 : index
        %get3A_935 = tpu.vector_load %arg8[%get3A_933, %get3A_934] {strides = array<i32>} : memref<32x1024xf32, #tpu.memory_space<vmem>>, vector<1x16xf32>,
        %get3A_936 = vector.shape_cast %get3A_935 : vector<1x16xf32> to vector<16xf32>
        %mul3A_937 = arith.mulf %gather3A_914, %get3A_936 : vector<16xf32>
        %add3A_938 = arith.addf %scan3A_860, %mul3A_937 : vector<16xf32>
        %get3A_939 = arith.index_cast %scan3A_856 : i32 to index
        %get3A_940 = arith.constant 832 : index
        %get3A_941 = tpu.vector_load %arg8[%get3A_939, %get3A_940] {strides = array<i32>} : memref<32x1024xf32, #tpu.memory_space<vmem>>, vector<1x16xf32>,
        %get3A_942 = vector.shape_cast %get3A_941 : vector<1x16xf32> to vector<16xf32>
        %mul3A_943 = arith.mulf %gather3A_914, %get3A_942 : vector<16xf32>
        %add3A_944 = arith.addf %scan3A_861, %mul3A_943 : vector<16xf32>
        %get3A_945 = arith.index_cast %scan3A_856 : i32 to index
        %get3A_946 = arith.constant 848 : index
        %get3A_947 = tpu.vector_load %arg8[%get3A_945, %get3A_946] {strides = array<i32>} : memref<32x1024xf32, #tpu.memory_space<vmem>>, vector<1x16xf32>,
        %get3A_948 = vector.shape_cast %get3A_947 : vector<1x16xf32> to vector<16xf32>
        %mul3A_949 = arith.mulf %gather3A_914, %get3A_948 : vector<16xf32>
        %add3A_950 = arith.addf %scan3A_862, %mul3A_949 : vector<16xf32>
        %get3A_951 = arith.index_cast %scan3A_856 : i32 to index
        %get3A_952 = arith.constant 864 : index
        %get3A_953 = tpu.vector_load %arg8[%get3A_951, %get3A_952] {strides = array<i32>} : memref<32x1024xf32, #tpu.memory_space<vmem>>, vector<1x16xf32>,
        %get3A_954 = vector.shape_cast %get3A_953 : vector<1x16xf32> to vector<16xf32>
        %mul3A_955 = arith.mulf %gather3A_914, %get3A_954 : vector<16xf32>
        %add3A_956 = arith.addf %scan3A_863, %mul3A_955 : vector<16xf32>
        %get3A_957 = arith.index_cast %scan3A_856 : i32 to index
        %get3A_958 = arith.constant 880 : index
        %get3A_959 = tpu.vector_load %arg8[%get3A_957, %get3A_958] {strides = array<i32>} : memref<32x1024xf32, #tpu.memory_space<vmem>>, vector<1x16xf32>,
        %get3A_960 = vector.shape_cast %get3A_959 : vector<1x16xf32> to vector<16xf32>
        %mul3A_961 = arith.mulf %gather3A_914, %get3A_960 : vector<16xf32>
        %add3A_962 = arith.addf %scan3A_864, %mul3A_961 : vector<16xf32>
        %get3A_963 = arith.index_cast %scan3A_856 : i32 to index
        %get3A_964 = arith.constant 896 : index
        %get3A_965 = tpu.vector_load %arg8[%get3A_963, %get3A_964] {strides = array<i32>} : memref<32x1024xf32, #tpu.memory_space<vmem>>, vector<1x16xf32>,
        %get3A_966 = vector.shape_cast %get3A_965 : vector<1x16xf32> to vector<16xf32>
        %mul3A_967 = arith.mulf %gather3A_914, %get3A_966 : vector<16xf32>
        %add3A_968 = arith.addf %scan3A_865, %mul3A_967 : vector<16xf32>
        %get3A_969 = arith.index_cast %scan3A_856 : i32 to index
        %get3A_970 = arith.constant 912 : index
        %get3A_971 = tpu.vector_load %arg8[%get3A_969, %get3A_970] {strides = array<i32>} : memref<32x1024xf32, #tpu.memory_space<vmem>>, vector<1x16xf32>,
        %get3A_972 = vector.shape_cast %get3A_971 : vector<1x16xf32> to vector<16xf32>
        %mul3A_973 = arith.mulf %gather3A_914, %get3A_972 : vector<16xf32>
        %add3A_974 = arith.addf %scan3A_866, %mul3A_973 : vector<16xf32>
        %get3A_975 = arith.index_cast %scan3A_856 : i32 to index
        %get3A_976 = arith.constant 928 : index
        %get3A_977 = tpu.vector_load %arg8[%get3A_975, %get3A_976] {strides = array<i32>} : memref<32x1024xf32, #tpu.memory_space<vmem>>, vector<1x16xf32>,
        %get3A_978 = vector.shape_cast %get3A_977 : vector<1x16xf32> to vector<16xf32>
        %mul3A_979 = arith.mulf %gather3A_914, %get3A_978 : vector<16xf32>
        %add3A_980 = arith.addf %scan3A_867, %mul3A_979 : vector<16xf32>
        %get3A_981 = arith.index_cast %scan3A_856 : i32 to index
        %get3A_982 = arith.constant 944 : index
        %get3A_983 = tpu.vector_load %arg8[%get3A_981, %get3A_982] {strides = array<i32>} : memref<32x1024xf32, #tpu.memory_space<vmem>>, vector<1x16xf32>,
        %get3A_984 = vector.shape_cast %get3A_983 : vector<1x16xf32> to vector<16xf32>
        %mul3A_985 = arith.mulf %gather3A_914, %get3A_984 : vector<16xf32>
        %add3A_986 = arith.addf %scan3A_868, %mul3A_985 : vector<16xf32>
        %get3A_987 = arith.index_cast %scan3A_856 : i32 to index
        %get3A_988 = arith.constant 960 : index
        %get3A_989 = tpu.vector_load %arg8[%get3A_987, %get3A_988] {strides = array<i32>} : memref<32x1024xf32, #tpu.memory_space<vmem>>, vector<1x16xf32>,
        %get3A_990 = vector.shape_cast %get3A_989 : vector<1x16xf32> to vector<16xf32>
        %mul3A_991 = arith.mulf %gather3A_914, %get3A_990 : vector<16xf32>
        %add3A_992 = arith.addf %scan3A_869, %mul3A_991 : vector<16xf32>
        %get3A_993 = arith.index_cast %scan3A_856 : i32 to index
        %get3A_994 = arith.constant 976 : index
        %get3A_995 = tpu.vector_load %arg8[%get3A_993, %get3A_994] {strides = array<i32>} : memref<32x1024xf32, #tpu.memory_space<vmem>>, vector<1x16xf32>,
        %get3A_996 = vector.shape_cast %get3A_995 : vector<1x16xf32> to vector<16xf32>
        %mul3A_997 = arith.mulf %gather3A_914, %get3A_996 : vector<16xf32>
        %add3A_998 = arith.addf %scan3A_870, %mul3A_997 : vector<16xf32>
        %get3A_999 = arith.index_cast %scan3A_856 : i32 to index
        %get3A_1000 = arith.constant 992 : index
        %get3A_1001 = tpu.vector_load %arg8[%get3A_999, %get3A_1000] {strides = array<i32>} : memref<32x1024xf32, #tpu.memory_space<vmem>>, vector<1x16xf32>,
        %get3A_1002 = vector.shape_cast %get3A_1001 : vector<1x16xf32> to vector<16xf32>
        %mul3A_1003 = arith.mulf %gather3A_914, %get3A_1002 : vector<16xf32>
        %add3A_1004 = arith.addf %scan3A_871, %mul3A_1003 : vector<16xf32>
        %get3A_1005 = arith.index_cast %scan3A_856 : i32 to index
        %get3A_1006 = arith.constant 1008 : index
        %get3A_1007 = tpu.vector_load %arg8[%get3A_1005, %get3A_1006] {strides = array<i32>} : memref<32x1024xf32, #tpu.memory_space<vmem>>, vector<1x16xf32>,
        %get3A_1008 = vector.shape_cast %get3A_1007 : vector<1x16xf32> to vector<16xf32>
        %mul3A_1009 = arith.mulf %gather3A_914, %get3A_1008 : vector<16xf32>
        %add3A_1010 = arith.addf %scan3A_872, %mul3A_1009 : vector<16xf32>
        scf.yield %add3A_920, %add3A_926, %add3A_932, %add3A_938, %add3A_944, %add3A_950, %add3A_956, %add3A_962, %add3A_968, %add3A_974, %add3A_980, %add3A_986, %add3A_992, %add3A_998, %add3A_1004, %add3A_1010 : vector<16xf32>, vector<16xf32>, vector<16xf32>, vector<16xf32>, vector<16xf32>, vector<16xf32>, vector<16xf32>, vector<16xf32>, vector<16xf32>, vector<16xf32>, vector<16xf32>, vector<16xf32>, vector<16xf32>, vector<16xf32>, vector<16xf32>, vector<16xf32>
      }
      %scan3A_369 = arith.constant 32 : i32
      %swap3A_370 = arith.constant 768 : index
      %swap3A_371 = tpu.vector_load %arg10[%swap3A_370] {strides = array<i32>} : memref<1024xf32, #tpu.memory_space<vmem>>, vector<16xf32>,
      %swap3A_372 = vector.shape_cast %swap3A_371 : vector<16xf32> to vector<16xf32>
      %swap3A_373 = vector.shape_cast %scan3A_368#0 : vector<16xf32> to vector<16xf32>
      tpu.vector_store %arg10[%swap3A_370], %swap3A_373 {strides = array<i32>} : memref<1024xf32, #tpu.memory_space<vmem>>, vector<16xf32>,
      %swap3A_374 = arith.constant 784 : index
      %swap3A_375 = tpu.vector_load %arg10[%swap3A_374] {strides = array<i32>} : memref<1024xf32, #tpu.memory_space<vmem>>, vector<16xf32>,
      %swap3A_376 = vector.shape_cast %swap3A_375 : vector<16xf32> to vector<16xf32>
      %swap3A_377 = vector.shape_cast %scan3A_368#1 : vector<16xf32> to vector<16xf32>
      tpu.vector_store %arg10[%swap3A_374], %swap3A_377 {strides = array<i32>} : memref<1024xf32, #tpu.memory_space<vmem>>, vector<16xf32>,
      %swap3A_378 = arith.constant 800 : index
      %swap3A_379 = tpu.vector_load %arg10[%swap3A_378] {strides = array<i32>} : memref<1024xf32, #tpu.memory_space<vmem>>, vector<16xf32>,
      %swap3A_380 = vector.shape_cast %swap3A_379 : vector<16xf32> to vector<16xf32>
      %swap3A_381 = vector.shape_cast %scan3A_368#2 : vector<16xf32> to vector<16xf32>
      tpu.vector_store %arg10[%swap3A_378], %swap3A_381 {strides = array<i32>} : memref<1024xf32, #tpu.memory_space<vmem>>, vector<16xf32>,
      %swap3A_382 = arith.constant 816 : index
      %swap3A_383 = tpu.vector_load %arg10[%swap3A_382] {strides = array<i32>} : memref<1024xf32, #tpu.memory_space<vmem>>, vector<16xf32>,
      %swap3A_384 = vector.shape_cast %swap3A_383 : vector<16xf32> to vector<16xf32>
      %swap3A_385 = vector.shape_cast %scan3A_368#3 : vector<16xf32> to vector<16xf32>
      tpu.vector_store %arg10[%swap3A_382], %swap3A_385 {strides = array<i32>} : memref<1024xf32, #tpu.memory_space<vmem>>, vector<16xf32>,
      %swap3A_386 = arith.constant 832 : index
      %swap3A_387 = tpu.vector_load %arg10[%swap3A_386] {strides = array<i32>} : memref<1024xf32, #tpu.memory_space<vmem>>, vector<16xf32>,
      %swap3A_388 = vector.shape_cast %swap3A_387 : vector<16xf32> to vector<16xf32>
      %swap3A_389 = vector.shape_cast %scan3A_368#4 : vector<16xf32> to vector<16xf32>
      tpu.vector_store %arg10[%swap3A_386], %swap3A_389 {strides = array<i32>} : memref<1024xf32, #tpu.memory_space<vmem>>, vector<16xf32>,
      %swap3A_390 = arith.constant 848 : index
      %swap3A_391 = tpu.vector_load %arg10[%swap3A_390] {strides = array<i32>} : memref<1024xf32, #tpu.memory_space<vmem>>, vector<16xf32>,
      %swap3A_392 = vector.shape_cast %swap3A_391 : vector<16xf32> to vector<16xf32>
      %swap3A_393 = vector.shape_cast %scan3A_368#5 : vector<16xf32> to vector<16xf32>
      tpu.vector_store %arg10[%swap3A_390], %swap3A_393 {strides = array<i32>} : memref<1024xf32, #tpu.memory_space<vmem>>, vector<16xf32>,
      %swap3A_394 = arith.constant 864 : index
      %swap3A_395 = tpu.vector_load %arg10[%swap3A_394] {strides = array<i32>} : memref<1024xf32, #tpu.memory_space<vmem>>, vector<16xf32>,
      %swap3A_396 = vector.shape_cast %swap3A_395 : vector<16xf32> to vector<16xf32>
      %swap3A_397 = vector.shape_cast %scan3A_368#6 : vector<16xf32> to vector<16xf32>
      tpu.vector_store %arg10[%swap3A_394], %swap3A_397 {strides = array<i32>} : memref<1024xf32, #tpu.memory_space<vmem>>, vector<16xf32>,
      %swap3A_398 = arith.constant 880 : index
      %swap3A_399 = tpu.vector_load %arg10[%swap3A_398] {strides = array<i32>} : memref<1024xf32, #tpu.memory_space<vmem>>, vector<16xf32>,
      %swap3A_400 = vector.shape_cast %swap3A_399 : vector<16xf32> to vector<16xf32>
      %swap3A_401 = vector.shape_cast %scan3A_368#7 : vector<16xf32> to vector<16xf32>
      tpu.vector_store %arg10[%swap3A_398], %swap3A_401 {strides = array<i32>} : memref<1024xf32, #tpu.memory_space<vmem>>, vector<16xf32>,
      %swap3A_402 = arith.constant 896 : index
      %swap3A_403 = tpu.vector_load %arg10[%swap3A_402] {strides = array<i32>} : memref<1024xf32, #tpu.memory_space<vmem>>, vector<16xf32>,
      %swap3A_404 = vector.shape_cast %swap3A_403 : vector<16xf32> to vector<16xf32>
      %swap3A_405 = vector.shape_cast %scan3A_368#8 : vector<16xf32> to vector<16xf32>
      tpu.vector_store %arg10[%swap3A_402], %swap3A_405 {strides = array<i32>} : memref<1024xf32, #tpu.memory_space<vmem>>, vector<16xf32>,
      %swap3A_406 = arith.constant 912 : index
      %swap3A_407 = tpu.vector_load %arg10[%swap3A_406] {strides = array<i32>} : memref<1024xf32, #tpu.memory_space<vmem>>, vector<16xf32>,
      %swap3A_408 = vector.shape_cast %swap3A_407 : vector<16xf32> to vector<16xf32>
      %swap3A_409 = vector.shape_cast %scan3A_368#9 : vector<16xf32> to vector<16xf32>
      tpu.vector_store %arg10[%swap3A_406], %swap3A_409 {strides = array<i32>} : memref<1024xf32, #tpu.memory_space<vmem>>, vector<16xf32>,
      %swap3A_410 = arith.constant 928 : index
      %swap3A_411 = tpu.vector_load %arg10[%swap3A_410] {strides = array<i32>} : memref<1024xf32, #tpu.memory_space<vmem>>, vector<16xf32>,
      %swap3A_412 = vector.shape_cast %swap3A_411 : vector<16xf32> to vector<16xf32>
      %swap3A_413 = vector.shape_cast %scan3A_368#10 : vector<16xf32> to vector<16xf32>
      tpu.vector_store %arg10[%swap3A_410], %swap3A_413 {strides = array<i32>} : memref<1024xf32, #tpu.memory_space<vmem>>, vector<16xf32>,
      %swap3A_414 = arith.constant 944 : index
      %swap3A_415 = tpu.vector_load %arg10[%swap3A_414] {strides = array<i32>} : memref<1024xf32, #tpu.memory_space<vmem>>, vector<16xf32>,
      %swap3A_416 = vector.shape_cast %swap3A_415 : vector<16xf32> to vector<16xf32>
      %swap3A_417 = vector.shape_cast %scan3A_368#11 : vector<16xf32> to vector<16xf32>
      tpu.vector_store %arg10[%swap3A_414], %swap3A_417 {strides = array<i32>} : memref<1024xf32, #tpu.memory_space<vmem>>, vector<16xf32>,
      %swap3A_418 = arith.constant 960 : index
      %swap3A_419 = tpu.vector_load %arg10[%swap3A_418] {strides = array<i32>} : memref<1024xf32, #tpu.memory_space<vmem>>, vector<16xf32>,
      %swap3A_420 = vector.shape_cast %swap3A_419 : vector<16xf32> to vector<16xf32>
      %swap3A_421 = vector.shape_cast %scan3A_368#12 : vector<16xf32> to vector<16xf32>
      tpu.vector_store %arg10[%swap3A_418], %swap3A_421 {strides = array<i32>} : memref<1024xf32, #tpu.memory_space<vmem>>, vector<16xf32>,
      %swap3A_422 = arith.constant 976 : index
      %swap3A_423 = tpu.vector_load %arg10[%swap3A_422] {strides = array<i32>} : memref<1024xf32, #tpu.memory_space<vmem>>, vector<16xf32>,
      %swap3A_424 = vector.shape_cast %swap3A_423 : vector<16xf32> to vector<16xf32>
      %swap3A_425 = vector.shape_cast %scan3A_368#13 : vector<16xf32> to vector<16xf32>
      tpu.vector_store %arg10[%swap3A_422], %swap3A_425 {strides = array<i32>} : memref<1024xf32, #tpu.memory_space<vmem>>, vector<16xf32>,
      %swap3A_426 = arith.constant 992 : index
      %swap3A_427 = tpu.vector_load %arg10[%swap3A_426] {strides = array<i32>} : memref<1024xf32, #tpu.memory_space<vmem>>, vector<16xf32>,
      %swap3A_428 = vector.shape_cast %swap3A_427 : vector<16xf32> to vector<16xf32>
      %swap3A_429 = vector.shape_cast %scan3A_368#14 : vector<16xf32> to vector<16xf32>
      tpu.vector_store %arg10[%swap3A_426], %swap3A_429 {strides = array<i32>} : memref<1024xf32, #tpu.memory_space<vmem>>, vector<16xf32>,
      %swap3A_430 = arith.constant 1008 : index
      %swap3A_431 = tpu.vector_load %arg10[%swap3A_430] {strides = array<i32>} : memref<1024xf32, #tpu.memory_space<vmem>>, vector<16xf32>,
      %swap3A_432 = vector.shape_cast %swap3A_431 : vector<16xf32> to vector<16xf32>
      %swap3A_433 = vector.shape_cast %scan3A_368#15 : vector<16xf32> to vector<16xf32>
      tpu.vector_store %arg10[%swap3A_430], %swap3A_433 {strides = array<i32>} : memref<1024xf32, #tpu.memory_space<vmem>>, vector<16xf32>,
      %lt3A = arith.constant 63 : i32
      %lt3A_434 = arith.cmpi slt, %scan3A_22, %lt3A : i32
      %convert_element_type3A = arith.extui %lt3A_434 : i1 to i32
      %cond3A = arith.constant 0 : i32
      %cond3A_435 = arith.cmpi ne, %convert_element_type3A, %cond3A : i32
      scf.if %cond3A_435 {
        %add3A_856 = arith.constant 1 : i32
        %add3A_857 = arith.addi %scan3A_22, %add3A_856 : i32
        %dma_start3A_858 = arith.constant 0 : i32
        %dma_start3A_859 = tpu.memref_slice %arg6[%add3A_857, %dma_start3A_858] : memref<64x64xi32, #tpu.memory_space<vmem>> -> memref<1x32xi32, #tpu.memory_space<vmem>>
        %dma_start3A_860 = tpu.memref_squeeze %dma_start3A_859 : memref<1x32xi32, #tpu.memory_space<vmem>> -> memref<32xi32, #tpu.memory_space<vmem>>
        %dma_start3A_861 = arith.constant 0 : i32
        %dma_start3A_862 = arith.constant 0 : i32
        %dma_start3A_863 = tpu.memref_slice %arg2[%dma_start3A_861, %dma_start3A_862] : memref<65536x1024xf32, #tpu.memory_space<hbm>> -> memref<65536x1024xf32, #tpu.memory_space<hbm>>
        tpu.enqueue_indirect_dma source(%dma_start3A_863 : memref<65536x1024xf32, #tpu.memory_space<hbm>>) target(%arg8 : memref<32x1024xf32, #tpu.memory_space<vmem>>) offsets(%dma_start3A_860 : memref<32xi32, #tpu.memory_space<vmem>>) semaphore(%arg11 : memref<!tpu.dma_semaphore, #tpu.memory_space<semaphore_mem>>)
      } else {
      }
      %dma_wait3A_436 = arith.constant 32 : i32
      %dma_wait3A_437 = tpu.memref_slice %arg6[%scan3A_22, %dma_wait3A_436] : memref<64x64xi32, #tpu.memory_space<vmem>> -> memref<1x32xi32, #tpu.memory_space<vmem>>
      %dma_wait3A_438 = tpu.memref_squeeze %dma_wait3A_437 : memref<1x32xi32, #tpu.memory_space<vmem>> -> memref<32xi32, #tpu.memory_space<vmem>>
      %dma_wait3A_439 = arith.constant 0 : i32
      %dma_wait3A_440 = arith.constant 0 : i32
      %dma_wait3A_441 = tpu.memref_slice %arg2[%dma_wait3A_439, %dma_wait3A_440] : memref<65536x1024xf32, #tpu.memory_space<hbm>> -> memref<65536x1024xf32, #tpu.memory_space<hbm>>
      tpu.wait_indirect_dma semaphore(%arg12 : memref<!tpu.dma_semaphore, #tpu.memory_space<semaphore_mem>>) src(%dma_wait3A_441 : memref<65536x1024xf32, #tpu.memory_space<hbm>>) dst(%arg9 : memref<32x1024xf32, #tpu.memory_space<vmem>>)
      %broadcast_in_dim3A_442 = arith.constant 0.000000e+00 : f32
      %broadcast_in_dim3A_443 = vector.broadcast %broadcast_in_dim3A_442 : f32 to vector<16xf32>
      %broadcast_in_dim3A_444 = arith.constant 0.000000e+00 : f32
      %broadcast_in_dim3A_445 = vector.broadcast %broadcast_in_dim3A_444 : f32 to vector<16xf32>
      %broadcast_in_dim3A_446 = arith.constant 0.000000e+00 : f32
      %broadcast_in_dim3A_447 = vector.broadcast %broadcast_in_dim3A_446 : f32 to vector<16xf32>
      %broadcast_in_dim3A_448 = arith.constant 0.000000e+00 : f32
      %broadcast_in_dim3A_449 = vector.broadcast %broadcast_in_dim3A_448 : f32 to vector<16xf32>
      %broadcast_in_dim3A_450 = arith.constant 0.000000e+00 : f32
      %broadcast_in_dim3A_451 = vector.broadcast %broadcast_in_dim3A_450 : f32 to vector<16xf32>
      %broadcast_in_dim3A_452 = arith.constant 0.000000e+00 : f32
      %broadcast_in_dim3A_453 = vector.broadcast %broadcast_in_dim3A_452 : f32 to vector<16xf32>
      %broadcast_in_dim3A_454 = arith.constant 0.000000e+00 : f32
      %broadcast_in_dim3A_455 = vector.broadcast %broadcast_in_dim3A_454 : f32 to vector<16xf32>
      %broadcast_in_dim3A_456 = arith.constant 0.000000e+00 : f32
      %broadcast_in_dim3A_457 = vector.broadcast %broadcast_in_dim3A_456 : f32 to vector<16xf32>
      %broadcast_in_dim3A_458 = arith.constant 0.000000e+00 : f32
      %broadcast_in_dim3A_459 = vector.broadcast %broadcast_in_dim3A_458 : f32 to vector<16xf32>
      %broadcast_in_dim3A_460 = arith.constant 0.000000e+00 : f32
      %broadcast_in_dim3A_461 = vector.broadcast %broadcast_in_dim3A_460 : f32 to vector<16xf32>
      %broadcast_in_dim3A_462 = arith.constant 0.000000e+00 : f32
      %broadcast_in_dim3A_463 = vector.broadcast %broadcast_in_dim3A_462 : f32 to vector<16xf32>
      %broadcast_in_dim3A_464 = arith.constant 0.000000e+00 : f32
      %broadcast_in_dim3A_465 = vector.broadcast %broadcast_in_dim3A_464 : f32 to vector<16xf32>
      %broadcast_in_dim3A_466 = arith.constant 0.000000e+00 : f32
      %broadcast_in_dim3A_467 = vector.broadcast %broadcast_in_dim3A_466 : f32 to vector<16xf32>
      %broadcast_in_dim3A_468 = arith.constant 0.000000e+00 : f32
      %broadcast_in_dim3A_469 = vector.broadcast %broadcast_in_dim3A_468 : f32 to vector<16xf32>
      %broadcast_in_dim3A_470 = arith.constant 0.000000e+00 : f32
      %broadcast_in_dim3A_471 = vector.broadcast %broadcast_in_dim3A_470 : f32 to vector<16xf32>
      %broadcast_in_dim3A_472 = arith.constant 0.000000e+00 : f32
      %broadcast_in_dim3A_473 = vector.broadcast %broadcast_in_dim3A_472 : f32 to vector<16xf32>
      %scan3A_474 = arith.constant 0 : i32
      %scan3A_475 = arith.constant 32 : i32
      %scan3A_476 = arith.addi %scan3A_474, %scan3A_475 : i32
      %scan3A_477 = arith.constant 1 : i32
      %scan3A_478:16 = scf.for %scan3A_856 = %scan3A_474 to %scan3A_476 step %scan3A_477 iter_args(%scan3A_857 = %broadcast_in_dim3A_443, %scan3A_858 = %broadcast_in_dim3A_445, %scan3A_859 = %broadcast_in_dim3A_447, %scan3A_860 = %broadcast_in_dim3A_449, %scan3A_861 = %broadcast_in_dim3A_451, %scan3A_862 = %broadcast_in_dim3A_453, %scan3A_863 = %broadcast_in_dim3A_455, %scan3A_864 = %broadcast_in_dim3A_457, %scan3A_865 = %broadcast_in_dim3A_459, %scan3A_866 = %broadcast_in_dim3A_461, %scan3A_867 = %broadcast_in_dim3A_463, %scan3A_868 = %broadcast_in_dim3A_465, %scan3A_869 = %broadcast_in_dim3A_467, %scan3A_870 = %broadcast_in_dim3A_469, %scan3A_871 = %broadcast_in_dim3A_471, %scan3A_872 = %broadcast_in_dim3A_473) -> (vector<16xf32>, vector<16xf32>, vector<16xf32>, vector<16xf32>, vector<16xf32>, vector<16xf32>, vector<16xf32>, vector<16xf32>, vector<16xf32>, vector<16xf32>, vector<16xf32>, vector<16xf32>, vector<16xf32>, vector<16xf32>, vector<16xf32>, vector<16xf32>)  : i32 {
        %mul3A_873 = arith.constant 64 : i32
        %mul3A_874 = arith.muli %scan3A_22, %mul3A_873 : i32
        %add3A_875 = arith.constant 32 : i32
        %add3A_876 = arith.addi %mul3A_874, %add3A_875 : i32
        %jit3A = arith.constant 16 : i32
        %div3A = arith.divsi %scan3A_856, %jit3A : i32
        %sign3A = arith.constant 0 : i32
        %sign3A_877 = arith.cmpi sgt, %scan3A_856, %sign3A : i32
        %sign3A_878 = arith.extui %sign3A_877 : i1 to i32
        %sign3A_879 = arith.constant 0 : i32
        %sign3A_880 = arith.cmpi slt, %scan3A_856, %sign3A_879 : i32
        %sign3A_881 = arith.extui %sign3A_880 : i1 to i32
        %sign3A_882 = arith.subi %sign3A_878, %sign3A_881 : i32
        %sign3A_883 = arith.constant 0 : i32
        %sign3A_884 = arith.cmpi sgt, %jit3A, %sign3A_883 : i32
        %sign3A_885 = arith.extui %sign3A_884 : i1 to i32
        %sign3A_886 = arith.constant 0 : i32
        %sign3A_887 = arith.cmpi slt, %jit3A, %sign3A_886 : i32
        %sign3A_888 = arith.extui %sign3A_887 : i1 to i32
        %sign3A_889 = arith.subi %sign3A_885, %sign3A_888 : i32
        %ne3A = arith.cmpi ne, %sign3A_882, %sign3A_889 : i32
        %rem3A = arith.remsi %scan3A_856, %jit3A : i32
        %ne3A_890 = arith.constant 0 : i32
        %ne3A_891 = arith.cmpi ne, %rem3A, %ne3A_890 : i32
        %and3A = arith.andi %ne3A, %ne3A_891 : i1
        %sub3A = arith.constant 1 : i32
        %sub3A_892 = arith.subi %div3A, %sub3A : i32
        %select_n3A = arith.select %and3A, %sub3A_892, %div3A : i32
        %mul3A_893 = arith.constant 16 : i32
        %mul3A_894 = arith.muli %select_n3A, %mul3A_893 : i32
        %add3A_895 = arith.addi %add3A_876, %mul3A_894 : i32
        %get3A = arith.index_cast %add3A_895 : i32 to index
        %get3A_896 = tpu.vector_load %arg7[%get3A] {strides = array<i32>} : memref<4096xf32, #tpu.memory_space<vmem>>, vector<16xf32>,
        %get3A_897 = vector.shape_cast %get3A_896 : vector<16xf32> to vector<16xf32>
        %jit3A_898 = arith.constant 16 : i32
        %eq3A = arith.constant 0 : i32
        %eq3A_899 = arith.cmpi eq, %jit3A_898, %eq3A : i32
        %jit3A_900 = arith.constant 1 : i32
        %select_n3A_901 = arith.select %eq3A_899, %jit3A_900, %jit3A_898 : i32
        %rem3A_902 = arith.remsi %scan3A_856, %select_n3A_901 : i32
        %ne3A_903 = arith.constant 0 : i32
        %ne3A_904 = arith.cmpi ne, %rem3A_902, %ne3A_903 : i32
        %lt3A_905 = arith.constant 0 : i32
        %lt3A_906 = arith.cmpi slt, %rem3A_902, %lt3A_905 : i32
        %lt3A_907 = arith.constant 0 : i32
        %lt3A_908 = arith.cmpi slt, %select_n3A_901, %lt3A_907 : i32
        %ne3A_909 = arith.xori %lt3A_906, %lt3A_908 : i1
        %and3A_910 = arith.andi %ne3A_909, %ne3A_904 : i1
        %add3A_911 = arith.addi %rem3A_902, %select_n3A_901 : i32
        %select_n3A_912 = arith.select %and3A_910, %add3A_911, %rem3A_902 : i32
        %broadcast_in_dim3A_913 = vector.broadcast %select_n3A_912 : i32 to vector<16x1xi32>
        %gather3A = vector.shape_cast %broadcast_in_dim3A_913 : vector<16x1xi32> to vector<16xi32>
        %gather3A_914 = tpu.dynamic_gather %get3A_897[%gather3A] in [0] : vector<16xf32>, vector<16xi32> -> vector<16xf32>
        %get3A_915 = arith.index_cast %scan3A_856 : i32 to index
        %get3A_916 = arith.constant 0 : index
        %get3A_917 = tpu.vector_load %arg9[%get3A_915, %get3A_916] {strides = array<i32>} : memref<32x1024xf32, #tpu.memory_space<vmem>>, vector<1x16xf32>,
        %get3A_918 = vector.shape_cast %get3A_917 : vector<1x16xf32> to vector<16xf32>
        %mul3A_919 = arith.mulf %gather3A_914, %get3A_918 : vector<16xf32>
        %add3A_920 = arith.addf %scan3A_857, %mul3A_919 : vector<16xf32>
        %get3A_921 = arith.index_cast %scan3A_856 : i32 to index
        %get3A_922 = arith.constant 16 : index
        %get3A_923 = tpu.vector_load %arg9[%get3A_921, %get3A_922] {strides = array<i32>} : memref<32x1024xf32, #tpu.memory_space<vmem>>, vector<1x16xf32>,
        %get3A_924 = vector.shape_cast %get3A_923 : vector<1x16xf32> to vector<16xf32>
        %mul3A_925 = arith.mulf %gather3A_914, %get3A_924 : vector<16xf32>
        %add3A_926 = arith.addf %scan3A_858, %mul3A_925 : vector<16xf32>
        %get3A_927 = arith.index_cast %scan3A_856 : i32 to index
        %get3A_928 = arith.constant 32 : index
        %get3A_929 = tpu.vector_load %arg9[%get3A_927, %get3A_928] {strides = array<i32>} : memref<32x1024xf32, #tpu.memory_space<vmem>>, vector<1x16xf32>,
        %get3A_930 = vector.shape_cast %get3A_929 : vector<1x16xf32> to vector<16xf32>
        %mul3A_931 = arith.mulf %gather3A_914, %get3A_930 : vector<16xf32>
        %add3A_932 = arith.addf %scan3A_859, %mul3A_931 : vector<16xf32>
        %get3A_933 = arith.index_cast %scan3A_856 : i32 to index
        %get3A_934 = arith.constant 48 : index
        %get3A_935 = tpu.vector_load %arg9[%get3A_933, %get3A_934] {strides = array<i32>} : memref<32x1024xf32, #tpu.memory_space<vmem>>, vector<1x16xf32>,
        %get3A_936 = vector.shape_cast %get3A_935 : vector<1x16xf32> to vector<16xf32>
        %mul3A_937 = arith.mulf %gather3A_914, %get3A_936 : vector<16xf32>
        %add3A_938 = arith.addf %scan3A_860, %mul3A_937 : vector<16xf32>
        %get3A_939 = arith.index_cast %scan3A_856 : i32 to index
        %get3A_940 = arith.constant 64 : index
        %get3A_941 = tpu.vector_load %arg9[%get3A_939, %get3A_940] {strides = array<i32>} : memref<32x1024xf32, #tpu.memory_space<vmem>>, vector<1x16xf32>,
        %get3A_942 = vector.shape_cast %get3A_941 : vector<1x16xf32> to vector<16xf32>
        %mul3A_943 = arith.mulf %gather3A_914, %get3A_942 : vector<16xf32>
        %add3A_944 = arith.addf %scan3A_861, %mul3A_943 : vector<16xf32>
        %get3A_945 = arith.index_cast %scan3A_856 : i32 to index
        %get3A_946 = arith.constant 80 : index
        %get3A_947 = tpu.vector_load %arg9[%get3A_945, %get3A_946] {strides = array<i32>} : memref<32x1024xf32, #tpu.memory_space<vmem>>, vector<1x16xf32>,
        %get3A_948 = vector.shape_cast %get3A_947 : vector<1x16xf32> to vector<16xf32>
        %mul3A_949 = arith.mulf %gather3A_914, %get3A_948 : vector<16xf32>
        %add3A_950 = arith.addf %scan3A_862, %mul3A_949 : vector<16xf32>
        %get3A_951 = arith.index_cast %scan3A_856 : i32 to index
        %get3A_952 = arith.constant 96 : index
        %get3A_953 = tpu.vector_load %arg9[%get3A_951, %get3A_952] {strides = array<i32>} : memref<32x1024xf32, #tpu.memory_space<vmem>>, vector<1x16xf32>,
        %get3A_954 = vector.shape_cast %get3A_953 : vector<1x16xf32> to vector<16xf32>
        %mul3A_955 = arith.mulf %gather3A_914, %get3A_954 : vector<16xf32>
        %add3A_956 = arith.addf %scan3A_863, %mul3A_955 : vector<16xf32>
        %get3A_957 = arith.index_cast %scan3A_856 : i32 to index
        %get3A_958 = arith.constant 112 : index
        %get3A_959 = tpu.vector_load %arg9[%get3A_957, %get3A_958] {strides = array<i32>} : memref<32x1024xf32, #tpu.memory_space<vmem>>, vector<1x16xf32>,
        %get3A_960 = vector.shape_cast %get3A_959 : vector<1x16xf32> to vector<16xf32>
        %mul3A_961 = arith.mulf %gather3A_914, %get3A_960 : vector<16xf32>
        %add3A_962 = arith.addf %scan3A_864, %mul3A_961 : vector<16xf32>
        %get3A_963 = arith.index_cast %scan3A_856 : i32 to index
        %get3A_964 = arith.constant 128 : index
        %get3A_965 = tpu.vector_load %arg9[%get3A_963, %get3A_964] {strides = array<i32>} : memref<32x1024xf32, #tpu.memory_space<vmem>>, vector<1x16xf32>,
        %get3A_966 = vector.shape_cast %get3A_965 : vector<1x16xf32> to vector<16xf32>
        %mul3A_967 = arith.mulf %gather3A_914, %get3A_966 : vector<16xf32>
        %add3A_968 = arith.addf %scan3A_865, %mul3A_967 : vector<16xf32>
        %get3A_969 = arith.index_cast %scan3A_856 : i32 to index
        %get3A_970 = arith.constant 144 : index
        %get3A_971 = tpu.vector_load %arg9[%get3A_969, %get3A_970] {strides = array<i32>} : memref<32x1024xf32, #tpu.memory_space<vmem>>, vector<1x16xf32>,
        %get3A_972 = vector.shape_cast %get3A_971 : vector<1x16xf32> to vector<16xf32>
        %mul3A_973 = arith.mulf %gather3A_914, %get3A_972 : vector<16xf32>
        %add3A_974 = arith.addf %scan3A_866, %mul3A_973 : vector<16xf32>
        %get3A_975 = arith.index_cast %scan3A_856 : i32 to index
        %get3A_976 = arith.constant 160 : index
        %get3A_977 = tpu.vector_load %arg9[%get3A_975, %get3A_976] {strides = array<i32>} : memref<32x1024xf32, #tpu.memory_space<vmem>>, vector<1x16xf32>,
        %get3A_978 = vector.shape_cast %get3A_977 : vector<1x16xf32> to vector<16xf32>
        %mul3A_979 = arith.mulf %gather3A_914, %get3A_978 : vector<16xf32>
        %add3A_980 = arith.addf %scan3A_867, %mul3A_979 : vector<16xf32>
        %get3A_981 = arith.index_cast %scan3A_856 : i32 to index
        %get3A_982 = arith.constant 176 : index
        %get3A_983 = tpu.vector_load %arg9[%get3A_981, %get3A_982] {strides = array<i32>} : memref<32x1024xf32, #tpu.memory_space<vmem>>, vector<1x16xf32>,
        %get3A_984 = vector.shape_cast %get3A_983 : vector<1x16xf32> to vector<16xf32>
        %mul3A_985 = arith.mulf %gather3A_914, %get3A_984 : vector<16xf32>
        %add3A_986 = arith.addf %scan3A_868, %mul3A_985 : vector<16xf32>
        %get3A_987 = arith.index_cast %scan3A_856 : i32 to index
        %get3A_988 = arith.constant 192 : index
        %get3A_989 = tpu.vector_load %arg9[%get3A_987, %get3A_988] {strides = array<i32>} : memref<32x1024xf32, #tpu.memory_space<vmem>>, vector<1x16xf32>,
        %get3A_990 = vector.shape_cast %get3A_989 : vector<1x16xf32> to vector<16xf32>
        %mul3A_991 = arith.mulf %gather3A_914, %get3A_990 : vector<16xf32>
        %add3A_992 = arith.addf %scan3A_869, %mul3A_991 : vector<16xf32>
        %get3A_993 = arith.index_cast %scan3A_856 : i32 to index
        %get3A_994 = arith.constant 208 : index
        %get3A_995 = tpu.vector_load %arg9[%get3A_993, %get3A_994] {strides = array<i32>} : memref<32x1024xf32, #tpu.memory_space<vmem>>, vector<1x16xf32>,
        %get3A_996 = vector.shape_cast %get3A_995 : vector<1x16xf32> to vector<16xf32>
        %mul3A_997 = arith.mulf %gather3A_914, %get3A_996 : vector<16xf32>
        %add3A_998 = arith.addf %scan3A_870, %mul3A_997 : vector<16xf32>
        %get3A_999 = arith.index_cast %scan3A_856 : i32 to index
        %get3A_1000 = arith.constant 224 : index
        %get3A_1001 = tpu.vector_load %arg9[%get3A_999, %get3A_1000] {strides = array<i32>} : memref<32x1024xf32, #tpu.memory_space<vmem>>, vector<1x16xf32>,
        %get3A_1002 = vector.shape_cast %get3A_1001 : vector<1x16xf32> to vector<16xf32>
        %mul3A_1003 = arith.mulf %gather3A_914, %get3A_1002 : vector<16xf32>
        %add3A_1004 = arith.addf %scan3A_871, %mul3A_1003 : vector<16xf32>
        %get3A_1005 = arith.index_cast %scan3A_856 : i32 to index
        %get3A_1006 = arith.constant 240 : index
        %get3A_1007 = tpu.vector_load %arg9[%get3A_1005, %get3A_1006] {strides = array<i32>} : memref<32x1024xf32, #tpu.memory_space<vmem>>, vector<1x16xf32>,
        %get3A_1008 = vector.shape_cast %get3A_1007 : vector<1x16xf32> to vector<16xf32>
        %mul3A_1009 = arith.mulf %gather3A_914, %get3A_1008 : vector<16xf32>
        %add3A_1010 = arith.addf %scan3A_872, %mul3A_1009 : vector<16xf32>
        scf.yield %add3A_920, %add3A_926, %add3A_932, %add3A_938, %add3A_944, %add3A_950, %add3A_956, %add3A_962, %add3A_968, %add3A_974, %add3A_980, %add3A_986, %add3A_992, %add3A_998, %add3A_1004, %add3A_1010 : vector<16xf32>, vector<16xf32>, vector<16xf32>, vector<16xf32>, vector<16xf32>, vector<16xf32>, vector<16xf32>, vector<16xf32>, vector<16xf32>, vector<16xf32>, vector<16xf32>, vector<16xf32>, vector<16xf32>, vector<16xf32>, vector<16xf32>, vector<16xf32>
      }
      %scan3A_479 = arith.constant 32 : i32
      %swap3A_480 = arith.constant 0 : index
      %swap3A_481 = tpu.vector_load %arg10[%swap3A_480] {strides = array<i32>} : memref<1024xf32, #tpu.memory_space<vmem>>, vector<16xf32>,
      %swap3A_482 = vector.shape_cast %swap3A_481 : vector<16xf32> to vector<16xf32>
      %swap3A_483 = vector.shape_cast %scan3A_478#0 : vector<16xf32> to vector<16xf32>
      tpu.vector_store %arg10[%swap3A_480], %swap3A_483 {add = true, strides = array<i32>} : memref<1024xf32, #tpu.memory_space<vmem>>, vector<16xf32>,
      %swap3A_484 = arith.constant 16 : index
      %swap3A_485 = tpu.vector_load %arg10[%swap3A_484] {strides = array<i32>} : memref<1024xf32, #tpu.memory_space<vmem>>, vector<16xf32>,
      %swap3A_486 = vector.shape_cast %swap3A_485 : vector<16xf32> to vector<16xf32>
      %swap3A_487 = vector.shape_cast %scan3A_478#1 : vector<16xf32> to vector<16xf32>
      tpu.vector_store %arg10[%swap3A_484], %swap3A_487 {add = true, strides = array<i32>} : memref<1024xf32, #tpu.memory_space<vmem>>, vector<16xf32>,
      %swap3A_488 = arith.constant 32 : index
      %swap3A_489 = tpu.vector_load %arg10[%swap3A_488] {strides = array<i32>} : memref<1024xf32, #tpu.memory_space<vmem>>, vector<16xf32>,
      %swap3A_490 = vector.shape_cast %swap3A_489 : vector<16xf32> to vector<16xf32>
      %swap3A_491 = vector.shape_cast %scan3A_478#2 : vector<16xf32> to vector<16xf32>
      tpu.vector_store %arg10[%swap3A_488], %swap3A_491 {add = true, strides = array<i32>} : memref<1024xf32, #tpu.memory_space<vmem>>, vector<16xf32>,
      %swap3A_492 = arith.constant 48 : index
      %swap3A_493 = tpu.vector_load %arg10[%swap3A_492] {strides = array<i32>} : memref<1024xf32, #tpu.memory_space<vmem>>, vector<16xf32>,
      %swap3A_494 = vector.shape_cast %swap3A_493 : vector<16xf32> to vector<16xf32>
      %swap3A_495 = vector.shape_cast %scan3A_478#3 : vector<16xf32> to vector<16xf32>
      tpu.vector_store %arg10[%swap3A_492], %swap3A_495 {add = true, strides = array<i32>} : memref<1024xf32, #tpu.memory_space<vmem>>, vector<16xf32>,
      %swap3A_496 = arith.constant 64 : index
      %swap3A_497 = tpu.vector_load %arg10[%swap3A_496] {strides = array<i32>} : memref<1024xf32, #tpu.memory_space<vmem>>, vector<16xf32>,
      %swap3A_498 = vector.shape_cast %swap3A_497 : vector<16xf32> to vector<16xf32>
      %swap3A_499 = vector.shape_cast %scan3A_478#4 : vector<16xf32> to vector<16xf32>
      tpu.vector_store %arg10[%swap3A_496], %swap3A_499 {add = true, strides = array<i32>} : memref<1024xf32, #tpu.memory_space<vmem>>, vector<16xf32>,
      %swap3A_500 = arith.constant 80 : index
      %swap3A_501 = tpu.vector_load %arg10[%swap3A_500] {strides = array<i32>} : memref<1024xf32, #tpu.memory_space<vmem>>, vector<16xf32>,
      %swap3A_502 = vector.shape_cast %swap3A_501 : vector<16xf32> to vector<16xf32>
      %swap3A_503 = vector.shape_cast %scan3A_478#5 : vector<16xf32> to vector<16xf32>
      tpu.vector_store %arg10[%swap3A_500], %swap3A_503 {add = true, strides = array<i32>} : memref<1024xf32, #tpu.memory_space<vmem>>, vector<16xf32>,
      %swap3A_504 = arith.constant 96 : index
      %swap3A_505 = tpu.vector_load %arg10[%swap3A_504] {strides = array<i32>} : memref<1024xf32, #tpu.memory_space<vmem>>, vector<16xf32>,
      %swap3A_506 = vector.shape_cast %swap3A_505 : vector<16xf32> to vector<16xf32>
      %swap3A_507 = vector.shape_cast %scan3A_478#6 : vector<16xf32> to vector<16xf32>
      tpu.vector_store %arg10[%swap3A_504], %swap3A_507 {add = true, strides = array<i32>} : memref<1024xf32, #tpu.memory_space<vmem>>, vector<16xf32>,
      %swap3A_508 = arith.constant 112 : index
      %swap3A_509 = tpu.vector_load %arg10[%swap3A_508] {strides = array<i32>} : memref<1024xf32, #tpu.memory_space<vmem>>, vector<16xf32>,
      %swap3A_510 = vector.shape_cast %swap3A_509 : vector<16xf32> to vector<16xf32>
      %swap3A_511 = vector.shape_cast %scan3A_478#7 : vector<16xf32> to vector<16xf32>
      tpu.vector_store %arg10[%swap3A_508], %swap3A_511 {add = true, strides = array<i32>} : memref<1024xf32, #tpu.memory_space<vmem>>, vector<16xf32>,
      %swap3A_512 = arith.constant 128 : index
      %swap3A_513 = tpu.vector_load %arg10[%swap3A_512] {strides = array<i32>} : memref<1024xf32, #tpu.memory_space<vmem>>, vector<16xf32>,
      %swap3A_514 = vector.shape_cast %swap3A_513 : vector<16xf32> to vector<16xf32>
      %swap3A_515 = vector.shape_cast %scan3A_478#8 : vector<16xf32> to vector<16xf32>
      tpu.vector_store %arg10[%swap3A_512], %swap3A_515 {add = true, strides = array<i32>} : memref<1024xf32, #tpu.memory_space<vmem>>, vector<16xf32>,
      %swap3A_516 = arith.constant 144 : index
      %swap3A_517 = tpu.vector_load %arg10[%swap3A_516] {strides = array<i32>} : memref<1024xf32, #tpu.memory_space<vmem>>, vector<16xf32>,
      %swap3A_518 = vector.shape_cast %swap3A_517 : vector<16xf32> to vector<16xf32>
      %swap3A_519 = vector.shape_cast %scan3A_478#9 : vector<16xf32> to vector<16xf32>
      tpu.vector_store %arg10[%swap3A_516], %swap3A_519 {add = true, strides = array<i32>} : memref<1024xf32, #tpu.memory_space<vmem>>, vector<16xf32>,
      %swap3A_520 = arith.constant 160 : index
      %swap3A_521 = tpu.vector_load %arg10[%swap3A_520] {strides = array<i32>} : memref<1024xf32, #tpu.memory_space<vmem>>, vector<16xf32>,
      %swap3A_522 = vector.shape_cast %swap3A_521 : vector<16xf32> to vector<16xf32>
      %swap3A_523 = vector.shape_cast %scan3A_478#10 : vector<16xf32> to vector<16xf32>
      tpu.vector_store %arg10[%swap3A_520], %swap3A_523 {add = true, strides = array<i32>} : memref<1024xf32, #tpu.memory_space<vmem>>, vector<16xf32>,
      %swap3A_524 = arith.constant 176 : index
      %swap3A_525 = tpu.vector_load %arg10[%swap3A_524] {strides = array<i32>} : memref<1024xf32, #tpu.memory_space<vmem>>, vector<16xf32>,
      %swap3A_526 = vector.shape_cast %swap3A_525 : vector<16xf32> to vector<16xf32>
      %swap3A_527 = vector.shape_cast %scan3A_478#11 : vector<16xf32> to vector<16xf32>
      tpu.vector_store %arg10[%swap3A_524], %swap3A_527 {add = true, strides = array<i32>} : memref<1024xf32, #tpu.memory_space<vmem>>, vector<16xf32>,
      %swap3A_528 = arith.constant 192 : index
      %swap3A_529 = tpu.vector_load %arg10[%swap3A_528] {strides = array<i32>} : memref<1024xf32, #tpu.memory_space<vmem>>, vector<16xf32>,
      %swap3A_530 = vector.shape_cast %swap3A_529 : vector<16xf32> to vector<16xf32>
      %swap3A_531 = vector.shape_cast %scan3A_478#12 : vector<16xf32> to vector<16xf32>
      tpu.vector_store %arg10[%swap3A_528], %swap3A_531 {add = true, strides = array<i32>} : memref<1024xf32, #tpu.memory_space<vmem>>, vector<16xf32>,
      %swap3A_532 = arith.constant 208 : index
      %swap3A_533 = tpu.vector_load %arg10[%swap3A_532] {strides = array<i32>} : memref<1024xf32, #tpu.memory_space<vmem>>, vector<16xf32>,
      %swap3A_534 = vector.shape_cast %swap3A_533 : vector<16xf32> to vector<16xf32>
      %swap3A_535 = vector.shape_cast %scan3A_478#13 : vector<16xf32> to vector<16xf32>
      tpu.vector_store %arg10[%swap3A_532], %swap3A_535 {add = true, strides = array<i32>} : memref<1024xf32, #tpu.memory_space<vmem>>, vector<16xf32>,
      %swap3A_536 = arith.constant 224 : index
      %swap3A_537 = tpu.vector_load %arg10[%swap3A_536] {strides = array<i32>} : memref<1024xf32, #tpu.memory_space<vmem>>, vector<16xf32>,
      %swap3A_538 = vector.shape_cast %swap3A_537 : vector<16xf32> to vector<16xf32>
      %swap3A_539 = vector.shape_cast %scan3A_478#14 : vector<16xf32> to vector<16xf32>
      tpu.vector_store %arg10[%swap3A_536], %swap3A_539 {add = true, strides = array<i32>} : memref<1024xf32, #tpu.memory_space<vmem>>, vector<16xf32>,
      %swap3A_540 = arith.constant 240 : index
      %swap3A_541 = tpu.vector_load %arg10[%swap3A_540] {strides = array<i32>} : memref<1024xf32, #tpu.memory_space<vmem>>, vector<16xf32>,
      %swap3A_542 = vector.shape_cast %swap3A_541 : vector<16xf32> to vector<16xf32>
      %swap3A_543 = vector.shape_cast %scan3A_478#15 : vector<16xf32> to vector<16xf32>
      tpu.vector_store %arg10[%swap3A_540], %swap3A_543 {add = true, strides = array<i32>} : memref<1024xf32, #tpu.memory_space<vmem>>, vector<16xf32>,
      %broadcast_in_dim3A_544 = arith.constant 0.000000e+00 : f32
      %broadcast_in_dim3A_545 = vector.broadcast %broadcast_in_dim3A_544 : f32 to vector<16xf32>
      %broadcast_in_dim3A_546 = arith.constant 0.000000e+00 : f32
      %broadcast_in_dim3A_547 = vector.broadcast %broadcast_in_dim3A_546 : f32 to vector<16xf32>
      %broadcast_in_dim3A_548 = arith.constant 0.000000e+00 : f32
      %broadcast_in_dim3A_549 = vector.broadcast %broadcast_in_dim3A_548 : f32 to vector<16xf32>
      %broadcast_in_dim3A_550 = arith.constant 0.000000e+00 : f32
      %broadcast_in_dim3A_551 = vector.broadcast %broadcast_in_dim3A_550 : f32 to vector<16xf32>
      %broadcast_in_dim3A_552 = arith.constant 0.000000e+00 : f32
      %broadcast_in_dim3A_553 = vector.broadcast %broadcast_in_dim3A_552 : f32 to vector<16xf32>
      %broadcast_in_dim3A_554 = arith.constant 0.000000e+00 : f32
      %broadcast_in_dim3A_555 = vector.broadcast %broadcast_in_dim3A_554 : f32 to vector<16xf32>
      %broadcast_in_dim3A_556 = arith.constant 0.000000e+00 : f32
      %broadcast_in_dim3A_557 = vector.broadcast %broadcast_in_dim3A_556 : f32 to vector<16xf32>
      %broadcast_in_dim3A_558 = arith.constant 0.000000e+00 : f32
      %broadcast_in_dim3A_559 = vector.broadcast %broadcast_in_dim3A_558 : f32 to vector<16xf32>
      %broadcast_in_dim3A_560 = arith.constant 0.000000e+00 : f32
      %broadcast_in_dim3A_561 = vector.broadcast %broadcast_in_dim3A_560 : f32 to vector<16xf32>
      %broadcast_in_dim3A_562 = arith.constant 0.000000e+00 : f32
      %broadcast_in_dim3A_563 = vector.broadcast %broadcast_in_dim3A_562 : f32 to vector<16xf32>
      %broadcast_in_dim3A_564 = arith.constant 0.000000e+00 : f32
      %broadcast_in_dim3A_565 = vector.broadcast %broadcast_in_dim3A_564 : f32 to vector<16xf32>
      %broadcast_in_dim3A_566 = arith.constant 0.000000e+00 : f32
      %broadcast_in_dim3A_567 = vector.broadcast %broadcast_in_dim3A_566 : f32 to vector<16xf32>
      %broadcast_in_dim3A_568 = arith.constant 0.000000e+00 : f32
      %broadcast_in_dim3A_569 = vector.broadcast %broadcast_in_dim3A_568 : f32 to vector<16xf32>
      %broadcast_in_dim3A_570 = arith.constant 0.000000e+00 : f32
      %broadcast_in_dim3A_571 = vector.broadcast %broadcast_in_dim3A_570 : f32 to vector<16xf32>
      %broadcast_in_dim3A_572 = arith.constant 0.000000e+00 : f32
      %broadcast_in_dim3A_573 = vector.broadcast %broadcast_in_dim3A_572 : f32 to vector<16xf32>
      %broadcast_in_dim3A_574 = arith.constant 0.000000e+00 : f32
      %broadcast_in_dim3A_575 = vector.broadcast %broadcast_in_dim3A_574 : f32 to vector<16xf32>
      %scan3A_576 = arith.constant 0 : i32
      %scan3A_577 = arith.constant 32 : i32
      %scan3A_578 = arith.addi %scan3A_576, %scan3A_577 : i32
      %scan3A_579 = arith.constant 1 : i32
      %scan3A_580:16 = scf.for %scan3A_856 = %scan3A_576 to %scan3A_578 step %scan3A_579 iter_args(%scan3A_857 = %broadcast_in_dim3A_545, %scan3A_858 = %broadcast_in_dim3A_547, %scan3A_859 = %broadcast_in_dim3A_549, %scan3A_860 = %broadcast_in_dim3A_551, %scan3A_861 = %broadcast_in_dim3A_553, %scan3A_862 = %broadcast_in_dim3A_555, %scan3A_863 = %broadcast_in_dim3A_557, %scan3A_864 = %broadcast_in_dim3A_559, %scan3A_865 = %broadcast_in_dim3A_561, %scan3A_866 = %broadcast_in_dim3A_563, %scan3A_867 = %broadcast_in_dim3A_565, %scan3A_868 = %broadcast_in_dim3A_567, %scan3A_869 = %broadcast_in_dim3A_569, %scan3A_870 = %broadcast_in_dim3A_571, %scan3A_871 = %broadcast_in_dim3A_573, %scan3A_872 = %broadcast_in_dim3A_575) -> (vector<16xf32>, vector<16xf32>, vector<16xf32>, vector<16xf32>, vector<16xf32>, vector<16xf32>, vector<16xf32>, vector<16xf32>, vector<16xf32>, vector<16xf32>, vector<16xf32>, vector<16xf32>, vector<16xf32>, vector<16xf32>, vector<16xf32>, vector<16xf32>)  : i32 {
        %mul3A_873 = arith.constant 64 : i32
        %mul3A_874 = arith.muli %scan3A_22, %mul3A_873 : i32
        %add3A_875 = arith.constant 32 : i32
        %add3A_876 = arith.addi %mul3A_874, %add3A_875 : i32
        %jit3A = arith.constant 16 : i32
        %div3A = arith.divsi %scan3A_856, %jit3A : i32
        %sign3A = arith.constant 0 : i32
        %sign3A_877 = arith.cmpi sgt, %scan3A_856, %sign3A : i32
        %sign3A_878 = arith.extui %sign3A_877 : i1 to i32
        %sign3A_879 = arith.constant 0 : i32
        %sign3A_880 = arith.cmpi slt, %scan3A_856, %sign3A_879 : i32
        %sign3A_881 = arith.extui %sign3A_880 : i1 to i32
        %sign3A_882 = arith.subi %sign3A_878, %sign3A_881 : i32
        %sign3A_883 = arith.constant 0 : i32
        %sign3A_884 = arith.cmpi sgt, %jit3A, %sign3A_883 : i32
        %sign3A_885 = arith.extui %sign3A_884 : i1 to i32
        %sign3A_886 = arith.constant 0 : i32
        %sign3A_887 = arith.cmpi slt, %jit3A, %sign3A_886 : i32
        %sign3A_888 = arith.extui %sign3A_887 : i1 to i32
        %sign3A_889 = arith.subi %sign3A_885, %sign3A_888 : i32
        %ne3A = arith.cmpi ne, %sign3A_882, %sign3A_889 : i32
        %rem3A = arith.remsi %scan3A_856, %jit3A : i32
        %ne3A_890 = arith.constant 0 : i32
        %ne3A_891 = arith.cmpi ne, %rem3A, %ne3A_890 : i32
        %and3A = arith.andi %ne3A, %ne3A_891 : i1
        %sub3A = arith.constant 1 : i32
        %sub3A_892 = arith.subi %div3A, %sub3A : i32
        %select_n3A = arith.select %and3A, %sub3A_892, %div3A : i32
        %mul3A_893 = arith.constant 16 : i32
        %mul3A_894 = arith.muli %select_n3A, %mul3A_893 : i32
        %add3A_895 = arith.addi %add3A_876, %mul3A_894 : i32
        %get3A = arith.index_cast %add3A_895 : i32 to index
        %get3A_896 = tpu.vector_load %arg7[%get3A] {strides = array<i32>} : memref<4096xf32, #tpu.memory_space<vmem>>, vector<16xf32>,
        %get3A_897 = vector.shape_cast %get3A_896 : vector<16xf32> to vector<16xf32>
        %jit3A_898 = arith.constant 16 : i32
        %eq3A = arith.constant 0 : i32
        %eq3A_899 = arith.cmpi eq, %jit3A_898, %eq3A : i32
        %jit3A_900 = arith.constant 1 : i32
        %select_n3A_901 = arith.select %eq3A_899, %jit3A_900, %jit3A_898 : i32
        %rem3A_902 = arith.remsi %scan3A_856, %select_n3A_901 : i32
        %ne3A_903 = arith.constant 0 : i32
        %ne3A_904 = arith.cmpi ne, %rem3A_902, %ne3A_903 : i32
        %lt3A_905 = arith.constant 0 : i32
        %lt3A_906 = arith.cmpi slt, %rem3A_902, %lt3A_905 : i32
        %lt3A_907 = arith.constant 0 : i32
        %lt3A_908 = arith.cmpi slt, %select_n3A_901, %lt3A_907 : i32
        %ne3A_909 = arith.xori %lt3A_906, %lt3A_908 : i1
        %and3A_910 = arith.andi %ne3A_909, %ne3A_904 : i1
        %add3A_911 = arith.addi %rem3A_902, %select_n3A_901 : i32
        %select_n3A_912 = arith.select %and3A_910, %add3A_911, %rem3A_902 : i32
        %broadcast_in_dim3A_913 = vector.broadcast %select_n3A_912 : i32 to vector<16x1xi32>
        %gather3A = vector.shape_cast %broadcast_in_dim3A_913 : vector<16x1xi32> to vector<16xi32>
        %gather3A_914 = tpu.dynamic_gather %get3A_897[%gather3A] in [0] : vector<16xf32>, vector<16xi32> -> vector<16xf32>
        %get3A_915 = arith.index_cast %scan3A_856 : i32 to index
        %get3A_916 = arith.constant 256 : index
        %get3A_917 = tpu.vector_load %arg9[%get3A_915, %get3A_916] {strides = array<i32>} : memref<32x1024xf32, #tpu.memory_space<vmem>>, vector<1x16xf32>,
        %get3A_918 = vector.shape_cast %get3A_917 : vector<1x16xf32> to vector<16xf32>
        %mul3A_919 = arith.mulf %gather3A_914, %get3A_918 : vector<16xf32>
        %add3A_920 = arith.addf %scan3A_857, %mul3A_919 : vector<16xf32>
        %get3A_921 = arith.index_cast %scan3A_856 : i32 to index
        %get3A_922 = arith.constant 272 : index
        %get3A_923 = tpu.vector_load %arg9[%get3A_921, %get3A_922] {strides = array<i32>} : memref<32x1024xf32, #tpu.memory_space<vmem>>, vector<1x16xf32>,
        %get3A_924 = vector.shape_cast %get3A_923 : vector<1x16xf32> to vector<16xf32>
        %mul3A_925 = arith.mulf %gather3A_914, %get3A_924 : vector<16xf32>
        %add3A_926 = arith.addf %scan3A_858, %mul3A_925 : vector<16xf32>
        %get3A_927 = arith.index_cast %scan3A_856 : i32 to index
        %get3A_928 = arith.constant 288 : index
        %get3A_929 = tpu.vector_load %arg9[%get3A_927, %get3A_928] {strides = array<i32>} : memref<32x1024xf32, #tpu.memory_space<vmem>>, vector<1x16xf32>,
        %get3A_930 = vector.shape_cast %get3A_929 : vector<1x16xf32> to vector<16xf32>
        %mul3A_931 = arith.mulf %gather3A_914, %get3A_930 : vector<16xf32>
        %add3A_932 = arith.addf %scan3A_859, %mul3A_931 : vector<16xf32>
        %get3A_933 = arith.index_cast %scan3A_856 : i32 to index
        %get3A_934 = arith.constant 304 : index
        %get3A_935 = tpu.vector_load %arg9[%get3A_933, %get3A_934] {strides = array<i32>} : memref<32x1024xf32, #tpu.memory_space<vmem>>, vector<1x16xf32>,
        %get3A_936 = vector.shape_cast %get3A_935 : vector<1x16xf32> to vector<16xf32>
        %mul3A_937 = arith.mulf %gather3A_914, %get3A_936 : vector<16xf32>
        %add3A_938 = arith.addf %scan3A_860, %mul3A_937 : vector<16xf32>
        %get3A_939 = arith.index_cast %scan3A_856 : i32 to index
        %get3A_940 = arith.constant 320 : index
        %get3A_941 = tpu.vector_load %arg9[%get3A_939, %get3A_940] {strides = array<i32>} : memref<32x1024xf32, #tpu.memory_space<vmem>>, vector<1x16xf32>,
        %get3A_942 = vector.shape_cast %get3A_941 : vector<1x16xf32> to vector<16xf32>
        %mul3A_943 = arith.mulf %gather3A_914, %get3A_942 : vector<16xf32>
        %add3A_944 = arith.addf %scan3A_861, %mul3A_943 : vector<16xf32>
        %get3A_945 = arith.index_cast %scan3A_856 : i32 to index
        %get3A_946 = arith.constant 336 : index
        %get3A_947 = tpu.vector_load %arg9[%get3A_945, %get3A_946] {strides = array<i32>} : memref<32x1024xf32, #tpu.memory_space<vmem>>, vector<1x16xf32>,
        %get3A_948 = vector.shape_cast %get3A_947 : vector<1x16xf32> to vector<16xf32>
        %mul3A_949 = arith.mulf %gather3A_914, %get3A_948 : vector<16xf32>
        %add3A_950 = arith.addf %scan3A_862, %mul3A_949 : vector<16xf32>
        %get3A_951 = arith.index_cast %scan3A_856 : i32 to index
        %get3A_952 = arith.constant 352 : index
        %get3A_953 = tpu.vector_load %arg9[%get3A_951, %get3A_952] {strides = array<i32>} : memref<32x1024xf32, #tpu.memory_space<vmem>>, vector<1x16xf32>,
        %get3A_954 = vector.shape_cast %get3A_953 : vector<1x16xf32> to vector<16xf32>
        %mul3A_955 = arith.mulf %gather3A_914, %get3A_954 : vector<16xf32>
        %add3A_956 = arith.addf %scan3A_863, %mul3A_955 : vector<16xf32>
        %get3A_957 = arith.index_cast %scan3A_856 : i32 to index
        %get3A_958 = arith.constant 368 : index
        %get3A_959 = tpu.vector_load %arg9[%get3A_957, %get3A_958] {strides = array<i32>} : memref<32x1024xf32, #tpu.memory_space<vmem>>, vector<1x16xf32>,
        %get3A_960 = vector.shape_cast %get3A_959 : vector<1x16xf32> to vector<16xf32>
        %mul3A_961 = arith.mulf %gather3A_914, %get3A_960 : vector<16xf32>
        %add3A_962 = arith.addf %scan3A_864, %mul3A_961 : vector<16xf32>
        %get3A_963 = arith.index_cast %scan3A_856 : i32 to index
        %get3A_964 = arith.constant 384 : index
        %get3A_965 = tpu.vector_load %arg9[%get3A_963, %get3A_964] {strides = array<i32>} : memref<32x1024xf32, #tpu.memory_space<vmem>>, vector<1x16xf32>,
        %get3A_966 = vector.shape_cast %get3A_965 : vector<1x16xf32> to vector<16xf32>
        %mul3A_967 = arith.mulf %gather3A_914, %get3A_966 : vector<16xf32>
        %add3A_968 = arith.addf %scan3A_865, %mul3A_967 : vector<16xf32>
        %get3A_969 = arith.index_cast %scan3A_856 : i32 to index
        %get3A_970 = arith.constant 400 : index
        %get3A_971 = tpu.vector_load %arg9[%get3A_969, %get3A_970] {strides = array<i32>} : memref<32x1024xf32, #tpu.memory_space<vmem>>, vector<1x16xf32>,
        %get3A_972 = vector.shape_cast %get3A_971 : vector<1x16xf32> to vector<16xf32>
        %mul3A_973 = arith.mulf %gather3A_914, %get3A_972 : vector<16xf32>
        %add3A_974 = arith.addf %scan3A_866, %mul3A_973 : vector<16xf32>
        %get3A_975 = arith.index_cast %scan3A_856 : i32 to index
        %get3A_976 = arith.constant 416 : index
        %get3A_977 = tpu.vector_load %arg9[%get3A_975, %get3A_976] {strides = array<i32>} : memref<32x1024xf32, #tpu.memory_space<vmem>>, vector<1x16xf32>,
        %get3A_978 = vector.shape_cast %get3A_977 : vector<1x16xf32> to vector<16xf32>
        %mul3A_979 = arith.mulf %gather3A_914, %get3A_978 : vector<16xf32>
        %add3A_980 = arith.addf %scan3A_867, %mul3A_979 : vector<16xf32>
        %get3A_981 = arith.index_cast %scan3A_856 : i32 to index
        %get3A_982 = arith.constant 432 : index
        %get3A_983 = tpu.vector_load %arg9[%get3A_981, %get3A_982] {strides = array<i32>} : memref<32x1024xf32, #tpu.memory_space<vmem>>, vector<1x16xf32>,
        %get3A_984 = vector.shape_cast %get3A_983 : vector<1x16xf32> to vector<16xf32>
        %mul3A_985 = arith.mulf %gather3A_914, %get3A_984 : vector<16xf32>
        %add3A_986 = arith.addf %scan3A_868, %mul3A_985 : vector<16xf32>
        %get3A_987 = arith.index_cast %scan3A_856 : i32 to index
        %get3A_988 = arith.constant 448 : index
        %get3A_989 = tpu.vector_load %arg9[%get3A_987, %get3A_988] {strides = array<i32>} : memref<32x1024xf32, #tpu.memory_space<vmem>>, vector<1x16xf32>,
        %get3A_990 = vector.shape_cast %get3A_989 : vector<1x16xf32> to vector<16xf32>
        %mul3A_991 = arith.mulf %gather3A_914, %get3A_990 : vector<16xf32>
        %add3A_992 = arith.addf %scan3A_869, %mul3A_991 : vector<16xf32>
        %get3A_993 = arith.index_cast %scan3A_856 : i32 to index
        %get3A_994 = arith.constant 464 : index
        %get3A_995 = tpu.vector_load %arg9[%get3A_993, %get3A_994] {strides = array<i32>} : memref<32x1024xf32, #tpu.memory_space<vmem>>, vector<1x16xf32>,
        %get3A_996 = vector.shape_cast %get3A_995 : vector<1x16xf32> to vector<16xf32>
        %mul3A_997 = arith.mulf %gather3A_914, %get3A_996 : vector<16xf32>
        %add3A_998 = arith.addf %scan3A_870, %mul3A_997 : vector<16xf32>
        %get3A_999 = arith.index_cast %scan3A_856 : i32 to index
        %get3A_1000 = arith.constant 480 : index
        %get3A_1001 = tpu.vector_load %arg9[%get3A_999, %get3A_1000] {strides = array<i32>} : memref<32x1024xf32, #tpu.memory_space<vmem>>, vector<1x16xf32>,
        %get3A_1002 = vector.shape_cast %get3A_1001 : vector<1x16xf32> to vector<16xf32>
        %mul3A_1003 = arith.mulf %gather3A_914, %get3A_1002 : vector<16xf32>
        %add3A_1004 = arith.addf %scan3A_871, %mul3A_1003 : vector<16xf32>
        %get3A_1005 = arith.index_cast %scan3A_856 : i32 to index
        %get3A_1006 = arith.constant 496 : index
        %get3A_1007 = tpu.vector_load %arg9[%get3A_1005, %get3A_1006] {strides = array<i32>} : memref<32x1024xf32, #tpu.memory_space<vmem>>, vector<1x16xf32>,
        %get3A_1008 = vector.shape_cast %get3A_1007 : vector<1x16xf32> to vector<16xf32>
        %mul3A_1009 = arith.mulf %gather3A_914, %get3A_1008 : vector<16xf32>
        %add3A_1010 = arith.addf %scan3A_872, %mul3A_1009 : vector<16xf32>
        scf.yield %add3A_920, %add3A_926, %add3A_932, %add3A_938, %add3A_944, %add3A_950, %add3A_956, %add3A_962, %add3A_968, %add3A_974, %add3A_980, %add3A_986, %add3A_992, %add3A_998, %add3A_1004, %add3A_1010 : vector<16xf32>, vector<16xf32>, vector<16xf32>, vector<16xf32>, vector<16xf32>, vector<16xf32>, vector<16xf32>, vector<16xf32>, vector<16xf32>, vector<16xf32>, vector<16xf32>, vector<16xf32>, vector<16xf32>, vector<16xf32>, vector<16xf32>, vector<16xf32>
      }
      %scan3A_581 = arith.constant 32 : i32
      %swap3A_582 = arith.constant 256 : index
      %swap3A_583 = tpu.vector_load %arg10[%swap3A_582] {strides = array<i32>} : memref<1024xf32, #tpu.memory_space<vmem>>, vector<16xf32>,
      %swap3A_584 = vector.shape_cast %swap3A_583 : vector<16xf32> to vector<16xf32>
      %swap3A_585 = vector.shape_cast %scan3A_580#0 : vector<16xf32> to vector<16xf32>
      tpu.vector_store %arg10[%swap3A_582], %swap3A_585 {add = true, strides = array<i32>} : memref<1024xf32, #tpu.memory_space<vmem>>, vector<16xf32>,
      %swap3A_586 = arith.constant 272 : index
      %swap3A_587 = tpu.vector_load %arg10[%swap3A_586] {strides = array<i32>} : memref<1024xf32, #tpu.memory_space<vmem>>, vector<16xf32>,
      %swap3A_588 = vector.shape_cast %swap3A_587 : vector<16xf32> to vector<16xf32>
      %swap3A_589 = vector.shape_cast %scan3A_580#1 : vector<16xf32> to vector<16xf32>
      tpu.vector_store %arg10[%swap3A_586], %swap3A_589 {add = true, strides = array<i32>} : memref<1024xf32, #tpu.memory_space<vmem>>, vector<16xf32>,
      %swap3A_590 = arith.constant 288 : index
      %swap3A_591 = tpu.vector_load %arg10[%swap3A_590] {strides = array<i32>} : memref<1024xf32, #tpu.memory_space<vmem>>, vector<16xf32>,
      %swap3A_592 = vector.shape_cast %swap3A_591 : vector<16xf32> to vector<16xf32>
      %swap3A_593 = vector.shape_cast %scan3A_580#2 : vector<16xf32> to vector<16xf32>
      tpu.vector_store %arg10[%swap3A_590], %swap3A_593 {add = true, strides = array<i32>} : memref<1024xf32, #tpu.memory_space<vmem>>, vector<16xf32>,
      %swap3A_594 = arith.constant 304 : index
      %swap3A_595 = tpu.vector_load %arg10[%swap3A_594] {strides = array<i32>} : memref<1024xf32, #tpu.memory_space<vmem>>, vector<16xf32>,
      %swap3A_596 = vector.shape_cast %swap3A_595 : vector<16xf32> to vector<16xf32>
      %swap3A_597 = vector.shape_cast %scan3A_580#3 : vector<16xf32> to vector<16xf32>
      tpu.vector_store %arg10[%swap3A_594], %swap3A_597 {add = true, strides = array<i32>} : memref<1024xf32, #tpu.memory_space<vmem>>, vector<16xf32>,
      %swap3A_598 = arith.constant 320 : index
      %swap3A_599 = tpu.vector_load %arg10[%swap3A_598] {strides = array<i32>} : memref<1024xf32, #tpu.memory_space<vmem>>, vector<16xf32>,
      %swap3A_600 = vector.shape_cast %swap3A_599 : vector<16xf32> to vector<16xf32>
      %swap3A_601 = vector.shape_cast %scan3A_580#4 : vector<16xf32> to vector<16xf32>
      tpu.vector_store %arg10[%swap3A_598], %swap3A_601 {add = true, strides = array<i32>} : memref<1024xf32, #tpu.memory_space<vmem>>, vector<16xf32>,
      %swap3A_602 = arith.constant 336 : index
      %swap3A_603 = tpu.vector_load %arg10[%swap3A_602] {strides = array<i32>} : memref<1024xf32, #tpu.memory_space<vmem>>, vector<16xf32>,
      %swap3A_604 = vector.shape_cast %swap3A_603 : vector<16xf32> to vector<16xf32>
      %swap3A_605 = vector.shape_cast %scan3A_580#5 : vector<16xf32> to vector<16xf32>
      tpu.vector_store %arg10[%swap3A_602], %swap3A_605 {add = true, strides = array<i32>} : memref<1024xf32, #tpu.memory_space<vmem>>, vector<16xf32>,
      %swap3A_606 = arith.constant 352 : index
      %swap3A_607 = tpu.vector_load %arg10[%swap3A_606] {strides = array<i32>} : memref<1024xf32, #tpu.memory_space<vmem>>, vector<16xf32>,
      %swap3A_608 = vector.shape_cast %swap3A_607 : vector<16xf32> to vector<16xf32>
      %swap3A_609 = vector.shape_cast %scan3A_580#6 : vector<16xf32> to vector<16xf32>
      tpu.vector_store %arg10[%swap3A_606], %swap3A_609 {add = true, strides = array<i32>} : memref<1024xf32, #tpu.memory_space<vmem>>, vector<16xf32>,
      %swap3A_610 = arith.constant 368 : index
      %swap3A_611 = tpu.vector_load %arg10[%swap3A_610] {strides = array<i32>} : memref<1024xf32, #tpu.memory_space<vmem>>, vector<16xf32>,
      %swap3A_612 = vector.shape_cast %swap3A_611 : vector<16xf32> to vector<16xf32>
      %swap3A_613 = vector.shape_cast %scan3A_580#7 : vector<16xf32> to vector<16xf32>
      tpu.vector_store %arg10[%swap3A_610], %swap3A_613 {add = true, strides = array<i32>} : memref<1024xf32, #tpu.memory_space<vmem>>, vector<16xf32>,
      %swap3A_614 = arith.constant 384 : index
      %swap3A_615 = tpu.vector_load %arg10[%swap3A_614] {strides = array<i32>} : memref<1024xf32, #tpu.memory_space<vmem>>, vector<16xf32>,
      %swap3A_616 = vector.shape_cast %swap3A_615 : vector<16xf32> to vector<16xf32>
      %swap3A_617 = vector.shape_cast %scan3A_580#8 : vector<16xf32> to vector<16xf32>
      tpu.vector_store %arg10[%swap3A_614], %swap3A_617 {add = true, strides = array<i32>} : memref<1024xf32, #tpu.memory_space<vmem>>, vector<16xf32>,
      %swap3A_618 = arith.constant 400 : index
      %swap3A_619 = tpu.vector_load %arg10[%swap3A_618] {strides = array<i32>} : memref<1024xf32, #tpu.memory_space<vmem>>, vector<16xf32>,
      %swap3A_620 = vector.shape_cast %swap3A_619 : vector<16xf32> to vector<16xf32>
      %swap3A_621 = vector.shape_cast %scan3A_580#9 : vector<16xf32> to vector<16xf32>
      tpu.vector_store %arg10[%swap3A_618], %swap3A_621 {add = true, strides = array<i32>} : memref<1024xf32, #tpu.memory_space<vmem>>, vector<16xf32>,
      %swap3A_622 = arith.constant 416 : index
      %swap3A_623 = tpu.vector_load %arg10[%swap3A_622] {strides = array<i32>} : memref<1024xf32, #tpu.memory_space<vmem>>, vector<16xf32>,
      %swap3A_624 = vector.shape_cast %swap3A_623 : vector<16xf32> to vector<16xf32>
      %swap3A_625 = vector.shape_cast %scan3A_580#10 : vector<16xf32> to vector<16xf32>
      tpu.vector_store %arg10[%swap3A_622], %swap3A_625 {add = true, strides = array<i32>} : memref<1024xf32, #tpu.memory_space<vmem>>, vector<16xf32>,
      %swap3A_626 = arith.constant 432 : index
      %swap3A_627 = tpu.vector_load %arg10[%swap3A_626] {strides = array<i32>} : memref<1024xf32, #tpu.memory_space<vmem>>, vector<16xf32>,
      %swap3A_628 = vector.shape_cast %swap3A_627 : vector<16xf32> to vector<16xf32>
      %swap3A_629 = vector.shape_cast %scan3A_580#11 : vector<16xf32> to vector<16xf32>
      tpu.vector_store %arg10[%swap3A_626], %swap3A_629 {add = true, strides = array<i32>} : memref<1024xf32, #tpu.memory_space<vmem>>, vector<16xf32>,
      %swap3A_630 = arith.constant 448 : index
      %swap3A_631 = tpu.vector_load %arg10[%swap3A_630] {strides = array<i32>} : memref<1024xf32, #tpu.memory_space<vmem>>, vector<16xf32>,
      %swap3A_632 = vector.shape_cast %swap3A_631 : vector<16xf32> to vector<16xf32>
      %swap3A_633 = vector.shape_cast %scan3A_580#12 : vector<16xf32> to vector<16xf32>
      tpu.vector_store %arg10[%swap3A_630], %swap3A_633 {add = true, strides = array<i32>} : memref<1024xf32, #tpu.memory_space<vmem>>, vector<16xf32>,
      %swap3A_634 = arith.constant 464 : index
      %swap3A_635 = tpu.vector_load %arg10[%swap3A_634] {strides = array<i32>} : memref<1024xf32, #tpu.memory_space<vmem>>, vector<16xf32>,
      %swap3A_636 = vector.shape_cast %swap3A_635 : vector<16xf32> to vector<16xf32>
      %swap3A_637 = vector.shape_cast %scan3A_580#13 : vector<16xf32> to vector<16xf32>
      tpu.vector_store %arg10[%swap3A_634], %swap3A_637 {add = true, strides = array<i32>} : memref<1024xf32, #tpu.memory_space<vmem>>, vector<16xf32>,
      %swap3A_638 = arith.constant 480 : index
      %swap3A_639 = tpu.vector_load %arg10[%swap3A_638] {strides = array<i32>} : memref<1024xf32, #tpu.memory_space<vmem>>, vector<16xf32>,
      %swap3A_640 = vector.shape_cast %swap3A_639 : vector<16xf32> to vector<16xf32>
      %swap3A_641 = vector.shape_cast %scan3A_580#14 : vector<16xf32> to vector<16xf32>
      tpu.vector_store %arg10[%swap3A_638], %swap3A_641 {add = true, strides = array<i32>} : memref<1024xf32, #tpu.memory_space<vmem>>, vector<16xf32>,
      %swap3A_642 = arith.constant 496 : index
      %swap3A_643 = tpu.vector_load %arg10[%swap3A_642] {strides = array<i32>} : memref<1024xf32, #tpu.memory_space<vmem>>, vector<16xf32>,
      %swap3A_644 = vector.shape_cast %swap3A_643 : vector<16xf32> to vector<16xf32>
      %swap3A_645 = vector.shape_cast %scan3A_580#15 : vector<16xf32> to vector<16xf32>
      tpu.vector_store %arg10[%swap3A_642], %swap3A_645 {add = true, strides = array<i32>} : memref<1024xf32, #tpu.memory_space<vmem>>, vector<16xf32>,
      %broadcast_in_dim3A_646 = arith.constant 0.000000e+00 : f32
      %broadcast_in_dim3A_647 = vector.broadcast %broadcast_in_dim3A_646 : f32 to vector<16xf32>
      %broadcast_in_dim3A_648 = arith.constant 0.000000e+00 : f32
      %broadcast_in_dim3A_649 = vector.broadcast %broadcast_in_dim3A_648 : f32 to vector<16xf32>
      %broadcast_in_dim3A_650 = arith.constant 0.000000e+00 : f32
      %broadcast_in_dim3A_651 = vector.broadcast %broadcast_in_dim3A_650 : f32 to vector<16xf32>
      %broadcast_in_dim3A_652 = arith.constant 0.000000e+00 : f32
      %broadcast_in_dim3A_653 = vector.broadcast %broadcast_in_dim3A_652 : f32 to vector<16xf32>
      %broadcast_in_dim3A_654 = arith.constant 0.000000e+00 : f32
      %broadcast_in_dim3A_655 = vector.broadcast %broadcast_in_dim3A_654 : f32 to vector<16xf32>
      %broadcast_in_dim3A_656 = arith.constant 0.000000e+00 : f32
      %broadcast_in_dim3A_657 = vector.broadcast %broadcast_in_dim3A_656 : f32 to vector<16xf32>
      %broadcast_in_dim3A_658 = arith.constant 0.000000e+00 : f32
      %broadcast_in_dim3A_659 = vector.broadcast %broadcast_in_dim3A_658 : f32 to vector<16xf32>
      %broadcast_in_dim3A_660 = arith.constant 0.000000e+00 : f32
      %broadcast_in_dim3A_661 = vector.broadcast %broadcast_in_dim3A_660 : f32 to vector<16xf32>
      %broadcast_in_dim3A_662 = arith.constant 0.000000e+00 : f32
      %broadcast_in_dim3A_663 = vector.broadcast %broadcast_in_dim3A_662 : f32 to vector<16xf32>
      %broadcast_in_dim3A_664 = arith.constant 0.000000e+00 : f32
      %broadcast_in_dim3A_665 = vector.broadcast %broadcast_in_dim3A_664 : f32 to vector<16xf32>
      %broadcast_in_dim3A_666 = arith.constant 0.000000e+00 : f32
      %broadcast_in_dim3A_667 = vector.broadcast %broadcast_in_dim3A_666 : f32 to vector<16xf32>
      %broadcast_in_dim3A_668 = arith.constant 0.000000e+00 : f32
      %broadcast_in_dim3A_669 = vector.broadcast %broadcast_in_dim3A_668 : f32 to vector<16xf32>
      %broadcast_in_dim3A_670 = arith.constant 0.000000e+00 : f32
      %broadcast_in_dim3A_671 = vector.broadcast %broadcast_in_dim3A_670 : f32 to vector<16xf32>
      %broadcast_in_dim3A_672 = arith.constant 0.000000e+00 : f32
      %broadcast_in_dim3A_673 = vector.broadcast %broadcast_in_dim3A_672 : f32 to vector<16xf32>
      %broadcast_in_dim3A_674 = arith.constant 0.000000e+00 : f32
      %broadcast_in_dim3A_675 = vector.broadcast %broadcast_in_dim3A_674 : f32 to vector<16xf32>
      %broadcast_in_dim3A_676 = arith.constant 0.000000e+00 : f32
      %broadcast_in_dim3A_677 = vector.broadcast %broadcast_in_dim3A_676 : f32 to vector<16xf32>
      %scan3A_678 = arith.constant 0 : i32
      %scan3A_679 = arith.constant 32 : i32
      %scan3A_680 = arith.addi %scan3A_678, %scan3A_679 : i32
      %scan3A_681 = arith.constant 1 : i32
      %scan3A_682:16 = scf.for %scan3A_856 = %scan3A_678 to %scan3A_680 step %scan3A_681 iter_args(%scan3A_857 = %broadcast_in_dim3A_647, %scan3A_858 = %broadcast_in_dim3A_649, %scan3A_859 = %broadcast_in_dim3A_651, %scan3A_860 = %broadcast_in_dim3A_653, %scan3A_861 = %broadcast_in_dim3A_655, %scan3A_862 = %broadcast_in_dim3A_657, %scan3A_863 = %broadcast_in_dim3A_659, %scan3A_864 = %broadcast_in_dim3A_661, %scan3A_865 = %broadcast_in_dim3A_663, %scan3A_866 = %broadcast_in_dim3A_665, %scan3A_867 = %broadcast_in_dim3A_667, %scan3A_868 = %broadcast_in_dim3A_669, %scan3A_869 = %broadcast_in_dim3A_671, %scan3A_870 = %broadcast_in_dim3A_673, %scan3A_871 = %broadcast_in_dim3A_675, %scan3A_872 = %broadcast_in_dim3A_677) -> (vector<16xf32>, vector<16xf32>, vector<16xf32>, vector<16xf32>, vector<16xf32>, vector<16xf32>, vector<16xf32>, vector<16xf32>, vector<16xf32>, vector<16xf32>, vector<16xf32>, vector<16xf32>, vector<16xf32>, vector<16xf32>, vector<16xf32>, vector<16xf32>)  : i32 {
        %mul3A_873 = arith.constant 64 : i32
        %mul3A_874 = arith.muli %scan3A_22, %mul3A_873 : i32
        %add3A_875 = arith.constant 32 : i32
        %add3A_876 = arith.addi %mul3A_874, %add3A_875 : i32
        %jit3A = arith.constant 16 : i32
        %div3A = arith.divsi %scan3A_856, %jit3A : i32
        %sign3A = arith.constant 0 : i32
        %sign3A_877 = arith.cmpi sgt, %scan3A_856, %sign3A : i32
        %sign3A_878 = arith.extui %sign3A_877 : i1 to i32
        %sign3A_879 = arith.constant 0 : i32
        %sign3A_880 = arith.cmpi slt, %scan3A_856, %sign3A_879 : i32
        %sign3A_881 = arith.extui %sign3A_880 : i1 to i32
        %sign3A_882 = arith.subi %sign3A_878, %sign3A_881 : i32
        %sign3A_883 = arith.constant 0 : i32
        %sign3A_884 = arith.cmpi sgt, %jit3A, %sign3A_883 : i32
        %sign3A_885 = arith.extui %sign3A_884 : i1 to i32
        %sign3A_886 = arith.constant 0 : i32
        %sign3A_887 = arith.cmpi slt, %jit3A, %sign3A_886 : i32
        %sign3A_888 = arith.extui %sign3A_887 : i1 to i32
        %sign3A_889 = arith.subi %sign3A_885, %sign3A_888 : i32
        %ne3A = arith.cmpi ne, %sign3A_882, %sign3A_889 : i32
        %rem3A = arith.remsi %scan3A_856, %jit3A : i32
        %ne3A_890 = arith.constant 0 : i32
        %ne3A_891 = arith.cmpi ne, %rem3A, %ne3A_890 : i32
        %and3A = arith.andi %ne3A, %ne3A_891 : i1
        %sub3A = arith.constant 1 : i32
        %sub3A_892 = arith.subi %div3A, %sub3A : i32
        %select_n3A = arith.select %and3A, %sub3A_892, %div3A : i32
        %mul3A_893 = arith.constant 16 : i32
        %mul3A_894 = arith.muli %select_n3A, %mul3A_893 : i32
        %add3A_895 = arith.addi %add3A_876, %mul3A_894 : i32
        %get3A = arith.index_cast %add3A_895 : i32 to index
        %get3A_896 = tpu.vector_load %arg7[%get3A] {strides = array<i32>} : memref<4096xf32, #tpu.memory_space<vmem>>, vector<16xf32>,
        %get3A_897 = vector.shape_cast %get3A_896 : vector<16xf32> to vector<16xf32>
        %jit3A_898 = arith.constant 16 : i32
        %eq3A = arith.constant 0 : i32
        %eq3A_899 = arith.cmpi eq, %jit3A_898, %eq3A : i32
        %jit3A_900 = arith.constant 1 : i32
        %select_n3A_901 = arith.select %eq3A_899, %jit3A_900, %jit3A_898 : i32
        %rem3A_902 = arith.remsi %scan3A_856, %select_n3A_901 : i32
        %ne3A_903 = arith.constant 0 : i32
        %ne3A_904 = arith.cmpi ne, %rem3A_902, %ne3A_903 : i32
        %lt3A_905 = arith.constant 0 : i32
        %lt3A_906 = arith.cmpi slt, %rem3A_902, %lt3A_905 : i32
        %lt3A_907 = arith.constant 0 : i32
        %lt3A_908 = arith.cmpi slt, %select_n3A_901, %lt3A_907 : i32
        %ne3A_909 = arith.xori %lt3A_906, %lt3A_908 : i1
        %and3A_910 = arith.andi %ne3A_909, %ne3A_904 : i1
        %add3A_911 = arith.addi %rem3A_902, %select_n3A_901 : i32
        %select_n3A_912 = arith.select %and3A_910, %add3A_911, %rem3A_902 : i32
        %broadcast_in_dim3A_913 = vector.broadcast %select_n3A_912 : i32 to vector<16x1xi32>
        %gather3A = vector.shape_cast %broadcast_in_dim3A_913 : vector<16x1xi32> to vector<16xi32>
        %gather3A_914 = tpu.dynamic_gather %get3A_897[%gather3A] in [0] : vector<16xf32>, vector<16xi32> -> vector<16xf32>
        %get3A_915 = arith.index_cast %scan3A_856 : i32 to index
        %get3A_916 = arith.constant 512 : index
        %get3A_917 = tpu.vector_load %arg9[%get3A_915, %get3A_916] {strides = array<i32>} : memref<32x1024xf32, #tpu.memory_space<vmem>>, vector<1x16xf32>,
        %get3A_918 = vector.shape_cast %get3A_917 : vector<1x16xf32> to vector<16xf32>
        %mul3A_919 = arith.mulf %gather3A_914, %get3A_918 : vector<16xf32>
        %add3A_920 = arith.addf %scan3A_857, %mul3A_919 : vector<16xf32>
        %get3A_921 = arith.index_cast %scan3A_856 : i32 to index
        %get3A_922 = arith.constant 528 : index
        %get3A_923 = tpu.vector_load %arg9[%get3A_921, %get3A_922] {strides = array<i32>} : memref<32x1024xf32, #tpu.memory_space<vmem>>, vector<1x16xf32>,
        %get3A_924 = vector.shape_cast %get3A_923 : vector<1x16xf32> to vector<16xf32>
        %mul3A_925 = arith.mulf %gather3A_914, %get3A_924 : vector<16xf32>
        %add3A_926 = arith.addf %scan3A_858, %mul3A_925 : vector<16xf32>
        %get3A_927 = arith.index_cast %scan3A_856 : i32 to index
        %get3A_928 = arith.constant 544 : index
        %get3A_929 = tpu.vector_load %arg9[%get3A_927, %get3A_928] {strides = array<i32>} : memref<32x1024xf32, #tpu.memory_space<vmem>>, vector<1x16xf32>,
        %get3A_930 = vector.shape_cast %get3A_929 : vector<1x16xf32> to vector<16xf32>
        %mul3A_931 = arith.mulf %gather3A_914, %get3A_930 : vector<16xf32>
        %add3A_932 = arith.addf %scan3A_859, %mul3A_931 : vector<16xf32>
        %get3A_933 = arith.index_cast %scan3A_856 : i32 to index
        %get3A_934 = arith.constant 560 : index
        %get3A_935 = tpu.vector_load %arg9[%get3A_933, %get3A_934] {strides = array<i32>} : memref<32x1024xf32, #tpu.memory_space<vmem>>, vector<1x16xf32>,
        %get3A_936 = vector.shape_cast %get3A_935 : vector<1x16xf32> to vector<16xf32>
        %mul3A_937 = arith.mulf %gather3A_914, %get3A_936 : vector<16xf32>
        %add3A_938 = arith.addf %scan3A_860, %mul3A_937 : vector<16xf32>
        %get3A_939 = arith.index_cast %scan3A_856 : i32 to index
        %get3A_940 = arith.constant 576 : index
        %get3A_941 = tpu.vector_load %arg9[%get3A_939, %get3A_940] {strides = array<i32>} : memref<32x1024xf32, #tpu.memory_space<vmem>>, vector<1x16xf32>,
        %get3A_942 = vector.shape_cast %get3A_941 : vector<1x16xf32> to vector<16xf32>
        %mul3A_943 = arith.mulf %gather3A_914, %get3A_942 : vector<16xf32>
        %add3A_944 = arith.addf %scan3A_861, %mul3A_943 : vector<16xf32>
        %get3A_945 = arith.index_cast %scan3A_856 : i32 to index
        %get3A_946 = arith.constant 592 : index
        %get3A_947 = tpu.vector_load %arg9[%get3A_945, %get3A_946] {strides = array<i32>} : memref<32x1024xf32, #tpu.memory_space<vmem>>, vector<1x16xf32>,
        %get3A_948 = vector.shape_cast %get3A_947 : vector<1x16xf32> to vector<16xf32>
        %mul3A_949 = arith.mulf %gather3A_914, %get3A_948 : vector<16xf32>
        %add3A_950 = arith.addf %scan3A_862, %mul3A_949 : vector<16xf32>
        %get3A_951 = arith.index_cast %scan3A_856 : i32 to index
        %get3A_952 = arith.constant 608 : index
        %get3A_953 = tpu.vector_load %arg9[%get3A_951, %get3A_952] {strides = array<i32>} : memref<32x1024xf32, #tpu.memory_space<vmem>>, vector<1x16xf32>,
        %get3A_954 = vector.shape_cast %get3A_953 : vector<1x16xf32> to vector<16xf32>
        %mul3A_955 = arith.mulf %gather3A_914, %get3A_954 : vector<16xf32>
        %add3A_956 = arith.addf %scan3A_863, %mul3A_955 : vector<16xf32>
        %get3A_957 = arith.index_cast %scan3A_856 : i32 to index
        %get3A_958 = arith.constant 624 : index
        %get3A_959 = tpu.vector_load %arg9[%get3A_957, %get3A_958] {strides = array<i32>} : memref<32x1024xf32, #tpu.memory_space<vmem>>, vector<1x16xf32>,
        %get3A_960 = vector.shape_cast %get3A_959 : vector<1x16xf32> to vector<16xf32>
        %mul3A_961 = arith.mulf %gather3A_914, %get3A_960 : vector<16xf32>
        %add3A_962 = arith.addf %scan3A_864, %mul3A_961 : vector<16xf32>
        %get3A_963 = arith.index_cast %scan3A_856 : i32 to index
        %get3A_964 = arith.constant 640 : index
        %get3A_965 = tpu.vector_load %arg9[%get3A_963, %get3A_964] {strides = array<i32>} : memref<32x1024xf32, #tpu.memory_space<vmem>>, vector<1x16xf32>,
        %get3A_966 = vector.shape_cast %get3A_965 : vector<1x16xf32> to vector<16xf32>
        %mul3A_967 = arith.mulf %gather3A_914, %get3A_966 : vector<16xf32>
        %add3A_968 = arith.addf %scan3A_865, %mul3A_967 : vector<16xf32>
        %get3A_969 = arith.index_cast %scan3A_856 : i32 to index
        %get3A_970 = arith.constant 656 : index
        %get3A_971 = tpu.vector_load %arg9[%get3A_969, %get3A_970] {strides = array<i32>} : memref<32x1024xf32, #tpu.memory_space<vmem>>, vector<1x16xf32>,
        %get3A_972 = vector.shape_cast %get3A_971 : vector<1x16xf32> to vector<16xf32>
        %mul3A_973 = arith.mulf %gather3A_914, %get3A_972 : vector<16xf32>
        %add3A_974 = arith.addf %scan3A_866, %mul3A_973 : vector<16xf32>
        %get3A_975 = arith.index_cast %scan3A_856 : i32 to index
        %get3A_976 = arith.constant 672 : index
        %get3A_977 = tpu.vector_load %arg9[%get3A_975, %get3A_976] {strides = array<i32>} : memref<32x1024xf32, #tpu.memory_space<vmem>>, vector<1x16xf32>,
        %get3A_978 = vector.shape_cast %get3A_977 : vector<1x16xf32> to vector<16xf32>
        %mul3A_979 = arith.mulf %gather3A_914, %get3A_978 : vector<16xf32>
        %add3A_980 = arith.addf %scan3A_867, %mul3A_979 : vector<16xf32>
        %get3A_981 = arith.index_cast %scan3A_856 : i32 to index
        %get3A_982 = arith.constant 688 : index
        %get3A_983 = tpu.vector_load %arg9[%get3A_981, %get3A_982] {strides = array<i32>} : memref<32x1024xf32, #tpu.memory_space<vmem>>, vector<1x16xf32>,
        %get3A_984 = vector.shape_cast %get3A_983 : vector<1x16xf32> to vector<16xf32>
        %mul3A_985 = arith.mulf %gather3A_914, %get3A_984 : vector<16xf32>
        %add3A_986 = arith.addf %scan3A_868, %mul3A_985 : vector<16xf32>
        %get3A_987 = arith.index_cast %scan3A_856 : i32 to index
        %get3A_988 = arith.constant 704 : index
        %get3A_989 = tpu.vector_load %arg9[%get3A_987, %get3A_988] {strides = array<i32>} : memref<32x1024xf32, #tpu.memory_space<vmem>>, vector<1x16xf32>,
        %get3A_990 = vector.shape_cast %get3A_989 : vector<1x16xf32> to vector<16xf32>
        %mul3A_991 = arith.mulf %gather3A_914, %get3A_990 : vector<16xf32>
        %add3A_992 = arith.addf %scan3A_869, %mul3A_991 : vector<16xf32>
        %get3A_993 = arith.index_cast %scan3A_856 : i32 to index
        %get3A_994 = arith.constant 720 : index
        %get3A_995 = tpu.vector_load %arg9[%get3A_993, %get3A_994] {strides = array<i32>} : memref<32x1024xf32, #tpu.memory_space<vmem>>, vector<1x16xf32>,
        %get3A_996 = vector.shape_cast %get3A_995 : vector<1x16xf32> to vector<16xf32>
        %mul3A_997 = arith.mulf %gather3A_914, %get3A_996 : vector<16xf32>
        %add3A_998 = arith.addf %scan3A_870, %mul3A_997 : vector<16xf32>
        %get3A_999 = arith.index_cast %scan3A_856 : i32 to index
        %get3A_1000 = arith.constant 736 : index
        %get3A_1001 = tpu.vector_load %arg9[%get3A_999, %get3A_1000] {strides = array<i32>} : memref<32x1024xf32, #tpu.memory_space<vmem>>, vector<1x16xf32>,
        %get3A_1002 = vector.shape_cast %get3A_1001 : vector<1x16xf32> to vector<16xf32>
        %mul3A_1003 = arith.mulf %gather3A_914, %get3A_1002 : vector<16xf32>
        %add3A_1004 = arith.addf %scan3A_871, %mul3A_1003 : vector<16xf32>
        %get3A_1005 = arith.index_cast %scan3A_856 : i32 to index
        %get3A_1006 = arith.constant 752 : index
        %get3A_1007 = tpu.vector_load %arg9[%get3A_1005, %get3A_1006] {strides = array<i32>} : memref<32x1024xf32, #tpu.memory_space<vmem>>, vector<1x16xf32>,
        %get3A_1008 = vector.shape_cast %get3A_1007 : vector<1x16xf32> to vector<16xf32>
        %mul3A_1009 = arith.mulf %gather3A_914, %get3A_1008 : vector<16xf32>
        %add3A_1010 = arith.addf %scan3A_872, %mul3A_1009 : vector<16xf32>
        scf.yield %add3A_920, %add3A_926, %add3A_932, %add3A_938, %add3A_944, %add3A_950, %add3A_956, %add3A_962, %add3A_968, %add3A_974, %add3A_980, %add3A_986, %add3A_992, %add3A_998, %add3A_1004, %add3A_1010 : vector<16xf32>, vector<16xf32>, vector<16xf32>, vector<16xf32>, vector<16xf32>, vector<16xf32>, vector<16xf32>, vector<16xf32>, vector<16xf32>, vector<16xf32>, vector<16xf32>, vector<16xf32>, vector<16xf32>, vector<16xf32>, vector<16xf32>, vector<16xf32>
      }
      %scan3A_683 = arith.constant 32 : i32
      %swap3A_684 = arith.constant 512 : index
      %swap3A_685 = tpu.vector_load %arg10[%swap3A_684] {strides = array<i32>} : memref<1024xf32, #tpu.memory_space<vmem>>, vector<16xf32>,
      %swap3A_686 = vector.shape_cast %swap3A_685 : vector<16xf32> to vector<16xf32>
      %swap3A_687 = vector.shape_cast %scan3A_682#0 : vector<16xf32> to vector<16xf32>
      tpu.vector_store %arg10[%swap3A_684], %swap3A_687 {add = true, strides = array<i32>} : memref<1024xf32, #tpu.memory_space<vmem>>, vector<16xf32>,
      %swap3A_688 = arith.constant 528 : index
      %swap3A_689 = tpu.vector_load %arg10[%swap3A_688] {strides = array<i32>} : memref<1024xf32, #tpu.memory_space<vmem>>, vector<16xf32>,
      %swap3A_690 = vector.shape_cast %swap3A_689 : vector<16xf32> to vector<16xf32>
      %swap3A_691 = vector.shape_cast %scan3A_682#1 : vector<16xf32> to vector<16xf32>
      tpu.vector_store %arg10[%swap3A_688], %swap3A_691 {add = true, strides = array<i32>} : memref<1024xf32, #tpu.memory_space<vmem>>, vector<16xf32>,
      %swap3A_692 = arith.constant 544 : index
      %swap3A_693 = tpu.vector_load %arg10[%swap3A_692] {strides = array<i32>} : memref<1024xf32, #tpu.memory_space<vmem>>, vector<16xf32>,
      %swap3A_694 = vector.shape_cast %swap3A_693 : vector<16xf32> to vector<16xf32>
      %swap3A_695 = vector.shape_cast %scan3A_682#2 : vector<16xf32> to vector<16xf32>
      tpu.vector_store %arg10[%swap3A_692], %swap3A_695 {add = true, strides = array<i32>} : memref<1024xf32, #tpu.memory_space<vmem>>, vector<16xf32>,
      %swap3A_696 = arith.constant 560 : index
      %swap3A_697 = tpu.vector_load %arg10[%swap3A_696] {strides = array<i32>} : memref<1024xf32, #tpu.memory_space<vmem>>, vector<16xf32>,
      %swap3A_698 = vector.shape_cast %swap3A_697 : vector<16xf32> to vector<16xf32>
      %swap3A_699 = vector.shape_cast %scan3A_682#3 : vector<16xf32> to vector<16xf32>
      tpu.vector_store %arg10[%swap3A_696], %swap3A_699 {add = true, strides = array<i32>} : memref<1024xf32, #tpu.memory_space<vmem>>, vector<16xf32>,
      %swap3A_700 = arith.constant 576 : index
      %swap3A_701 = tpu.vector_load %arg10[%swap3A_700] {strides = array<i32>} : memref<1024xf32, #tpu.memory_space<vmem>>, vector<16xf32>,
      %swap3A_702 = vector.shape_cast %swap3A_701 : vector<16xf32> to vector<16xf32>
      %swap3A_703 = vector.shape_cast %scan3A_682#4 : vector<16xf32> to vector<16xf32>
      tpu.vector_store %arg10[%swap3A_700], %swap3A_703 {add = true, strides = array<i32>} : memref<1024xf32, #tpu.memory_space<vmem>>, vector<16xf32>,
      %swap3A_704 = arith.constant 592 : index
      %swap3A_705 = tpu.vector_load %arg10[%swap3A_704] {strides = array<i32>} : memref<1024xf32, #tpu.memory_space<vmem>>, vector<16xf32>,
      %swap3A_706 = vector.shape_cast %swap3A_705 : vector<16xf32> to vector<16xf32>
      %swap3A_707 = vector.shape_cast %scan3A_682#5 : vector<16xf32> to vector<16xf32>
      tpu.vector_store %arg10[%swap3A_704], %swap3A_707 {add = true, strides = array<i32>} : memref<1024xf32, #tpu.memory_space<vmem>>, vector<16xf32>,
      %swap3A_708 = arith.constant 608 : index
      %swap3A_709 = tpu.vector_load %arg10[%swap3A_708] {strides = array<i32>} : memref<1024xf32, #tpu.memory_space<vmem>>, vector<16xf32>,
      %swap3A_710 = vector.shape_cast %swap3A_709 : vector<16xf32> to vector<16xf32>
      %swap3A_711 = vector.shape_cast %scan3A_682#6 : vector<16xf32> to vector<16xf32>
      tpu.vector_store %arg10[%swap3A_708], %swap3A_711 {add = true, strides = array<i32>} : memref<1024xf32, #tpu.memory_space<vmem>>, vector<16xf32>,
      %swap3A_712 = arith.constant 624 : index
      %swap3A_713 = tpu.vector_load %arg10[%swap3A_712] {strides = array<i32>} : memref<1024xf32, #tpu.memory_space<vmem>>, vector<16xf32>,
      %swap3A_714 = vector.shape_cast %swap3A_713 : vector<16xf32> to vector<16xf32>
      %swap3A_715 = vector.shape_cast %scan3A_682#7 : vector<16xf32> to vector<16xf32>
      tpu.vector_store %arg10[%swap3A_712], %swap3A_715 {add = true, strides = array<i32>} : memref<1024xf32, #tpu.memory_space<vmem>>, vector<16xf32>,
      %swap3A_716 = arith.constant 640 : index
      %swap3A_717 = tpu.vector_load %arg10[%swap3A_716] {strides = array<i32>} : memref<1024xf32, #tpu.memory_space<vmem>>, vector<16xf32>,
      %swap3A_718 = vector.shape_cast %swap3A_717 : vector<16xf32> to vector<16xf32>
      %swap3A_719 = vector.shape_cast %scan3A_682#8 : vector<16xf32> to vector<16xf32>
      tpu.vector_store %arg10[%swap3A_716], %swap3A_719 {add = true, strides = array<i32>} : memref<1024xf32, #tpu.memory_space<vmem>>, vector<16xf32>,
      %swap3A_720 = arith.constant 656 : index
      %swap3A_721 = tpu.vector_load %arg10[%swap3A_720] {strides = array<i32>} : memref<1024xf32, #tpu.memory_space<vmem>>, vector<16xf32>,
      %swap3A_722 = vector.shape_cast %swap3A_721 : vector<16xf32> to vector<16xf32>
      %swap3A_723 = vector.shape_cast %scan3A_682#9 : vector<16xf32> to vector<16xf32>
      tpu.vector_store %arg10[%swap3A_720], %swap3A_723 {add = true, strides = array<i32>} : memref<1024xf32, #tpu.memory_space<vmem>>, vector<16xf32>,
      %swap3A_724 = arith.constant 672 : index
      %swap3A_725 = tpu.vector_load %arg10[%swap3A_724] {strides = array<i32>} : memref<1024xf32, #tpu.memory_space<vmem>>, vector<16xf32>,
      %swap3A_726 = vector.shape_cast %swap3A_725 : vector<16xf32> to vector<16xf32>
      %swap3A_727 = vector.shape_cast %scan3A_682#10 : vector<16xf32> to vector<16xf32>
      tpu.vector_store %arg10[%swap3A_724], %swap3A_727 {add = true, strides = array<i32>} : memref<1024xf32, #tpu.memory_space<vmem>>, vector<16xf32>,
      %swap3A_728 = arith.constant 688 : index
      %swap3A_729 = tpu.vector_load %arg10[%swap3A_728] {strides = array<i32>} : memref<1024xf32, #tpu.memory_space<vmem>>, vector<16xf32>,
      %swap3A_730 = vector.shape_cast %swap3A_729 : vector<16xf32> to vector<16xf32>
      %swap3A_731 = vector.shape_cast %scan3A_682#11 : vector<16xf32> to vector<16xf32>
      tpu.vector_store %arg10[%swap3A_728], %swap3A_731 {add = true, strides = array<i32>} : memref<1024xf32, #tpu.memory_space<vmem>>, vector<16xf32>,
      %swap3A_732 = arith.constant 704 : index
      %swap3A_733 = tpu.vector_load %arg10[%swap3A_732] {strides = array<i32>} : memref<1024xf32, #tpu.memory_space<vmem>>, vector<16xf32>,
      %swap3A_734 = vector.shape_cast %swap3A_733 : vector<16xf32> to vector<16xf32>
      %swap3A_735 = vector.shape_cast %scan3A_682#12 : vector<16xf32> to vector<16xf32>
      tpu.vector_store %arg10[%swap3A_732], %swap3A_735 {add = true, strides = array<i32>} : memref<1024xf32, #tpu.memory_space<vmem>>, vector<16xf32>,
      %swap3A_736 = arith.constant 720 : index
      %swap3A_737 = tpu.vector_load %arg10[%swap3A_736] {strides = array<i32>} : memref<1024xf32, #tpu.memory_space<vmem>>, vector<16xf32>,
      %swap3A_738 = vector.shape_cast %swap3A_737 : vector<16xf32> to vector<16xf32>
      %swap3A_739 = vector.shape_cast %scan3A_682#13 : vector<16xf32> to vector<16xf32>
      tpu.vector_store %arg10[%swap3A_736], %swap3A_739 {add = true, strides = array<i32>} : memref<1024xf32, #tpu.memory_space<vmem>>, vector<16xf32>,
      %swap3A_740 = arith.constant 736 : index
      %swap3A_741 = tpu.vector_load %arg10[%swap3A_740] {strides = array<i32>} : memref<1024xf32, #tpu.memory_space<vmem>>, vector<16xf32>,
      %swap3A_742 = vector.shape_cast %swap3A_741 : vector<16xf32> to vector<16xf32>
      %swap3A_743 = vector.shape_cast %scan3A_682#14 : vector<16xf32> to vector<16xf32>
      tpu.vector_store %arg10[%swap3A_740], %swap3A_743 {add = true, strides = array<i32>} : memref<1024xf32, #tpu.memory_space<vmem>>, vector<16xf32>,
      %swap3A_744 = arith.constant 752 : index
      %swap3A_745 = tpu.vector_load %arg10[%swap3A_744] {strides = array<i32>} : memref<1024xf32, #tpu.memory_space<vmem>>, vector<16xf32>,
      %swap3A_746 = vector.shape_cast %swap3A_745 : vector<16xf32> to vector<16xf32>
      %swap3A_747 = vector.shape_cast %scan3A_682#15 : vector<16xf32> to vector<16xf32>
      tpu.vector_store %arg10[%swap3A_744], %swap3A_747 {add = true, strides = array<i32>} : memref<1024xf32, #tpu.memory_space<vmem>>, vector<16xf32>,
      %broadcast_in_dim3A_748 = arith.constant 0.000000e+00 : f32
      %broadcast_in_dim3A_749 = vector.broadcast %broadcast_in_dim3A_748 : f32 to vector<16xf32>
      %broadcast_in_dim3A_750 = arith.constant 0.000000e+00 : f32
      %broadcast_in_dim3A_751 = vector.broadcast %broadcast_in_dim3A_750 : f32 to vector<16xf32>
      %broadcast_in_dim3A_752 = arith.constant 0.000000e+00 : f32
      %broadcast_in_dim3A_753 = vector.broadcast %broadcast_in_dim3A_752 : f32 to vector<16xf32>
      %broadcast_in_dim3A_754 = arith.constant 0.000000e+00 : f32
      %broadcast_in_dim3A_755 = vector.broadcast %broadcast_in_dim3A_754 : f32 to vector<16xf32>
      %broadcast_in_dim3A_756 = arith.constant 0.000000e+00 : f32
      %broadcast_in_dim3A_757 = vector.broadcast %broadcast_in_dim3A_756 : f32 to vector<16xf32>
      %broadcast_in_dim3A_758 = arith.constant 0.000000e+00 : f32
      %broadcast_in_dim3A_759 = vector.broadcast %broadcast_in_dim3A_758 : f32 to vector<16xf32>
      %broadcast_in_dim3A_760 = arith.constant 0.000000e+00 : f32
      %broadcast_in_dim3A_761 = vector.broadcast %broadcast_in_dim3A_760 : f32 to vector<16xf32>
      %broadcast_in_dim3A_762 = arith.constant 0.000000e+00 : f32
      %broadcast_in_dim3A_763 = vector.broadcast %broadcast_in_dim3A_762 : f32 to vector<16xf32>
      %broadcast_in_dim3A_764 = arith.constant 0.000000e+00 : f32
      %broadcast_in_dim3A_765 = vector.broadcast %broadcast_in_dim3A_764 : f32 to vector<16xf32>
      %broadcast_in_dim3A_766 = arith.constant 0.000000e+00 : f32
      %broadcast_in_dim3A_767 = vector.broadcast %broadcast_in_dim3A_766 : f32 to vector<16xf32>
      %broadcast_in_dim3A_768 = arith.constant 0.000000e+00 : f32
      %broadcast_in_dim3A_769 = vector.broadcast %broadcast_in_dim3A_768 : f32 to vector<16xf32>
      %broadcast_in_dim3A_770 = arith.constant 0.000000e+00 : f32
      %broadcast_in_dim3A_771 = vector.broadcast %broadcast_in_dim3A_770 : f32 to vector<16xf32>
      %broadcast_in_dim3A_772 = arith.constant 0.000000e+00 : f32
      %broadcast_in_dim3A_773 = vector.broadcast %broadcast_in_dim3A_772 : f32 to vector<16xf32>
      %broadcast_in_dim3A_774 = arith.constant 0.000000e+00 : f32
      %broadcast_in_dim3A_775 = vector.broadcast %broadcast_in_dim3A_774 : f32 to vector<16xf32>
      %broadcast_in_dim3A_776 = arith.constant 0.000000e+00 : f32
      %broadcast_in_dim3A_777 = vector.broadcast %broadcast_in_dim3A_776 : f32 to vector<16xf32>
      %broadcast_in_dim3A_778 = arith.constant 0.000000e+00 : f32
      %broadcast_in_dim3A_779 = vector.broadcast %broadcast_in_dim3A_778 : f32 to vector<16xf32>
      %scan3A_780 = arith.constant 0 : i32
      %scan3A_781 = arith.constant 32 : i32
      %scan3A_782 = arith.addi %scan3A_780, %scan3A_781 : i32
      %scan3A_783 = arith.constant 1 : i32
      %scan3A_784:16 = scf.for %scan3A_856 = %scan3A_780 to %scan3A_782 step %scan3A_783 iter_args(%scan3A_857 = %broadcast_in_dim3A_749, %scan3A_858 = %broadcast_in_dim3A_751, %scan3A_859 = %broadcast_in_dim3A_753, %scan3A_860 = %broadcast_in_dim3A_755, %scan3A_861 = %broadcast_in_dim3A_757, %scan3A_862 = %broadcast_in_dim3A_759, %scan3A_863 = %broadcast_in_dim3A_761, %scan3A_864 = %broadcast_in_dim3A_763, %scan3A_865 = %broadcast_in_dim3A_765, %scan3A_866 = %broadcast_in_dim3A_767, %scan3A_867 = %broadcast_in_dim3A_769, %scan3A_868 = %broadcast_in_dim3A_771, %scan3A_869 = %broadcast_in_dim3A_773, %scan3A_870 = %broadcast_in_dim3A_775, %scan3A_871 = %broadcast_in_dim3A_777, %scan3A_872 = %broadcast_in_dim3A_779) -> (vector<16xf32>, vector<16xf32>, vector<16xf32>, vector<16xf32>, vector<16xf32>, vector<16xf32>, vector<16xf32>, vector<16xf32>, vector<16xf32>, vector<16xf32>, vector<16xf32>, vector<16xf32>, vector<16xf32>, vector<16xf32>, vector<16xf32>, vector<16xf32>)  : i32 {
        %mul3A_873 = arith.constant 64 : i32
        %mul3A_874 = arith.muli %scan3A_22, %mul3A_873 : i32
        %add3A_875 = arith.constant 32 : i32
        %add3A_876 = arith.addi %mul3A_874, %add3A_875 : i32
        %jit3A = arith.constant 16 : i32
        %div3A = arith.divsi %scan3A_856, %jit3A : i32
        %sign3A = arith.constant 0 : i32
        %sign3A_877 = arith.cmpi sgt, %scan3A_856, %sign3A : i32
        %sign3A_878 = arith.extui %sign3A_877 : i1 to i32
        %sign3A_879 = arith.constant 0 : i32
        %sign3A_880 = arith.cmpi slt, %scan3A_856, %sign3A_879 : i32
        %sign3A_881 = arith.extui %sign3A_880 : i1 to i32
        %sign3A_882 = arith.subi %sign3A_878, %sign3A_881 : i32
        %sign3A_883 = arith.constant 0 : i32
        %sign3A_884 = arith.cmpi sgt, %jit3A, %sign3A_883 : i32
        %sign3A_885 = arith.extui %sign3A_884 : i1 to i32
        %sign3A_886 = arith.constant 0 : i32
        %sign3A_887 = arith.cmpi slt, %jit3A, %sign3A_886 : i32
        %sign3A_888 = arith.extui %sign3A_887 : i1 to i32
        %sign3A_889 = arith.subi %sign3A_885, %sign3A_888 : i32
        %ne3A = arith.cmpi ne, %sign3A_882, %sign3A_889 : i32
        %rem3A = arith.remsi %scan3A_856, %jit3A : i32
        %ne3A_890 = arith.constant 0 : i32
        %ne3A_891 = arith.cmpi ne, %rem3A, %ne3A_890 : i32
        %and3A = arith.andi %ne3A, %ne3A_891 : i1
        %sub3A = arith.constant 1 : i32
        %sub3A_892 = arith.subi %div3A, %sub3A : i32
        %select_n3A = arith.select %and3A, %sub3A_892, %div3A : i32
        %mul3A_893 = arith.constant 16 : i32
        %mul3A_894 = arith.muli %select_n3A, %mul3A_893 : i32
        %add3A_895 = arith.addi %add3A_876, %mul3A_894 : i32
        %get3A = arith.index_cast %add3A_895 : i32 to index
        %get3A_896 = tpu.vector_load %arg7[%get3A] {strides = array<i32>} : memref<4096xf32, #tpu.memory_space<vmem>>, vector<16xf32>,
        %get3A_897 = vector.shape_cast %get3A_896 : vector<16xf32> to vector<16xf32>
        %jit3A_898 = arith.constant 16 : i32
        %eq3A = arith.constant 0 : i32
        %eq3A_899 = arith.cmpi eq, %jit3A_898, %eq3A : i32
        %jit3A_900 = arith.constant 1 : i32
        %select_n3A_901 = arith.select %eq3A_899, %jit3A_900, %jit3A_898 : i32
        %rem3A_902 = arith.remsi %scan3A_856, %select_n3A_901 : i32
        %ne3A_903 = arith.constant 0 : i32
        %ne3A_904 = arith.cmpi ne, %rem3A_902, %ne3A_903 : i32
        %lt3A_905 = arith.constant 0 : i32
        %lt3A_906 = arith.cmpi slt, %rem3A_902, %lt3A_905 : i32
        %lt3A_907 = arith.constant 0 : i32
        %lt3A_908 = arith.cmpi slt, %select_n3A_901, %lt3A_907 : i32
        %ne3A_909 = arith.xori %lt3A_906, %lt3A_908 : i1
        %and3A_910 = arith.andi %ne3A_909, %ne3A_904 : i1
        %add3A_911 = arith.addi %rem3A_902, %select_n3A_901 : i32
        %select_n3A_912 = arith.select %and3A_910, %add3A_911, %rem3A_902 : i32
        %broadcast_in_dim3A_913 = vector.broadcast %select_n3A_912 : i32 to vector<16x1xi32>
        %gather3A = vector.shape_cast %broadcast_in_dim3A_913 : vector<16x1xi32> to vector<16xi32>
        %gather3A_914 = tpu.dynamic_gather %get3A_897[%gather3A] in [0] : vector<16xf32>, vector<16xi32> -> vector<16xf32>
        %get3A_915 = arith.index_cast %scan3A_856 : i32 to index
        %get3A_916 = arith.constant 768 : index
        %get3A_917 = tpu.vector_load %arg9[%get3A_915, %get3A_916] {strides = array<i32>} : memref<32x1024xf32, #tpu.memory_space<vmem>>, vector<1x16xf32>,
        %get3A_918 = vector.shape_cast %get3A_917 : vector<1x16xf32> to vector<16xf32>
        %mul3A_919 = arith.mulf %gather3A_914, %get3A_918 : vector<16xf32>
        %add3A_920 = arith.addf %scan3A_857, %mul3A_919 : vector<16xf32>
        %get3A_921 = arith.index_cast %scan3A_856 : i32 to index
        %get3A_922 = arith.constant 784 : index
        %get3A_923 = tpu.vector_load %arg9[%get3A_921, %get3A_922] {strides = array<i32>} : memref<32x1024xf32, #tpu.memory_space<vmem>>, vector<1x16xf32>,
        %get3A_924 = vector.shape_cast %get3A_923 : vector<1x16xf32> to vector<16xf32>
        %mul3A_925 = arith.mulf %gather3A_914, %get3A_924 : vector<16xf32>
        %add3A_926 = arith.addf %scan3A_858, %mul3A_925 : vector<16xf32>
        %get3A_927 = arith.index_cast %scan3A_856 : i32 to index
        %get3A_928 = arith.constant 800 : index
        %get3A_929 = tpu.vector_load %arg9[%get3A_927, %get3A_928] {strides = array<i32>} : memref<32x1024xf32, #tpu.memory_space<vmem>>, vector<1x16xf32>,
        %get3A_930 = vector.shape_cast %get3A_929 : vector<1x16xf32> to vector<16xf32>
        %mul3A_931 = arith.mulf %gather3A_914, %get3A_930 : vector<16xf32>
        %add3A_932 = arith.addf %scan3A_859, %mul3A_931 : vector<16xf32>
        %get3A_933 = arith.index_cast %scan3A_856 : i32 to index
        %get3A_934 = arith.constant 816 : index
        %get3A_935 = tpu.vector_load %arg9[%get3A_933, %get3A_934] {strides = array<i32>} : memref<32x1024xf32, #tpu.memory_space<vmem>>, vector<1x16xf32>,
        %get3A_936 = vector.shape_cast %get3A_935 : vector<1x16xf32> to vector<16xf32>
        %mul3A_937 = arith.mulf %gather3A_914, %get3A_936 : vector<16xf32>
        %add3A_938 = arith.addf %scan3A_860, %mul3A_937 : vector<16xf32>
        %get3A_939 = arith.index_cast %scan3A_856 : i32 to index
        %get3A_940 = arith.constant 832 : index
        %get3A_941 = tpu.vector_load %arg9[%get3A_939, %get3A_940] {strides = array<i32>} : memref<32x1024xf32, #tpu.memory_space<vmem>>, vector<1x16xf32>,
        %get3A_942 = vector.shape_cast %get3A_941 : vector<1x16xf32> to vector<16xf32>
        %mul3A_943 = arith.mulf %gather3A_914, %get3A_942 : vector<16xf32>
        %add3A_944 = arith.addf %scan3A_861, %mul3A_943 : vector<16xf32>
        %get3A_945 = arith.index_cast %scan3A_856 : i32 to index
        %get3A_946 = arith.constant 848 : index
        %get3A_947 = tpu.vector_load %arg9[%get3A_945, %get3A_946] {strides = array<i32>} : memref<32x1024xf32, #tpu.memory_space<vmem>>, vector<1x16xf32>,
        %get3A_948 = vector.shape_cast %get3A_947 : vector<1x16xf32> to vector<16xf32>
        %mul3A_949 = arith.mulf %gather3A_914, %get3A_948 : vector<16xf32>
        %add3A_950 = arith.addf %scan3A_862, %mul3A_949 : vector<16xf32>
        %get3A_951 = arith.index_cast %scan3A_856 : i32 to index
        %get3A_952 = arith.constant 864 : index
        %get3A_953 = tpu.vector_load %arg9[%get3A_951, %get3A_952] {strides = array<i32>} : memref<32x1024xf32, #tpu.memory_space<vmem>>, vector<1x16xf32>,
        %get3A_954 = vector.shape_cast %get3A_953 : vector<1x16xf32> to vector<16xf32>
        %mul3A_955 = arith.mulf %gather3A_914, %get3A_954 : vector<16xf32>
        %add3A_956 = arith.addf %scan3A_863, %mul3A_955 : vector<16xf32>
        %get3A_957 = arith.index_cast %scan3A_856 : i32 to index
        %get3A_958 = arith.constant 880 : index
        %get3A_959 = tpu.vector_load %arg9[%get3A_957, %get3A_958] {strides = array<i32>} : memref<32x1024xf32, #tpu.memory_space<vmem>>, vector<1x16xf32>,
        %get3A_960 = vector.shape_cast %get3A_959 : vector<1x16xf32> to vector<16xf32>
        %mul3A_961 = arith.mulf %gather3A_914, %get3A_960 : vector<16xf32>
        %add3A_962 = arith.addf %scan3A_864, %mul3A_961 : vector<16xf32>
        %get3A_963 = arith.index_cast %scan3A_856 : i32 to index
        %get3A_964 = arith.constant 896 : index
        %get3A_965 = tpu.vector_load %arg9[%get3A_963, %get3A_964] {strides = array<i32>} : memref<32x1024xf32, #tpu.memory_space<vmem>>, vector<1x16xf32>,
        %get3A_966 = vector.shape_cast %get3A_965 : vector<1x16xf32> to vector<16xf32>
        %mul3A_967 = arith.mulf %gather3A_914, %get3A_966 : vector<16xf32>
        %add3A_968 = arith.addf %scan3A_865, %mul3A_967 : vector<16xf32>
        %get3A_969 = arith.index_cast %scan3A_856 : i32 to index
        %get3A_970 = arith.constant 912 : index
        %get3A_971 = tpu.vector_load %arg9[%get3A_969, %get3A_970] {strides = array<i32>} : memref<32x1024xf32, #tpu.memory_space<vmem>>, vector<1x16xf32>,
        %get3A_972 = vector.shape_cast %get3A_971 : vector<1x16xf32> to vector<16xf32>
        %mul3A_973 = arith.mulf %gather3A_914, %get3A_972 : vector<16xf32>
        %add3A_974 = arith.addf %scan3A_866, %mul3A_973 : vector<16xf32>
        %get3A_975 = arith.index_cast %scan3A_856 : i32 to index
        %get3A_976 = arith.constant 928 : index
        %get3A_977 = tpu.vector_load %arg9[%get3A_975, %get3A_976] {strides = array<i32>} : memref<32x1024xf32, #tpu.memory_space<vmem>>, vector<1x16xf32>,
        %get3A_978 = vector.shape_cast %get3A_977 : vector<1x16xf32> to vector<16xf32>
        %mul3A_979 = arith.mulf %gather3A_914, %get3A_978 : vector<16xf32>
        %add3A_980 = arith.addf %scan3A_867, %mul3A_979 : vector<16xf32>
        %get3A_981 = arith.index_cast %scan3A_856 : i32 to index
        %get3A_982 = arith.constant 944 : index
        %get3A_983 = tpu.vector_load %arg9[%get3A_981, %get3A_982] {strides = array<i32>} : memref<32x1024xf32, #tpu.memory_space<vmem>>, vector<1x16xf32>,
        %get3A_984 = vector.shape_cast %get3A_983 : vector<1x16xf32> to vector<16xf32>
        %mul3A_985 = arith.mulf %gather3A_914, %get3A_984 : vector<16xf32>
        %add3A_986 = arith.addf %scan3A_868, %mul3A_985 : vector<16xf32>
        %get3A_987 = arith.index_cast %scan3A_856 : i32 to index
        %get3A_988 = arith.constant 960 : index
        %get3A_989 = tpu.vector_load %arg9[%get3A_987, %get3A_988] {strides = array<i32>} : memref<32x1024xf32, #tpu.memory_space<vmem>>, vector<1x16xf32>,
        %get3A_990 = vector.shape_cast %get3A_989 : vector<1x16xf32> to vector<16xf32>
        %mul3A_991 = arith.mulf %gather3A_914, %get3A_990 : vector<16xf32>
        %add3A_992 = arith.addf %scan3A_869, %mul3A_991 : vector<16xf32>
        %get3A_993 = arith.index_cast %scan3A_856 : i32 to index
        %get3A_994 = arith.constant 976 : index
        %get3A_995 = tpu.vector_load %arg9[%get3A_993, %get3A_994] {strides = array<i32>} : memref<32x1024xf32, #tpu.memory_space<vmem>>, vector<1x16xf32>,
        %get3A_996 = vector.shape_cast %get3A_995 : vector<1x16xf32> to vector<16xf32>
        %mul3A_997 = arith.mulf %gather3A_914, %get3A_996 : vector<16xf32>
        %add3A_998 = arith.addf %scan3A_870, %mul3A_997 : vector<16xf32>
        %get3A_999 = arith.index_cast %scan3A_856 : i32 to index
        %get3A_1000 = arith.constant 992 : index
        %get3A_1001 = tpu.vector_load %arg9[%get3A_999, %get3A_1000] {strides = array<i32>} : memref<32x1024xf32, #tpu.memory_space<vmem>>, vector<1x16xf32>,
        %get3A_1002 = vector.shape_cast %get3A_1001 : vector<1x16xf32> to vector<16xf32>
        %mul3A_1003 = arith.mulf %gather3A_914, %get3A_1002 : vector<16xf32>
        %add3A_1004 = arith.addf %scan3A_871, %mul3A_1003 : vector<16xf32>
        %get3A_1005 = arith.index_cast %scan3A_856 : i32 to index
        %get3A_1006 = arith.constant 1008 : index
        %get3A_1007 = tpu.vector_load %arg9[%get3A_1005, %get3A_1006] {strides = array<i32>} : memref<32x1024xf32, #tpu.memory_space<vmem>>, vector<1x16xf32>,
        %get3A_1008 = vector.shape_cast %get3A_1007 : vector<1x16xf32> to vector<16xf32>
        %mul3A_1009 = arith.mulf %gather3A_914, %get3A_1008 : vector<16xf32>
        %add3A_1010 = arith.addf %scan3A_872, %mul3A_1009 : vector<16xf32>
        scf.yield %add3A_920, %add3A_926, %add3A_932, %add3A_938, %add3A_944, %add3A_950, %add3A_956, %add3A_962, %add3A_968, %add3A_974, %add3A_980, %add3A_986, %add3A_992, %add3A_998, %add3A_1004, %add3A_1010 : vector<16xf32>, vector<16xf32>, vector<16xf32>, vector<16xf32>, vector<16xf32>, vector<16xf32>, vector<16xf32>, vector<16xf32>, vector<16xf32>, vector<16xf32>, vector<16xf32>, vector<16xf32>, vector<16xf32>, vector<16xf32>, vector<16xf32>, vector<16xf32>
      }
      %scan3A_785 = arith.constant 32 : i32
      %swap3A_786 = arith.constant 768 : index
      %swap3A_787 = tpu.vector_load %arg10[%swap3A_786] {strides = array<i32>} : memref<1024xf32, #tpu.memory_space<vmem>>, vector<16xf32>,
      %swap3A_788 = vector.shape_cast %swap3A_787 : vector<16xf32> to vector<16xf32>
      %swap3A_789 = vector.shape_cast %scan3A_784#0 : vector<16xf32> to vector<16xf32>
      tpu.vector_store %arg10[%swap3A_786], %swap3A_789 {add = true, strides = array<i32>} : memref<1024xf32, #tpu.memory_space<vmem>>, vector<16xf32>,
      %swap3A_790 = arith.constant 784 : index
      %swap3A_791 = tpu.vector_load %arg10[%swap3A_790] {strides = array<i32>} : memref<1024xf32, #tpu.memory_space<vmem>>, vector<16xf32>,
      %swap3A_792 = vector.shape_cast %swap3A_791 : vector<16xf32> to vector<16xf32>
      %swap3A_793 = vector.shape_cast %scan3A_784#1 : vector<16xf32> to vector<16xf32>
      tpu.vector_store %arg10[%swap3A_790], %swap3A_793 {add = true, strides = array<i32>} : memref<1024xf32, #tpu.memory_space<vmem>>, vector<16xf32>,
      %swap3A_794 = arith.constant 800 : index
      %swap3A_795 = tpu.vector_load %arg10[%swap3A_794] {strides = array<i32>} : memref<1024xf32, #tpu.memory_space<vmem>>, vector<16xf32>,
      %swap3A_796 = vector.shape_cast %swap3A_795 : vector<16xf32> to vector<16xf32>
      %swap3A_797 = vector.shape_cast %scan3A_784#2 : vector<16xf32> to vector<16xf32>
      tpu.vector_store %arg10[%swap3A_794], %swap3A_797 {add = true, strides = array<i32>} : memref<1024xf32, #tpu.memory_space<vmem>>, vector<16xf32>,
      %swap3A_798 = arith.constant 816 : index
      %swap3A_799 = tpu.vector_load %arg10[%swap3A_798] {strides = array<i32>} : memref<1024xf32, #tpu.memory_space<vmem>>, vector<16xf32>,
      %swap3A_800 = vector.shape_cast %swap3A_799 : vector<16xf32> to vector<16xf32>
      %swap3A_801 = vector.shape_cast %scan3A_784#3 : vector<16xf32> to vector<16xf32>
      tpu.vector_store %arg10[%swap3A_798], %swap3A_801 {add = true, strides = array<i32>} : memref<1024xf32, #tpu.memory_space<vmem>>, vector<16xf32>,
      %swap3A_802 = arith.constant 832 : index
      %swap3A_803 = tpu.vector_load %arg10[%swap3A_802] {strides = array<i32>} : memref<1024xf32, #tpu.memory_space<vmem>>, vector<16xf32>,
      %swap3A_804 = vector.shape_cast %swap3A_803 : vector<16xf32> to vector<16xf32>
      %swap3A_805 = vector.shape_cast %scan3A_784#4 : vector<16xf32> to vector<16xf32>
      tpu.vector_store %arg10[%swap3A_802], %swap3A_805 {add = true, strides = array<i32>} : memref<1024xf32, #tpu.memory_space<vmem>>, vector<16xf32>,
      %swap3A_806 = arith.constant 848 : index
      %swap3A_807 = tpu.vector_load %arg10[%swap3A_806] {strides = array<i32>} : memref<1024xf32, #tpu.memory_space<vmem>>, vector<16xf32>,
      %swap3A_808 = vector.shape_cast %swap3A_807 : vector<16xf32> to vector<16xf32>
      %swap3A_809 = vector.shape_cast %scan3A_784#5 : vector<16xf32> to vector<16xf32>
      tpu.vector_store %arg10[%swap3A_806], %swap3A_809 {add = true, strides = array<i32>} : memref<1024xf32, #tpu.memory_space<vmem>>, vector<16xf32>,
      %swap3A_810 = arith.constant 864 : index
      %swap3A_811 = tpu.vector_load %arg10[%swap3A_810] {strides = array<i32>} : memref<1024xf32, #tpu.memory_space<vmem>>, vector<16xf32>,
      %swap3A_812 = vector.shape_cast %swap3A_811 : vector<16xf32> to vector<16xf32>
      %swap3A_813 = vector.shape_cast %scan3A_784#6 : vector<16xf32> to vector<16xf32>
      tpu.vector_store %arg10[%swap3A_810], %swap3A_813 {add = true, strides = array<i32>} : memref<1024xf32, #tpu.memory_space<vmem>>, vector<16xf32>,
      %swap3A_814 = arith.constant 880 : index
      %swap3A_815 = tpu.vector_load %arg10[%swap3A_814] {strides = array<i32>} : memref<1024xf32, #tpu.memory_space<vmem>>, vector<16xf32>,
      %swap3A_816 = vector.shape_cast %swap3A_815 : vector<16xf32> to vector<16xf32>
      %swap3A_817 = vector.shape_cast %scan3A_784#7 : vector<16xf32> to vector<16xf32>
      tpu.vector_store %arg10[%swap3A_814], %swap3A_817 {add = true, strides = array<i32>} : memref<1024xf32, #tpu.memory_space<vmem>>, vector<16xf32>,
      %swap3A_818 = arith.constant 896 : index
      %swap3A_819 = tpu.vector_load %arg10[%swap3A_818] {strides = array<i32>} : memref<1024xf32, #tpu.memory_space<vmem>>, vector<16xf32>,
      %swap3A_820 = vector.shape_cast %swap3A_819 : vector<16xf32> to vector<16xf32>
      %swap3A_821 = vector.shape_cast %scan3A_784#8 : vector<16xf32> to vector<16xf32>
      tpu.vector_store %arg10[%swap3A_818], %swap3A_821 {add = true, strides = array<i32>} : memref<1024xf32, #tpu.memory_space<vmem>>, vector<16xf32>,
      %swap3A_822 = arith.constant 912 : index
      %swap3A_823 = tpu.vector_load %arg10[%swap3A_822] {strides = array<i32>} : memref<1024xf32, #tpu.memory_space<vmem>>, vector<16xf32>,
      %swap3A_824 = vector.shape_cast %swap3A_823 : vector<16xf32> to vector<16xf32>
      %swap3A_825 = vector.shape_cast %scan3A_784#9 : vector<16xf32> to vector<16xf32>
      tpu.vector_store %arg10[%swap3A_822], %swap3A_825 {add = true, strides = array<i32>} : memref<1024xf32, #tpu.memory_space<vmem>>, vector<16xf32>,
      %swap3A_826 = arith.constant 928 : index
      %swap3A_827 = tpu.vector_load %arg10[%swap3A_826] {strides = array<i32>} : memref<1024xf32, #tpu.memory_space<vmem>>, vector<16xf32>,
      %swap3A_828 = vector.shape_cast %swap3A_827 : vector<16xf32> to vector<16xf32>
      %swap3A_829 = vector.shape_cast %scan3A_784#10 : vector<16xf32> to vector<16xf32>
      tpu.vector_store %arg10[%swap3A_826], %swap3A_829 {add = true, strides = array<i32>} : memref<1024xf32, #tpu.memory_space<vmem>>, vector<16xf32>,
      %swap3A_830 = arith.constant 944 : index
      %swap3A_831 = tpu.vector_load %arg10[%swap3A_830] {strides = array<i32>} : memref<1024xf32, #tpu.memory_space<vmem>>, vector<16xf32>,
      %swap3A_832 = vector.shape_cast %swap3A_831 : vector<16xf32> to vector<16xf32>
      %swap3A_833 = vector.shape_cast %scan3A_784#11 : vector<16xf32> to vector<16xf32>
      tpu.vector_store %arg10[%swap3A_830], %swap3A_833 {add = true, strides = array<i32>} : memref<1024xf32, #tpu.memory_space<vmem>>, vector<16xf32>,
      %swap3A_834 = arith.constant 960 : index
      %swap3A_835 = tpu.vector_load %arg10[%swap3A_834] {strides = array<i32>} : memref<1024xf32, #tpu.memory_space<vmem>>, vector<16xf32>,
      %swap3A_836 = vector.shape_cast %swap3A_835 : vector<16xf32> to vector<16xf32>
      %swap3A_837 = vector.shape_cast %scan3A_784#12 : vector<16xf32> to vector<16xf32>
      tpu.vector_store %arg10[%swap3A_834], %swap3A_837 {add = true, strides = array<i32>} : memref<1024xf32, #tpu.memory_space<vmem>>, vector<16xf32>,
      %swap3A_838 = arith.constant 976 : index
      %swap3A_839 = tpu.vector_load %arg10[%swap3A_838] {strides = array<i32>} : memref<1024xf32, #tpu.memory_space<vmem>>, vector<16xf32>,
      %swap3A_840 = vector.shape_cast %swap3A_839 : vector<16xf32> to vector<16xf32>
      %swap3A_841 = vector.shape_cast %scan3A_784#13 : vector<16xf32> to vector<16xf32>
      tpu.vector_store %arg10[%swap3A_838], %swap3A_841 {add = true, strides = array<i32>} : memref<1024xf32, #tpu.memory_space<vmem>>, vector<16xf32>,
      %swap3A_842 = arith.constant 992 : index
      %swap3A_843 = tpu.vector_load %arg10[%swap3A_842] {strides = array<i32>} : memref<1024xf32, #tpu.memory_space<vmem>>, vector<16xf32>,
      %swap3A_844 = vector.shape_cast %swap3A_843 : vector<16xf32> to vector<16xf32>
      %swap3A_845 = vector.shape_cast %scan3A_784#14 : vector<16xf32> to vector<16xf32>
      tpu.vector_store %arg10[%swap3A_842], %swap3A_845 {add = true, strides = array<i32>} : memref<1024xf32, #tpu.memory_space<vmem>>, vector<16xf32>,
      %swap3A_846 = arith.constant 1008 : index
      %swap3A_847 = tpu.vector_load %arg10[%swap3A_846] {strides = array<i32>} : memref<1024xf32, #tpu.memory_space<vmem>>, vector<16xf32>,
      %swap3A_848 = vector.shape_cast %swap3A_847 : vector<16xf32> to vector<16xf32>
      %swap3A_849 = vector.shape_cast %scan3A_784#15 : vector<16xf32> to vector<16xf32>
      tpu.vector_store %arg10[%swap3A_846], %swap3A_849 {add = true, strides = array<i32>} : memref<1024xf32, #tpu.memory_space<vmem>>, vector<16xf32>,
      %lt3A_850 = arith.constant 63 : i32
      %lt3A_851 = arith.cmpi slt, %scan3A_22, %lt3A_850 : i32
      %convert_element_type3A_852 = arith.extui %lt3A_851 : i1 to i32
      %cond3A_853 = arith.constant 0 : i32
      %cond3A_854 = arith.cmpi ne, %convert_element_type3A_852, %cond3A_853 : i32
      scf.if %cond3A_854 {
        %add3A_856 = arith.constant 1 : i32
        %add3A_857 = arith.addi %scan3A_22, %add3A_856 : i32
        %dma_start3A_858 = arith.constant 32 : i32
        %dma_start3A_859 = tpu.memref_slice %arg6[%add3A_857, %dma_start3A_858] : memref<64x64xi32, #tpu.memory_space<vmem>> -> memref<1x32xi32, #tpu.memory_space<vmem>>
        %dma_start3A_860 = tpu.memref_squeeze %dma_start3A_859 : memref<1x32xi32, #tpu.memory_space<vmem>> -> memref<32xi32, #tpu.memory_space<vmem>>
        %dma_start3A_861 = arith.constant 0 : i32
        %dma_start3A_862 = arith.constant 0 : i32
        %dma_start3A_863 = tpu.memref_slice %arg2[%dma_start3A_861, %dma_start3A_862] : memref<65536x1024xf32, #tpu.memory_space<hbm>> -> memref<65536x1024xf32, #tpu.memory_space<hbm>>
        tpu.enqueue_indirect_dma source(%dma_start3A_863 : memref<65536x1024xf32, #tpu.memory_space<hbm>>) target(%arg9 : memref<32x1024xf32, #tpu.memory_space<vmem>>) offsets(%dma_start3A_860 : memref<32xi32, #tpu.memory_space<vmem>>) semaphore(%arg12 : memref<!tpu.dma_semaphore, #tpu.memory_space<semaphore_mem>>)
      } else {
      }
      %add3A_855 = arith.addi %mul3A_2, %scan3A_22 : i32
      "tpu.region"() ({
        %run_scoped3A = tpu.sem_alloc : memref<!tpu.dma_semaphore, #tpu.memory_space<semaphore_mem>>
        %dma_start3A_856 = arith.constant 0 : i32
        %dma_start3A_857 = tpu.memref_slice %arg5[%add3A_855, %dma_start3A_856] : memref<2048x1024xf32, #tpu.memory_space<hbm>> -> memref<1x1024xf32, #tpu.memory_space<hbm>>
        %dma_start3A_858 = tpu.memref_squeeze %dma_start3A_857 : memref<1x1024xf32, #tpu.memory_space<hbm>> -> memref<1024xf32, #tpu.memory_space<hbm>>
        %dma_start3A_859 = arith.constant 0 : i32
        %dma_start3A_860 = tpu.memref_slice %arg5[%add3A_855, %dma_start3A_859] : memref<2048x1024xf32, #tpu.memory_space<hbm>> -> memref<1x1024xf32, #tpu.memory_space<hbm>>
        %dma_start3A_861 = tpu.memref_squeeze %dma_start3A_860 : memref<1x1024xf32, #tpu.memory_space<hbm>> -> memref<1024xf32, #tpu.memory_space<hbm>>
        tpu.enqueue_dma source(%arg10 : memref<1024xf32, #tpu.memory_space<vmem>>) target(%dma_start3A_861 : memref<1024xf32, #tpu.memory_space<hbm>>) target_semaphore(%run_scoped3A : memref<!tpu.dma_semaphore, #tpu.memory_space<semaphore_mem>>)
        %dma_wait3A_862 = arith.constant 0 : i32
        %dma_wait3A_863 = tpu.memref_slice %arg5[%add3A_855, %dma_wait3A_862] : memref<2048x1024xf32, #tpu.memory_space<hbm>> -> memref<1x1024xf32, #tpu.memory_space<hbm>>
        %dma_wait3A_864 = tpu.memref_squeeze %dma_wait3A_863 : memref<1x1024xf32, #tpu.memory_space<hbm>> -> memref<1024xf32, #tpu.memory_space<hbm>>
        %dma_wait3A_865 = arith.constant 0 : i32
        %dma_wait3A_866 = tpu.memref_slice %arg5[%add3A_855, %dma_wait3A_865] : memref<2048x1024xf32, #tpu.memory_space<hbm>> -> memref<1x1024xf32, #tpu.memory_space<hbm>>
        %dma_wait3A_867 = tpu.memref_squeeze %dma_wait3A_866 : memref<1x1024xf32, #tpu.memory_space<hbm>> -> memref<1024xf32, #tpu.memory_space<hbm>>
        tpu.wait_dma2 semaphore(%run_scoped3A : memref<!tpu.dma_semaphore, #tpu.memory_space<semaphore_mem>>) src(%arg10 : memref<1024xf32, #tpu.memory_space<vmem>>) dst(%dma_wait3A_867 : memref<1024xf32, #tpu.memory_space<hbm>>)
        tpu.yield
      }) : () -> ()
    }
    %scan3A_21 = arith.constant 64 : i32
    return
  }
}

module attributes {stable_mosaic.version = 14 : i64} {
  func.func @_proj_body(%arg0: i32, %arg1: memref<256x1024xf32, #tpu.memory_space<vmem>>, %arg2: memref<256x1024xf32, #tpu.memory_space<vmem>>, %arg3: memref<1024x1024xf32, #tpu.memory_space<vmem>>, %arg4: memref<1024xf32, #tpu.memory_space<vmem>>, %arg5: memref<1024x1024xf32, #tpu.memory_space<vmem>>, %arg6: memref<1024xf32, #tpu.memory_space<vmem>>, %arg7: memref<256x1024xf32, #tpu.memory_space<vmem>>) attributes {dimension_semantics = [#tpu.dimension_semantics<arbitrary>], iteration_bounds = array<i64: 8>, scalar_prefetch = 0 : i64, scratch_operands = 0 : i64, tpu.core_type = #tpu.core_type<tc>, window_params = [{transform_indices = @transform_0, window_bounds = array<i64: 256, 1024>}, {transform_indices = @transform_1, window_bounds = array<i64: 256, 1024>}, {pipeline_mode = #tpu.pipeline_mode<synchronous>, transform_indices = @transform_2, window_bounds = array<i64: 1024, 1024>}, {pipeline_mode = #tpu.pipeline_mode<synchronous>, transform_indices = @transform_3, window_bounds = array<i64: 1024>}, {pipeline_mode = #tpu.pipeline_mode<synchronous>, transform_indices = @transform_4, window_bounds = array<i64: 1024, 1024>}, {pipeline_mode = #tpu.pipeline_mode<synchronous>, transform_indices = @transform_5, window_bounds = array<i64: 1024>}, {transform_indices = @transform_6, window_bounds = array<i64: 256, 1024>}]} {
    %get3A = arith.constant 0 : index
    %get3A_0 = arith.constant 0 : index
    %get3A_1 = vector.load %arg2[%get3A, %get3A_0] : memref<256x1024xf32, #tpu.memory_space<vmem>>, vector<256x1024xf32>
    %get3A_2 = arith.constant 0 : index
    %get3A_3 = arith.constant 0 : index
    %get3A_4 = vector.load %arg3[%get3A_2, %get3A_3] : memref<1024x1024xf32, #tpu.memory_space<vmem>>, vector<1024x1024xf32>
    %dot_general3A = arith.constant dense<0.000000e+00> : vector<256x1024xf32>
    %dot_general3A_5 = tpu.matmul %get3A_1, %get3A_4, %dot_general3A {dimension_numbers = #tpu.dot_dimension_numbers<[1], [1], [0], [0], [0, 0, 1, 0], [], []>, transpose_lhs_hint = false} : vector<256x1024xf32>, vector<1024x1024xf32>, vector<256x1024xf32> -> vector<256x1024xf32>
    %get3A_6 = arith.constant 0 : index
    %get3A_7 = vector.load %arg4[%get3A_6] : memref<1024xf32, #tpu.memory_space<vmem>>, vector<1024xf32>
    %broadcast_in_dim3A = vector.shape_cast %get3A_7 : vector<1024xf32> to vector<1x1024xf32>
    %add3A = vector.broadcast %broadcast_in_dim3A : vector<1x1024xf32> to vector<256x1024xf32>
    %add3A_8 = arith.addf %dot_general3A_5, %add3A : vector<256x1024xf32>
    %get3A_9 = arith.constant 0 : index
    %get3A_10 = arith.constant 0 : index
    %get3A_11 = vector.load %arg1[%get3A_9, %get3A_10] : memref<256x1024xf32, #tpu.memory_space<vmem>>, vector<256x1024xf32>
    %logistic3A = arith.negf %add3A_8 : vector<256x1024xf32>
    %logistic3A_12 = math.exp %logistic3A : vector<256x1024xf32>
    %logistic3A_13 = arith.constant 1.000000e+00 : f32
    %logistic3A_14 = vector.broadcast %logistic3A_13 : f32 to vector<256x1024xf32>
    %logistic3A_15 = arith.addf %logistic3A_14, %logistic3A_12 : vector<256x1024xf32>
    %logistic3A_16 = arith.divf %logistic3A_14, %logistic3A_15 : vector<256x1024xf32>
    %mul3A = arith.mulf %add3A_8, %logistic3A_16 : vector<256x1024xf32>
    %mul3A_17 = arith.mulf %get3A_11, %mul3A : vector<256x1024xf32>
    %get3A_18 = arith.constant 0 : index
    %get3A_19 = arith.constant 0 : index
    %get3A_20 = vector.load %arg5[%get3A_18, %get3A_19] : memref<1024x1024xf32, #tpu.memory_space<vmem>>, vector<1024x1024xf32>
    %dot_general3A_21 = arith.constant dense<0.000000e+00> : vector<256x1024xf32>
    %dot_general3A_22 = tpu.matmul %mul3A_17, %get3A_20, %dot_general3A_21 {dimension_numbers = #tpu.dot_dimension_numbers<[1], [1], [0], [0], [0, 0, 1, 0], [], []>, transpose_lhs_hint = false} : vector<256x1024xf32>, vector<1024x1024xf32>, vector<256x1024xf32> -> vector<256x1024xf32>
    %get3A_23 = arith.constant 0 : index
    %get3A_24 = vector.load %arg6[%get3A_23] : memref<1024xf32, #tpu.memory_space<vmem>>, vector<1024xf32>
    %broadcast_in_dim3A_25 = vector.shape_cast %get3A_24 : vector<1024xf32> to vector<1x1024xf32>
    %add3A_26 = vector.broadcast %broadcast_in_dim3A_25 : vector<1x1024xf32> to vector<256x1024xf32>
    %add3A_27 = arith.addf %dot_general3A_22, %add3A_26 : vector<256x1024xf32>
    %swap3A = arith.constant 0 : index
    %swap3A_28 = arith.constant 0 : index
    %swap3A_29 = vector.load %arg7[%swap3A, %swap3A_28] : memref<256x1024xf32, #tpu.memory_space<vmem>>, vector<256x1024xf32>
    tpu.vector_store %arg7[%swap3A, %swap3A_28], %add3A_27 {strides = array<i32>} : memref<256x1024xf32, #tpu.memory_space<vmem>>, vector<256x1024xf32>,
    return
  }
  func.func @transform_0(%arg0: i32) -> (i32, i32) {
    %c0_i32 = arith.constant 0 : i32
    %c0_i32_0 = arith.constant 0 : i32
    return %arg0, %c0_i32 : i32, i32
  }
  func.func @transform_1(%arg0: i32) -> (i32, i32) {
    %c0_i32 = arith.constant 0 : i32
    %c0_i32_0 = arith.constant 0 : i32
    return %arg0, %c0_i32 : i32, i32
  }
  func.func @transform_2(%arg0: i32) -> (i32, i32) {
    %c0_i32 = arith.constant 0 : i32
    %c0_i32_0 = arith.constant 0 : i32
    %c0_i32_1 = arith.constant 0 : i32
    return %c0_i32, %c0_i32_0 : i32, i32
  }
  func.func @transform_3(%arg0: i32) -> i32 {
    %c0_i32 = arith.constant 0 : i32
    %c0_i32_0 = arith.constant 0 : i32
    return %c0_i32 : i32
  }
  func.func @transform_4(%arg0: i32) -> (i32, i32) {
    %c0_i32 = arith.constant 0 : i32
    %c0_i32_0 = arith.constant 0 : i32
    %c0_i32_1 = arith.constant 0 : i32
    return %c0_i32, %c0_i32_0 : i32, i32
  }
  func.func @transform_5(%arg0: i32) -> i32 {
    %c0_i32 = arith.constant 0 : i32
    %c0_i32_0 = arith.constant 0 : i32
    return %c0_i32 : i32
  }
  func.func @transform_6(%arg0: i32) -> (i32, i32) {
    %c0_i32 = arith.constant 0 : i32
    %c0_i32_0 = arith.constant 0 : i32
    return %arg0, %c0_i32 : i32, i32
  }
}

module attributes {stable_mosaic.version = 14 : i64} {
  func.func @_topk_body(%arg0: i32, %arg1: memref<256x1024xf32, #tpu.memory_space<vmem>>, %arg2: memref<4x2x256x256xf32, #tpu.memory_space<vmem>>, %arg3: memref<2048x1024xf32, #tpu.memory_space<vmem>>, %arg4: memref<2048xf32, #tpu.memory_space<vmem>>, %arg5: memref<256x64xi32, #tpu.memory_space<vmem>>, %arg6: memref<256x64xf32, #tpu.memory_space<vmem>>) attributes {dimension_semantics = [#tpu.dimension_semantics<arbitrary>], iteration_bounds = array<i64: 8>, scalar_prefetch = 0 : i64, scratch_operands = 0 : i64, tpu.core_type = #tpu.core_type<tc>, window_params = [{transform_indices = @transform_0, window_bounds = array<i64: 256, 1024>}, {pipeline_mode = #tpu.pipeline_mode<synchronous>, transform_indices = @transform_1, window_bounds = array<i64: 4, 2, 256, 256>}, {pipeline_mode = #tpu.pipeline_mode<synchronous>, transform_indices = @transform_2, window_bounds = array<i64: 2048, 1024>}, {pipeline_mode = #tpu.pipeline_mode<synchronous>, transform_indices = @transform_3, window_bounds = array<i64: 2048>}, {transform_indices = @transform_4, window_bounds = array<i64: 256, 64>}, {transform_indices = @transform_5, window_bounds = array<i64: 256, 64>}]} {
    %get3A = arith.constant 0 : index
    %get3A_0 = arith.constant 0 : index
    %get3A_1 = vector.load %arg1[%get3A, %get3A_0] : memref<256x1024xf32, #tpu.memory_space<vmem>>, vector<256x1024xf32>
    %get3A_2 = arith.constant 0 : index
    %get3A_3 = arith.constant 0 : index
    %get3A_4 = vector.load %arg3[%get3A_2, %get3A_3] : memref<2048x1024xf32, #tpu.memory_space<vmem>>, vector<2048x1024xf32>
    %dot_general3A = arith.constant dense<0.000000e+00> : vector<256x2048xf32>
    %dot_general3A_5 = tpu.matmul %get3A_1, %get3A_4, %dot_general3A {dimension_numbers = #tpu.dot_dimension_numbers<[1], [1], [0], [0], [0, 0, 1, 0], [], []>, transpose_lhs_hint = false} : vector<256x1024xf32>, vector<2048x1024xf32>, vector<256x2048xf32> -> vector<256x2048xf32>
    %get3A_6 = arith.constant 0 : index
    %get3A_7 = vector.load %arg4[%get3A_6] : memref<2048xf32, #tpu.memory_space<vmem>>, vector<2048xf32>
    %broadcast_in_dim3A = vector.shape_cast %get3A_7 : vector<2048xf32> to vector<1x2048xf32>
    %add3A = vector.broadcast %broadcast_in_dim3A : vector<1x2048xf32> to vector<256x2048xf32>
    %add3A_8 = arith.addf %dot_general3A_5, %add3A : vector<256x2048xf32>
    %get3A_9 = arith.constant 0 : index
    %get3A_10 = arith.constant 0 : index
    %get3A_11 = arith.constant 0 : index
    %get3A_12 = arith.constant 0 : index
    %get3A_13 = vector.load %arg2[%get3A_9, %get3A_10, %get3A_11, %get3A_12] : memref<4x2x256x256xf32, #tpu.memory_space<vmem>>, vector<1x1x256x256xf32>
    %get3A_14 = vector.shape_cast %get3A_13 : vector<1x1x256x256xf32> to vector<256x256xf32>
    %slice3A = vector.extract_strided_slice %add3A_8 {offsets = [0, 0], sizes = [256, 256], strides = [1, 1]} : vector<256x2048xf32> to vector<256x256xf32>
    %dot_general3A_15 = arith.constant dense<0.000000e+00> : vector<256x256xf32>
    %dot_general3A_16 = tpu.matmul %get3A_14, %slice3A, %dot_general3A_15 {dimension_numbers = #tpu.dot_dimension_numbers<[1], [1], [0], [0], [0, 0, 1, 0], [], []>, transpose_lhs_hint = false} : vector<256x256xf32>, vector<256x256xf32>, vector<256x256xf32> -> vector<256x256xf32>
    %get3A_17 = arith.constant 1 : index
    %get3A_18 = arith.constant 0 : index
    %get3A_19 = arith.constant 0 : index
    %get3A_20 = arith.constant 0 : index
    %get3A_21 = vector.load %arg2[%get3A_17, %get3A_18, %get3A_19, %get3A_20] : memref<4x2x256x256xf32, #tpu.memory_space<vmem>>, vector<1x1x256x256xf32>
    %get3A_22 = vector.shape_cast %get3A_21 : vector<1x1x256x256xf32> to vector<256x256xf32>
    %slice3A_23 = vector.extract_strided_slice %add3A_8 {offsets = [0, 512], sizes = [256, 256], strides = [1, 1]} : vector<256x2048xf32> to vector<256x256xf32>
    %dot_general3A_24 = arith.constant dense<0.000000e+00> : vector<256x256xf32>
    %dot_general3A_25 = tpu.matmul %get3A_22, %slice3A_23, %dot_general3A_24 {dimension_numbers = #tpu.dot_dimension_numbers<[1], [1], [0], [0], [0, 0, 1, 0], [], []>, transpose_lhs_hint = false} : vector<256x256xf32>, vector<256x256xf32>, vector<256x256xf32> -> vector<256x256xf32>
    %get3A_26 = arith.constant 2 : index
    %get3A_27 = arith.constant 0 : index
    %get3A_28 = arith.constant 0 : index
    %get3A_29 = arith.constant 0 : index
    %get3A_30 = vector.load %arg2[%get3A_26, %get3A_27, %get3A_28, %get3A_29] : memref<4x2x256x256xf32, #tpu.memory_space<vmem>>, vector<1x1x256x256xf32>
    %get3A_31 = vector.shape_cast %get3A_30 : vector<1x1x256x256xf32> to vector<256x256xf32>
    %slice3A_32 = vector.extract_strided_slice %add3A_8 {offsets = [0, 1024], sizes = [256, 256], strides = [1, 1]} : vector<256x2048xf32> to vector<256x256xf32>
    %dot_general3A_33 = arith.constant dense<0.000000e+00> : vector<256x256xf32>
    %dot_general3A_34 = tpu.matmul %get3A_31, %slice3A_32, %dot_general3A_33 {dimension_numbers = #tpu.dot_dimension_numbers<[1], [1], [0], [0], [0, 0, 1, 0], [], []>, transpose_lhs_hint = false} : vector<256x256xf32>, vector<256x256xf32>, vector<256x256xf32> -> vector<256x256xf32>
    %get3A_35 = arith.constant 3 : index
    %get3A_36 = arith.constant 0 : index
    %get3A_37 = arith.constant 0 : index
    %get3A_38 = arith.constant 0 : index
    %get3A_39 = vector.load %arg2[%get3A_35, %get3A_36, %get3A_37, %get3A_38] : memref<4x2x256x256xf32, #tpu.memory_space<vmem>>, vector<1x1x256x256xf32>
    %get3A_40 = vector.shape_cast %get3A_39 : vector<1x1x256x256xf32> to vector<256x256xf32>
    %slice3A_41 = vector.extract_strided_slice %add3A_8 {offsets = [0, 1536], sizes = [256, 256], strides = [1, 1]} : vector<256x2048xf32> to vector<256x256xf32>
    %dot_general3A_42 = arith.constant dense<0.000000e+00> : vector<256x256xf32>
    %dot_general3A_43 = tpu.matmul %get3A_40, %slice3A_41, %dot_general3A_42 {dimension_numbers = #tpu.dot_dimension_numbers<[1], [1], [0], [0], [0, 0, 1, 0], [], []>, transpose_lhs_hint = false} : vector<256x256xf32>, vector<256x256xf32>, vector<256x256xf32> -> vector<256x256xf32>
    %get3A_44 = arith.constant 0 : index
    %get3A_45 = arith.constant 1 : index
    %get3A_46 = arith.constant 0 : index
    %get3A_47 = arith.constant 0 : index
    %get3A_48 = vector.load %arg2[%get3A_44, %get3A_45, %get3A_46, %get3A_47] : memref<4x2x256x256xf32, #tpu.memory_space<vmem>>, vector<1x1x256x256xf32>
    %get3A_49 = vector.shape_cast %get3A_48 : vector<1x1x256x256xf32> to vector<256x256xf32>
    %slice3A_50 = vector.extract_strided_slice %add3A_8 {offsets = [0, 256], sizes = [256, 256], strides = [1, 1]} : vector<256x2048xf32> to vector<256x256xf32>
    %dot_general3A_51 = arith.constant dense<0.000000e+00> : vector<256x256xf32>
    %dot_general3A_52 = tpu.matmul %get3A_49, %slice3A_50, %dot_general3A_51 {dimension_numbers = #tpu.dot_dimension_numbers<[1], [1], [0], [0], [0, 0, 1, 0], [], []>, transpose_lhs_hint = false} : vector<256x256xf32>, vector<256x256xf32>, vector<256x256xf32> -> vector<256x256xf32>
    %get3A_53 = arith.constant 1 : index
    %get3A_54 = arith.constant 1 : index
    %get3A_55 = arith.constant 0 : index
    %get3A_56 = arith.constant 0 : index
    %get3A_57 = vector.load %arg2[%get3A_53, %get3A_54, %get3A_55, %get3A_56] : memref<4x2x256x256xf32, #tpu.memory_space<vmem>>, vector<1x1x256x256xf32>
    %get3A_58 = vector.shape_cast %get3A_57 : vector<1x1x256x256xf32> to vector<256x256xf32>
    %slice3A_59 = vector.extract_strided_slice %add3A_8 {offsets = [0, 768], sizes = [256, 256], strides = [1, 1]} : vector<256x2048xf32> to vector<256x256xf32>
    %dot_general3A_60 = arith.constant dense<0.000000e+00> : vector<256x256xf32>
    %dot_general3A_61 = tpu.matmul %get3A_58, %slice3A_59, %dot_general3A_60 {dimension_numbers = #tpu.dot_dimension_numbers<[1], [1], [0], [0], [0, 0, 1, 0], [], []>, transpose_lhs_hint = false} : vector<256x256xf32>, vector<256x256xf32>, vector<256x256xf32> -> vector<256x256xf32>
    %get3A_62 = arith.constant 2 : index
    %get3A_63 = arith.constant 1 : index
    %get3A_64 = arith.constant 0 : index
    %get3A_65 = arith.constant 0 : index
    %get3A_66 = vector.load %arg2[%get3A_62, %get3A_63, %get3A_64, %get3A_65] : memref<4x2x256x256xf32, #tpu.memory_space<vmem>>, vector<1x1x256x256xf32>
    %get3A_67 = vector.shape_cast %get3A_66 : vector<1x1x256x256xf32> to vector<256x256xf32>
    %slice3A_68 = vector.extract_strided_slice %add3A_8 {offsets = [0, 1280], sizes = [256, 256], strides = [1, 1]} : vector<256x2048xf32> to vector<256x256xf32>
    %dot_general3A_69 = arith.constant dense<0.000000e+00> : vector<256x256xf32>
    %dot_general3A_70 = tpu.matmul %get3A_67, %slice3A_68, %dot_general3A_69 {dimension_numbers = #tpu.dot_dimension_numbers<[1], [1], [0], [0], [0, 0, 1, 0], [], []>, transpose_lhs_hint = false} : vector<256x256xf32>, vector<256x256xf32>, vector<256x256xf32> -> vector<256x256xf32>
    %get3A_71 = arith.constant 3 : index
    %get3A_72 = arith.constant 1 : index
    %get3A_73 = arith.constant 0 : index
    %get3A_74 = arith.constant 0 : index
    %get3A_75 = vector.load %arg2[%get3A_71, %get3A_72, %get3A_73, %get3A_74] : memref<4x2x256x256xf32, #tpu.memory_space<vmem>>, vector<1x1x256x256xf32>
    %get3A_76 = vector.shape_cast %get3A_75 : vector<1x1x256x256xf32> to vector<256x256xf32>
    %slice3A_77 = vector.extract_strided_slice %add3A_8 {offsets = [0, 1792], sizes = [256, 256], strides = [1, 1]} : vector<256x2048xf32> to vector<256x256xf32>
    %dot_general3A_78 = arith.constant dense<0.000000e+00> : vector<256x256xf32>
    %dot_general3A_79 = tpu.matmul %get3A_76, %slice3A_77, %dot_general3A_78 {dimension_numbers = #tpu.dot_dimension_numbers<[1], [1], [0], [0], [0, 0, 1, 0], [], []>, transpose_lhs_hint = false} : vector<256x256xf32>, vector<256x256xf32>, vector<256x256xf32> -> vector<256x256xf32>
    %concatenate3A = tpu.concatenate %dot_general3A_16, %dot_general3A_25, %dot_general3A_34, %dot_general3A_43, %dot_general3A_52, %dot_general3A_61, %dot_general3A_70, %dot_general3A_79 in 1 : vector<256x256xf32>, vector<256x256xf32>, vector<256x256xf32>, vector<256x256xf32>, vector<256x256xf32>, vector<256x256xf32>, vector<256x256xf32>, vector<256x256xf32> -> vector<256x2048xf32>
    %iota3A = tpu.iota {dimensions = array<i32: 0>} : vector<256x2048xi32>
    %iota3A_80 = tpu.iota {dimensions = array<i32: 0>} : vector<16x2048xi32>
    %broadcast_in_dim3A_81 = arith.constant 0.000000e+00 : f32
    %broadcast_in_dim3A_82 = vector.broadcast %broadcast_in_dim3A_81 : f32 to vector<16x2048xf32>
    %broadcast_in_dim3A_83 = arith.constant 0 : i32
    %broadcast_in_dim3A_84 = vector.broadcast %broadcast_in_dim3A_83 : i32 to vector<16x2048xi32>
    %scan3A = arith.constant 0 : i32
    %scan3A_85 = arith.constant 16 : i32
    %scan3A_86 = arith.addi %scan3A, %scan3A_85 : i32
    %scan3A_87 = arith.constant 2 : i32
    %scan3A_88:3 = scf.for %scan3A_297 = %scan3A to %scan3A_86 step %scan3A_87 iter_args(%scan3A_298 = %concatenate3A, %scan3A_299 = %broadcast_in_dim3A_82, %scan3A_300 = %broadcast_in_dim3A_84) -> (vector<256x2048xf32>, vector<16x2048xf32>, vector<16x2048xi32>)  : i32 {
      %reduce_max3A_301 = arith.constant dense<0xFF800000> : vector<2048xf32>
      %reduce_max3A_302 = vector.multi_reduction <maximumf>, %scan3A_298, %reduce_max3A_301 [0] : vector<256x2048xf32> to vector<2048xf32>
      %broadcast_in_dim3A_303 = vector.shape_cast %reduce_max3A_302 : vector<2048xf32> to vector<1x2048xf32>
      %eq3A = vector.broadcast %broadcast_in_dim3A_303 : vector<1x2048xf32> to vector<256x2048xf32>
      %eq3A_304 = arith.cmpf oeq, %scan3A_298, %eq3A : vector<256x2048xf32>
      %jit3A = arith.constant 1073741824 : i32
      %broadcast_in_dim3A_305 = vector.broadcast %jit3A : i32 to vector<256x2048xi32>
      %select_n3A = arith.select %eq3A_304, %iota3A, %broadcast_in_dim3A_305 : vector<256x2048xi1>, vector<256x2048xi32>
      %reduce_min3A = arith.constant dense<2147483647> : vector<2048xi32>
      %reduce_min3A_306 = vector.multi_reduction <minsi>, %select_n3A, %reduce_min3A [0] : vector<256x2048xi32> to vector<2048xi32>
      %broadcast_in_dim3A_307 = vector.shape_cast %reduce_min3A_306 : vector<2048xi32> to vector<1x2048xi32>
      %eq3A_308 = vector.broadcast %broadcast_in_dim3A_307 : vector<1x2048xi32> to vector<256x2048xi32>
      %eq3A_309 = arith.cmpi eq, %iota3A, %eq3A_308 : vector<256x2048xi32>
      %eq3A_310 = vector.broadcast %scan3A_297 : i32 to vector<16x2048xi32>
      %eq3A_311 = arith.cmpi eq, %iota3A_80, %eq3A_310 : vector<16x2048xi32>
      %broadcast_in_dim3A_312 = vector.shape_cast %broadcast_in_dim3A_303 : vector<1x2048xf32> to vector<1x2048xf32>
      %broadcast_in_dim3A_313 = vector.broadcast %broadcast_in_dim3A_312 : vector<1x2048xf32> to vector<16x2048xf32>
      %select_n3A_314 = arith.select %eq3A_311, %broadcast_in_dim3A_313, %scan3A_299 : vector<16x2048xi1>, vector<16x2048xf32>
      %broadcast_in_dim3A_315 = vector.shape_cast %broadcast_in_dim3A_307 : vector<1x2048xi32> to vector<1x2048xi32>
      %broadcast_in_dim3A_316 = vector.broadcast %broadcast_in_dim3A_315 : vector<1x2048xi32> to vector<16x2048xi32>
      %select_n3A_317 = arith.select %eq3A_311, %broadcast_in_dim3A_316, %scan3A_300 : vector<16x2048xi1>, vector<16x2048xi32>
      %jit3A_318 = arith.constant 0xFF800000 : f32
      %broadcast_in_dim3A_319 = vector.broadcast %jit3A_318 : f32 to vector<256x2048xf32>
      %select_n3A_320 = arith.select %eq3A_309, %broadcast_in_dim3A_319, %scan3A_298 : vector<256x2048xi1>, vector<256x2048xf32>
      %scan3A_321 = arith.constant 1 : i32
      %scan3A_322 = arith.addi %scan3A_297, %scan3A_321 : i32
      %reduce_max3A_323 = arith.constant dense<0xFF800000> : vector<2048xf32>
      %reduce_max3A_324 = vector.multi_reduction <maximumf>, %select_n3A_320, %reduce_max3A_323 [0] : vector<256x2048xf32> to vector<2048xf32>
      %broadcast_in_dim3A_325 = vector.shape_cast %reduce_max3A_324 : vector<2048xf32> to vector<1x2048xf32>
      %eq3A_326 = vector.broadcast %broadcast_in_dim3A_325 : vector<1x2048xf32> to vector<256x2048xf32>
      %eq3A_327 = arith.cmpf oeq, %select_n3A_320, %eq3A_326 : vector<256x2048xf32>
      %jit3A_328 = arith.constant 1073741824 : i32
      %broadcast_in_dim3A_329 = vector.broadcast %jit3A_328 : i32 to vector<256x2048xi32>
      %select_n3A_330 = arith.select %eq3A_327, %iota3A, %broadcast_in_dim3A_329 : vector<256x2048xi1>, vector<256x2048xi32>
      %reduce_min3A_331 = arith.constant dense<2147483647> : vector<2048xi32>
      %reduce_min3A_332 = vector.multi_reduction <minsi>, %select_n3A_330, %reduce_min3A_331 [0] : vector<256x2048xi32> to vector<2048xi32>
      %broadcast_in_dim3A_333 = vector.shape_cast %reduce_min3A_332 : vector<2048xi32> to vector<1x2048xi32>
      %eq3A_334 = vector.broadcast %broadcast_in_dim3A_333 : vector<1x2048xi32> to vector<256x2048xi32>
      %eq3A_335 = arith.cmpi eq, %iota3A, %eq3A_334 : vector<256x2048xi32>
      %eq3A_336 = vector.broadcast %scan3A_322 : i32 to vector<16x2048xi32>
      %eq3A_337 = arith.cmpi eq, %iota3A_80, %eq3A_336 : vector<16x2048xi32>
      %broadcast_in_dim3A_338 = vector.shape_cast %broadcast_in_dim3A_325 : vector<1x2048xf32> to vector<1x2048xf32>
      %broadcast_in_dim3A_339 = vector.broadcast %broadcast_in_dim3A_338 : vector<1x2048xf32> to vector<16x2048xf32>
      %select_n3A_340 = arith.select %eq3A_337, %broadcast_in_dim3A_339, %select_n3A_314 : vector<16x2048xi1>, vector<16x2048xf32>
      %broadcast_in_dim3A_341 = vector.shape_cast %broadcast_in_dim3A_333 : vector<1x2048xi32> to vector<1x2048xi32>
      %broadcast_in_dim3A_342 = vector.broadcast %broadcast_in_dim3A_341 : vector<1x2048xi32> to vector<16x2048xi32>
      %select_n3A_343 = arith.select %eq3A_337, %broadcast_in_dim3A_342, %select_n3A_317 : vector<16x2048xi1>, vector<16x2048xi32>
      %jit3A_344 = arith.constant 0xFF800000 : f32
      %broadcast_in_dim3A_345 = vector.broadcast %jit3A_344 : f32 to vector<256x2048xf32>
      %select_n3A_346 = arith.select %eq3A_335, %broadcast_in_dim3A_345, %select_n3A_320 : vector<256x2048xi1>, vector<256x2048xf32>
      scf.yield %select_n3A_346, %select_n3A_340, %select_n3A_343 : vector<256x2048xf32>, vector<16x2048xf32>, vector<16x2048xi32>
    }
    %scan3A_89 = arith.constant 16 : i32
    %slice3A_90 = vector.extract_strided_slice %scan3A_88#1 {offsets = [0, 0], sizes = [16, 1024], strides = [1, 1]} : vector<16x2048xf32> to vector<16x1024xf32>
    %slice3A_91 = vector.extract_strided_slice %scan3A_88#2 {offsets = [0, 0], sizes = [16, 1024], strides = [1, 1]} : vector<16x2048xi32> to vector<16x1024xi32>
    %slice3A_92 = vector.extract_strided_slice %scan3A_88#1 {offsets = [0, 1024], sizes = [16, 1024], strides = [1, 1]} : vector<16x2048xf32> to vector<16x1024xf32>
    %slice3A_93 = vector.extract_strided_slice %scan3A_88#2 {offsets = [0, 1024], sizes = [16, 1024], strides = [1, 1]} : vector<16x2048xi32> to vector<16x1024xi32>
    %slice3A_94 = vector.extract_strided_slice %slice3A_90 {offsets = [0, 0], sizes = [1, 1024], strides = [1, 1]} : vector<16x1024xf32> to vector<1x1024xf32>
    %add3A_95 = vector.broadcast %slice3A_94 : vector<1x1024xf32> to vector<16x1024xf32>
    %add3A_96 = arith.addf %add3A_95, %slice3A_92 : vector<16x1024xf32>
    %slice3A_97 = vector.extract_strided_slice %slice3A_91 {offsets = [0, 0], sizes = [1, 1024], strides = [1, 1]} : vector<16x1024xi32> to vector<1x1024xi32>
    %mul3A = arith.constant 256 : i32
    %mul3A_98 = vector.broadcast %mul3A : i32 to vector<1x1024xi32>
    %mul3A_99 = arith.muli %slice3A_97, %mul3A_98 : vector<1x1024xi32>
    %add3A_100 = vector.broadcast %mul3A_99 : vector<1x1024xi32> to vector<16x1024xi32>
    %add3A_101 = arith.addi %add3A_100, %slice3A_93 : vector<16x1024xi32>
    %slice3A_102 = vector.extract_strided_slice %slice3A_90 {offsets = [1, 0], sizes = [1, 1024], strides = [1, 1]} : vector<16x1024xf32> to vector<1x1024xf32>
    %slice3A_103 = vector.extract_strided_slice %slice3A_92 {offsets = [0, 0], sizes = [8, 1024], strides = [1, 1]} : vector<16x1024xf32> to vector<8x1024xf32>
    %add3A_104 = vector.broadcast %slice3A_102 : vector<1x1024xf32> to vector<8x1024xf32>
    %add3A_105 = arith.addf %add3A_104, %slice3A_103 : vector<8x1024xf32>
    %slice3A_106 = vector.extract_strided_slice %slice3A_91 {offsets = [1, 0], sizes = [1, 1024], strides = [1, 1]} : vector<16x1024xi32> to vector<1x1024xi32>
    %mul3A_107 = arith.constant 256 : i32
    %mul3A_108 = vector.broadcast %mul3A_107 : i32 to vector<1x1024xi32>
    %mul3A_109 = arith.muli %slice3A_106, %mul3A_108 : vector<1x1024xi32>
    %slice3A_110 = vector.extract_strided_slice %slice3A_93 {offsets = [0, 0], sizes = [8, 1024], strides = [1, 1]} : vector<16x1024xi32> to vector<8x1024xi32>
    %add3A_111 = vector.broadcast %mul3A_109 : vector<1x1024xi32> to vector<8x1024xi32>
    %add3A_112 = arith.addi %add3A_111, %slice3A_110 : vector<8x1024xi32>
    %slice3A_113 = vector.extract_strided_slice %slice3A_90 {offsets = [2, 0], sizes = [1, 1024], strides = [1, 1]} : vector<16x1024xf32> to vector<1x1024xf32>
    %slice3A_114 = vector.extract_strided_slice %slice3A_92 {offsets = [0, 0], sizes = [5, 1024], strides = [1, 1]} : vector<16x1024xf32> to vector<5x1024xf32>
    %add3A_115 = vector.broadcast %slice3A_113 : vector<1x1024xf32> to vector<5x1024xf32>
    %add3A_116 = arith.addf %add3A_115, %slice3A_114 : vector<5x1024xf32>
    %slice3A_117 = vector.extract_strided_slice %slice3A_91 {offsets = [2, 0], sizes = [1, 1024], strides = [1, 1]} : vector<16x1024xi32> to vector<1x1024xi32>
    %mul3A_118 = arith.constant 256 : i32
    %mul3A_119 = vector.broadcast %mul3A_118 : i32 to vector<1x1024xi32>
    %mul3A_120 = arith.muli %slice3A_117, %mul3A_119 : vector<1x1024xi32>
    %slice3A_121 = vector.extract_strided_slice %slice3A_93 {offsets = [0, 0], sizes = [5, 1024], strides = [1, 1]} : vector<16x1024xi32> to vector<5x1024xi32>
    %add3A_122 = vector.broadcast %mul3A_120 : vector<1x1024xi32> to vector<5x1024xi32>
    %add3A_123 = arith.addi %add3A_122, %slice3A_121 : vector<5x1024xi32>
    %slice3A_124 = vector.extract_strided_slice %slice3A_90 {offsets = [3, 0], sizes = [1, 1024], strides = [1, 1]} : vector<16x1024xf32> to vector<1x1024xf32>
    %slice3A_125 = vector.extract_strided_slice %slice3A_92 {offsets = [0, 0], sizes = [4, 1024], strides = [1, 1]} : vector<16x1024xf32> to vector<4x1024xf32>
    %add3A_126 = vector.broadcast %slice3A_124 : vector<1x1024xf32> to vector<4x1024xf32>
    %add3A_127 = arith.addf %add3A_126, %slice3A_125 : vector<4x1024xf32>
    %slice3A_128 = vector.extract_strided_slice %slice3A_91 {offsets = [3, 0], sizes = [1, 1024], strides = [1, 1]} : vector<16x1024xi32> to vector<1x1024xi32>
    %mul3A_129 = arith.constant 256 : i32
    %mul3A_130 = vector.broadcast %mul3A_129 : i32 to vector<1x1024xi32>
    %mul3A_131 = arith.muli %slice3A_128, %mul3A_130 : vector<1x1024xi32>
    %slice3A_132 = vector.extract_strided_slice %slice3A_93 {offsets = [0, 0], sizes = [4, 1024], strides = [1, 1]} : vector<16x1024xi32> to vector<4x1024xi32>
    %add3A_133 = vector.broadcast %mul3A_131 : vector<1x1024xi32> to vector<4x1024xi32>
    %add3A_134 = arith.addi %add3A_133, %slice3A_132 : vector<4x1024xi32>
    %slice3A_135 = vector.extract_strided_slice %slice3A_90 {offsets = [4, 0], sizes = [1, 1024], strides = [1, 1]} : vector<16x1024xf32> to vector<1x1024xf32>
    %slice3A_136 = vector.extract_strided_slice %slice3A_92 {offsets = [0, 0], sizes = [3, 1024], strides = [1, 1]} : vector<16x1024xf32> to vector<3x1024xf32>
    %add3A_137 = vector.broadcast %slice3A_135 : vector<1x1024xf32> to vector<3x1024xf32>
    %add3A_138 = arith.addf %add3A_137, %slice3A_136 : vector<3x1024xf32>
    %slice3A_139 = vector.extract_strided_slice %slice3A_91 {offsets = [4, 0], sizes = [1, 1024], strides = [1, 1]} : vector<16x1024xi32> to vector<1x1024xi32>
    %mul3A_140 = arith.constant 256 : i32
    %mul3A_141 = vector.broadcast %mul3A_140 : i32 to vector<1x1024xi32>
    %mul3A_142 = arith.muli %slice3A_139, %mul3A_141 : vector<1x1024xi32>
    %slice3A_143 = vector.extract_strided_slice %slice3A_93 {offsets = [0, 0], sizes = [3, 1024], strides = [1, 1]} : vector<16x1024xi32> to vector<3x1024xi32>
    %add3A_144 = vector.broadcast %mul3A_142 : vector<1x1024xi32> to vector<3x1024xi32>
    %add3A_145 = arith.addi %add3A_144, %slice3A_143 : vector<3x1024xi32>
    %slice3A_146 = vector.extract_strided_slice %slice3A_90 {offsets = [5, 0], sizes = [1, 1024], strides = [1, 1]} : vector<16x1024xf32> to vector<1x1024xf32>
    %slice3A_147 = vector.extract_strided_slice %slice3A_92 {offsets = [0, 0], sizes = [2, 1024], strides = [1, 1]} : vector<16x1024xf32> to vector<2x1024xf32>
    %add3A_148 = vector.broadcast %slice3A_146 : vector<1x1024xf32> to vector<2x1024xf32>
    %add3A_149 = arith.addf %add3A_148, %slice3A_147 : vector<2x1024xf32>
    %slice3A_150 = vector.extract_strided_slice %slice3A_91 {offsets = [5, 0], sizes = [1, 1024], strides = [1, 1]} : vector<16x1024xi32> to vector<1x1024xi32>
    %mul3A_151 = arith.constant 256 : i32
    %mul3A_152 = vector.broadcast %mul3A_151 : i32 to vector<1x1024xi32>
    %mul3A_153 = arith.muli %slice3A_150, %mul3A_152 : vector<1x1024xi32>
    %slice3A_154 = vector.extract_strided_slice %slice3A_93 {offsets = [0, 0], sizes = [2, 1024], strides = [1, 1]} : vector<16x1024xi32> to vector<2x1024xi32>
    %add3A_155 = vector.broadcast %mul3A_153 : vector<1x1024xi32> to vector<2x1024xi32>
    %add3A_156 = arith.addi %add3A_155, %slice3A_154 : vector<2x1024xi32>
    %slice3A_157 = vector.extract_strided_slice %slice3A_90 {offsets = [6, 0], sizes = [1, 1024], strides = [1, 1]} : vector<16x1024xf32> to vector<1x1024xf32>
    %slice3A_158 = vector.extract_strided_slice %slice3A_92 {offsets = [0, 0], sizes = [2, 1024], strides = [1, 1]} : vector<16x1024xf32> to vector<2x1024xf32>
    %add3A_159 = vector.broadcast %slice3A_157 : vector<1x1024xf32> to vector<2x1024xf32>
    %add3A_160 = arith.addf %add3A_159, %slice3A_158 : vector<2x1024xf32>
    %slice3A_161 = vector.extract_strided_slice %slice3A_91 {offsets = [6, 0], sizes = [1, 1024], strides = [1, 1]} : vector<16x1024xi32> to vector<1x1024xi32>
    %mul3A_162 = arith.constant 256 : i32
    %mul3A_163 = vector.broadcast %mul3A_162 : i32 to vector<1x1024xi32>
    %mul3A_164 = arith.muli %slice3A_161, %mul3A_163 : vector<1x1024xi32>
    %slice3A_165 = vector.extract_strided_slice %slice3A_93 {offsets = [0, 0], sizes = [2, 1024], strides = [1, 1]} : vector<16x1024xi32> to vector<2x1024xi32>
    %add3A_166 = vector.broadcast %mul3A_164 : vector<1x1024xi32> to vector<2x1024xi32>
    %add3A_167 = arith.addi %add3A_166, %slice3A_165 : vector<2x1024xi32>
    %slice3A_168 = vector.extract_strided_slice %slice3A_90 {offsets = [7, 0], sizes = [1, 1024], strides = [1, 1]} : vector<16x1024xf32> to vector<1x1024xf32>
    %slice3A_169 = vector.extract_strided_slice %slice3A_92 {offsets = [0, 0], sizes = [2, 1024], strides = [1, 1]} : vector<16x1024xf32> to vector<2x1024xf32>
    %add3A_170 = vector.broadcast %slice3A_168 : vector<1x1024xf32> to vector<2x1024xf32>
    %add3A_171 = arith.addf %add3A_170, %slice3A_169 : vector<2x1024xf32>
    %slice3A_172 = vector.extract_strided_slice %slice3A_91 {offsets = [7, 0], sizes = [1, 1024], strides = [1, 1]} : vector<16x1024xi32> to vector<1x1024xi32>
    %mul3A_173 = arith.constant 256 : i32
    %mul3A_174 = vector.broadcast %mul3A_173 : i32 to vector<1x1024xi32>
    %mul3A_175 = arith.muli %slice3A_172, %mul3A_174 : vector<1x1024xi32>
    %slice3A_176 = vector.extract_strided_slice %slice3A_93 {offsets = [0, 0], sizes = [2, 1024], strides = [1, 1]} : vector<16x1024xi32> to vector<2x1024xi32>
    %add3A_177 = vector.broadcast %mul3A_175 : vector<1x1024xi32> to vector<2x1024xi32>
    %add3A_178 = arith.addi %add3A_177, %slice3A_176 : vector<2x1024xi32>
    %slice3A_179 = vector.extract_strided_slice %slice3A_90 {offsets = [8, 0], sizes = [1, 1024], strides = [1, 1]} : vector<16x1024xf32> to vector<1x1024xf32>
    %slice3A_180 = vector.extract_strided_slice %slice3A_92 {offsets = [0, 0], sizes = [1, 1024], strides = [1, 1]} : vector<16x1024xf32> to vector<1x1024xf32>
    %add3A_181 = arith.addf %slice3A_179, %slice3A_180 : vector<1x1024xf32>
    %slice3A_182 = vector.extract_strided_slice %slice3A_91 {offsets = [8, 0], sizes = [1, 1024], strides = [1, 1]} : vector<16x1024xi32> to vector<1x1024xi32>
    %mul3A_183 = arith.constant 256 : i32
    %mul3A_184 = vector.broadcast %mul3A_183 : i32 to vector<1x1024xi32>
    %mul3A_185 = arith.muli %slice3A_182, %mul3A_184 : vector<1x1024xi32>
    %slice3A_186 = vector.extract_strided_slice %slice3A_93 {offsets = [0, 0], sizes = [1, 1024], strides = [1, 1]} : vector<16x1024xi32> to vector<1x1024xi32>
    %add3A_187 = arith.addi %mul3A_185, %slice3A_186 : vector<1x1024xi32>
    %slice3A_188 = vector.extract_strided_slice %slice3A_90 {offsets = [9, 0], sizes = [1, 1024], strides = [1, 1]} : vector<16x1024xf32> to vector<1x1024xf32>
    %slice3A_189 = vector.extract_strided_slice %slice3A_92 {offsets = [0, 0], sizes = [1, 1024], strides = [1, 1]} : vector<16x1024xf32> to vector<1x1024xf32>
    %add3A_190 = arith.addf %slice3A_188, %slice3A_189 : vector<1x1024xf32>
    %slice3A_191 = vector.extract_strided_slice %slice3A_91 {offsets = [9, 0], sizes = [1, 1024], strides = [1, 1]} : vector<16x1024xi32> to vector<1x1024xi32>
    %mul3A_192 = arith.constant 256 : i32
    %mul3A_193 = vector.broadcast %mul3A_192 : i32 to vector<1x1024xi32>
    %mul3A_194 = arith.muli %slice3A_191, %mul3A_193 : vector<1x1024xi32>
    %slice3A_195 = vector.extract_strided_slice %slice3A_93 {offsets = [0, 0], sizes = [1, 1024], strides = [1, 1]} : vector<16x1024xi32> to vector<1x1024xi32>
    %add3A_196 = arith.addi %mul3A_194, %slice3A_195 : vector<1x1024xi32>
    %slice3A_197 = vector.extract_strided_slice %slice3A_90 {offsets = [10, 0], sizes = [1, 1024], strides = [1, 1]} : vector<16x1024xf32> to vector<1x1024xf32>
    %slice3A_198 = vector.extract_strided_slice %slice3A_92 {offsets = [0, 0], sizes = [1, 1024], strides = [1, 1]} : vector<16x1024xf32> to vector<1x1024xf32>
    %add3A_199 = arith.addf %slice3A_197, %slice3A_198 : vector<1x1024xf32>
    %slice3A_200 = vector.extract_strided_slice %slice3A_91 {offsets = [10, 0], sizes = [1, 1024], strides = [1, 1]} : vector<16x1024xi32> to vector<1x1024xi32>
    %mul3A_201 = arith.constant 256 : i32
    %mul3A_202 = vector.broadcast %mul3A_201 : i32 to vector<1x1024xi32>
    %mul3A_203 = arith.muli %slice3A_200, %mul3A_202 : vector<1x1024xi32>
    %slice3A_204 = vector.extract_strided_slice %slice3A_93 {offsets = [0, 0], sizes = [1, 1024], strides = [1, 1]} : vector<16x1024xi32> to vector<1x1024xi32>
    %add3A_205 = arith.addi %mul3A_203, %slice3A_204 : vector<1x1024xi32>
    %slice3A_206 = vector.extract_strided_slice %slice3A_90 {offsets = [11, 0], sizes = [1, 1024], strides = [1, 1]} : vector<16x1024xf32> to vector<1x1024xf32>
    %slice3A_207 = vector.extract_strided_slice %slice3A_92 {offsets = [0, 0], sizes = [1, 1024], strides = [1, 1]} : vector<16x1024xf32> to vector<1x1024xf32>
    %add3A_208 = arith.addf %slice3A_206, %slice3A_207 : vector<1x1024xf32>
    %slice3A_209 = vector.extract_strided_slice %slice3A_91 {offsets = [11, 0], sizes = [1, 1024], strides = [1, 1]} : vector<16x1024xi32> to vector<1x1024xi32>
    %mul3A_210 = arith.constant 256 : i32
    %mul3A_211 = vector.broadcast %mul3A_210 : i32 to vector<1x1024xi32>
    %mul3A_212 = arith.muli %slice3A_209, %mul3A_211 : vector<1x1024xi32>
    %slice3A_213 = vector.extract_strided_slice %slice3A_93 {offsets = [0, 0], sizes = [1, 1024], strides = [1, 1]} : vector<16x1024xi32> to vector<1x1024xi32>
    %add3A_214 = arith.addi %mul3A_212, %slice3A_213 : vector<1x1024xi32>
    %slice3A_215 = vector.extract_strided_slice %slice3A_90 {offsets = [12, 0], sizes = [1, 1024], strides = [1, 1]} : vector<16x1024xf32> to vector<1x1024xf32>
    %slice3A_216 = vector.extract_strided_slice %slice3A_92 {offsets = [0, 0], sizes = [1, 1024], strides = [1, 1]} : vector<16x1024xf32> to vector<1x1024xf32>
    %add3A_217 = arith.addf %slice3A_215, %slice3A_216 : vector<1x1024xf32>
    %slice3A_218 = vector.extract_strided_slice %slice3A_91 {offsets = [12, 0], sizes = [1, 1024], strides = [1, 1]} : vector<16x1024xi32> to vector<1x1024xi32>
    %mul3A_219 = arith.constant 256 : i32
    %mul3A_220 = vector.broadcast %mul3A_219 : i32 to vector<1x1024xi32>
    %mul3A_221 = arith.muli %slice3A_218, %mul3A_220 : vector<1x1024xi32>
    %slice3A_222 = vector.extract_strided_slice %slice3A_93 {offsets = [0, 0], sizes = [1, 1024], strides = [1, 1]} : vector<16x1024xi32> to vector<1x1024xi32>
    %add3A_223 = arith.addi %mul3A_221, %slice3A_222 : vector<1x1024xi32>
    %slice3A_224 = vector.extract_strided_slice %slice3A_90 {offsets = [13, 0], sizes = [1, 1024], strides = [1, 1]} : vector<16x1024xf32> to vector<1x1024xf32>
    %slice3A_225 = vector.extract_strided_slice %slice3A_92 {offsets = [0, 0], sizes = [1, 1024], strides = [1, 1]} : vector<16x1024xf32> to vector<1x1024xf32>
    %add3A_226 = arith.addf %slice3A_224, %slice3A_225 : vector<1x1024xf32>
    %slice3A_227 = vector.extract_strided_slice %slice3A_91 {offsets = [13, 0], sizes = [1, 1024], strides = [1, 1]} : vector<16x1024xi32> to vector<1x1024xi32>
    %mul3A_228 = arith.constant 256 : i32
    %mul3A_229 = vector.broadcast %mul3A_228 : i32 to vector<1x1024xi32>
    %mul3A_230 = arith.muli %slice3A_227, %mul3A_229 : vector<1x1024xi32>
    %slice3A_231 = vector.extract_strided_slice %slice3A_93 {offsets = [0, 0], sizes = [1, 1024], strides = [1, 1]} : vector<16x1024xi32> to vector<1x1024xi32>
    %add3A_232 = arith.addi %mul3A_230, %slice3A_231 : vector<1x1024xi32>
    %slice3A_233 = vector.extract_strided_slice %slice3A_90 {offsets = [14, 0], sizes = [1, 1024], strides = [1, 1]} : vector<16x1024xf32> to vector<1x1024xf32>
    %slice3A_234 = vector.extract_strided_slice %slice3A_92 {offsets = [0, 0], sizes = [1, 1024], strides = [1, 1]} : vector<16x1024xf32> to vector<1x1024xf32>
    %add3A_235 = arith.addf %slice3A_233, %slice3A_234 : vector<1x1024xf32>
    %slice3A_236 = vector.extract_strided_slice %slice3A_91 {offsets = [14, 0], sizes = [1, 1024], strides = [1, 1]} : vector<16x1024xi32> to vector<1x1024xi32>
    %mul3A_237 = arith.constant 256 : i32
    %mul3A_238 = vector.broadcast %mul3A_237 : i32 to vector<1x1024xi32>
    %mul3A_239 = arith.muli %slice3A_236, %mul3A_238 : vector<1x1024xi32>
    %slice3A_240 = vector.extract_strided_slice %slice3A_93 {offsets = [0, 0], sizes = [1, 1024], strides = [1, 1]} : vector<16x1024xi32> to vector<1x1024xi32>
    %add3A_241 = arith.addi %mul3A_239, %slice3A_240 : vector<1x1024xi32>
    %slice3A_242 = vector.extract_strided_slice %slice3A_90 {offsets = [15, 0], sizes = [1, 1024], strides = [1, 1]} : vector<16x1024xf32> to vector<1x1024xf32>
    %slice3A_243 = vector.extract_strided_slice %slice3A_92 {offsets = [0, 0], sizes = [1, 1024], strides = [1, 1]} : vector<16x1024xf32> to vector<1x1024xf32>
    %add3A_244 = arith.addf %slice3A_242, %slice3A_243 : vector<1x1024xf32>
    %slice3A_245 = vector.extract_strided_slice %slice3A_91 {offsets = [15, 0], sizes = [1, 1024], strides = [1, 1]} : vector<16x1024xi32> to vector<1x1024xi32>
    %mul3A_246 = arith.constant 256 : i32
    %mul3A_247 = vector.broadcast %mul3A_246 : i32 to vector<1x1024xi32>
    %mul3A_248 = arith.muli %slice3A_245, %mul3A_247 : vector<1x1024xi32>
    %slice3A_249 = vector.extract_strided_slice %slice3A_93 {offsets = [0, 0], sizes = [1, 1024], strides = [1, 1]} : vector<16x1024xi32> to vector<1x1024xi32>
    %add3A_250 = arith.addi %mul3A_248, %slice3A_249 : vector<1x1024xi32>
    %broadcast_in_dim3A_251 = arith.constant 0xFF800000 : f32
    %broadcast_in_dim3A_252 = vector.broadcast %broadcast_in_dim3A_251 : f32 to vector<14x1024xf32>
    %broadcast_in_dim3A_253 = arith.constant 0 : i32
    %broadcast_in_dim3A_254 = vector.broadcast %broadcast_in_dim3A_253 : i32 to vector<14x1024xi32>
    %concatenate3A_255 = tpu.concatenate %add3A_96, %add3A_105, %add3A_116, %add3A_127, %add3A_138, %add3A_149, %add3A_160, %add3A_171, %add3A_181, %add3A_190, %add3A_199, %add3A_208, %add3A_217, %add3A_226, %add3A_235, %add3A_244, %broadcast_in_dim3A_252 in 0 : vector<16x1024xf32>, vector<8x1024xf32>, vector<5x1024xf32>, vector<4x1024xf32>, vector<3x1024xf32>, vector<2x1024xf32>, vector<2x1024xf32>, vector<2x1024xf32>, vector<1x1024xf32>, vector<1x1024xf32>, vector<1x1024xf32>, vector<1x1024xf32>, vector<1x1024xf32>, vector<1x1024xf32>, vector<1x1024xf32>, vector<1x1024xf32>, vector<14x1024xf32> -> vector<64x1024xf32>
    %concatenate3A_256 = tpu.concatenate %add3A_101, %add3A_112, %add3A_123, %add3A_134, %add3A_145, %add3A_156, %add3A_167, %add3A_178, %add3A_187, %add3A_196, %add3A_205, %add3A_214, %add3A_223, %add3A_232, %add3A_241, %add3A_250, %broadcast_in_dim3A_254 in 0 : vector<16x1024xi32>, vector<8x1024xi32>, vector<5x1024xi32>, vector<4x1024xi32>, vector<3x1024xi32>, vector<2x1024xi32>, vector<2x1024xi32>, vector<2x1024xi32>, vector<1x1024xi32>, vector<1x1024xi32>, vector<1x1024xi32>, vector<1x1024xi32>, vector<1x1024xi32>, vector<1x1024xi32>, vector<1x1024xi32>, vector<1x1024xi32>, vector<14x1024xi32> -> vector<64x1024xi32>
    %iota3A_257 = tpu.iota {dimensions = array<i32: 0>} : vector<64x1024xi32>
    %iota3A_258 = tpu.iota {dimensions = array<i32: 0>} : vector<16x1024xi32>
    %broadcast_in_dim3A_259 = arith.constant 0.000000e+00 : f32
    %broadcast_in_dim3A_260 = vector.broadcast %broadcast_in_dim3A_259 : f32 to vector<16x1024xf32>
    %broadcast_in_dim3A_261 = arith.constant 0 : i32
    %broadcast_in_dim3A_262 = vector.broadcast %broadcast_in_dim3A_261 : i32 to vector<16x1024xi32>
    %scan3A_263 = arith.constant 0 : i32
    %scan3A_264 = arith.constant 16 : i32
    %scan3A_265 = arith.addi %scan3A_263, %scan3A_264 : i32
    %scan3A_266 = arith.constant 2 : i32
    %scan3A_267:3 = scf.for %scan3A_297 = %scan3A_263 to %scan3A_265 step %scan3A_266 iter_args(%scan3A_298 = %concatenate3A_255, %scan3A_299 = %broadcast_in_dim3A_260, %scan3A_300 = %broadcast_in_dim3A_262) -> (vector<64x1024xf32>, vector<16x1024xf32>, vector<16x1024xi32>)  : i32 {
      %reduce_max3A_301 = arith.constant dense<0xFF800000> : vector<1024xf32>
      %reduce_max3A_302 = vector.multi_reduction <maximumf>, %scan3A_298, %reduce_max3A_301 [0] : vector<64x1024xf32> to vector<1024xf32>
      %broadcast_in_dim3A_303 = vector.shape_cast %reduce_max3A_302 : vector<1024xf32> to vector<1x1024xf32>
      %eq3A = vector.broadcast %broadcast_in_dim3A_303 : vector<1x1024xf32> to vector<64x1024xf32>
      %eq3A_304 = arith.cmpf oeq, %scan3A_298, %eq3A : vector<64x1024xf32>
      %jit3A = arith.constant 1073741824 : i32
      %broadcast_in_dim3A_305 = vector.broadcast %jit3A : i32 to vector<64x1024xi32>
      %select_n3A = arith.select %eq3A_304, %iota3A_257, %broadcast_in_dim3A_305 : vector<64x1024xi1>, vector<64x1024xi32>
      %reduce_min3A = arith.constant dense<2147483647> : vector<1024xi32>
      %reduce_min3A_306 = vector.multi_reduction <minsi>, %select_n3A, %reduce_min3A [0] : vector<64x1024xi32> to vector<1024xi32>
      %broadcast_in_dim3A_307 = vector.shape_cast %reduce_min3A_306 : vector<1024xi32> to vector<1x1024xi32>
      %eq3A_308 = vector.broadcast %broadcast_in_dim3A_307 : vector<1x1024xi32> to vector<64x1024xi32>
      %eq3A_309 = arith.cmpi eq, %iota3A_257, %eq3A_308 : vector<64x1024xi32>
      %jit3A_310 = arith.constant 0 : i32
      %broadcast_in_dim3A_311 = vector.broadcast %jit3A_310 : i32 to vector<64x1024xi32>
      %select_n3A_312 = arith.select %eq3A_309, %concatenate3A_256, %broadcast_in_dim3A_311 : vector<64x1024xi1>, vector<64x1024xi32>
      %reduce_sum3A_313 = arith.constant dense<0> : vector<1024xi32>
      %reduce_sum3A_314 = vector.multi_reduction <add>, %select_n3A_312, %reduce_sum3A_313 [0] : vector<64x1024xi32> to vector<1024xi32>
      %broadcast_in_dim3A_315 = vector.shape_cast %reduce_sum3A_314 : vector<1024xi32> to vector<1x1024xi32>
      %eq3A_316 = vector.broadcast %scan3A_297 : i32 to vector<16x1024xi32>
      %eq3A_317 = arith.cmpi eq, %iota3A_258, %eq3A_316 : vector<16x1024xi32>
      %broadcast_in_dim3A_318 = vector.shape_cast %broadcast_in_dim3A_303 : vector<1x1024xf32> to vector<1x1024xf32>
      %broadcast_in_dim3A_319 = vector.broadcast %broadcast_in_dim3A_318 : vector<1x1024xf32> to vector<16x1024xf32>
      %select_n3A_320 = arith.select %eq3A_317, %broadcast_in_dim3A_319, %scan3A_299 : vector<16x1024xi1>, vector<16x1024xf32>
      %broadcast_in_dim3A_321 = vector.shape_cast %broadcast_in_dim3A_315 : vector<1x1024xi32> to vector<1x1024xi32>
      %broadcast_in_dim3A_322 = vector.broadcast %broadcast_in_dim3A_321 : vector<1x1024xi32> to vector<16x1024xi32>
      %select_n3A_323 = arith.select %eq3A_317, %broadcast_in_dim3A_322, %scan3A_300 : vector<16x1024xi1>, vector<16x1024xi32>
      %jit3A_324 = arith.constant 0xFF800000 : f32
      %broadcast_in_dim3A_325 = vector.broadcast %jit3A_324 : f32 to vector<64x1024xf32>
      %select_n3A_326 = arith.select %eq3A_309, %broadcast_in_dim3A_325, %scan3A_298 : vector<64x1024xi1>, vector<64x1024xf32>
      %scan3A_327 = arith.constant 1 : i32
      %scan3A_328 = arith.addi %scan3A_297, %scan3A_327 : i32
      %reduce_max3A_329 = arith.constant dense<0xFF800000> : vector<1024xf32>
      %reduce_max3A_330 = vector.multi_reduction <maximumf>, %select_n3A_326, %reduce_max3A_329 [0] : vector<64x1024xf32> to vector<1024xf32>
      %broadcast_in_dim3A_331 = vector.shape_cast %reduce_max3A_330 : vector<1024xf32> to vector<1x1024xf32>
      %eq3A_332 = vector.broadcast %broadcast_in_dim3A_331 : vector<1x1024xf32> to vector<64x1024xf32>
      %eq3A_333 = arith.cmpf oeq, %select_n3A_326, %eq3A_332 : vector<64x1024xf32>
      %jit3A_334 = arith.constant 1073741824 : i32
      %broadcast_in_dim3A_335 = vector.broadcast %jit3A_334 : i32 to vector<64x1024xi32>
      %select_n3A_336 = arith.select %eq3A_333, %iota3A_257, %broadcast_in_dim3A_335 : vector<64x1024xi1>, vector<64x1024xi32>
      %reduce_min3A_337 = arith.constant dense<2147483647> : vector<1024xi32>
      %reduce_min3A_338 = vector.multi_reduction <minsi>, %select_n3A_336, %reduce_min3A_337 [0] : vector<64x1024xi32> to vector<1024xi32>
      %broadcast_in_dim3A_339 = vector.shape_cast %reduce_min3A_338 : vector<1024xi32> to vector<1x1024xi32>
      %eq3A_340 = vector.broadcast %broadcast_in_dim3A_339 : vector<1x1024xi32> to vector<64x1024xi32>
      %eq3A_341 = arith.cmpi eq, %iota3A_257, %eq3A_340 : vector<64x1024xi32>
      %jit3A_342 = arith.constant 0 : i32
      %broadcast_in_dim3A_343 = vector.broadcast %jit3A_342 : i32 to vector<64x1024xi32>
      %select_n3A_344 = arith.select %eq3A_341, %concatenate3A_256, %broadcast_in_dim3A_343 : vector<64x1024xi1>, vector<64x1024xi32>
      %reduce_sum3A_345 = arith.constant dense<0> : vector<1024xi32>
      %reduce_sum3A_346 = vector.multi_reduction <add>, %select_n3A_344, %reduce_sum3A_345 [0] : vector<64x1024xi32> to vector<1024xi32>
      %broadcast_in_dim3A_347 = vector.shape_cast %reduce_sum3A_346 : vector<1024xi32> to vector<1x1024xi32>
      %eq3A_348 = vector.broadcast %scan3A_328 : i32 to vector<16x1024xi32>
      %eq3A_349 = arith.cmpi eq, %iota3A_258, %eq3A_348 : vector<16x1024xi32>
      %broadcast_in_dim3A_350 = vector.shape_cast %broadcast_in_dim3A_331 : vector<1x1024xf32> to vector<1x1024xf32>
      %broadcast_in_dim3A_351 = vector.broadcast %broadcast_in_dim3A_350 : vector<1x1024xf32> to vector<16x1024xf32>
      %select_n3A_352 = arith.select %eq3A_349, %broadcast_in_dim3A_351, %select_n3A_320 : vector<16x1024xi1>, vector<16x1024xf32>
      %broadcast_in_dim3A_353 = vector.shape_cast %broadcast_in_dim3A_347 : vector<1x1024xi32> to vector<1x1024xi32>
      %broadcast_in_dim3A_354 = vector.broadcast %broadcast_in_dim3A_353 : vector<1x1024xi32> to vector<16x1024xi32>
      %select_n3A_355 = arith.select %eq3A_349, %broadcast_in_dim3A_354, %select_n3A_323 : vector<16x1024xi1>, vector<16x1024xi32>
      %jit3A_356 = arith.constant 0xFF800000 : f32
      %broadcast_in_dim3A_357 = vector.broadcast %jit3A_356 : f32 to vector<64x1024xf32>
      %select_n3A_358 = arith.select %eq3A_341, %broadcast_in_dim3A_357, %select_n3A_326 : vector<64x1024xi1>, vector<64x1024xf32>
      scf.yield %select_n3A_358, %select_n3A_352, %select_n3A_355 : vector<64x1024xf32>, vector<16x1024xf32>, vector<16x1024xi32>
    }
    %scan3A_268 = arith.constant 16 : i32
    %reduce_max3A = arith.constant dense<0xFF800000> : vector<1024xf32>
    %reduce_max3A_269 = vector.multi_reduction <maximumf>, %scan3A_267#1, %reduce_max3A [0] : vector<16x1024xf32> to vector<1024xf32>
    %broadcast_in_dim3A_270 = vector.shape_cast %reduce_max3A_269 : vector<1024xf32> to vector<1x1024xf32>
    %sub3A = vector.broadcast %broadcast_in_dim3A_270 : vector<1x1024xf32> to vector<16x1024xf32>
    %sub3A_271 = arith.subf %scan3A_267#1, %sub3A : vector<16x1024xf32>
    %exp3A = math.exp %sub3A_271 : vector<16x1024xf32>
    %reduce_sum3A = arith.constant dense<0.000000e+00> : vector<1024xf32>
    %reduce_sum3A_272 = vector.multi_reduction <add>, %exp3A, %reduce_sum3A [0] : vector<16x1024xf32> to vector<1024xf32>
    %broadcast_in_dim3A_273 = vector.shape_cast %reduce_sum3A_272 : vector<1024xf32> to vector<1x1024xf32>
    %div3A = vector.broadcast %broadcast_in_dim3A_273 : vector<1x1024xf32> to vector<16x1024xf32>
    %div3A_274 = arith.divf %exp3A, %div3A : vector<16x1024xf32>
    %slice3A_275 = vector.extract_strided_slice %scan3A_267#2 {offsets = [0, 0], sizes = [16, 256], strides = [1, 1]} : vector<16x1024xi32> to vector<16x256xi32>
    %transpose3A = tpu.transpose %slice3A_275, [1, 0] : vector<16x256xi32> -> vector<256x16xi32>
    %slice3A_276 = vector.extract_strided_slice %scan3A_267#2 {offsets = [0, 256], sizes = [16, 256], strides = [1, 1]} : vector<16x1024xi32> to vector<16x256xi32>
    %transpose3A_277 = tpu.transpose %slice3A_276, [1, 0] : vector<16x256xi32> -> vector<256x16xi32>
    %slice3A_278 = vector.extract_strided_slice %scan3A_267#2 {offsets = [0, 512], sizes = [16, 256], strides = [1, 1]} : vector<16x1024xi32> to vector<16x256xi32>
    %transpose3A_279 = tpu.transpose %slice3A_278, [1, 0] : vector<16x256xi32> -> vector<256x16xi32>
    %slice3A_280 = vector.extract_strided_slice %scan3A_267#2 {offsets = [0, 768], sizes = [16, 256], strides = [1, 1]} : vector<16x1024xi32> to vector<16x256xi32>
    %transpose3A_281 = tpu.transpose %slice3A_280, [1, 0] : vector<16x256xi32> -> vector<256x16xi32>
    %concatenate3A_282 = tpu.concatenate %transpose3A, %transpose3A_277, %transpose3A_279, %transpose3A_281 in 1 : vector<256x16xi32>, vector<256x16xi32>, vector<256x16xi32>, vector<256x16xi32> -> vector<256x64xi32>
    %swap3A = arith.constant 0 : index
    %swap3A_283 = arith.constant 0 : index
    %swap3A_284 = vector.load %arg5[%swap3A, %swap3A_283] : memref<256x64xi32, #tpu.memory_space<vmem>>, vector<256x64xi32>
    tpu.vector_store %arg5[%swap3A, %swap3A_283], %concatenate3A_282 {strides = array<i32>} : memref<256x64xi32, #tpu.memory_space<vmem>>, vector<256x64xi32>,
    %slice3A_285 = vector.extract_strided_slice %div3A_274 {offsets = [0, 0], sizes = [16, 256], strides = [1, 1]} : vector<16x1024xf32> to vector<16x256xf32>
    %transpose3A_286 = tpu.transpose %slice3A_285, [1, 0] : vector<16x256xf32> -> vector<256x16xf32>
    %slice3A_287 = vector.extract_strided_slice %div3A_274 {offsets = [0, 256], sizes = [16, 256], strides = [1, 1]} : vector<16x1024xf32> to vector<16x256xf32>
    %transpose3A_288 = tpu.transpose %slice3A_287, [1, 0] : vector<16x256xf32> -> vector<256x16xf32>
    %slice3A_289 = vector.extract_strided_slice %div3A_274 {offsets = [0, 512], sizes = [16, 256], strides = [1, 1]} : vector<16x1024xf32> to vector<16x256xf32>
    %transpose3A_290 = tpu.transpose %slice3A_289, [1, 0] : vector<16x256xf32> -> vector<256x16xf32>
    %slice3A_291 = vector.extract_strided_slice %div3A_274 {offsets = [0, 768], sizes = [16, 256], strides = [1, 1]} : vector<16x1024xf32> to vector<16x256xf32>
    %transpose3A_292 = tpu.transpose %slice3A_291, [1, 0] : vector<16x256xf32> -> vector<256x16xf32>
    %concatenate3A_293 = tpu.concatenate %transpose3A_286, %transpose3A_288, %transpose3A_290, %transpose3A_292 in 1 : vector<256x16xf32>, vector<256x16xf32>, vector<256x16xf32>, vector<256x16xf32> -> vector<256x64xf32>
    %swap3A_294 = arith.constant 0 : index
    %swap3A_295 = arith.constant 0 : index
    %swap3A_296 = vector.load %arg6[%swap3A_294, %swap3A_295] : memref<256x64xf32, #tpu.memory_space<vmem>>, vector<256x64xf32>
    tpu.vector_store %arg6[%swap3A_294, %swap3A_295], %concatenate3A_293 {strides = array<i32>} : memref<256x64xf32, #tpu.memory_space<vmem>>, vector<256x64xf32>,
    return
  }
  func.func @transform_0(%arg0: i32) -> (i32, i32) {
    %c0_i32 = arith.constant 0 : i32
    %c0_i32_0 = arith.constant 0 : i32
    return %arg0, %c0_i32 : i32, i32
  }
  func.func @transform_1(%arg0: i32) -> (i32, i32, i32, i32) {
    %c0_i32 = arith.constant 0 : i32
    %c0_i32_0 = arith.constant 0 : i32
    %c0_i32_1 = arith.constant 0 : i32
    %c0_i32_2 = arith.constant 0 : i32
    %c0_i32_3 = arith.constant 0 : i32
    return %c0_i32, %c0_i32_0, %c0_i32_1, %c0_i32_2 : i32, i32, i32, i32
  }
  func.func @transform_2(%arg0: i32) -> (i32, i32) {
    %c0_i32 = arith.constant 0 : i32
    %c0_i32_0 = arith.constant 0 : i32
    %c0_i32_1 = arith.constant 0 : i32
    return %c0_i32, %c0_i32_0 : i32, i32
  }
  func.func @transform_3(%arg0: i32) -> i32 {
    %c0_i32 = arith.constant 0 : i32
    %c0_i32_0 = arith.constant 0 : i32
    return %c0_i32 : i32
  }
  func.func @transform_4(%arg0: i32) -> (i32, i32) {
    %c0_i32 = arith.constant 0 : i32
    %c0_i32_0 = arith.constant 0 : i32
    return %arg0, %c0_i32 : i32, i32
  }
  func.func @transform_5(%arg0: i32) -> (i32, i32) {
    %c0_i32 = arith.constant 0 : i32
    %c0_i32_0 = arith.constant 0 : i32
    return %arg0, %c0_i32 : i32, i32
  }
}

</mosaic_0001>

<sc_bundles>
// kernel: kernel.5.cloned.1.call-start
scs
__scs_entry_jumppad:
0x0: {  	(pc) =	sbr.rel $0x88, $3  }
0x1: {  	(tag) =	ssettag $0x0;
	lr =	simm.s32 $0x1  }
0x2: {  	[smem:$0x3F98] =	sst lr;
	_ =	strace $0xD0000000  }
0x3: {  	_ = 	snop  }
0x4: {  	_ = 	snop  }
0x5: {  	_ = 	snop  }
0x6: {  	_ = 	snop  }
0x7: {  	_ = 	snop  }
__scs_overlays_trampoline_lowered:
0x8: {  	[smem:$0x3FA7] =	sst s0  }
0x9: {  	[smem:$0x3FA8] =	sst s1  }
0xa: {  	[smem:$0x3FA9] =	sst s2  }
0xb: {  	[smem:$0x3FAA] =	sst s3  }
0xc: {  	[smem:$0x3FAB] =	sst s4  }
0xd: {  	[smem:$0x3FAC] =	sst s5  }
0xe: {  	[smem:$0x3FAD] =	sst s6  }
0xf: {  	[smem:$0x3FAE] =	sst s7  }
0x10: {  	[smem:$0x3FAF] =	sst s8  }
0x11: {  	[smem:$0x3FB0] =	sst s9;
	s0 =	simm.s32 @!p0 $0x0  }
0x12: {  	s1 =	sld [smem:$0x3F96];
	s0 =	simm.s32 @p0 $0x1  }
0x13: {  	[smem:$0x3FB1] =	sst s0;
	s0 =	simm.s32 @!p1 $0x0  }
0x14: {  	s2 =	sld [smem:$0x3F95];
	s0 =	simm.s32 @p1 $0x1  }
0x15: {  	[smem:$0x3FB2] =	sst s0;
	s0 =	simm.s32 @!p2 $0x0  }
0x16: {  	s3 =	sld [smem:$0x3FDB];
	s0 =	simm.s32 @p2 $0x1  }
0x17: {  	s4 =	simm.s32 $0x1BF5;
	[smem:$0x3FB4] =	sst s0  }
0x18: {  	s0 =	sld [smem:$0x3F97];
	_ =	swait.ge [sflag:s4], $0x0  }
0x19: {  	s7 =	sld [smem:$0x3F98]  }
0x1a: {  	s8 =	sadd.s32 $0xFFFFE003, lr  }
0x1b: {  	s9 =	sadd.s32 $0xFFFFFEF7, lr;
	s5 =	simm.s32 $0xFFFFFFFF;
	p2 =	slt.u32 s8, $0xFFFFF086  }
0x1c: {  	p1 =	slt.u32 s9, $0xF7A;
	s5 =	simm.s32 @!p2 $0x0  }
0x1d: {  	s5 =	simm.s32 @p1 $0x1;
	p0 =	seq.s32 s7, s2  }
0x1e: {  	s7 =	smul.u32 @!p0 $0xF7A, s2;
	p2 =	seq.s32 @!p0 s5, $0x0  }
0x1f: {  	s9 =	smul.u32 $0xF7A, s1;
	s8 =	simm.s32 @!p0 $0x1BF5;
	p2 =	por !p2, p0  }
0x20: {  	[sflag:s8] =	ssyncset.s32 @!p0 $0xFFFFF086;
	s6 =	sadd.s32 @!p0 s3, s7;
	s7 =	simm.s32 @!p0 $0x108  }
0x21: {  	s3 =	sadd.s32 s3, s9;
	s6 =	sadd.s32 @!p0 $0x88, s6;
	s7 =	simm.s32 @p2 $0x1082  }
0x22: {  	[simem:s7], [sflag:s8] =	dma.local @!p0 [hbm:s6], $0xF7A  }
0x23: {  	s9 =	sor.u32 $0xD0000000, s2;
	s6 =	simm.s32 $0x108;
	_ =	swait.ge @!p0 [sflag:s8], $0x0  }
0x24: {  	s3 =	sadd.s32 $0x88, s3;
	s6 =	simm.s32 @!p1 $0x1082;
	[sflag:s4] =	ssyncset.s32 $0xFFFFF086  }
0x25: {  	[simem:s6], [sflag:s4] =	dma.local [hbm:s3], $0xF7A  }
0x26: {  	[smem:$0x3F98] =	sst s1;
	(tag) =	ssettag s2;
	_ =	strace s9  }
0x27: {  	s1 =	sld [smem:$0x3FA8]  }
0x28: {  	s2 =	sld [smem:$0x3FA9]  }
0x29: {  	s4 =	sld [smem:$0x3FAB]  }
0x2a: {  	p0 =	seq.s32 s5, $0x0;
	s5 =	sld [smem:$0x3FAC]  }
0x2b: {  	s6 =	sld [smem:$0x3FAD]  }
0x2c: {  	s7 =	sld [smem:$0x3FAE]  }
0x2d: {  	s3 =	simm.s32 $0x108;
	s8 =	sld [smem:$0x3FAF]  }
0x2e: {  	s3 =	simm.s32 @!p0 $0x1082;
	s9 =	sld [smem:$0x3FB0]  }
0x2f: {  	lr =	sadd.s32 s0, s3;
	s0 =	sld [smem:$0x3FA7]  }
0x30: {  	s3 =	sld [smem:$0x3FAA]  }
0x31: {  	[smem:$0x3FB3] =	sst s10  }
0x32: {  	s10 =	sld [smem:$0x3FB1];
	_ =	sdelay $0x3  }
0x33: {  	p0 =	seq.s32 s10, $0x1;
	s10 =	sld [smem:$0x3FB3];
	_ =	sdelay $0x3  }
0x34: {  	[smem:$0x3FB3] =	sst s10  }
0x35: {  	s10 =	sld [smem:$0x3FB2];
	_ =	sdelay $0x3  }
0x36: {  	p1 =	seq.s32 s10, $0x1;
	s10 =	sld [smem:$0x3FB3];
	_ =	sdelay $0x3  }
0x37: {  	[smem:$0x3FB3] =	sst s10  }
0x38: {  	s10 =	sld [smem:$0x3FB4]  }
0x39: {  	_ = 	snop;
	(pc) =	sbr.ind lr, $3  }
0x3a: {  	_ = 	snop  }
0x3b: {  	_ = 	snop  }
0x3c: {  	p2 =	seq.s32 s10, $0x1;
	s10 =	sld [smem:$0x3FB3]  }
0x3d: {  	_ =	shalt  }
0x3e: {  	_ =	shalt  }
0x3f: {  	_ =	shalt  }
0x40: {  	_ =	shalt  }
0x41: {  	_ =	shalt  }
0x42: {  	_ =	shalt  }
0x43: {  	_ =	shalt  }
0x44: {  	_ =	shalt  }
0x45: {  	_ =	shalt  }
0x46: {  	_ =	shalt  }
0x47: {  	_ =	shalt  }
0x48: {  	_ =	shalt  }
0x49: {  	_ =	shalt  }
0x4a: {  	_ =	shalt  }
0x4b: {  	_ =	shalt  }
0x4c: {  	_ =	shalt  }
0x4d: {  	_ =	shalt  }
0x4e: {  	_ =	shalt  }
0x4f: {  	_ =	shalt  }
0x50: {  	_ =	shalt  }
0x51: {  	_ =	shalt  }
0x52: {  	_ =	shalt  }
0x53: {  	_ =	shalt  }
0x54: {  	_ =	shalt  }
0x55: {  	_ =	shalt  }
0x56: {  	_ =	shalt  }
0x57: {  	_ =	shalt  }
0x58: {  	_ =	shalt  }
0x59: {  	_ =	shalt  }
0x5a: {  	_ =	shalt  }
0x5b: {  	_ =	shalt  }
0x5c: {  	_ =	shalt  }
0x5d: {  	_ =	shalt  }
0x5e: {  	_ =	shalt  }
0x5f: {  	_ =	shalt  }
0x60: {  	_ =	shalt  }
0x61: {  	_ =	shalt  }
0x62: {  	_ =	shalt  }
0x63: {  	_ =	shalt  }
0x64: {  	_ =	shalt  }
0x65: {  	_ =	shalt  }
0x66: {  	_ =	shalt  }
0x67: {  	_ =	shalt  }
0x68: {  	_ =	shalt  }
0x69: {  	_ =	shalt  }
0x6a: {  	_ =	shalt  }
0x6b: {  	_ =	shalt  }
0x6c: {  	_ =	shalt  }
0x6d: {  	_ =	shalt  }
0x6e: {  	_ =	shalt  }
0x6f: {  	_ =	shalt  }
0x70: {  	_ =	shalt  }
0x71: {  	_ =	shalt  }
0x72: {  	_ =	shalt  }
0x73: {  	_ =	shalt  }
0x74: {  	_ =	shalt  }
0x75: {  	_ =	shalt  }
0x76: {  	_ =	shalt  }
0x77: {  	_ =	shalt  }
0x78: {  	_ =	shalt  }
0x79: {  	_ =	shalt  }
0x7a: {  	_ =	shalt  }
0x7b: {  	_ =	shalt  }
0x7c: {  	_ =	shalt  }
0x7d: {  	_ =	shalt  }
0x7e: {  	_ =	shalt  }
0x7f: {  	_ =	shalt  }
0x80: {  	_ =	shalt  }
0x81: {  	_ =	shalt  }
0x82: {  	_ =	shalt  }
0x83: {  	_ =	shalt  }
0x84: {  	_ =	shalt  }
0x85: {  	_ =	shalt  }
0x86: {  	_ =	shalt  }
0x87: {  	_ =	shalt  }
.Lfunc_end0:
.L_simem_size_0:
called_computation_lowered:
.L_overlay_start_0:
0x88: {  	s2 =	sld [smem:$0x3FD9]  }
0x89: {  	s3 =	sld [smem:$0x3FFE];
	_ =	sdelay $0x1  }
0x8a: {  	s1 =	srdreg.scid  }
0x8b: {  	s0 =	sand.u32 $0x1, s1  }
0x8c: {  	s17 =	sshll.u32 s0, $0xA;
	s2 =	sadd.s32 s3, s2  }
0x8d: {  	s2 =	sadd.s32 s2, s17  }
0x8e: {  	[smem:$0x3FBF] =	sst s2  }
0x8f: {  	_ = 	snop  }
0x90: {  	s2 =	sld [smem:$0x3FC7]  }
0x91: {  	s18 =	sld [smem:$0x3FD0];
	(tm) =	ssettm $0x1  }
0x92: {  	s4 =	sld [smem:$0x3FFB];
	_ =	sdelay $0x3  }
0x93: {  	_ =	strace s4  }
0x94: {  	s4 =	sld [smem:$0x3FFC];
	_ =	sdelay $0x3  }
0x95: {  	_ =	strace s4  }
0x96: {  	s4 =	sld [smem:$0x3FFD];
	_ =	sdelay $0x3  }
0x97: {  	_ =	strace s4  }
0x98: {  	_ =	strace $0x8FFFFFFF  }
0x99: {  	s19 =	sld [smem:$0x3FDB];
	_ =	sdelay $0x1  }
0x9a: {  	s5 =	simm.s32 $_scs_section_size  }
0x9b: {  	s6 =	simm.s32 $_size__tile_overlayer_lowered;
	s7 =	simm.s32 $_tile_overlayer_lowered  }
0x9c: {  	s22 =	simm.s32 $0x1BFF;
	s21 =	sshll.u32 s7, $0x1;
	s4 =	sadd.s32 s5, s19  }
0x9d: {  	s8 =	simm.s32 $0x0;
	s20 =	sshll.u32 s6, $0x1;
	s6 =	sadd.s32 s21, s4  }
0x9e: {  	[timem:s8], [sflag:s22] =	dma.local [hbm:s6], s20  }
0x9f: {  	_ =	swait.ge [sflag:s22], s20  }
0xa0: {  	s5 =	ssub.s32 $0x0, s20;
	[sflag:s22] =	ssyncset.done $0x0  }
0xa1: {  	[sflag:s22] =	ssyncadd.s32 s5;
	_ =	sdelay $0x1  }
0xa2: {  	s23 =	simm.s32 $0x1B8B  }
0xa3: {  	_ =	swait.ge [sflag:s23], $0x1  }
0xa4: {  	[sflag:s23] =	ssyncset.done $0x0  }
0xa5: {  	s25 =	simm.s32 $0x1B8E;
	s24 =	sld [smem:$0x3FFE];
	[sflag:s23] =	ssyncadd.s32 $0xFFFFFFFF  }
0xa6: {  	s26 =	simm.s32 $execute0_lowered;
	[smem:$0x3FD2] =	sst s25  }
0xa7: {  	s6 =	sshll.u32 s26, $0x1;
	_ =	strace $0x80000046;
	[dreg:$0x1] =	wrdreg $0xFFFFFFFF  }
0xa8: {  	s28 =	simm.s32 $_size_execute0_lowered;
	s4 =	sadd.s32 s4, s6;
	[dreg:$0x0] =	wrdreg $0x0  }
0xa9: {  	s6 =	sshll.u32 s28, $0x1;
	[dreg:$0x2] =	wrdreg s4  }
0xaa: {  	[dreg:$0x3] =	wrdreg s6  }
0xab: {  	[dreg:$0x4] =	wrdreg $0xC0  }
0xac: {  	_ =	task [dreg:s8], $0x5FFFF  }
0xad: {  	[dreg:$0x1] =	wrdreg $0xFFFFFFFF  }
0xae: {  	[dreg:$0x0] =	wrdreg $0x60  }
0xaf: {  	[dreg:$0x2] =	wrdreg s2  }
0xb0: {  	[dreg:$0x3] =	wrdreg s24  }
0xb1: {  	[dreg:$0x4] =	wrdreg s18  }
0xb2: {  	[dreg:$0x5] =	wrdreg $0x9  }
0xb3: {  	_ =	task.clear_ibuf [dreg:s8], $0x6FFFF;
	_ =	strace $0x90000046  }
0xb4: {  	s29 =	simm.s32 $0x9;
	_ =	strace $0x80000048  }
0xb5: {  	_ =	swait.ge [sflag:s29], $0x1  }
0xb6: {  	[sflag:s29] =	ssyncadd.s32 $0xFFFFFFFF  }
0xb7: {  	_ =	strace $0x90000048  }
0xb8: {  	_ =	sfence  }
0xb9: {  	s30 =	sld [smem:$0x0];
	_ =	sdelay $0x2  }
0xba: {  	s31 =	sshll.u32 s1, $0xD;
	s1 =	sshrl.u32 s1, $0x2  }
0xbb: {  	s3 =	sand.u32 $0x4000, s31;
	s1 =	sadd.s32 s1, s30  }
0xbc: {  	s0 =	sor.u32 s3, s0;
	s1 =	sshll.u32 s1, $0x11  }
0xbd: {  	s0 =	sor.u32 s1, s0  }
0xbe: {  	s0 =	sadd.s32 $0x8F2B, s0  }
0xbf: {  	[sflag:s0] =	ssyncadd.remote.s32 $0x1  }
0xc0: {  	_ =	sfence.sel $0xFFFF  }
0xc1: {  	[dreg:$0x0] =	wrdreg $0xFFFFFFFF;
	(pc) =	sbr.abs _section_cstart, $3  }
0xc2: {  	[dreg:$0x1] =	wrdreg $0xFFFFFFFF  }
0xc3: {  	_ =	task.clear_ibuf [dreg:s8], $0x2FFFF;
	_ =	strace $0x9FFFFFFF  }
0xc4: {  	(tm) =	ssettm $0x7FFFFFFF  }
0xc5: {  	_ =	shalt  }
tec
execute0_lowered:
.L_overlay_start_1:
0x0: {  	(tag) =	ssettag $0x1  }
0x1: {  	s1 =	rddreg [dreg:$0x0]  }
0x2: {  	s0 =	rddreg [dreg:$0x1]  }
0x3: {  	s2 =	rddreg [dreg:$0x2];
	s3 =	simm.s32 $0x0  }
0x4: {  	s4 =	srdreg.scid;
	s5 =	stileid.u32;
	s11 =	simm.s32 $0x3  }
0x5: {  	s24 =	simm.s32 $0x1;
	s25 =	simm.s32 $0x2;
	s26 =	simm.s32 $0x13000  }
0x6: {  	s10 =	simm.s32 $0x133F0;
	s28 =	simm.s32 $0x80;
	s29 =	simm.s32 $0x400  }
0x7: {  	[smem:$0x7FF] =	sst s3;
	s4 =	sand.u32 $0x1, s4;
	s5 =	sshll.u32 s5, $0x1  }
0x8: {  	_ =	strace $0x80000047;
	s5 =	sor.u32 s4, s5;
	s4 =	ssub.s32 $0x2, s4  }
0x9: {  	s6 =	sshll.u32 s5, $0xA;
	s7 =	sshll.u32 s5, $0x9;
	s8 =	sshrl.u32 s4, $0x1  }
0xa: {  	s30 =	sshll.u32 s5, $0xD;
	s6 =	sadd.s32 s6, s0;
	s0 =	sadd.s32 s7, s0  }
0xb: {  	s4 =	ssub.s32 s4, s8;
	s7 =	sadd.s32 $0x200, s1;
	s6 =	sadd.s32 $0x1A00, s6  }
0xc: {  	v2 =	vlaneseq.u32;
	s8 =	sadd.s32 $0x300, s1;
	s0 =	sadd.s32 $0x9A00, s0;
	[dreg:$0x4] =	wrdreg s6  }
0xd: {  	vm0 =	vmmov $0xffff;
	v1 =	vshrl.u32 v2, $0x3;
	s9 =	sadd.s32 s2, s30;
	s31 =	smax.u32 s4, $0x1;
	[dreg:$0x5] =	wrdreg s0  }
0xe: {  	v0 =	vand.u32 $0x7, v2;
	v2 =	vor.u32 $0x8, v2;
	v1 =	vmul.u32 $0x8, v1;
	s2 =	simm.s32 $0x0;
	s6 =	sadd.s32 $0x100, s1;
	[dreg:$0x6] =	wrdreg s31  }
.LBB2_1:
0xf: {  	[dreg:$0x7] =	wrdreg s2  }
0x10: {  	s0 =	rddreg [dreg:$0x4]  }
0x11: {  	[tilespmem:s3], [sflag:$0x3] =	stream.linear.gather [hbm4b:s0+s3], $0x2000, $0x38;
	[tilespmem:$0x13400] =	vst v63  }
0x12: {  	_ =	swait.ge [sflag:s11], $0x2000  }
0x13: {  	[sflag:s11] =	ssyncset.done $0x0  }
0x14: {  	s31 =	simm.s32 $0x2000;
	s23 =	rddreg [dreg:$0x5];
	[sflag:s11] =	ssyncadd.s32 $0xFFFFE000  }
0x15: {  	[tilespmem:s31], [sflag:$0x3] =	stream.linear.gather [hbm4b:s23+s3], $0x1000, $0x38;
	[tilespmem:$0x13400] =	vst v63  }
0x16: {  	_ =	swait.ge [sflag:s11], $0x1000  }
0x17: {  	[sflag:s11] =	ssyncset.done $0x0  }
0x18: {  	[sflag:s11] =	ssyncadd.s32 $0xFFFFF000  }
0x19: {  	v3 =	vld [tilespmem:$0x0];
	_ =	sdelay $0x4  }
0x1a: {  	v4 =	vshll.u32 v3, $0x3  }
0x1b: {  	v3 =	vand.u32 $0x7, v3;
	v4 =	vand.u32 $0xFFFFFFC0, v4  }
0x1c: {  	v3 =	vor.u32 v3, v4  }
0x1d: {  	v4 =	vperm.xlane v3, v0;
	_ =	sdelay $0x1  }
0x1e: {  	v4 =	vadd.s32 v1, v4;
	_ =	sdelay $0x3  }
0x1f: {  	s2 =	simm.s32 $0x3000  }
0x20: {  	[tilespmem:s2], [sflag:$0x1] =	stream.indirect_vreg.gather [hbm4b:s1+s3], $0x80, v4, vm0, $0xb8;
	[tilespmem:$0x13400] =	vst v63  }
0x21: {  	s4 =	simm.s32 $0x3800;
	v3 =	vperm.xlane v3, v2  }
0x22: {  	[tilespmem:s4], [sflag:$0x1] =	stream.indirect_vreg.gather [hbm4b:s6+s3], $0x80, v4, vm0, $0xb8;
	[tilespmem:$0x13400] =	vst v63  }
0x23: {  	s5 =	simm.s32 $0x4000;
	v3 =	vadd.s32 v1, v3  }
0x24: {  	[tilespmem:s5], [sflag:$0x1] =	stream.indirect_vreg.gather [hbm4b:s7+s3], $0x80, v4, vm0, $0xb8;
	[tilespmem:$0x13400] =	vst v63  }
0x25: {  	s12 =	simm.s32 $0x4800  }
0x26: {  	[tilespmem:s12], [sflag:$0x1] =	stream.indirect_vreg.gather [hbm4b:s8+s3], $0x80, v4, vm0, $0xb8;
	[tilespmem:$0x13400] =	vst v63  }
0x27: {  	s13 =	simm.s32 $0x5000  }
0x28: {  	[tilespmem:s13], [sflag:$0x1] =	stream.indirect_vreg.gather [hbm4b:s1+s3], $0x80, v3, vm0, $0xb8;
	[tilespmem:$0x13400] =	vst v63  }
0x29: {  	s14 =	simm.s32 $0x5800  }
0x2a: {  	[tilespmem:s14], [sflag:$0x1] =	stream.indirect_vreg.gather [hbm4b:s6+s3], $0x80, v3, vm0, $0xb8;
	[tilespmem:$0x13400] =	vst v63  }
0x2b: {  	s15 =	simm.s32 $0x6000  }
0x2c: {  	[tilespmem:s15], [sflag:$0x1] =	stream.indirect_vreg.gather [hbm4b:s7+s3], $0x80, v3, vm0, $0xb8;
	[tilespmem:$0x13400] =	vst v63  }
0x2d: {  	s16 =	simm.s32 $0x6800  }
0x2e: {  	[tilespmem:s16], [sflag:$0x1] =	stream.indirect_vreg.gather [hbm4b:s8+s3], $0x80, v3, vm0, $0xb8;
	[tilespmem:$0x13400] =	vst v63  }
0x2f: {  	v3 =	vld [tilespmem:$0x10];
	_ =	sdelay $0x4  }
0x30: {  	v61 =	vshll.u32 v3, $0x3  }
0x31: {  	v3 =	vand.u32 $0x7, v3;
	v4 =	vand.u32 $0xFFFFFFC0, v61  }
0x32: {  	v3 =	vor.u32 v3, v4  }
0x33: {  	v4 =	vperm.xlane v3, v0;
	_ =	sdelay $0x1  }
0x34: {  	v4 =	vadd.s32 v1, v4;
	_ =	sdelay $0x3  }
0x35: {  	s17 =	simm.s32 $0x7000  }
0x36: {  	[tilespmem:s17], [sflag:$0x1] =	stream.indirect_vreg.gather [hbm4b:s1+s3], $0x80, v4, vm0, $0xb8;
	[tilespmem:$0x13400] =	vst v63  }
0x37: {  	s18 =	simm.s32 $0x7800;
	v3 =	vperm.xlane v3, v2  }
0x38: {  	[tilespmem:s18], [sflag:$0x1] =	stream.indirect_vreg.gather [hbm4b:s6+s3], $0x80, v4, vm0, $0xb8;
	[tilespmem:$0x13400] =	vst v63  }
0x39: {  	s19 =	simm.s32 $0x8000;
	v3 =	vadd.s32 v1, v3  }
0x3a: {  	[tilespmem:s19], [sflag:$0x1] =	stream.indirect_vreg.gather [hbm4b:s7+s3], $0x80, v4, vm0, $0xb8;
	[tilespmem:$0x13400] =	vst v63  }
0x3b: {  	s20 =	simm.s32 $0x8800  }
0x3c: {  	[tilespmem:s20], [sflag:$0x1] =	stream.indirect_vreg.gather [hbm4b:s8+s3], $0x80, v4, vm0, $0xb8;
	[tilespmem:$0x13400] =	vst v63  }
0x3d: {  	s21 =	simm.s32 $0x9000  }
0x3e: {  	[tilespmem:s21], [sflag:$0x1] =	stream.indirect_vreg.gather [hbm4b:s1+s3], $0x80, v3, vm0, $0xb8;
	[tilespmem:$0x13400] =	vst v63  }
0x3f: {  	s22 =	simm.s32 $0x9800  }
0x40: {  	[tilespmem:s22], [sflag:$0x1] =	stream.indirect_vreg.gather [hbm4b:s6+s3], $0x80, v3, vm0, $0xb8;
	[tilespmem:$0x13400] =	vst v63  }
0x41: {  	s23 =	simm.s32 $0xA000  }
0x42: {  	[tilespmem:s23], [sflag:$0x1] =	stream.indirect_vreg.gather [hbm4b:s7+s3], $0x80, v3, vm0, $0xb8;
	[tilespmem:$0x13400] =	vst v63  }
0x43: {  	s31 =	simm.s32 $0xA800  }
0x44: {  	[tilespmem:s31], [sflag:$0x1] =	stream.indirect_vreg.gather [hbm4b:s8+s3], $0x80, v3, vm0, $0xb8;
	[tilespmem:$0x13400] =	vst v63  }
0x45: {  	v3 =	vld [tilespmem:$0x20];
	_ =	sdelay $0x4  }
0x46: {  	v62 =	vshll.u32 v3, $0x3  }
0x47: {  	v3 =	vand.u32 $0x7, v3;
	v4 =	vand.u32 $0xFFFFFFC0, v62  }
0x48: {  	v3 =	vor.u32 v3, v4  }
0x49: {  	v4 =	vperm.xlane v3, v0;
	_ =	sdelay $0x1  }
0x4a: {  	v4 =	vadd.s32 v1, v4;
	_ =	sdelay $0x3  }
0x4b: {  	s2 =	simm.s32 $0xB000  }
0x4c: {  	[tilespmem:s2], [sflag:$0x2] =	stream.indirect_vreg.gather [hbm4b:s1+s3], $0x80, v4, vm0, $0xb8;
	[tilespmem:$0x13400] =	vst v63  }
0x4d: {  	s4 =	simm.s32 $0xB800;
	v3 =	vperm.xlane v3, v2  }
0x4e: {  	[tilespmem:s4], [sflag:$0x2] =	stream.indirect_vreg.gather [hbm4b:s6+s3], $0x80, v4, vm0, $0xb8;
	[tilespmem:$0x13400] =	vst v63  }
0x4f: {  	s5 =	simm.s32 $0xC000;
	v3 =	vadd.s32 v1, v3  }
0x50: {  	[tilespmem:s5], [sflag:$0x2] =	stream.indirect_vreg.gather [hbm4b:s7+s3], $0x80, v4, vm0, $0xb8;
	[tilespmem:$0x13400] =	vst v63  }
0x51: {  	s12 =	simm.s32 $0xC800  }
0x52: {  	[tilespmem:s12], [sflag:$0x2] =	stream.indirect_vreg.gather [hbm4b:s8+s3], $0x80, v4, vm0, $0xb8;
	[tilespmem:$0x13400] =	vst v63  }
0x53: {  	s13 =	simm.s32 $0xD000  }
0x54: {  	[tilespmem:s13], [sflag:$0x2] =	stream.indirect_vreg.gather [hbm4b:s1+s3], $0x80, v3, vm0, $0xb8;
	[tilespmem:$0x13400] =	vst v63  }
0x55: {  	s14 =	simm.s32 $0xD800  }
0x56: {  	[tilespmem:s14], [sflag:$0x2] =	stream.indirect_vreg.gather [hbm4b:s6+s3], $0x80, v3, vm0, $0xb8;
	[tilespmem:$0x13400] =	vst v63  }
0x57: {  	s15 =	simm.s32 $0xE000  }
0x58: {  	[tilespmem:s15], [sflag:$0x2] =	stream.indirect_vreg.gather [hbm4b:s7+s3], $0x80, v3, vm0, $0xb8;
	[tilespmem:$0x13400] =	vst v63  }
0x59: {  	s16 =	simm.s32 $0xE800  }
0x5a: {  	[tilespmem:s16], [sflag:$0x2] =	stream.indirect_vreg.gather [hbm4b:s8+s3], $0x80, v3, vm0, $0xb8;
	[tilespmem:$0x13400] =	vst v63  }
0x5b: {  	v3 =	vld [tilespmem:$0x30];
	_ =	sdelay $0x4  }
0x5c: {  	v63 =	vshll.u32 v3, $0x3  }
0x5d: {  	v3 =	vand.u32 $0x7, v3;
	v4 =	vand.u32 $0xFFFFFFC0, v63  }
0x5e: {  	v3 =	vor.u32 v3, v4  }
0x5f: {  	v4 =	vperm.xlane v3, v0;
	_ =	sdelay $0x1  }
0x60: {  	v4 =	vadd.s32 v1, v4;
	_ =	sdelay $0x3  }
0x61: {  	s17 =	simm.s32 $0xF000  }
0x62: {  	[tilespmem:s17], [sflag:$0x2] =	stream.indirect_vreg.gather [hbm4b:s1+s3], $0x80, v4, vm0, $0xb8;
	[tilespmem:$0x13400] =	vst v63  }
0x63: {  	s18 =	simm.s32 $0xF800;
	v3 =	vperm.xlane v3, v2  }
0x64: {  	[tilespmem:s18], [sflag:$0x2] =	stream.indirect_vreg.gather [hbm4b:s6+s3], $0x80, v4, vm0, $0xb8;
	[tilespmem:$0x13400] =	vst v63  }
0x65: {  	s19 =	simm.s32 $0x10000;
	v3 =	vadd.s32 v1, v3  }
0x66: {  	[tilespmem:s19], [sflag:$0x2] =	stream.indirect_vreg.gather [hbm4b:s7+s3], $0x80, v4, vm0, $0xb8;
	[tilespmem:$0x13400] =	vst v63  }
0x67: {  	s20 =	simm.s32 $0x10800  }
0x68: {  	[tilespmem:s20], [sflag:$0x2] =	stream.indirect_vreg.gather [hbm4b:s8+s3], $0x80, v4, vm0, $0xb8;
	[tilespmem:$0x13400] =	vst v63  }
0x69: {  	s21 =	simm.s32 $0x11000  }
0x6a: {  	[tilespmem:s21], [sflag:$0x2] =	stream.indirect_vreg.gather [hbm4b:s1+s3], $0x80, v3, vm0, $0xb8;
	[tilespmem:$0x13400] =	vst v63  }
0x6b: {  	s22 =	simm.s32 $0x11800  }
0x6c: {  	[tilespmem:s22], [sflag:$0x2] =	stream.indirect_vreg.gather [hbm4b:s6+s3], $0x80, v3, vm0, $0xb8;
	[tilespmem:$0x13400] =	vst v63  }
0x6d: {  	s23 =	simm.s32 $0x12000  }
0x6e: {  	[tilespmem:s23], [sflag:$0x2] =	stream.indirect_vreg.gather [hbm4b:s7+s3], $0x80, v3, vm0, $0xb8;
	[tilespmem:$0x13400] =	vst v63  }
0x6f: {  	s30 =	simm.s32 $0x0;
	s31 =	simm.s32 $0x12800  }
0x70: {  	[tilespmem:s31], [sflag:$0x2] =	stream.indirect_vreg.gather [hbm4b:s8+s3], $0x80, v3, vm0, $0xb8;
	[tilespmem:$0x13400] =	vst v63  }
.LBB2_2:
0x71: {  	s0 =	sshll.u32 s30, $0x6  }
0x72: {  	s0 =	sand.u32 $0x3FFFFFC0, s0  }
0x73: {  	s2 =	sadd.s32 $0x2000, s0  }
0x74: {  	v3 =	vmov s2;
	_ =	sdelay $0x1  }
0x75: {  	_ =	swait.ge [sflag:s24], $0x8000;
	s31 =	simm.s32 $0x0  }
0x76: {  	[sflag:s24] =	ssyncset.done $0x0;
	s23 =	sand.u32 $0x40, s31;
	s12 =	sand.u32 $0x6000, s31  }
0x77: {  	s13 =	sand.u32 $0x380, s31;
	[sflag:s24] =	ssyncadd.s32 $0xFFFF8000;
	s2 =	sshrl.u32 s23, $0x2  }
0x78: {  	v4 =	vld.idx.msk [tilespmem:v3+s2+$0x0 ss:$0x1], $0xffff;
	s2 =	sor.u32 s13, s12  }
0x79: {  	v6 =	vld [tilespmem:s2+$0x3470]  }
0x7a: {  	v7 =	vld [tilespmem:s2+$0x3000]  }
0x7b: {  	v8 =	vld [tilespmem:s2+$0x3010]  }
0x7c: {  	v9 =	vld [tilespmem:s2+$0x3020]  }
0x7d: {  	v10 =	vld [tilespmem:s2+$0x3030]  }
0x7e: {  	v5 =	vmov s31;
	v16 =	vld [tilespmem:s2+$0x3050]  }
0x7f: {  	v11 =	vld [tilespmem:s2+$0x3040];
	v5 =	vperm.xlane v4, v5  }
0x80: {  	v15 =	vimm.f32 $0.0e+00;
	v19 =	vimm.f32 $0.0e+00;
	v20 =	vimm.f32 $0.0e+00  }
0x81: {  	v18 =	vimm.f32 $0.0e+00;
	v4 =	vmul.f32 v6, v5;
	v7 =	vmul.f32 v7, v5  }
0x82: {  	v17 =	vimm.f32 $0.0e+00;
	v6 =	vld [tilespmem:s2+$0x3060];
	v8 =	vmul.f32 v8, v5;
	v9 =	vmul.f32 v9, v5  }
0x83: {  	v25 =	vld [tilespmem:s2+$0x3070];
	v10 =	vmul.f32 v10, v5;
	v26 =	vmul.f32 v16, v5;
	v4 =	vadd.f32 v4, v15  }
0x84: {  	v24 =	vld [tilespmem:s2+$0x3400];
	v14 =	vadd.f32 v7, v15;
	v12 =	vadd.f32 v8, v15;
	v7 =	vmul.f32 v11, v5  }
0x85: {  	v23 =	vld [tilespmem:s2+$0x3410];
	v16 =	vimm.f32 $0.0e+00;
	v13 =	vadd.f32 v9, v15;
	v11 =	vadd.f32 v10, v15  }
0x86: {  	s15 =	simm.s32 $0x2;
	s13 =	simm.s32 $0x4;
	v22 =	vld [tilespmem:s2+$0x3420];
	v8 =	vimm.f32 $0.0e+00;
	v10 =	vimm.f32 $0.0e+00;
	v9 =	vadd.f32 v7, v15  }
0x87: {  	s14 =	simm.s32 $0x0;
	s12 =	simm.s32 $0x1;
	s16 =	sand.u32 $0x40, s13;
	v21 =	vld [tilespmem:s2+$0x3430];
	v7 =	vimm.f32 $0.0e+00;
	v27 =	vmul.f32 v6, v5;
	v6 =	vimm.f32 $0.0e+00  }
.LBB2_3:
0x88: {  	p0 =	sne.s32 s15, $0x1F;
	s16 =	sshrl.u32 s16, $0x2;
	v15 =	vadd.f32 v26, v15;
	v25 =	vmul.f32 v25, v5;
	v26 =	vld [tilespmem:s2+$0x3440]  }
0x89: {  	s31 =	sadd.s32 $0x80, s31;
	s14 =	sadd.s32 $0x400, s14;
	v28 =	vld.idx.msk [tilespmem:v3+s16+$0x0 ss:$0x1], $0xffff;
	v19 =	vadd.f32 v27, v19;
	v24 =	vmul.f32 v24, v5  }
0x8a: {  	s16 =	sand.u32 $0x6000, s14;
	s17 =	sand.u32 $0x380, s31;
	v20 =	vadd.f32 v25, v20;
	v23 =	vmul.f32 v23, v5;
	v25 =	vld [tilespmem:s2+$0x3450]  }
0x8b: {  	v18 =	vadd.f32 v24, v18;
	v22 =	vmul.f32 v22, v5;
	v24 =	vld [tilespmem:s2+$0x3460];
	s2 =	sor.u32 s17, s16  }
0x8c: {  	v27 =	vld [tilespmem:s2+$0x3470];
	v17 =	vadd.f32 v23, v17;
	v21 =	vmul.f32 v21, v5  }
0x8d: {  	v23 =	vld [tilespmem:s2+$0x3000];
	v16 =	vadd.f32 v22, v16;
	v22 =	vmul.f32 v26, v5  }
0x8e: {  	v26 =	vmov s12;
	s12 =	smov.u32 s15;
	v29 =	vld [tilespmem:s2+$0x3010];
	v8 =	vadd.f32 v21, v8  }
0x8f: {  	v21 =	vperm.xlane v28, v26;
	v26 =	vld [tilespmem:s2+$0x3020];
	v10 =	vadd.f32 v22, v10;
	v22 =	vmul.f32 v25, v5  }
0x90: {  	v28 =	vld [tilespmem:s2+$0x3030];
	v24 =	vmul.f32 v24, v5  }
0x91: {  	v5 =	vmov v21;
	v30 =	vld [tilespmem:s2+$0x3040];
	v25 =	vmul.f32 v27, v21;
	v7 =	vadd.f32 v22, v7  }
0x92: {  	v21 =	vmul.f32 v23, v5;
	v22 =	vld [tilespmem:s2+$0x3050];
	v6 =	vadd.f32 v24, v6  }
0x93: {  	v23 =	vmul.f32 v29, v5;
	v27 =	vld [tilespmem:s2+$0x3060];
	v4 =	vadd.f32 v25, v4  }
.Ltmp0:
0x94: {  	v14 =	vadd.f32 v21, v14;
	v21 =	vmul.f32 v26, v5;
	v25 =	vld [tilespmem:s2+$0x3070];
	(pc) =	sbr.rel @p0 .LBB2_3-.Ltmp0, $4  }
0x95: {  	v12 =	vadd.f32 v23, v12;
	v26 =	vmul.f32 v28, v5;
	v24 =	vld [tilespmem:s2+$0x3400]  }
0x96: {  	v13 =	vadd.f32 v21, v13;
	v21 =	vmul.f32 v30, v5;
	v23 =	vld [tilespmem:s2+$0x3410]  }
0x97: {  	s13 =	sadd.s32 $0x4, s13;
	v11 =	vadd.f32 v26, v11;
	v26 =	vmul.f32 v22, v5;
	v22 =	vld [tilespmem:s2+$0x3420]  }
0x98: {  	s16 =	sand.u32 $0x40, s13;
	s15 =	sadd.s32 $0x1, s15;
	v9 =	vadd.f32 v21, v9;
	v27 =	vmul.f32 v27, v5;
	v21 =	vld [tilespmem:s2+$0x3430]  }
0x99: {  	_ =	sdelay $0x1  }
0x9a: {  	v28 =	vld [tilespmem:s2+$0x3440]  }
0x9b: {  	s13 =	sshrl.u32 s16, $0x2;
	s20 =	sadd.s32 $0x80, s31;
	s14 =	sadd.s32 $0x400, s14;
	v30 =	vld [tilespmem:s2+$0x3450]  }
0x9c: {  	v29 =	vld.idx.msk [tilespmem:v3+s13+$0x0 ss:$0x1], $0xffff;
	s14 =	sand.u32 $0x6000, s14;
	s13 =	sand.u32 $0x380, s20  }
0x9d: {  	v31 =	vld [tilespmem:s2+$0x3460];
	s13 =	sor.u32 s13, s14  }
0x9e: {  	v32 =	vld [tilespmem:s13+$0x3470]  }
0x9f: {  	v33 =	vld [tilespmem:s13+$0x3000]  }
0xa0: {  	v34 =	vld [tilespmem:s13+$0x3010]  }
0xa1: {  	v35 =	vld [tilespmem:s13+$0x3020]  }
0xa2: {  	v36 =	vld [tilespmem:s13+$0x3030]  }
0xa3: {  	v37 =	vld [tilespmem:s13+$0x3040]  }
0xa4: {  	v38 =	vld [tilespmem:s13+$0x3050]  }
0xa5: {  	v39 =	vld [tilespmem:s13+$0x3060]  }
0xa6: {  	v41 =	vmov s12;
	v40 =	vld [tilespmem:s13+$0x3070]  }
0xa7: {  	v42 =	vld [tilespmem:s13+$0x3400];
	v29 =	vperm.xlane v29, v41  }
0xa8: {  	v25 =	vmul.f32 v25, v5;
	v61 =	vld [tilespmem:s13+$0x3410]  }
0xa9: {  	v15 =	vadd.f32 v26, v15;
	v24 =	vmul.f32 v24, v5;
	v43 =	vld [tilespmem:s13+$0x3420];
	v26 =	vmul.f32 v33, v29  }
0xaa: {  	v19 =	vadd.f32 v27, v19;
	v20 =	vadd.f32 v25, v20;
	v62 =	vld [tilespmem:s13+$0x3430];
	v25 =	vmul.f32 v34, v29  }
0xab: {  	v27 =	vld [tilespmem:s13+$0x3440];
	v18 =	vadd.f32 v24, v18;
	v24 =	vmul.f32 v35, v29;
	v14 =	vadd.f32 v26, v14  }
0xac: {  	v23 =	vmul.f32 v23, v5;
	v63 =	vld [tilespmem:s13+$0x3460];
	v12 =	vadd.f32 v25, v12;
	v25 =	vmul.f32 v36, v29  }
0xad: {  	v26 =	vld [tilespmem:s13+$0x3450];
	v13 =	vadd.f32 v24, v13;
	[tilespmem:$0x13000] =	vst v14;
	v14 =	vmul.f32 v22, v5;
	v22 =	vmul.f32 v37, v29  }
0xae: {  	v17 =	vadd.f32 v23, v17;
	v11 =	vadd.f32 v25, v11;
	[tilespmem:$0x13010] =	vst v12;
	v12 =	vmul.f32 v38, v29  }
0xaf: {  	[tilespmem:$0x13020] =	vst v13;
	v13 =	vmul.f32 v39, v29;
	v14 =	vadd.f32 v14, v16;
	v9 =	vadd.f32 v22, v9  }
0xb0: {  	v12 =	vadd.f32 v12, v15;
	[tilespmem:$0x13030] =	vst v11;
	v11 =	vmul.f32 v21, v5;
	v15 =	vmul.f32 v40, v29  }
0xb1: {  	v13 =	vadd.f32 v13, v19;
	v16 =	vmul.f32 v42, v29;
	[tilespmem:$0x13040] =	vst v9;
	v9 =	vmul.f32 v28, v5  }
0xb2: {  	v8 =	vadd.f32 v11, v8;
	v11 =	vadd.f32 v15, v20;
	v15 =	vmul.f32 v61, v29;
	[tilespmem:$0x13050] =	vst v12  }
0xb3: {  	v12 =	vmul.f32 v43, v29;
	[tilespmem:$0x13060] =	vst v13;
	v9 =	vadd.f32 v9, v10;
	v10 =	vadd.f32 v16, v18  }
0xb4: {  	v13 =	vmul.f32 v30, v5;
	v15 =	vadd.f32 v15, v17;
	v16 =	vmul.f32 v62, v29;
	[tilespmem:$0x13070] =	vst v11  }
0xb5: {  	v5 =	vmul.f32 v31, v5;
	v11 =	vadd.f32 v12, v14;
	v12 =	vmul.f32 v27, v29;
	[tilespmem:$0x13080] =	vst v10  }
0xb6: {  	v7 =	vadd.f32 v13, v7;
	v8 =	vadd.f32 v16, v8;
	v10 =	vmul.f32 v26, v29;
	[tilespmem:$0x13090] =	vst v15  }
0xb7: {  	v5 =	vadd.f32 v5, v6;
	v6 =	vadd.f32 v12, v9;
	v9 =	vmul.f32 v63, v29;
	[tilespmem:$0x130A0] =	vst v11  }
0xb8: {  	v11 =	vmul.f32 v32, v29;
	v7 =	vadd.f32 v10, v7;
	[tilespmem:$0x130B0] =	vst v8  }
0xb9: {  	v5 =	vadd.f32 v9, v5;
	[tilespmem:$0x130C0] =	vst v6  }
0xba: {  	s31 =	simm.s32 $0x0;
	v4 =	vadd.f32 v11, v4;
	[tilespmem:$0x130D0] =	vst v7  }
0xbb: {  	s21 =	sand.u32 $0x40, s31;
	[tilespmem:$0x130E0] =	vst v5  }
0xbc: {  	s22 =	sand.u32 $0x6000, s31;
	s23 =	sand.u32 $0x380, s31;
	s2 =	sshrl.u32 s21, $0x2;
	[tilespmem:$0x130F0] =	vst v4  }
0xbd: {  	v4 =	vld.idx.msk [tilespmem:v3+s2+$0x0 ss:$0x1], $0xffff;
	s2 =	sor.u32 s23, s22  }
0xbe: {  	v6 =	vld [tilespmem:s2+$0x3C70]  }
0xbf: {  	v7 =	vld [tilespmem:s2+$0x3800]  }
0xc0: {  	v8 =	vld [tilespmem:s2+$0x3810]  }
0xc1: {  	v9 =	vld [tilespmem:s2+$0x3820]  }
0xc2: {  	v10 =	vld [tilespmem:s2+$0x3830]  }
0xc3: {  	v5 =	vmov s31;
	v16 =	vld [tilespmem:s2+$0x3850]  }
0xc4: {  	v11 =	vld [tilespmem:s2+$0x3840];
	v5 =	vperm.xlane v4, v5  }
0xc5: {  	v19 =	vimm.f32 $0.0e+00;
	v20 =	vimm.f32 $0.0e+00;
	v18 =	vimm.f32 $0.0e+00  }
0xc6: {  	v17 =	vimm.f32 $0.0e+00;
	v4 =	vmul.f32 v6, v5;
	v7 =	vmul.f32 v7, v5  }
0xc7: {  	v15 =	vimm.f32 $0.0e+00;
	v6 =	vld [tilespmem:s2+$0x3860];
	v8 =	vmul.f32 v8, v5;
	v9 =	vmul.f32 v9, v5  }
0xc8: {  	v25 =	vld [tilespmem:s2+$0x3870];
	v10 =	vmul.f32 v10, v5;
	v26 =	vmul.f32 v16, v5;
	v4 =	vadd.f32 v4, v15  }
0xc9: {  	v24 =	vld [tilespmem:s2+$0x3C00];
	v14 =	vadd.f32 v7, v15;
	v12 =	vadd.f32 v8, v15;
	v7 =	vmul.f32 v11, v5  }
0xca: {  	v23 =	vld [tilespmem:s2+$0x3C10];
	v16 =	vimm.f32 $0.0e+00;
	v13 =	vadd.f32 v9, v15;
	v11 =	vadd.f32 v10, v15  }
0xcb: {  	s12 =	simm.s32 $0x1;
	s13 =	simm.s32 $0x4;
	v22 =	vld [tilespmem:s2+$0x3C20];
	v8 =	vimm.f32 $0.0e+00;
	v10 =	vimm.f32 $0.0e+00;
	v9 =	vadd.f32 v7, v15  }
0xcc: {  	s15 =	simm.s32 $0x2;
	s14 =	simm.s32 $0x0;
	s16 =	sand.u32 $0x40, s13;
	v21 =	vld [tilespmem:s2+$0x3C30];
	v7 =	vimm.f32 $0.0e+00;
	v27 =	vmul.f32 v6, v5;
	v6 =	vimm.f32 $0.0e+00  }
.LBB2_5:
0xcd: {  	p0 =	sne.s32 s15, $0x1F;
	s16 =	sshrl.u32 s16, $0x2;
	v15 =	vadd.f32 v26, v15;
	v25 =	vmul.f32 v25, v5;
	v26 =	vld [tilespmem:s2+$0x3C40]  }
0xce: {  	s31 =	sadd.s32 $0x80, s31;
	s14 =	sadd.s32 $0x400, s14;
	v28 =	vld.idx.msk [tilespmem:v3+s16+$0x0 ss:$0x1], $0xffff;
	v19 =	vadd.f32 v27, v19;
	v24 =	vmul.f32 v24, v5  }
0xcf: {  	s16 =	sand.u32 $0x6000, s14;
	s17 =	sand.u32 $0x380, s31;
	v20 =	vadd.f32 v25, v20;
	v23 =	vmul.f32 v23, v5;
	v25 =	vld [tilespmem:s2+$0x3C50]  }
0xd0: {  	v18 =	vadd.f32 v24, v18;
	v22 =	vmul.f32 v22, v5;
	v24 =	vld [tilespmem:s2+$0x3C60];
	s2 =	sor.u32 s17, s16  }
0xd1: {  	v27 =	vld [tilespmem:s2+$0x3C70];
	v17 =	vadd.f32 v23, v17;
	v21 =	vmul.f32 v21, v5  }
0xd2: {  	v23 =	vld [tilespmem:s2+$0x3800];
	v16 =	vadd.f32 v22, v16;
	v22 =	vmul.f32 v26, v5  }
0xd3: {  	v26 =	vmov s12;
	s12 =	smov.u32 s15;
	v29 =	vld [tilespmem:s2+$0x3810];
	v8 =	vadd.f32 v21, v8  }
0xd4: {  	v21 =	vperm.xlane v28, v26;
	v26 =	vld [tilespmem:s2+$0x3820];
	v10 =	vadd.f32 v22, v10;
	v22 =	vmul.f32 v25, v5  }
0xd5: {  	v28 =	vld [tilespmem:s2+$0x3830];
	v24 =	vmul.f32 v24, v5  }
0xd6: {  	v5 =	vmov v21;
	v30 =	vld [tilespmem:s2+$0x3840];
	v25 =	vmul.f32 v27, v21;
	v7 =	vadd.f32 v22, v7  }
0xd7: {  	v21 =	vmul.f32 v23, v5;
	v22 =	vld [tilespmem:s2+$0x3850];
	v6 =	vadd.f32 v24, v6  }
0xd8: {  	v23 =	vmul.f32 v29, v5;
	v27 =	vld [tilespmem:s2+$0x3860];
	v4 =	vadd.f32 v25, v4  }
.Ltmp1:
0xd9: {  	v14 =	vadd.f32 v21, v14;
	v21 =	vmul.f32 v26, v5;
	v25 =	vld [tilespmem:s2+$0x3870];
	(pc) =	sbr.rel @p0 .LBB2_5-.Ltmp1, $4  }
0xda: {  	v12 =	vadd.f32 v23, v12;
	v26 =	vmul.f32 v28, v5;
	v24 =	vld [tilespmem:s2+$0x3C00]  }
0xdb: {  	v13 =	vadd.f32 v21, v13;
	v21 =	vmul.f32 v30, v5;
	v23 =	vld [tilespmem:s2+$0x3C10]  }
0xdc: {  	s13 =	sadd.s32 $0x4, s13;
	v11 =	vadd.f32 v26, v11;
	v26 =	vmul.f32 v22, v5;
	v22 =	vld [tilespmem:s2+$0x3C20]  }
0xdd: {  	s16 =	sand.u32 $0x40, s13;
	s15 =	sadd.s32 $0x1, s15;
	v9 =	vadd.f32 v21, v9;
	v27 =	vmul.f32 v27, v5;
	v21 =	vld [tilespmem:s2+$0x3C30]  }
0xde: {  	_ =	sdelay $0x1  }
0xdf: {  	v28 =	vld [tilespmem:s2+$0x3C40]  }
0xe0: {  	s13 =	sshrl.u32 s16, $0x2;
	s20 =	sadd.s32 $0x80, s31;
	s14 =	sadd.s32 $0x400, s14;
	v30 =	vld [tilespmem:s2+$0x3C50]  }
0xe1: {  	v29 =	vld.idx.msk [tilespmem:v3+s13+$0x0 ss:$0x1], $0xffff;
	s14 =	sand.u32 $0x6000, s14;
	s13 =	sand.u32 $0x380, s20  }
0xe2: {  	v31 =	vld [tilespmem:s2+$0x3C60];
	s13 =	sor.u32 s13, s14  }
0xe3: {  	v32 =	vld [tilespmem:s13+$0x3C70]  }
0xe4: {  	v33 =	vld [tilespmem:s13+$0x3800]  }
0xe5: {  	v34 =	vld [tilespmem:s13+$0x3810]  }
0xe6: {  	v35 =	vld [tilespmem:s13+$0x3820]  }
0xe7: {  	v36 =	vld [tilespmem:s13+$0x3830]  }
0xe8: {  	v37 =	vld [tilespmem:s13+$0x3840]  }
0xe9: {  	v38 =	vld [tilespmem:s13+$0x3850]  }
0xea: {  	v39 =	vld [tilespmem:s13+$0x3860]  }
0xeb: {  	v41 =	vmov s12;
	v40 =	vld [tilespmem:s13+$0x3870]  }
0xec: {  	v42 =	vld [tilespmem:s13+$0x3C00];
	v29 =	vperm.xlane v29, v41  }
0xed: {  	v25 =	vmul.f32 v25, v5;
	v61 =	vld [tilespmem:s13+$0x3C10]  }
0xee: {  	v15 =	vadd.f32 v26, v15;
	v24 =	vmul.f32 v24, v5;
	v43 =	vld [tilespmem:s13+$0x3C20];
	v26 =	vmul.f32 v33, v29  }
0xef: {  	v19 =	vadd.f32 v27, v19;
	v20 =	vadd.f32 v25, v20;
	v62 =	vld [tilespmem:s13+$0x3C30];
	v25 =	vmul.f32 v34, v29  }
0xf0: {  	v27 =	vld [tilespmem:s13+$0x3C40];
	v18 =	vadd.f32 v24, v18;
	v24 =	vmul.f32 v35, v29;
	v14 =	vadd.f32 v26, v14  }
0xf1: {  	v23 =	vmul.f32 v23, v5;
	v63 =	vld [tilespmem:s13+$0x3C60];
	v12 =	vadd.f32 v25, v12;
	v25 =	vmul.f32 v36, v29  }
0xf2: {  	v26 =	vld [tilespmem:s13+$0x3C50];
	v13 =	vadd.f32 v24, v13;
	[tilespmem:$0x13100] =	vst v14;
	v14 =	vmul.f32 v22, v5;
	v22 =	vmul.f32 v37, v29  }
0xf3: {  	v17 =	vadd.f32 v23, v17;
	v11 =	vadd.f32 v25, v11;
	[tilespmem:$0x13110] =	vst v12;
	v12 =	vmul.f32 v38, v29  }
0xf4: {  	[tilespmem:$0x13120] =	vst v13;
	v13 =	vmul.f32 v39, v29;
	v14 =	vadd.f32 v14, v16;
	v9 =	vadd.f32 v22, v9  }
0xf5: {  	v12 =	vadd.f32 v12, v15;
	[tilespmem:$0x13130] =	vst v11;
	v11 =	vmul.f32 v21, v5;
	v15 =	vmul.f32 v40, v29  }
0xf6: {  	v13 =	vadd.f32 v13, v19;
	v16 =	vmul.f32 v42, v29;
	[tilespmem:$0x13140] =	vst v9;
	v9 =	vmul.f32 v28, v5  }
0xf7: {  	v8 =	vadd.f32 v11, v8;
	v11 =	vadd.f32 v15, v20;
	v15 =	vmul.f32 v61, v29;
	[tilespmem:$0x13150] =	vst v12  }
0xf8: {  	v12 =	vmul.f32 v43, v29;
	[tilespmem:$0x13160] =	vst v13;
	v9 =	vadd.f32 v9, v10;
	v10 =	vadd.f32 v16, v18  }
0xf9: {  	v13 =	vmul.f32 v30, v5;
	v15 =	vadd.f32 v15, v17;
	v16 =	vmul.f32 v62, v29;
	[tilespmem:$0x13170] =	vst v11  }
0xfa: {  	v5 =	vmul.f32 v31, v5;
	v11 =	vadd.f32 v12, v14;
	v12 =	vmul.f32 v27, v29;
	[tilespmem:$0x13180] =	vst v10  }
0xfb: {  	v7 =	vadd.f32 v13, v7;
	v8 =	vadd.f32 v16, v8;
	v10 =	vmul.f32 v26, v29;
	[tilespmem:$0x13190] =	vst v15  }
0xfc: {  	v5 =	vadd.f32 v5, v6;
	v6 =	vadd.f32 v12, v9;
	v9 =	vmul.f32 v63, v29;
	[tilespmem:$0x131A0] =	vst v11  }
0xfd: {  	v11 =	vmul.f32 v32, v29;
	v7 =	vadd.f32 v10, v7;
	[tilespmem:$0x131B0] =	vst v8  }
0xfe: {  	v5 =	vadd.f32 v9, v5;
	[tilespmem:$0x131C0] =	vst v6  }
0xff: {  	s31 =	simm.s32 $0x0;
	v4 =	vadd.f32 v11, v4;
	[tilespmem:$0x131D0] =	vst v7  }
0x100: {  	s21 =	sand.u32 $0x40, s31;
	[tilespmem:$0x131E0] =	vst v5  }
0x101: {  	s22 =	sand.u32 $0x6000, s31;
	s23 =	sand.u32 $0x380, s31;
	s2 =	sshrl.u32 s21, $0x2;
	[tilespmem:$0x131F0] =	vst v4  }
0x102: {  	v4 =	vld.idx.msk [tilespmem:v3+s2+$0x0 ss:$0x1], $0xffff;
	s2 =	sor.u32 s23, s22  }
0x103: {  	v6 =	vld [tilespmem:s2+$0x4470]  }
0x104: {  	v7 =	vld [tilespmem:s2+$0x4000]  }
0x105: {  	v8 =	vld [tilespmem:s2+$0x4010]  }
0x106: {  	v9 =	vld [tilespmem:s2+$0x4020]  }
0x107: {  	v10 =	vld [tilespmem:s2+$0x4030]  }
0x108: {  	v5 =	vmov s31;
	v16 =	vld [tilespmem:s2+$0x4050]  }
0x109: {  	v11 =	vld [tilespmem:s2+$0x4040];
	v5 =	vperm.xlane v4, v5  }
0x10a: {  	v19 =	vimm.f32 $0.0e+00;
	v20 =	vimm.f32 $0.0e+00;
	v18 =	vimm.f32 $0.0e+00  }
0x10b: {  	v17 =	vimm.f32 $0.0e+00;
	v4 =	vmul.f32 v6, v5;
	v7 =	vmul.f32 v7, v5  }
0x10c: {  	v15 =	vimm.f32 $0.0e+00;
	v6 =	vld [tilespmem:s2+$0x4060];
	v8 =	vmul.f32 v8, v5;
	v9 =	vmul.f32 v9, v5  }
0x10d: {  	v25 =	vld [tilespmem:s2+$0x4070];
	v10 =	vmul.f32 v10, v5;
	v26 =	vmul.f32 v16, v5;
	v4 =	vadd.f32 v4, v15  }
0x10e: {  	v24 =	vld [tilespmem:s2+$0x4400];
	v14 =	vadd.f32 v7, v15;
	v12 =	vadd.f32 v8, v15;
	v7 =	vmul.f32 v11, v5  }
0x10f: {  	v23 =	vld [tilespmem:s2+$0x4410];
	v16 =	vimm.f32 $0.0e+00;
	v13 =	vadd.f32 v9, v15;
	v11 =	vadd.f32 v10, v15  }
0x110: {  	s12 =	simm.s32 $0x1;
	s13 =	simm.s32 $0x4;
	v22 =	vld [tilespmem:s2+$0x4420];
	v8 =	vimm.f32 $0.0e+00;
	v10 =	vimm.f32 $0.0e+00;
	v9 =	vadd.f32 v7, v15  }
0x111: {  	s15 =	simm.s32 $0x2;
	s14 =	simm.s32 $0x0;
	s16 =	sand.u32 $0x40, s13;
	v21 =	vld [tilespmem:s2+$0x4430];
	v7 =	vimm.f32 $0.0e+00;
	v27 =	vmul.f32 v6, v5;
	v6 =	vimm.f32 $0.0e+00  }
.LBB2_7:
0x112: {  	p0 =	sne.s32 s15, $0x1F;
	s16 =	sshrl.u32 s16, $0x2;
	v15 =	vadd.f32 v26, v15;
	v25 =	vmul.f32 v25, v5;
	v26 =	vld [tilespmem:s2+$0x4440]  }
0x113: {  	s31 =	sadd.s32 $0x80, s31;
	s14 =	sadd.s32 $0x400, s14;
	v28 =	vld.idx.msk [tilespmem:v3+s16+$0x0 ss:$0x1], $0xffff;
	v19 =	vadd.f32 v27, v19;
	v24 =	vmul.f32 v24, v5  }
0x114: {  	s16 =	sand.u32 $0x6000, s14;
	s17 =	sand.u32 $0x380, s31;
	v20 =	vadd.f32 v25, v20;
	v23 =	vmul.f32 v23, v5;
	v25 =	vld [tilespmem:s2+$0x4450]  }
0x115: {  	v18 =	vadd.f32 v24, v18;
	v22 =	vmul.f32 v22, v5;
	v24 =	vld [tilespmem:s2+$0x4460];
	s2 =	sor.u32 s17, s16  }
0x116: {  	v27 =	vld [tilespmem:s2+$0x4470];
	v17 =	vadd.f32 v23, v17;
	v21 =	vmul.f32 v21, v5  }
0x117: {  	v23 =	vld [tilespmem:s2+$0x4000];
	v16 =	vadd.f32 v22, v16;
	v22 =	vmul.f32 v26, v5  }
0x118: {  	v26 =	vmov s12;
	s12 =	smov.u32 s15;
	v29 =	vld [tilespmem:s2+$0x4010];
	v8 =	vadd.f32 v21, v8  }
0x119: {  	v21 =	vperm.xlane v28, v26;
	v26 =	vld [tilespmem:s2+$0x4020];
	v10 =	vadd.f32 v22, v10;
	v22 =	vmul.f32 v25, v5  }
0x11a: {  	v28 =	vld [tilespmem:s2+$0x4030];
	v24 =	vmul.f32 v24, v5  }
0x11b: {  	v5 =	vmov v21;
	v30 =	vld [tilespmem:s2+$0x4040];
	v25 =	vmul.f32 v27, v21;
	v7 =	vadd.f32 v22, v7  }
0x11c: {  	v21 =	vmul.f32 v23, v5;
	v22 =	vld [tilespmem:s2+$0x4050];
	v6 =	vadd.f32 v24, v6  }
0x11d: {  	v23 =	vmul.f32 v29, v5;
	v27 =	vld [tilespmem:s2+$0x4060];
	v4 =	vadd.f32 v25, v4  }
.Ltmp2:
0x11e: {  	v14 =	vadd.f32 v21, v14;
	v21 =	vmul.f32 v26, v5;
	v25 =	vld [tilespmem:s2+$0x4070];
	(pc) =	sbr.rel @p0 .LBB2_7-.Ltmp2, $4  }
0x11f: {  	v12 =	vadd.f32 v23, v12;
	v26 =	vmul.f32 v28, v5;
	v24 =	vld [tilespmem:s2+$0x4400]  }
0x120: {  	v13 =	vadd.f32 v21, v13;
	v21 =	vmul.f32 v30, v5;
	v23 =	vld [tilespmem:s2+$0x4410]  }
0x121: {  	s13 =	sadd.s32 $0x4, s13;
	v11 =	vadd.f32 v26, v11;
	v26 =	vmul.f32 v22, v5;
	v22 =	vld [tilespmem:s2+$0x4420]  }
0x122: {  	s16 =	sand.u32 $0x40, s13;
	s15 =	sadd.s32 $0x1, s15;
	v9 =	vadd.f32 v21, v9;
	v27 =	vmul.f32 v27, v5;
	v21 =	vld [tilespmem:s2+$0x4430]  }
0x123: {  	_ =	sdelay $0x1  }
0x124: {  	v28 =	vld [tilespmem:s2+$0x4440]  }
0x125: {  	s13 =	sshrl.u32 s16, $0x2;
	s5 =	sadd.s32 $0x80, s31;
	s14 =	sadd.s32 $0x400, s14;
	v30 =	vld [tilespmem:s2+$0x4450]  }
0x126: {  	v29 =	vld.idx.msk [tilespmem:v3+s13+$0x0 ss:$0x1], $0xffff;
	s14 =	sand.u32 $0x6000, s14;
	s13 =	sand.u32 $0x380, s5  }
0x127: {  	v31 =	vld [tilespmem:s2+$0x4460];
	s13 =	sor.u32 s13, s14  }
0x128: {  	v32 =	vld [tilespmem:s13+$0x4470]  }
0x129: {  	v33 =	vld [tilespmem:s13+$0x4000]  }
0x12a: {  	v34 =	vld [tilespmem:s13+$0x4010]  }
0x12b: {  	v35 =	vld [tilespmem:s13+$0x4020]  }
0x12c: {  	v36 =	vld [tilespmem:s13+$0x4030]  }
0x12d: {  	v37 =	vld [tilespmem:s13+$0x4040]  }
0x12e: {  	v38 =	vld [tilespmem:s13+$0x4050]  }
0x12f: {  	v39 =	vld [tilespmem:s13+$0x4060]  }
0x130: {  	v41 =	vmov s12;
	v40 =	vld [tilespmem:s13+$0x4070]  }
0x131: {  	v42 =	vld [tilespmem:s13+$0x4400];
	v29 =	vperm.xlane v29, v41  }
0x132: {  	v25 =	vmul.f32 v25, v5;
	v61 =	vld [tilespmem:s13+$0x4410]  }
0x133: {  	v15 =	vadd.f32 v26, v15;
	v24 =	vmul.f32 v24, v5;
	v43 =	vld [tilespmem:s13+$0x4420];
	v26 =	vmul.f32 v33, v29  }
0x134: {  	v19 =	vadd.f32 v27, v19;
	v20 =	vadd.f32 v25, v20;
	v62 =	vld [tilespmem:s13+$0x4430];
	v25 =	vmul.f32 v34, v29  }
0x135: {  	v27 =	vld [tilespmem:s13+$0x4440];
	v18 =	vadd.f32 v24, v18;
	v24 =	vmul.f32 v35, v29;
	v14 =	vadd.f32 v26, v14  }
0x136: {  	v23 =	vmul.f32 v23, v5;
	v63 =	vld [tilespmem:s13+$0x4460];
	v12 =	vadd.f32 v25, v12;
	v25 =	vmul.f32 v36, v29  }
0x137: {  	v26 =	vld [tilespmem:s13+$0x4450];
	v13 =	vadd.f32 v24, v13;
	[tilespmem:$0x13200] =	vst v14;
	v14 =	vmul.f32 v22, v5;
	v22 =	vmul.f32 v37, v29  }
0x138: {  	v17 =	vadd.f32 v23, v17;
	v11 =	vadd.f32 v25, v11;
	[tilespmem:$0x13210] =	vst v12;
	v12 =	vmul.f32 v38, v29  }
0x139: {  	[tilespmem:$0x13220] =	vst v13;
	v13 =	vmul.f32 v39, v29;
	v14 =	vadd.f32 v14, v16;
	v9 =	vadd.f32 v22, v9  }
0x13a: {  	v12 =	vadd.f32 v12, v15;
	[tilespmem:$0x13230] =	vst v11;
	v11 =	vmul.f32 v21, v5;
	v15 =	vmul.f32 v40, v29  }
0x13b: {  	v13 =	vadd.f32 v13, v19;
	v16 =	vmul.f32 v42, v29;
	[tilespmem:$0x13240] =	vst v9;
	v9 =	vmul.f32 v28, v5  }
0x13c: {  	v8 =	vadd.f32 v11, v8;
	v11 =	vadd.f32 v15, v20;
	v15 =	vmul.f32 v61, v29;
	[tilespmem:$0x13250] =	vst v12  }
0x13d: {  	v12 =	vmul.f32 v43, v29;
	[tilespmem:$0x13260] =	vst v13;
	v9 =	vadd.f32 v9, v10;
	v10 =	vadd.f32 v16, v18  }
0x13e: {  	v13 =	vmul.f32 v30, v5;
	v15 =	vadd.f32 v15, v17;
	v16 =	vmul.f32 v62, v29;
	[tilespmem:$0x13270] =	vst v11  }
0x13f: {  	v5 =	vmul.f32 v31, v5;
	v11 =	vadd.f32 v12, v14;
	v12 =	vmul.f32 v27, v29;
	[tilespmem:$0x13280] =	vst v10  }
0x140: {  	v7 =	vadd.f32 v13, v7;
	v8 =	vadd.f32 v16, v8;
	v10 =	vmul.f32 v26, v29;
	[tilespmem:$0x13290] =	vst v15  }
0x141: {  	v5 =	vadd.f32 v5, v6;
	v6 =	vadd.f32 v12, v9;
	v9 =	vmul.f32 v63, v29;
	[tilespmem:$0x132A0] =	vst v11  }
0x142: {  	v11 =	vmul.f32 v32, v29;
	v7 =	vadd.f32 v10, v7;
	[tilespmem:$0x132B0] =	vst v8  }
0x143: {  	s31 =	simm.s32 $0x0;
	v5 =	vadd.f32 v9, v5;
	[tilespmem:$0x132C0] =	vst v6  }
0x144: {  	s13 =	sand.u32 $0x7, s31;
	v4 =	vadd.f32 v11, v4;
	[tilespmem:$0x132D0] =	vst v7  }
0x145: {  	s14 =	sand.u32 $0x40, s31;
	s2 =	sshll.u32 s13, $0x7;
	[tilespmem:$0x132E0] =	vst v5  }
0x146: {  	s12 =	sshrl.u32 s14, $0x2;
	s2 =	sadd.s32 $0x0, s2;
	[tilespmem:$0x132F0] =	vst v4  }
0x147: {  	s15 =	sor.u32 $0x1C70, s2;
	v4 =	vld.idx.msk [tilespmem:v3+s12+$0x0 ss:$0x1], $0xffff  }
0x148: {  	s16 =	sor.u32 $0x1C00, s2;
	v5 =	vld [tilespmem:s15+$0x3000]  }
0x149: {  	s17 =	sor.u32 $0x1C10, s2;
	v6 =	vld [tilespmem:s16+$0x3000]  }
0x14a: {  	s18 =	sor.u32 $0x1C20, s2;
	v7 =	vld [tilespmem:s17+$0x3000]  }
0x14b: {  	s19 =	sor.u32 $0x1C30, s2;
	v8 =	vld [tilespmem:s18+$0x3000]  }
0x14c: {  	s21 =	sor.u32 $0x1C50, s2;
	v10 =	vld [tilespmem:s19+$0x3000]  }
0x14d: {  	s20 =	sor.u32 $0x1C40, s2;
	s2 =	sor.u32 $0x1C60, s2;
	v9 =	vmov s31;
	v13 =	vld [tilespmem:s21+$0x3000]  }
0x14e: {  	v14 =	vld [tilespmem:s2+$0x3000];
	v12 =	vperm.xlane v4, v9  }
0x14f: {  	v19 =	vimm.f32 $0.0e+00;
	v20 =	vimm.f32 $0.0e+00;
	v18 =	vimm.f32 $0.0e+00;
	v9 =	vld [tilespmem:s20+$0x3000]  }
0x150: {  	s22 =	sand.u32 $0x6000, s31;
	s23 =	sand.u32 $0x380, s31;
	v17 =	vimm.f32 $0.0e+00;
	v4 =	vmul.f32 v5, v12;
	v6 =	vmul.f32 v6, v12  }
0x151: {  	v16 =	vimm.f32 $0.0e+00;
	s12 =	sor.u32 s23, s22;
	v7 =	vmul.f32 v7, v12;
	v15 =	vmul.f32 v8, v12  }
0x152: {  	v26 =	vld [tilespmem:s12+$0x4800];
	v5 =	vimm.f32 $0.0e+00;
	v10 =	vmul.f32 v10, v12;
	v21 =	vmul.f32 v13, v12  }
0x153: {  	v27 =	vld [tilespmem:s12+$0x4810];
	v22 =	vmul.f32 v14, v12;
	v14 =	vimm.f32 $0.0e+00;
	v13 =	vimm.f32 $0.0e+00  }
0x154: {  	s13 =	simm.s32 $0x4;
	v24 =	vld [tilespmem:s12+$0x4820];
	v4 =	vadd.f32 v4, v5;
	v11 =	vadd.f32 v6, v5;
	v6 =	vmul.f32 v9, v12  }
0x155: {  	s14 =	simm.s32 $0x1;
	s17 =	sand.u32 $0x40, s13;
	v23 =	vld [tilespmem:s12+$0x4830];
	v8 =	vadd.f32 v7, v5;
	v7 =	vadd.f32 v10, v5;
	v10 =	vimm.f32 $0.0e+00  }
0x156: {  	s16 =	simm.s32 $0x2;
	s15 =	simm.s32 $0x0;
	s2 =	simm.s32 $0x1;
	v25 =	vld [tilespmem:s12+$0x4840];
	v9 =	vadd.f32 v15, v5;
	v15 =	vimm.f32 $0.0e+00;
	v6 =	vadd.f32 v6, v5  }
.LBB2_9:
0x157: {  	p0 =	sne.s32 s16, $0x1F;
	s18 =	sand.u32 $0x7, s14;
	s17 =	sshrl.u32 s17, $0x2;
	v26 =	vmul.f32 v26, v12;
	v28 =	vld [tilespmem:s12+$0x4850];
	v5 =	vadd.f32 v21, v5  }
0x158: {  	s31 =	sadd.s32 $0x80, s31;
	s15 =	sadd.s32 $0x400, s15;
	s18 =	sshll.u32 s18, $0x7;
	v21 =	vld.idx.msk [tilespmem:v3+s17+$0x0 ss:$0x1], $0xffff;
	v27 =	vmul.f32 v27, v12;
	v10 =	vadd.f32 v22, v10  }
0x159: {  	s19 =	sand.u32 $0x380, s31;
	s17 =	sadd.s32 s18, s15;
	s18 =	sand.u32 $0x6000, s15;
	v18 =	vadd.f32 v26, v18;
	v22 =	vmul.f32 v24, v12;
	v24 =	vld [tilespmem:s12+$0x4860]  }
0x15a: {  	s20 =	sor.u32 $0x1C00, s17;
	s21 =	sor.u32 $0x1C10, s17;
	s22 =	sor.u32 $0x1C70, s17;
	v19 =	vadd.f32 v27, v19;
	v23 =	vmul.f32 v23, v12;
	v26 =	vld [tilespmem:s12+$0x4870]  }
0x15b: {  	s23 =	sor.u32 $0x1C20, s17;
	s4 =	sor.u32 $0x1C30, s17;
	s5 =	sor.u32 $0x1C40, s17;
	v27 =	vld [tilespmem:s22+$0x3000];
	v20 =	vadd.f32 v22, v20;
	v22 =	vmul.f32 v25, v12  }
0x15c: {  	s12 =	sor.u32 s19, s18;
	s18 =	sor.u32 $0x1C50, s17;
	s17 =	sor.u32 $0x1C60, s17;
	v25 =	vld [tilespmem:s20+$0x3000];
	v17 =	vadd.f32 v23, v17;
	v23 =	vmul.f32 v28, v12  }
0x15d: {  	v28 =	vmov s2;
	s2 =	smov.u32 s16;
	v29 =	vld [tilespmem:s21+$0x3000];
	v15 =	vadd.f32 v22, v15  }
0x15e: {  	v21 =	vperm.xlane v21, v28;
	v22 =	vld [tilespmem:s23+$0x3000];
	v16 =	vadd.f32 v23, v16;
	v23 =	vmul.f32 v24, v12  }
0x15f: {  	v24 =	vld [tilespmem:s4+$0x3000];
	v26 =	vmul.f32 v26, v12  }
0x160: {  	v12 =	vmov v21;
	v28 =	vld [tilespmem:s5+$0x3000];
	v27 =	vmul.f32 v27, v21;
	v14 =	vadd.f32 v23, v14  }
0x161: {  	v21 =	vmul.f32 v25, v12;
	v25 =	vld [tilespmem:s18+$0x3000];
	v13 =	vadd.f32 v26, v13  }
0x162: {  	v23 =	vmul.f32 v29, v12;
	v29 =	vld [tilespmem:s17+$0x3000];
	v4 =	vadd.f32 v27, v4  }
.Ltmp3:
0x163: {  	v26 =	vld [tilespmem:s12+$0x4800];
	v11 =	vadd.f32 v21, v11;
	v21 =	vmul.f32 v22, v12;
	(pc) =	sbr.rel @p0 .LBB2_9-.Ltmp3, $4  }
0x164: {  	v27 =	vld [tilespmem:s12+$0x4810];
	v8 =	vadd.f32 v23, v8;
	v22 =	vmul.f32 v24, v12  }
0x165: {  	v24 =	vld [tilespmem:s12+$0x4820];
	v9 =	vadd.f32 v21, v9;
	v28 =	vmul.f32 v28, v12  }
0x166: {  	s13 =	sadd.s32 $0x4, s13;
	v23 =	vld [tilespmem:s12+$0x4830];
	v7 =	vadd.f32 v22, v7;
	v21 =	vmul.f32 v25, v12  }
0x167: {  	s14 =	sadd.s32 $0x1, s14;
	s16 =	sadd.s32 $0x1, s16;
	s17 =	sand.u32 $0x40, s13;
	v25 =	vld [tilespmem:s12+$0x4840];
	v6 =	vadd.f32 v28, v6;
	v22 =	vmul.f32 v29, v12  }
0x168: {  	_ = 	snop  }
0x169: {  	v28 =	vld [tilespmem:s12+$0x4850]  }
0x16a: {  	v29 =	vld [tilespmem:s12+$0x4860]  }
0x16b: {  	s5 =	sshrl.u32 s17, $0x2;
	s22 =	sadd.s32 $0x400, s15;
	v30 =	vld [tilespmem:s12+$0x4870];
	s17 =	sadd.s32 $0x80, s31  }
0x16c: {  	v3 =	vld.idx.msk [tilespmem:v3+s5+$0x0 ss:$0x1], $0xffff;
	s5 =	sand.u32 $0x6000, s22;
	s12 =	sand.u32 $0x380, s17  }
0x16d: {  	s5 =	sor.u32 s12, s5  }
0x16e: {  	v38 =	vld [tilespmem:s5+$0x4800]  }
0x16f: {  	v39 =	vld [tilespmem:s5+$0x4810]  }
0x170: {  	v26 =	vmul.f32 v26, v12;
	v41 =	vld [tilespmem:s5+$0x4820]  }
0x171: {  	s4 =	sand.u32 $0x7, s14;
	v27 =	vmul.f32 v27, v12;
	v62 =	vld [tilespmem:s5+$0x4830]  }
0x172: {  	s4 =	sshll.u32 s4, $0x7;
	v18 =	vadd.f32 v26, v18;
	v26 =	vld [tilespmem:s5+$0x4840]  }
0x173: {  	s4 =	sadd.s32 s4, s22;
	v19 =	vadd.f32 v27, v19;
	v27 =	vld [tilespmem:s5+$0x4850]  }
0x174: {  	s13 =	sor.u32 $0x1C70, s4;
	v63 =	vld [tilespmem:s5+$0x4860]  }
0x175: {  	s23 =	sor.u32 $0x1C00, s4;
	v31 =	vld [tilespmem:s13+$0x3000]  }
0x176: {  	v40 =	vmov s2;
	s14 =	sor.u32 $0x1C10, s4;
	v32 =	vld [tilespmem:s23+$0x3000]  }
0x177: {  	v24 =	vmul.f32 v24, v12;
	s15 =	sor.u32 $0x1C20, s4;
	v33 =	vld [tilespmem:s14+$0x3000];
	v3 =	vperm.xlane v3, v40  }
0x178: {  	s16 =	sor.u32 $0x1C30, s4;
	v23 =	vmul.f32 v23, v12;
	v34 =	vld [tilespmem:s15+$0x3000]  }
0x179: {  	s18 =	sor.u32 $0x1C40, s4;
	v35 =	vld [tilespmem:s16+$0x3000];
	v20 =	vadd.f32 v24, v20;
	v24 =	vmul.f32 v25, v12;
	v25 =	vmul.f32 v38, v3  }
0x17a: {  	s19 =	sor.u32 $0x1C50, s4;
	v36 =	vld [tilespmem:s18+$0x3000];
	v17 =	vadd.f32 v23, v17;
	v23 =	vmul.f32 v28, v12;
	v28 =	vmul.f32 v39, v3  }
0x17b: {  	s20 =	sor.u32 $0x1C60, s4;
	v37 =	vld [tilespmem:s19+$0x3000];
	v15 =	vadd.f32 v24, v15;
	v24 =	vmul.f32 v41, v3;
	v18 =	vadd.f32 v25, v18  }
0x17c: {  	v16 =	vadd.f32 v23, v16;
	v23 =	vld [tilespmem:s20+$0x3000];
	v19 =	vadd.f32 v28, v19;
	v28 =	vmul.f32 v62, v3  }
0x17d: {  	v25 =	vld [tilespmem:s5+$0x4870];
	v20 =	vadd.f32 v24, v20;
	v24 =	vmul.f32 v26, v3;
	[tilespmem:$0x13300] =	vst v18;
	v18 =	vmul.f32 v29, v12  }
0x17e: {  	v12 =	vmul.f32 v30, v12;
	v17 =	vadd.f32 v28, v17;
	[tilespmem:$0x13310] =	vst v19;
	v19 =	vmul.f32 v27, v3  }
0x17f: {  	v15 =	vadd.f32 v24, v15;
	[tilespmem:$0x13320] =	vst v20;
	v14 =	vadd.f32 v18, v14;
	v18 =	vmul.f32 v63, v3  }
0x180: {  	v12 =	vadd.f32 v12, v13;
	v13 =	vadd.f32 v19, v16;
	[tilespmem:$0x13330] =	vst v17;
	v17 =	vmul.f32 v32, v3  }
0x181: {  	[tilespmem:$0x13340] =	vst v15;
	v15 =	vmul.f32 v33, v3;
	v14 =	vadd.f32 v18, v14  }
0x182: {  	v16 =	vmul.f32 v25, v3;
	[tilespmem:$0x13350] =	vst v13;
	v11 =	vadd.f32 v17, v11  }
0x183: {  	v13 =	vmul.f32 v34, v3;
	v8 =	vadd.f32 v15, v8;
	[tilespmem:$0x13360] =	vst v14  }
0x184: {  	v12 =	vadd.f32 v16, v12;
	v14 =	vmul.f32 v35, v3;
	[tilespmem:$0x13380] =	vst v11  }
0x185: {  	v5 =	vadd.f32 v21, v5;
	v9 =	vadd.f32 v13, v9;
	v11 =	vmul.f32 v37, v3;
	[tilespmem:$0x13390] =	vst v8  }
0x186: {  	v8 =	vadd.f32 v22, v10;
	[tilespmem:$0x13370] =	vst v12;
	v12 =	vmul.f32 v36, v3;
	v7 =	vadd.f32 v14, v7  }
0x187: {  	v10 =	vmul.f32 v23, v3;
	v3 =	vmul.f32 v31, v3;
	[tilespmem:$0x133A0] =	vst v9;
	v5 =	vadd.f32 v11, v5  }
0x188: {  	v6 =	vadd.f32 v12, v6;
	[tilespmem:$0x133B0] =	vst v7  }
0x189: {  	v3 =	vadd.f32 v3, v4;
	[tilespmem:$0x133D0] =	vst v5  }
0x18a: {  	p0 =	seq.s32 s30, $0x3F;
	v7 =	vadd.f32 v10, v8;
	[tilespmem:$0x133C0] =	vst v6  }
0x18b: {  	s2 =	sshll.u32 @!p0 s30, $0x7;
	[tilespmem:$0x133F0] =	vst v3  }
0x18c: {  	s31 =	sand.u32 @!p0 $0x3FFFFF80, s2;
	[tilespmem:$0x133E0] =	vst v7  }
0x18d: {  	v3 =	vld @!p0 [tilespmem:s31+$0x80];
	_ =	sdelay $0x4  }
0x18e: {  	v4 =	vshll.u32 @!p0 v3, $0x3  }
0x18f: {  	v5 =	vlaneseq.u32 @!p0;
	v3 =	vand.u32 @!p0 $0x7, v3;
	v4 =	vand.u32 @!p0 $0xFFFFFFC0, v4  }
0x190: {  	v6 =	vshrl.u32 @!p0 v5, $0x3;
	v3 =	vor.u32 @!p0 v3, v4;
	v4 =	vand.u32 @!p0 $0x7, v5  }
0x191: {  	v6 =	vmul.u32 @!p0 $0x8, v6;
	v7 =	vperm.xlane @!p0 v3, v4;
	_ =	sdelay $0x1  }
0x192: {  	v7 =	vadd.s32 @!p0 v6, v7;
	_ =	sdelay $0x3  }
0x193: {  	vm1 =	vmmov @!p0 $0xffff;
	s2 =	simm.s32 @!p0 $0x0;
	s4 =	simm.s32 @!p0 $0x3000  }
0x194: {  	v5 =	vor.u32 @!p0 $0x8, v5;
	[tilespmem:s4], [sflag:$0x1] =	stream.indirect_vreg.gather @!p0 [hbm4b:s1+s2], $0x80, v7, vm1, $0xb8;
	[tilespmem:$0x13400] =	vst v63  }
0x195: {  	v3 =	vperm.xlane @!p0 v3, v5;
	s4 =	simm.s32 @!p0 $0x3800  }
0x196: {  	[tilespmem:s4], [sflag:$0x1] =	stream.indirect_vreg.gather @!p0 [hbm4b:s6+s2], $0x80, v7, vm1, $0xb8;
	[tilespmem:$0x13400] =	vst v63  }
0x197: {  	v3 =	vadd.s32 @!p0 v6, v3;
	s4 =	simm.s32 @!p0 $0x4000  }
0x198: {  	[tilespmem:s4], [sflag:$0x1] =	stream.indirect_vreg.gather @!p0 [hbm4b:s7+s2], $0x80, v7, vm1, $0xb8;
	[tilespmem:$0x13400] =	vst v63  }
0x199: {  	s4 =	simm.s32 @!p0 $0x4800  }
0x19a: {  	[tilespmem:s4], [sflag:$0x1] =	stream.indirect_vreg.gather @!p0 [hbm4b:s8+s2], $0x80, v7, vm1, $0xb8;
	[tilespmem:$0x13400] =	vst v63  }
0x19b: {  	s4 =	simm.s32 @!p0 $0x5000  }
0x19c: {  	[tilespmem:s4], [sflag:$0x1] =	stream.indirect_vreg.gather @!p0 [hbm4b:s1+s2], $0x80, v3, vm1, $0xb8;
	[tilespmem:$0x13400] =	vst v63  }
0x19d: {  	s4 =	simm.s32 @!p0 $0x5800  }
0x19e: {  	[tilespmem:s4], [sflag:$0x1] =	stream.indirect_vreg.gather @!p0 [hbm4b:s6+s2], $0x80, v3, vm1, $0xb8;
	[tilespmem:$0x13400] =	vst v63  }
0x19f: {  	s4 =	simm.s32 @!p0 $0x6000  }
0x1a0: {  	[tilespmem:s4], [sflag:$0x1] =	stream.indirect_vreg.gather @!p0 [hbm4b:s7+s2], $0x80, v3, vm1, $0xb8;
	[tilespmem:$0x13400] =	vst v63  }
0x1a1: {  	s4 =	simm.s32 @!p0 $0x6800  }
0x1a2: {  	[tilespmem:s4], [sflag:$0x1] =	stream.indirect_vreg.gather @!p0 [hbm4b:s8+s2], $0x80, v3, vm1, $0xb8;
	[tilespmem:$0x13400] =	vst v63  }
0x1a3: {  	v3 =	vld @!p0 [tilespmem:s31+$0x90];
	_ =	sdelay $0x4  }
0x1a4: {  	v7 =	vshll.u32 @!p0 v3, $0x3  }
0x1a5: {  	v3 =	vand.u32 @!p0 $0x7, v3;
	v7 =	vand.u32 @!p0 $0xFFFFFFC0, v7  }
0x1a6: {  	v3 =	vor.u32 @!p0 v3, v7  }
0x1a7: {  	v4 =	vperm.xlane @!p0 v3, v4;
	_ =	sdelay $0x1  }
0x1a8: {  	v4 =	vadd.s32 @!p0 v6, v4;
	_ =	sdelay $0x3  }
0x1a9: {  	s4 =	simm.s32 @!p0 $0x7000  }
0x1aa: {  	[tilespmem:s4], [sflag:$0x1] =	stream.indirect_vreg.gather @!p0 [hbm4b:s1+s2], $0x80, v4, vm1, $0xb8;
	[tilespmem:$0x13400] =	vst v63  }
0x1ab: {  	v3 =	vperm.xlane @!p0 v3, v5;
	s4 =	simm.s32 @!p0 $0x7800  }
0x1ac: {  	[tilespmem:s4], [sflag:$0x1] =	stream.indirect_vreg.gather @!p0 [hbm4b:s6+s2], $0x80, v4, vm1, $0xb8;
	[tilespmem:$0x13400] =	vst v63  }
0x1ad: {  	v3 =	vadd.s32 @!p0 v6, v3;
	s4 =	simm.s32 @!p0 $0x8000  }
0x1ae: {  	[tilespmem:s4], [sflag:$0x1] =	stream.indirect_vreg.gather @!p0 [hbm4b:s7+s2], $0x80, v4, vm1, $0xb8;
	[tilespmem:$0x13400] =	vst v63  }
0x1af: {  	s4 =	simm.s32 @!p0 $0x8800  }
0x1b0: {  	[tilespmem:s4], [sflag:$0x1] =	stream.indirect_vreg.gather @!p0 [hbm4b:s8+s2], $0x80, v4, vm1, $0xb8;
	[tilespmem:$0x13400] =	vst v63  }
0x1b1: {  	s4 =	simm.s32 @!p0 $0x9000  }
0x1b2: {  	[tilespmem:s4], [sflag:$0x1] =	stream.indirect_vreg.gather @!p0 [hbm4b:s1+s2], $0x80, v3, vm1, $0xb8;
	[tilespmem:$0x13400] =	vst v63  }
0x1b3: {  	s4 =	simm.s32 @!p0 $0x9800  }
0x1b4: {  	[tilespmem:s4], [sflag:$0x1] =	stream.indirect_vreg.gather @!p0 [hbm4b:s6+s2], $0x80, v3, vm1, $0xb8;
	[tilespmem:$0x13400] =	vst v63  }
0x1b5: {  	s4 =	simm.s32 @!p0 $0xA000  }
0x1b6: {  	[tilespmem:s4], [sflag:$0x1] =	stream.indirect_vreg.gather @!p0 [hbm4b:s7+s2], $0x80, v3, vm1, $0xb8;
	[tilespmem:$0x13400] =	vst v63  }
0x1b7: {  	s0 =	sadd.s32 $0x2020, s0;
	s4 =	simm.s32 @!p0 $0xA800  }
0x1b8: {  	[tilespmem:s4], [sflag:$0x1] =	stream.indirect_vreg.gather @!p0 [hbm4b:s8+s2], $0x80, v3, vm1, $0xb8;
	v3 =	vmov s0;
	[tilespmem:$0x13400] =	vst v63  }
0x1b9: {  	_ = 	snop  }
0x1ba: {  	s0 =	simm.s32 $0x0;
	_ =	swait.ge [sflag:s25], $0x8000  }
0x1bb: {  	s21 =	sand.u32 $0x40, s0;
	s22 =	sand.u32 $0x6000, s0;
	[sflag:s25] =	ssyncset.done $0x0  }
0x1bc: {  	s23 =	sand.u32 $0x380, s0;
	s2 =	sshrl.u32 s21, $0x2;
	[sflag:s25] =	ssyncadd.s32 $0xFFFF8000  }
0x1bd: {  	v4 =	vld.idx.msk [tilespmem:v3+s2+$0x0 ss:$0x1], $0xffff;
	s2 =	sor.u32 s23, s22  }
0x1be: {  	v6 =	vld [tilespmem:s2+$0xB470]  }
0x1bf: {  	v7 =	vld [tilespmem:s2+$0xB000]  }
0x1c0: {  	v8 =	vld [tilespmem:s2+$0xB010]  }
0x1c1: {  	v9 =	vld [tilespmem:s2+$0xB020]  }
0x1c2: {  	v10 =	vld [tilespmem:s2+$0xB030]  }
0x1c3: {  	v5 =	vmov s0;
	v16 =	vld [tilespmem:s2+$0xB050]  }
0x1c4: {  	v11 =	vld [tilespmem:s2+$0xB040];
	v5 =	vperm.xlane v4, v5  }
0x1c5: {  	v20 =	vimm.f32 $0.0e+00;
	v19 =	vimm.f32 $0.0e+00;
	v15 =	vimm.f32 $0.0e+00  }
0x1c6: {  	v18 =	vimm.f32 $0.0e+00;
	v4 =	vmul.f32 v6, v5;
	v7 =	vmul.f32 v7, v5  }
0x1c7: {  	v17 =	vimm.f32 $0.0e+00;
	v6 =	vld [tilespmem:s2+$0xB060];
	v8 =	vmul.f32 v8, v5;
	v9 =	vmul.f32 v9, v5  }
0x1c8: {  	v25 =	vld [tilespmem:s2+$0xB070];
	v10 =	vmul.f32 v10, v5;
	v26 =	vmul.f32 v16, v5;
	v4 =	vadd.f32 v4, v15  }
0x1c9: {  	v24 =	vld [tilespmem:s2+$0xB400];
	v14 =	vadd.f32 v7, v15;
	v12 =	vadd.f32 v8, v15;
	v7 =	vmul.f32 v11, v5  }
0x1ca: {  	v23 =	vld [tilespmem:s2+$0xB410];
	v16 =	vimm.f32 $0.0e+00;
	v13 =	vadd.f32 v9, v15;
	v11 =	vadd.f32 v10, v15  }
0x1cb: {  	s12 =	simm.s32 $0x1;
	s13 =	simm.s32 $0x4;
	v22 =	vld [tilespmem:s2+$0xB420];
	v8 =	vimm.f32 $0.0e+00;
	v10 =	vimm.f32 $0.0e+00;
	v9 =	vadd.f32 v7, v15  }
0x1cc: {  	s15 =	simm.s32 $0x2;
	s14 =	simm.s32 $0x0;
	s16 =	sand.u32 $0x40, s13;
	v21 =	vld [tilespmem:s2+$0xB430];
	v7 =	vimm.f32 $0.0e+00;
	v27 =	vmul.f32 v6, v5;
	v6 =	vimm.f32 $0.0e+00  }
.LBB2_11:
0x1cd: {  	p1 =	sne.s32 s15, $0x1F;
	s4 =	sshrl.u32 s16, $0x2;
	v15 =	vadd.f32 v26, v15;
	v25 =	vmul.f32 v25, v5;
	v26 =	vld [tilespmem:s2+$0xB440]  }
0x1ce: {  	s0 =	sadd.s32 $0x80, s0;
	s14 =	sadd.s32 $0x400, s14;
	v28 =	vld.idx.msk [tilespmem:v3+s4+$0x0 ss:$0x1], $0xffff;
	v19 =	vadd.f32 v27, v19;
	v24 =	vmul.f32 v24, v5  }
0x1cf: {  	s4 =	sand.u32 $0x6000, s14;
	s5 =	sand.u32 $0x380, s0;
	v20 =	vadd.f32 v25, v20;
	v23 =	vmul.f32 v23, v5;
	v25 =	vld [tilespmem:s2+$0xB450]  }
0x1d0: {  	v18 =	vadd.f32 v24, v18;
	v22 =	vmul.f32 v22, v5;
	v24 =	vld [tilespmem:s2+$0xB460];
	s2 =	sor.u32 s5, s4  }
0x1d1: {  	v27 =	vld [tilespmem:s2+$0xB470];
	v17 =	vadd.f32 v23, v17;
	v21 =	vmul.f32 v21, v5  }
0x1d2: {  	v23 =	vld [tilespmem:s2+$0xB000];
	v16 =	vadd.f32 v22, v16;
	v22 =	vmul.f32 v26, v5  }
0x1d3: {  	v26 =	vmov s12;
	s12 =	smov.u32 s15;
	v29 =	vld [tilespmem:s2+$0xB010];
	v8 =	vadd.f32 v21, v8  }
0x1d4: {  	v21 =	vperm.xlane v28, v26;
	v26 =	vld [tilespmem:s2+$0xB020];
	v10 =	vadd.f32 v22, v10;
	v22 =	vmul.f32 v25, v5  }
0x1d5: {  	v28 =	vld [tilespmem:s2+$0xB030];
	v24 =	vmul.f32 v24, v5  }
0x1d6: {  	v5 =	vmov v21;
	v30 =	vld [tilespmem:s2+$0xB040];
	v25 =	vmul.f32 v27, v21;
	v7 =	vadd.f32 v22, v7  }
0x1d7: {  	v21 =	vmul.f32 v23, v5;
	v22 =	vld [tilespmem:s2+$0xB050];
	v6 =	vadd.f32 v24, v6  }
0x1d8: {  	v23 =	vmul.f32 v29, v5;
	v27 =	vld [tilespmem:s2+$0xB060];
	v4 =	vadd.f32 v25, v4  }
.Ltmp4:
0x1d9: {  	v14 =	vadd.f32 v21, v14;
	v21 =	vmul.f32 v26, v5;
	v25 =	vld [tilespmem:s2+$0xB070];
	(pc) =	sbr.rel @p1 .LBB2_11-.Ltmp4, $4  }
0x1da: {  	v12 =	vadd.f32 v23, v12;
	v26 =	vmul.f32 v28, v5;
	v24 =	vld [tilespmem:s2+$0xB400]  }
0x1db: {  	v13 =	vadd.f32 v21, v13;
	v21 =	vmul.f32 v30, v5;
	v23 =	vld [tilespmem:s2+$0xB410]  }
0x1dc: {  	s13 =	sadd.s32 $0x4, s13;
	v11 =	vadd.f32 v26, v11;
	v26 =	vmul.f32 v22, v5;
	v22 =	vld [tilespmem:s2+$0xB420]  }
0x1dd: {  	s16 =	sand.u32 $0x40, s13;
	s15 =	sadd.s32 $0x1, s15;
	v9 =	vadd.f32 v21, v9;
	v27 =	vmul.f32 v27, v5;
	v21 =	vld [tilespmem:s2+$0xB430]  }
0x1de: {  	_ =	sdelay $0x1  }
0x1df: {  	v28 =	vld [tilespmem:s2+$0xB440]  }
0x1e0: {  	s4 =	sshrl.u32 s16, $0x2;
	s0 =	sadd.s32 $0x80, s0;
	s21 =	sadd.s32 $0x400, s14;
	v30 =	vld [tilespmem:s2+$0xB450]  }
0x1e1: {  	v29 =	vld.idx.msk [tilespmem:v3+s4+$0x0 ss:$0x1], $0xffff;
	s4 =	sand.u32 $0x6000, s21;
	s0 =	sand.u32 $0x380, s0  }
0x1e2: {  	v31 =	vld [tilespmem:s2+$0xB460];
	s0 =	sor.u32 s0, s4  }
0x1e3: {  	v32 =	vld [tilespmem:s0+$0xB470]  }
0x1e4: {  	v33 =	vld [tilespmem:s0+$0xB000]  }
0x1e5: {  	v34 =	vld [tilespmem:s0+$0xB010]  }
0x1e6: {  	v35 =	vld [tilespmem:s0+$0xB020]  }
0x1e7: {  	v36 =	vld [tilespmem:s0+$0xB030]  }
0x1e8: {  	v37 =	vld [tilespmem:s0+$0xB040]  }
0x1e9: {  	v38 =	vld [tilespmem:s0+$0xB050]  }
0x1ea: {  	v39 =	vld [tilespmem:s0+$0xB060]  }
0x1eb: {  	v40 =	vld [tilespmem:s0+$0xB070]  }
0x1ec: {  	v41 =	vmov s12;
	v42 =	vld [tilespmem:s0+$0xB400]  }
0x1ed: {  	v61 =	vld [tilespmem:s0+$0xB410];
	v29 =	vperm.xlane v29, v41  }
0x1ee: {  	v25 =	vmul.f32 v25, v5;
	v43 =	vld [tilespmem:s0+$0xB420]  }
0x1ef: {  	v15 =	vadd.f32 v26, v15;
	v24 =	vmul.f32 v24, v5;
	v62 =	vld [tilespmem:s0+$0xB430];
	v26 =	vmul.f32 v33, v29  }
0x1f0: {  	v19 =	vadd.f32 v27, v19;
	v20 =	vadd.f32 v25, v20;
	v27 =	vld [tilespmem:s0+$0xB440];
	v25 =	vmul.f32 v34, v29  }
0x1f1: {  	v18 =	vadd.f32 v24, v18;
	v63 =	vld [tilespmem:s0+$0xB460];
	v24 =	vmul.f32 v35, v29;
	v14 =	vadd.f32 v26, v14  }
0x1f2: {  	v23 =	vmul.f32 v23, v5;
	v26 =	vld [tilespmem:s0+$0xB450];
	v12 =	vadd.f32 v25, v12;
	v25 =	vmul.f32 v36, v29  }
0x1f3: {  	s22 =	simm.s32 $0x13010;
	v13 =	vadd.f32 v24, v13;
	[tilespmem:s26+$0x0] =	vst.add.f32.msk $0xffff, v14;
	v14 =	vmul.f32 v22, v5;
	v22 =	vmul.f32 v37, v29  }
0x1f4: {  	s23 =	simm.s32 $0x13020;
	v17 =	vadd.f32 v23, v17;
	v11 =	vadd.f32 v25, v11;
	[tilespmem:s22+$0x0] =	vst.add.f32.msk $0xffff, v12;
	v12 =	vmul.f32 v38, v29  }
0x1f5: {  	s2 =	simm.s32 $0x13030;
	v14 =	vadd.f32 v14, v16;
	v9 =	vadd.f32 v22, v9;
	[tilespmem:s23+$0x0] =	vst.add.f32.msk $0xffff, v13;
	v13 =	vmul.f32 v39, v29  }
0x1f6: {  	s4 =	simm.s32 $0x13040;
	v12 =	vadd.f32 v12, v15;
	[tilespmem:s2+$0x0] =	vst.add.f32.msk $0xffff, v11;
	v11 =	vmul.f32 v21, v5;
	v15 =	vmul.f32 v40, v29  }
0x1f7: {  	s5 =	simm.s32 $0x13050;
	v16 =	vmul.f32 v42, v29;
	v13 =	vadd.f32 v13, v19;
	[tilespmem:s4+$0x0] =	vst.add.f32.msk $0xffff, v9;
	v9 =	vmul.f32 v28, v5  }
0x1f8: {  	s12 =	simm.s32 $0x13060;
	v8 =	vadd.f32 v11, v8;
	v11 =	vadd.f32 v15, v20;
	v15 =	vmul.f32 v61, v29;
	[tilespmem:s5+$0x0] =	vst.add.f32.msk $0xffff, v12  }
0x1f9: {  	s13 =	simm.s32 $0x13070;
	v12 =	vmul.f32 v43, v29;
	v9 =	vadd.f32 v9, v10;
	v10 =	vadd.f32 v16, v18;
	[tilespmem:s12+$0x0] =	vst.add.f32.msk $0xffff, v13  }
0x1fa: {  	s14 =	simm.s32 $0x13080;
	v13 =	vmul.f32 v30, v5;
	v16 =	vmul.f32 v62, v29;
	v15 =	vadd.f32 v15, v17;
	[tilespmem:s13+$0x0] =	vst.add.f32.msk $0xffff, v11  }
0x1fb: {  	s15 =	simm.s32 $0x13090;
	v5 =	vmul.f32 v31, v5;
	v11 =	vadd.f32 v12, v14;
	v12 =	vmul.f32 v27, v29;
	[tilespmem:s14+$0x0] =	vst.add.f32.msk $0xffff, v10  }
0x1fc: {  	s16 =	simm.s32 $0x130A0;
	v7 =	vadd.f32 v13, v7;
	v8 =	vadd.f32 v16, v8;
	v10 =	vmul.f32 v26, v29;
	[tilespmem:s15+$0x0] =	vst.add.f32.msk $0xffff, v15  }
0x1fd: {  	s17 =	simm.s32 $0x130B0;
	v5 =	vadd.f32 v5, v6;
	v6 =	vadd.f32 v12, v9;
	v9 =	vmul.f32 v63, v29;
	[tilespmem:s16+$0x0] =	vst.add.f32.msk $0xffff, v11  }
0x1fe: {  	s18 =	simm.s32 $0x130C0;
	v11 =	vmul.f32 v32, v29;
	v7 =	vadd.f32 v10, v7;
	[tilespmem:s17+$0x0] =	vst.add.f32.msk $0xffff, v8  }
0x1ff: {  	s19 =	simm.s32 $0x130D0;
	v5 =	vadd.f32 v9, v5;
	[tilespmem:s18+$0x0] =	vst.add.f32.msk $0xffff, v6  }
0x200: {  	s20 =	simm.s32 $0x130E0;
	s0 =	simm.s32 $0x0;
	v4 =	vadd.f32 v11, v4;
	[tilespmem:s19+$0x0] =	vst.add.f32.msk $0xffff, v7  }
0x201: {  	s21 =	sand.u32 $0x40, s0;
	s22 =	simm.s32 $0x130F0;
	[tilespmem:s20+$0x0] =	vst.add.f32.msk $0xffff, v5  }
0x202: {  	s23 =	sand.u32 $0x6000, s0;
	s2 =	sshrl.u32 s21, $0x2;
	s5 =	sand.u32 $0x380, s0;
	[tilespmem:s22+$0x0] =	vst.add.f32.msk $0xffff, v4  }
0x203: {  	v4 =	vld.idx.msk [tilespmem:v3+s2+$0x0 ss:$0x1], $0xffff;
	s2 =	sor.u32 s5, s23  }
0x204: {  	v6 =	vld [tilespmem:s2+$0xBC70]  }
0x205: {  	v7 =	vld [tilespmem:s2+$0xB800]  }
0x206: {  	v8 =	vld [tilespmem:s2+$0xB810]  }
0x207: {  	v9 =	vld [tilespmem:s2+$0xB820]  }
0x208: {  	v10 =	vld [tilespmem:s2+$0xB830]  }
0x209: {  	v5 =	vmov s0;
	v16 =	vld [tilespmem:s2+$0xB850]  }
0x20a: {  	v11 =	vld [tilespmem:s2+$0xB840];
	v5 =	vperm.xlane v4, v5  }
0x20b: {  	v19 =	vimm.f32 $0.0e+00;
	v20 =	vimm.f32 $0.0e+00;
	v18 =	vimm.f32 $0.0e+00  }
0x20c: {  	v17 =	vimm.f32 $0.0e+00;
	v4 =	vmul.f32 v6, v5;
	v7 =	vmul.f32 v7, v5  }
0x20d: {  	v15 =	vimm.f32 $0.0e+00;
	v6 =	vld [tilespmem:s2+$0xB860];
	v8 =	vmul.f32 v8, v5;
	v9 =	vmul.f32 v9, v5  }
0x20e: {  	v25 =	vld [tilespmem:s2+$0xB870];
	v10 =	vmul.f32 v10, v5;
	v26 =	vmul.f32 v16, v5;
	v4 =	vadd.f32 v4, v15  }
0x20f: {  	v24 =	vld [tilespmem:s2+$0xBC00];
	v14 =	vadd.f32 v7, v15;
	v12 =	vadd.f32 v8, v15;
	v7 =	vmul.f32 v11, v5  }
0x210: {  	v23 =	vld [tilespmem:s2+$0xBC10];
	v16 =	vimm.f32 $0.0e+00;
	v13 =	vadd.f32 v9, v15;
	v11 =	vadd.f32 v10, v15  }
0x211: {  	s12 =	simm.s32 $0x1;
	s13 =	simm.s32 $0x4;
	v22 =	vld [tilespmem:s2+$0xBC20];
	v8 =	vimm.f32 $0.0e+00;
	v10 =	vimm.f32 $0.0e+00;
	v9 =	vadd.f32 v7, v15  }
0x212: {  	s14 =	simm.s32 $0x0;
	s15 =	simm.s32 $0x2;
	s16 =	sand.u32 $0x40, s13;
	v21 =	vld [tilespmem:s2+$0xBC30];
	v7 =	vimm.f32 $0.0e+00;
	v27 =	vmul.f32 v6, v5;
	v6 =	vimm.f32 $0.0e+00  }
.LBB2_13:
0x213: {  	p1 =	sne.s32 s15, $0x1F;
	s4 =	sshrl.u32 s16, $0x2;
	v15 =	vadd.f32 v26, v15;
	v25 =	vmul.f32 v25, v5;
	v26 =	vld [tilespmem:s2+$0xBC40]  }
0x214: {  	s0 =	sadd.s32 $0x80, s0;
	s14 =	sadd.s32 $0x400, s14;
	v28 =	vld.idx.msk [tilespmem:v3+s4+$0x0 ss:$0x1], $0xffff;
	v19 =	vadd.f32 v27, v19;
	v24 =	vmul.f32 v24, v5  }
0x215: {  	s4 =	sand.u32 $0x6000, s14;
	s5 =	sand.u32 $0x380, s0;
	v20 =	vadd.f32 v25, v20;
	v23 =	vmul.f32 v23, v5;
	v25 =	vld [tilespmem:s2+$0xBC50]  }
0x216: {  	v18 =	vadd.f32 v24, v18;
	v22 =	vmul.f32 v22, v5;
	v24 =	vld [tilespmem:s2+$0xBC60];
	s2 =	sor.u32 s5, s4  }
0x217: {  	v27 =	vld [tilespmem:s2+$0xBC70];
	v17 =	vadd.f32 v23, v17;
	v21 =	vmul.f32 v21, v5  }
0x218: {  	v23 =	vld [tilespmem:s2+$0xB800];
	v16 =	vadd.f32 v22, v16;
	v22 =	vmul.f32 v26, v5  }
0x219: {  	v26 =	vmov s12;
	s12 =	smov.u32 s15;
	v29 =	vld [tilespmem:s2+$0xB810];
	v8 =	vadd.f32 v21, v8  }
0x21a: {  	v21 =	vperm.xlane v28, v26;
	v26 =	vld [tilespmem:s2+$0xB820];
	v10 =	vadd.f32 v22, v10;
	v22 =	vmul.f32 v25, v5  }
0x21b: {  	v28 =	vld [tilespmem:s2+$0xB830];
	v24 =	vmul.f32 v24, v5  }
0x21c: {  	v5 =	vmov v21;
	v30 =	vld [tilespmem:s2+$0xB840];
	v25 =	vmul.f32 v27, v21;
	v7 =	vadd.f32 v22, v7  }
0x21d: {  	v21 =	vmul.f32 v23, v5;
	v22 =	vld [tilespmem:s2+$0xB850];
	v6 =	vadd.f32 v24, v6  }
0x21e: {  	v23 =	vmul.f32 v29, v5;
	v27 =	vld [tilespmem:s2+$0xB860];
	v4 =	vadd.f32 v25, v4  }
.Ltmp5:
0x21f: {  	v14 =	vadd.f32 v21, v14;
	v21 =	vmul.f32 v26, v5;
	v25 =	vld [tilespmem:s2+$0xB870];
	(pc) =	sbr.rel @p1 .LBB2_13-.Ltmp5, $4  }
0x220: {  	v12 =	vadd.f32 v23, v12;
	v26 =	vmul.f32 v28, v5;
	v24 =	vld [tilespmem:s2+$0xBC00]  }
0x221: {  	v13 =	vadd.f32 v21, v13;
	v21 =	vmul.f32 v30, v5;
	v23 =	vld [tilespmem:s2+$0xBC10]  }
0x222: {  	s13 =	sadd.s32 $0x4, s13;
	v11 =	vadd.f32 v26, v11;
	v26 =	vmul.f32 v22, v5;
	v22 =	vld [tilespmem:s2+$0xBC20]  }
0x223: {  	s16 =	sand.u32 $0x40, s13;
	s15 =	sadd.s32 $0x1, s15;
	v9 =	vadd.f32 v21, v9;
	v27 =	vmul.f32 v27, v5;
	v21 =	vld [tilespmem:s2+$0xBC30]  }
0x224: {  	_ =	sdelay $0x1  }
0x225: {  	v28 =	vld [tilespmem:s2+$0xBC40]  }
0x226: {  	s4 =	sshrl.u32 s16, $0x2;
	s0 =	sadd.s32 $0x80, s0;
	s20 =	sadd.s32 $0x400, s14;
	v30 =	vld [tilespmem:s2+$0xBC50]  }
0x227: {  	v29 =	vld.idx.msk [tilespmem:v3+s4+$0x0 ss:$0x1], $0xffff;
	s4 =	sand.u32 $0x6000, s20;
	s0 =	sand.u32 $0x380, s0  }
0x228: {  	v31 =	vld [tilespmem:s2+$0xBC60];
	s0 =	sor.u32 s0, s4  }
0x229: {  	v32 =	vld [tilespmem:s0+$0xBC70]  }
0x22a: {  	v33 =	vld [tilespmem:s0+$0xB800]  }
0x22b: {  	v34 =	vld [tilespmem:s0+$0xB810]  }
0x22c: {  	v35 =	vld [tilespmem:s0+$0xB820]  }
0x22d: {  	v36 =	vld [tilespmem:s0+$0xB830]  }
0x22e: {  	v37 =	vld [tilespmem:s0+$0xB840]  }
0x22f: {  	v38 =	vld [tilespmem:s0+$0xB850]  }
0x230: {  	v39 =	vld [tilespmem:s0+$0xB860]  }
0x231: {  	v40 =	vld [tilespmem:s0+$0xB870]  }
0x232: {  	v41 =	vmov s12;
	v42 =	vld [tilespmem:s0+$0xBC00]  }
0x233: {  	v61 =	vld [tilespmem:s0+$0xBC10];
	v29 =	vperm.xlane v29, v41  }
0x234: {  	v25 =	vmul.f32 v25, v5;
	v43 =	vld [tilespmem:s0+$0xBC20]  }
0x235: {  	v15 =	vadd.f32 v26, v15;
	v24 =	vmul.f32 v24, v5;
	v62 =	vld [tilespmem:s0+$0xBC30];
	v26 =	vmul.f32 v33, v29  }
0x236: {  	v19 =	vadd.f32 v27, v19;
	v20 =	vadd.f32 v25, v20;
	v27 =	vld [tilespmem:s0+$0xBC40];
	v25 =	vmul.f32 v34, v29  }
0x237: {  	v18 =	vadd.f32 v24, v18;
	v63 =	vld [tilespmem:s0+$0xBC60];
	v24 =	vmul.f32 v35, v29;
	v14 =	vadd.f32 v26, v14  }
0x238: {  	s21 =	simm.s32 $0x13100;
	v23 =	vmul.f32 v23, v5;
	v26 =	vld [tilespmem:s0+$0xBC50];
	v12 =	vadd.f32 v25, v12;
	v25 =	vmul.f32 v36, v29  }
0x239: {  	s22 =	simm.s32 $0x13110;
	v13 =	vadd.f32 v24, v13;
	[tilespmem:s21+$0x0] =	vst.add.f32.msk $0xffff, v14;
	v14 =	vmul.f32 v22, v5;
	v22 =	vmul.f32 v37, v29  }
0x23a: {  	s23 =	simm.s32 $0x13120;
	v17 =	vadd.f32 v23, v17;
	v11 =	vadd.f32 v25, v11;
	[tilespmem:s22+$0x0] =	vst.add.f32.msk $0xffff, v12;
	v12 =	vmul.f32 v38, v29  }
0x23b: {  	s2 =	simm.s32 $0x13130;
	v14 =	vadd.f32 v14, v16;
	v9 =	vadd.f32 v22, v9;
	[tilespmem:s23+$0x0] =	vst.add.f32.msk $0xffff, v13;
	v13 =	vmul.f32 v39, v29  }
0x23c: {  	s4 =	simm.s32 $0x13140;
	v12 =	vadd.f32 v12, v15;
	[tilespmem:s2+$0x0] =	vst.add.f32.msk $0xffff, v11;
	v11 =	vmul.f32 v21, v5;
	v15 =	vmul.f32 v40, v29  }
0x23d: {  	s5 =	simm.s32 $0x13150;
	v16 =	vmul.f32 v42, v29;
	v13 =	vadd.f32 v13, v19;
	[tilespmem:s4+$0x0] =	vst.add.f32.msk $0xffff, v9;
	v9 =	vmul.f32 v28, v5  }
0x23e: {  	s12 =	simm.s32 $0x13160;
	v8 =	vadd.f32 v11, v8;
	v11 =	vadd.f32 v15, v20;
	v15 =	vmul.f32 v61, v29;
	[tilespmem:s5+$0x0] =	vst.add.f32.msk $0xffff, v12  }
0x23f: {  	s13 =	simm.s32 $0x13170;
	v12 =	vmul.f32 v43, v29;
	v9 =	vadd.f32 v9, v10;
	v10 =	vadd.f32 v16, v18;
	[tilespmem:s12+$0x0] =	vst.add.f32.msk $0xffff, v13  }
0x240: {  	s14 =	simm.s32 $0x13180;
	v13 =	vmul.f32 v30, v5;
	v16 =	vmul.f32 v62, v29;
	v15 =	vadd.f32 v15, v17;
	[tilespmem:s13+$0x0] =	vst.add.f32.msk $0xffff, v11  }
0x241: {  	s15 =	simm.s32 $0x13190;
	v5 =	vmul.f32 v31, v5;
	v11 =	vadd.f32 v12, v14;
	v12 =	vmul.f32 v27, v29;
	[tilespmem:s14+$0x0] =	vst.add.f32.msk $0xffff, v10  }
0x242: {  	s16 =	simm.s32 $0x131A0;
	v7 =	vadd.f32 v13, v7;
	v8 =	vadd.f32 v16, v8;
	v10 =	vmul.f32 v26, v29;
	[tilespmem:s15+$0x0] =	vst.add.f32.msk $0xffff, v15  }
0x243: {  	s17 =	simm.s32 $0x131B0;
	v5 =	vadd.f32 v5, v6;
	v6 =	vadd.f32 v12, v9;
	v9 =	vmul.f32 v63, v29;
	[tilespmem:s16+$0x0] =	vst.add.f32.msk $0xffff, v11  }
0x244: {  	s18 =	simm.s32 $0x131C0;
	v11 =	vmul.f32 v32, v29;
	v7 =	vadd.f32 v10, v7;
	[tilespmem:s17+$0x0] =	vst.add.f32.msk $0xffff, v8  }
0x245: {  	s19 =	simm.s32 $0x131D0;
	v5 =	vadd.f32 v9, v5;
	[tilespmem:s18+$0x0] =	vst.add.f32.msk $0xffff, v6  }
0x246: {  	s20 =	simm.s32 $0x131E0;
	s0 =	simm.s32 $0x0;
	v4 =	vadd.f32 v11, v4;
	[tilespmem:s19+$0x0] =	vst.add.f32.msk $0xffff, v7  }
0x247: {  	s21 =	sand.u32 $0x40, s0;
	s22 =	simm.s32 $0x131F0;
	[tilespmem:s20+$0x0] =	vst.add.f32.msk $0xffff, v5  }
0x248: {  	s23 =	sand.u32 $0x6000, s0;
	s2 =	sshrl.u32 s21, $0x2;
	s5 =	sand.u32 $0x380, s0;
	[tilespmem:s22+$0x0] =	vst.add.f32.msk $0xffff, v4  }
0x249: {  	v4 =	vld.idx.msk [tilespmem:v3+s2+$0x0 ss:$0x1], $0xffff;
	s2 =	sor.u32 s5, s23  }
0x24a: {  	v6 =	vld [tilespmem:s2+$0xC470]  }
0x24b: {  	v7 =	vld [tilespmem:s2+$0xC000]  }
0x24c: {  	v8 =	vld [tilespmem:s2+$0xC010]  }
0x24d: {  	v9 =	vld [tilespmem:s2+$0xC020]  }
0x24e: {  	v10 =	vld [tilespmem:s2+$0xC030]  }
0x24f: {  	v5 =	vmov s0;
	v16 =	vld [tilespmem:s2+$0xC050]  }
0x250: {  	v11 =	vld [tilespmem:s2+$0xC040];
	v5 =	vperm.xlane v4, v5  }
0x251: {  	v19 =	vimm.f32 $0.0e+00;
	v20 =	vimm.f32 $0.0e+00;
	v18 =	vimm.f32 $0.0e+00  }
0x252: {  	v17 =	vimm.f32 $0.0e+00;
	v4 =	vmul.f32 v6, v5;
	v7 =	vmul.f32 v7, v5  }
0x253: {  	v15 =	vimm.f32 $0.0e+00;
	v6 =	vld [tilespmem:s2+$0xC060];
	v8 =	vmul.f32 v8, v5;
	v9 =	vmul.f32 v9, v5  }
0x254: {  	v25 =	vld [tilespmem:s2+$0xC070];
	v10 =	vmul.f32 v10, v5;
	v26 =	vmul.f32 v16, v5;
	v4 =	vadd.f32 v4, v15  }
0x255: {  	v24 =	vld [tilespmem:s2+$0xC400];
	v14 =	vadd.f32 v7, v15;
	v12 =	vadd.f32 v8, v15;
	v7 =	vmul.f32 v11, v5  }
0x256: {  	v23 =	vld [tilespmem:s2+$0xC410];
	v16 =	vimm.f32 $0.0e+00;
	v13 =	vadd.f32 v9, v15;
	v11 =	vadd.f32 v10, v15  }
0x257: {  	s12 =	simm.s32 $0x1;
	s13 =	simm.s32 $0x4;
	v22 =	vld [tilespmem:s2+$0xC420];
	v8 =	vimm.f32 $0.0e+00;
	v10 =	vimm.f32 $0.0e+00;
	v9 =	vadd.f32 v7, v15  }
0x258: {  	s14 =	simm.s32 $0x0;
	s15 =	simm.s32 $0x2;
	s16 =	sand.u32 $0x40, s13;
	v21 =	vld [tilespmem:s2+$0xC430];
	v7 =	vimm.f32 $0.0e+00;
	v27 =	vmul.f32 v6, v5;
	v6 =	vimm.f32 $0.0e+00  }
.LBB2_15:
0x259: {  	p1 =	sne.s32 s15, $0x1F;
	s4 =	sshrl.u32 s16, $0x2;
	v15 =	vadd.f32 v26, v15;
	v25 =	vmul.f32 v25, v5;
	v26 =	vld [tilespmem:s2+$0xC440]  }
0x25a: {  	s0 =	sadd.s32 $0x80, s0;
	s14 =	sadd.s32 $0x400, s14;
	v28 =	vld.idx.msk [tilespmem:v3+s4+$0x0 ss:$0x1], $0xffff;
	v19 =	vadd.f32 v27, v19;
	v24 =	vmul.f32 v24, v5  }
0x25b: {  	s4 =	sand.u32 $0x6000, s14;
	s5 =	sand.u32 $0x380, s0;
	v20 =	vadd.f32 v25, v20;
	v23 =	vmul.f32 v23, v5;
	v25 =	vld [tilespmem:s2+$0xC450]  }
0x25c: {  	v18 =	vadd.f32 v24, v18;
	v22 =	vmul.f32 v22, v5;
	v24 =	vld [tilespmem:s2+$0xC460];
	s2 =	sor.u32 s5, s4  }
0x25d: {  	v27 =	vld [tilespmem:s2+$0xC470];
	v17 =	vadd.f32 v23, v17;
	v21 =	vmul.f32 v21, v5  }
0x25e: {  	v23 =	vld [tilespmem:s2+$0xC000];
	v16 =	vadd.f32 v22, v16;
	v22 =	vmul.f32 v26, v5  }
0x25f: {  	v26 =	vmov s12;
	s12 =	smov.u32 s15;
	v29 =	vld [tilespmem:s2+$0xC010];
	v8 =	vadd.f32 v21, v8  }
0x260: {  	v21 =	vperm.xlane v28, v26;
	v26 =	vld [tilespmem:s2+$0xC020];
	v10 =	vadd.f32 v22, v10;
	v22 =	vmul.f32 v25, v5  }
0x261: {  	v28 =	vld [tilespmem:s2+$0xC030];
	v24 =	vmul.f32 v24, v5  }
0x262: {  	v5 =	vmov v21;
	v30 =	vld [tilespmem:s2+$0xC040];
	v25 =	vmul.f32 v27, v21;
	v7 =	vadd.f32 v22, v7  }
0x263: {  	v21 =	vmul.f32 v23, v5;
	v22 =	vld [tilespmem:s2+$0xC050];
	v6 =	vadd.f32 v24, v6  }
0x264: {  	v23 =	vmul.f32 v29, v5;
	v27 =	vld [tilespmem:s2+$0xC060];
	v4 =	vadd.f32 v25, v4  }
.Ltmp6:
0x265: {  	v14 =	vadd.f32 v21, v14;
	v21 =	vmul.f32 v26, v5;
	v25 =	vld [tilespmem:s2+$0xC070];
	(pc) =	sbr.rel @p1 .LBB2_15-.Ltmp6, $4  }
0x266: {  	v12 =	vadd.f32 v23, v12;
	v26 =	vmul.f32 v28, v5;
	v24 =	vld [tilespmem:s2+$0xC400]  }
0x267: {  	v13 =	vadd.f32 v21, v13;
	v21 =	vmul.f32 v30, v5;
	v23 =	vld [tilespmem:s2+$0xC410]  }
0x268: {  	s13 =	sadd.s32 $0x4, s13;
	v11 =	vadd.f32 v26, v11;
	v26 =	vmul.f32 v22, v5;
	v22 =	vld [tilespmem:s2+$0xC420]  }
0x269: {  	s16 =	sand.u32 $0x40, s13;
	s15 =	sadd.s32 $0x1, s15;
	v9 =	vadd.f32 v21, v9;
	v27 =	vmul.f32 v27, v5;
	v21 =	vld [tilespmem:s2+$0xC430]  }
0x26a: {  	_ =	sdelay $0x1  }
0x26b: {  	v28 =	vld [tilespmem:s2+$0xC440]  }
0x26c: {  	s4 =	sshrl.u32 s16, $0x2;
	s0 =	sadd.s32 $0x80, s0;
	s5 =	sadd.s32 $0x400, s14;
	v30 =	vld [tilespmem:s2+$0xC450]  }
0x26d: {  	v29 =	vld.idx.msk [tilespmem:v3+s4+$0x0 ss:$0x1], $0xffff;
	s4 =	sand.u32 $0x6000, s5;
	s0 =	sand.u32 $0x380, s0  }
0x26e: {  	v31 =	vld [tilespmem:s2+$0xC460];
	s0 =	sor.u32 s0, s4  }
0x26f: {  	v32 =	vld [tilespmem:s0+$0xC470]  }
0x270: {  	v33 =	vld [tilespmem:s0+$0xC000]  }
0x271: {  	v34 =	vld [tilespmem:s0+$0xC010]  }
0x272: {  	v35 =	vld [tilespmem:s0+$0xC020]  }
0x273: {  	v36 =	vld [tilespmem:s0+$0xC030]  }
0x274: {  	v37 =	vld [tilespmem:s0+$0xC040]  }
0x275: {  	v38 =	vld [tilespmem:s0+$0xC050]  }
0x276: {  	v39 =	vld [tilespmem:s0+$0xC060]  }
0x277: {  	v40 =	vld [tilespmem:s0+$0xC070]  }
0x278: {  	v41 =	vmov s12;
	v42 =	vld [tilespmem:s0+$0xC400]  }
0x279: {  	v61 =	vld [tilespmem:s0+$0xC410];
	v29 =	vperm.xlane v29, v41  }
0x27a: {  	v25 =	vmul.f32 v25, v5;
	v43 =	vld [tilespmem:s0+$0xC420]  }
0x27b: {  	v15 =	vadd.f32 v26, v15;
	v24 =	vmul.f32 v24, v5;
	v62 =	vld [tilespmem:s0+$0xC430];
	v26 =	vmul.f32 v33, v29  }
0x27c: {  	v19 =	vadd.f32 v27, v19;
	v20 =	vadd.f32 v25, v20;
	v27 =	vld [tilespmem:s0+$0xC440];
	v25 =	vmul.f32 v34, v29  }
0x27d: {  	v18 =	vadd.f32 v24, v18;
	v63 =	vld [tilespmem:s0+$0xC460];
	v24 =	vmul.f32 v35, v29;
	v14 =	vadd.f32 v26, v14  }
0x27e: {  	s13 =	simm.s32 $0x13200;
	v23 =	vmul.f32 v23, v5;
	v26 =	vld [tilespmem:s0+$0xC450];
	v12 =	vadd.f32 v25, v12;
	v25 =	vmul.f32 v36, v29  }
0x27f: {  	s14 =	simm.s32 $0x13210;
	v13 =	vadd.f32 v24, v13;
	[tilespmem:s13+$0x0] =	vst.add.f32.msk $0xffff, v14;
	v14 =	vmul.f32 v22, v5;
	v22 =	vmul.f32 v37, v29  }
0x280: {  	s15 =	simm.s32 $0x13220;
	v17 =	vadd.f32 v23, v17;
	v11 =	vadd.f32 v25, v11;
	[tilespmem:s14+$0x0] =	vst.add.f32.msk $0xffff, v12;
	v12 =	vmul.f32 v38, v29  }
0x281: {  	s16 =	simm.s32 $0x13230;
	v14 =	vadd.f32 v14, v16;
	v9 =	vadd.f32 v22, v9;
	[tilespmem:s15+$0x0] =	vst.add.f32.msk $0xffff, v13;
	v13 =	vmul.f32 v39, v29  }
0x282: {  	s17 =	simm.s32 $0x13240;
	v12 =	vadd.f32 v12, v15;
	[tilespmem:s16+$0x0] =	vst.add.f32.msk $0xffff, v11;
	v11 =	vmul.f32 v21, v5;
	v15 =	vmul.f32 v40, v29  }
0x283: {  	s18 =	simm.s32 $0x13250;
	v16 =	vmul.f32 v42, v29;
	v13 =	vadd.f32 v13, v19;
	[tilespmem:s17+$0x0] =	vst.add.f32.msk $0xffff, v9;
	v9 =	vmul.f32 v28, v5  }
0x284: {  	s19 =	simm.s32 $0x13260;
	v8 =	vadd.f32 v11, v8;
	v11 =	vadd.f32 v15, v20;
	v15 =	vmul.f32 v61, v29;
	[tilespmem:s18+$0x0] =	vst.add.f32.msk $0xffff, v12  }
0x285: {  	s20 =	simm.s32 $0x13270;
	v12 =	vmul.f32 v43, v29;
	v9 =	vadd.f32 v9, v10;
	v10 =	vadd.f32 v16, v18;
	[tilespmem:s19+$0x0] =	vst.add.f32.msk $0xffff, v13  }
0x286: {  	s21 =	simm.s32 $0x13280;
	v13 =	vmul.f32 v30, v5;
	v16 =	vmul.f32 v62, v29;
	v15 =	vadd.f32 v15, v17;
	[tilespmem:s20+$0x0] =	vst.add.f32.msk $0xffff, v11  }
0x287: {  	s22 =	simm.s32 $0x13290;
	v5 =	vmul.f32 v31, v5;
	v11 =	vadd.f32 v12, v14;
	v12 =	vmul.f32 v27, v29;
	[tilespmem:s21+$0x0] =	vst.add.f32.msk $0xffff, v10  }
0x288: {  	s23 =	simm.s32 $0x132A0;
	v7 =	vadd.f32 v13, v7;
	v8 =	vadd.f32 v16, v8;
	v10 =	vmul.f32 v26, v29;
	[tilespmem:s22+$0x0] =	vst.add.f32.msk $0xffff, v15  }
0x289: {  	s2 =	simm.s32 $0x132B0;
	v5 =	vadd.f32 v5, v6;
	v6 =	vadd.f32 v12, v9;
	v9 =	vmul.f32 v63, v29;
	[tilespmem:s23+$0x0] =	vst.add.f32.msk $0xffff, v11  }
0x28a: {  	s4 =	simm.s32 $0x132C0;
	v11 =	vmul.f32 v32, v29;
	v7 =	vadd.f32 v10, v7;
	[tilespmem:s2+$0x0] =	vst.add.f32.msk $0xffff, v8  }
0x28b: {  	s5 =	simm.s32 $0x132D0;
	s0 =	simm.s32 $0x0;
	v5 =	vadd.f32 v9, v5;
	[tilespmem:s4+$0x0] =	vst.add.f32.msk $0xffff, v6  }
0x28c: {  	s12 =	sand.u32 $0x7, s0;
	s13 =	simm.s32 $0x132E0;
	v4 =	vadd.f32 v11, v4;
	[tilespmem:s5+$0x0] =	vst.add.f32.msk $0xffff, v7  }
0x28d: {  	s14 =	sand.u32 $0x40, s0;
	s2 =	sshll.u32 s12, $0x7;
	s5 =	simm.s32 $0x132F0;
	[tilespmem:s13+$0x0] =	vst.add.f32.msk $0xffff, v5  }
0x28e: {  	s4 =	sshrl.u32 s14, $0x2;
	s2 =	sadd.s32 $0x0, s2;
	[tilespmem:s5+$0x0] =	vst.add.f32.msk $0xffff, v4  }
0x28f: {  	s15 =	sor.u32 $0x1C70, s2;
	v4 =	vld.idx.msk [tilespmem:v3+s4+$0x0 ss:$0x1], $0xffff  }
0x290: {  	s16 =	sor.u32 $0x1C00, s2;
	v5 =	vld [tilespmem:s15+$0xB000]  }
0x291: {  	s17 =	sor.u32 $0x1C10, s2;
	v6 =	vld [tilespmem:s16+$0xB000]  }
0x292: {  	s18 =	sor.u32 $0x1C20, s2;
	v7 =	vld [tilespmem:s17+$0xB000]  }
0x293: {  	s19 =	sor.u32 $0x1C30, s2;
	v8 =	vld [tilespmem:s18+$0xB000]  }
0x294: {  	s21 =	sor.u32 $0x1C50, s2;
	v10 =	vld [tilespmem:s19+$0xB000]  }
0x295: {  	v9 =	vmov s0;
	s20 =	sor.u32 $0x1C40, s2;
	s2 =	sor.u32 $0x1C60, s2;
	v13 =	vld [tilespmem:s21+$0xB000]  }
0x296: {  	v14 =	vld [tilespmem:s2+$0xB000];
	v12 =	vperm.xlane v4, v9  }
0x297: {  	v19 =	vimm.f32 $0.0e+00;
	v20 =	vimm.f32 $0.0e+00;
	v18 =	vimm.f32 $0.0e+00;
	v9 =	vld [tilespmem:s20+$0xB000]  }
0x298: {  	v17 =	vimm.f32 $0.0e+00;
	s22 =	sand.u32 $0x6000, s0;
	s23 =	sand.u32 $0x380, s0;
	v4 =	vmul.f32 v5, v12;
	v6 =	vmul.f32 v6, v12  }
0x299: {  	v16 =	vimm.f32 $0.0e+00;
	s12 =	sor.u32 s23, s22;
	v7 =	vmul.f32 v7, v12;
	v15 =	vmul.f32 v8, v12  }
0x29a: {  	v26 =	vld [tilespmem:s12+$0xC800];
	v5 =	vimm.f32 $0.0e+00;
	v10 =	vmul.f32 v10, v12;
	v21 =	vmul.f32 v13, v12  }
0x29b: {  	v27 =	vld [tilespmem:s12+$0xC810];
	v22 =	vmul.f32 v14, v12;
	v14 =	vimm.f32 $0.0e+00;
	v13 =	vimm.f32 $0.0e+00  }
0x29c: {  	s13 =	simm.s32 $0x4;
	v24 =	vld [tilespmem:s12+$0xC820];
	v4 =	vadd.f32 v4, v5;
	v11 =	vadd.f32 v6, v5;
	v6 =	vmul.f32 v9, v12  }
0x29d: {  	s14 =	simm.s32 $0x1;
	v23 =	vld [tilespmem:s12+$0xC830];
	s17 =	sand.u32 $0x40, s13;
	v8 =	vadd.f32 v7, v5;
	v7 =	vadd.f32 v10, v5;
	v10 =	vimm.f32 $0.0e+00  }
0x29e: {  	s16 =	simm.s32 $0x2;
	v25 =	vld [tilespmem:s12+$0xC840];
	s15 =	simm.s32 $0x0;
	s2 =	simm.s32 $0x1;
	v9 =	vadd.f32 v15, v5;
	v15 =	vimm.f32 $0.0e+00;
	v6 =	vadd.f32 v6, v5  }
.LBB2_17:
0x29f: {  	p1 =	sne.s32 s16, $0x1F;
	s4 =	sand.u32 $0x7, s14;
	s5 =	sshrl.u32 s17, $0x2;
	v26 =	vmul.f32 v26, v12;
	v28 =	vld [tilespmem:s12+$0xC850];
	v5 =	vadd.f32 v21, v5  }
0x2a0: {  	s0 =	sadd.s32 $0x80, s0;
	s15 =	sadd.s32 $0x400, s15;
	s4 =	sshll.u32 s4, $0x7;
	v21 =	vld.idx.msk [tilespmem:v3+s5+$0x0 ss:$0x1], $0xffff;
	v27 =	vmul.f32 v27, v12;
	v10 =	vadd.f32 v22, v10  }
0x2a1: {  	s5 =	sand.u32 $0x6000, s15;
	s17 =	sand.u32 $0x380, s0;
	s4 =	sadd.s32 s4, s15;
	v18 =	vadd.f32 v26, v18;
	v22 =	vmul.f32 v24, v12;
	v24 =	vld [tilespmem:s12+$0xC860]  }
0x2a2: {  	s18 =	sor.u32 $0x1C00, s4;
	s19 =	sor.u32 $0x1C10, s4;
	s20 =	sor.u32 $0x1C70, s4;
	v19 =	vadd.f32 v27, v19;
	v23 =	vmul.f32 v23, v12;
	v26 =	vld [tilespmem:s12+$0xC870]  }
0x2a3: {  	s21 =	sor.u32 $0x1C20, s4;
	s22 =	sor.u32 $0x1C30, s4;
	s23 =	sor.u32 $0x1C40, s4;
	v27 =	vld [tilespmem:s20+$0xB000];
	v20 =	vadd.f32 v22, v20;
	v22 =	vmul.f32 v25, v12  }
0x2a4: {  	s12 =	sor.u32 s17, s5;
	s5 =	sor.u32 $0x1C50, s4;
	s4 =	sor.u32 $0x1C60, s4;
	v25 =	vld [tilespmem:s18+$0xB000];
	v17 =	vadd.f32 v23, v17;
	v23 =	vmul.f32 v28, v12  }
0x2a5: {  	v28 =	vmov s2;
	s2 =	smov.u32 s16;
	v29 =	vld [tilespmem:s19+$0xB000];
	v15 =	vadd.f32 v22, v15  }
0x2a6: {  	v21 =	vperm.xlane v21, v28;
	v22 =	vld [tilespmem:s21+$0xB000];
	v16 =	vadd.f32 v23, v16;
	v23 =	vmul.f32 v24, v12  }
0x2a7: {  	v24 =	vld [tilespmem:s22+$0xB000];
	v26 =	vmul.f32 v26, v12  }
0x2a8: {  	v12 =	vmov v21;
	v28 =	vld [tilespmem:s23+$0xB000];
	v27 =	vmul.f32 v27, v21;
	v14 =	vadd.f32 v23, v14  }
0x2a9: {  	v21 =	vmul.f32 v25, v12;
	v25 =	vld [tilespmem:s5+$0xB000];
	v13 =	vadd.f32 v26, v13  }
0x2aa: {  	v23 =	vmul.f32 v29, v12;
	v29 =	vld [tilespmem:s4+$0xB000];
	v4 =	vadd.f32 v27, v4  }
.Ltmp7:
0x2ab: {  	v26 =	vld [tilespmem:s12+$0xC800];
	v11 =	vadd.f32 v21, v11;
	v21 =	vmul.f32 v22, v12;
	(pc) =	sbr.rel @p1 .LBB2_17-.Ltmp7, $4  }
0x2ac: {  	v27 =	vld [tilespmem:s12+$0xC810];
	v8 =	vadd.f32 v23, v8;
	v22 =	vmul.f32 v24, v12  }
0x2ad: {  	v24 =	vld [tilespmem:s12+$0xC820];
	v9 =	vadd.f32 v21, v9;
	v28 =	vmul.f32 v28, v12  }
0x2ae: {  	s13 =	sadd.s32 $0x4, s13;
	v23 =	vld [tilespmem:s12+$0xC830];
	v7 =	vadd.f32 v22, v7;
	v21 =	vmul.f32 v25, v12  }
0x2af: {  	s14 =	sadd.s32 $0x1, s14;
	s17 =	sand.u32 $0x40, s13;
	s16 =	sadd.s32 $0x1, s16;
	v25 =	vld [tilespmem:s12+$0xC840];
	v6 =	vadd.f32 v28, v6;
	v22 =	vmul.f32 v29, v12  }
0x2b0: {  	_ =	sdelay $0x2  }
0x2b1: {  	s4 =	sshrl.u32 s17, $0x2;
	s14 =	sand.u32 $0x7, s14;
	v28 =	vld [tilespmem:s12+$0xC850]  }
0x2b2: {  	s5 =	sadd.s32 $0x400, s15;
	v3 =	vld.idx.msk [tilespmem:v3+s4+$0x0 ss:$0x1], $0xffff;
	s4 =	sshll.u32 s14, $0x7  }
0x2b3: {  	v29 =	vld [tilespmem:s12+$0xC860];
	s4 =	sadd.s32 s4, s5  }
0x2b4: {  	v30 =	vld [tilespmem:s12+$0xC870];
	s15 =	sor.u32 $0x1C70, s4  }
0x2b5: {  	s16 =	sor.u32 $0x1C00, s4;
	v31 =	vld [tilespmem:s15+$0xB000]  }
0x2b6: {  	s17 =	sor.u32 $0x1C10, s4;
	v32 =	vld [tilespmem:s16+$0xB000]  }
0x2b7: {  	s18 =	sor.u32 $0x1C20, s4;
	v33 =	vld [tilespmem:s17+$0xB000]  }
0x2b8: {  	s19 =	sor.u32 $0x1C30, s4;
	v34 =	vld [tilespmem:s18+$0xB000]  }
0x2b9: {  	s0 =	sadd.s32 $0x80, s0;
	s20 =	sor.u32 $0x1C40, s4;
	v35 =	vld [tilespmem:s19+$0xB000]  }
0x2ba: {  	s0 =	sand.u32 $0x380, s0;
	s5 =	sand.u32 $0x6000, s5;
	s21 =	sor.u32 $0x1C50, s4;
	v36 =	vld [tilespmem:s20+$0xB000]  }
0x2bb: {  	s0 =	sor.u32 s0, s5;
	v37 =	vld [tilespmem:s21+$0xB000]  }
0x2bc: {  	v38 =	vld [tilespmem:s0+$0xC800]  }
0x2bd: {  	v39 =	vld [tilespmem:s0+$0xC810]  }
0x2be: {  	v40 =	vmov s2;
	v26 =	vmul.f32 v26, v12;
	v27 =	vmul.f32 v27, v12;
	v41 =	vld [tilespmem:s0+$0xC820]  }
0x2bf: {  	v24 =	vmul.f32 v24, v12;
	v58 =	vld [tilespmem:s0+$0xC830];
	v3 =	vperm.xlane v3, v40  }
0x2c0: {  	v18 =	vadd.f32 v26, v18;
	v19 =	vadd.f32 v27, v19;
	v23 =	vmul.f32 v23, v12;
	v59 =	vld [tilespmem:s0+$0xC840]  }
0x2c1: {  	v20 =	vadd.f32 v24, v20;
	v60 =	vmul.f32 v25, v12;
	v62 =	vld [tilespmem:s0+$0xC850];
	v61 =	vmul.f32 v38, v3  }
0x2c2: {  	v43 =	vld [tilespmem:s0+$0xC860];
	v17 =	vadd.f32 v23, v17;
	v63 =	vmul.f32 v28, v12;
	v42 =	vmul.f32 v39, v3  }
0x2c3: {  	s22 =	sor.u32 $0x1C60, s4;
	v45 =	vld [tilespmem:s0+$0xC870];
	v48 =	vmul.f32 v29, v12;
	v44 =	vmul.f32 v41, v3;
	v18 =	vadd.f32 v61, v18  }
0x2c4: {  	s23 =	simm.s32 $0x13300;
	v46 =	vld [tilespmem:s22+$0xB000];
	v50 =	vmul.f32 v30, v12;
	v47 =	vmul.f32 v58, v3;
	v19 =	vadd.f32 v42, v19  }
0x2c5: {  	s2 =	simm.s32 $0x13310;
	v15 =	vadd.f32 v60, v15;
	v49 =	vmul.f32 v59, v3;
	v20 =	vadd.f32 v44, v20;
	[tilespmem:s23+$0x0] =	vst.add.f32.msk $0xffff, v18  }
0x2c6: {  	s4 =	simm.s32 $0x13320;
	v16 =	vadd.f32 v63, v16;
	v51 =	vmul.f32 v62, v3;
	v17 =	vadd.f32 v47, v17;
	[tilespmem:s2+$0x0] =	vst.add.f32.msk $0xffff, v19  }
0x2c7: {  	s5 =	simm.s32 $0x13330;
	v14 =	vadd.f32 v48, v14;
	v52 =	vmul.f32 v43, v3;
	v15 =	vadd.f32 v49, v15;
	[tilespmem:s4+$0x0] =	vst.add.f32.msk $0xffff, v20  }
0x2c8: {  	s12 =	simm.s32 $0x13340;
	v12 =	vadd.f32 v50, v13;
	v54 =	vmul.f32 v45, v3;
	v53 =	vadd.f32 v51, v16;
	[tilespmem:s5+$0x0] =	vst.add.f32.msk $0xffff, v17  }
0x2c9: {  	s13 =	simm.s32 $0x13350;
	v55 =	vmul.f32 v32, v3;
	v14 =	vadd.f32 v52, v14;
	[tilespmem:s12+$0x0] =	vst.add.f32.msk $0xffff, v15  }
0x2ca: {  	s14 =	simm.s32 $0x13360;
	v56 =	vmul.f32 v33, v3;
	v12 =	vadd.f32 v54, v12;
	[tilespmem:s13+$0x0] =	vst.add.f32.msk $0xffff, v53  }
0x2cb: {  	s15 =	simm.s32 $0x13370;
	v57 =	vmul.f32 v34, v3;
	v11 =	vadd.f32 v55, v11;
	[tilespmem:s14+$0x0] =	vst.add.f32.msk $0xffff, v14  }
0x2cc: {  	s16 =	simm.s32 $0x13380;
	v58 =	vmul.f32 v35, v3;
	v8 =	vadd.f32 v56, v8;
	[tilespmem:s15+$0x0] =	vst.add.f32.msk $0xffff, v12  }
0x2cd: {  	s17 =	simm.s32 $0x13390;
	v59 =	vmul.f32 v36, v3;
	v9 =	vadd.f32 v57, v9;
	[tilespmem:s16+$0x0] =	vst.add.f32.msk $0xffff, v11  }
0x2ce: {  	v5 =	vadd.f32 v21, v5;
	s18 =	simm.s32 $0x133A0;
	v60 =	vmul.f32 v37, v3;
	v7 =	vadd.f32 v58, v7;
	[tilespmem:s17+$0x0] =	vst.add.f32.msk $0xffff, v8  }
0x2cf: {  	s19 =	simm.s32 $0x133B0;
	v62 =	vmul.f32 v46, v3;
	v61 =	vadd.f32 v22, v10;
	v6 =	vadd.f32 v59, v6;
	[tilespmem:s18+$0x0] =	vst.add.f32.msk $0xffff, v9  }
0x2d0: {  	s20 =	simm.s32 $0x133C0;
	v3 =	vmul.f32 v31, v3;
	v5 =	vadd.f32 v60, v5;
	[tilespmem:s19+$0x0] =	vst.add.f32.msk $0xffff, v7  }
0x2d1: {  	s21 =	simm.s32 $0x133D0;
	v63 =	vadd.f32 v62, v61;
	[tilespmem:s20+$0x0] =	vst.add.f32.msk $0xffff, v6  }
0x2d2: {  	s22 =	simm.s32 $0x133E0;
	v3 =	vadd.f32 v3, v4;
	[tilespmem:s21+$0x0] =	vst.add.f32.msk $0xffff, v5  }
0x2d3: {  	[tilespmem:s22+$0x0] =	vst.add.f32.msk $0xffff, v63  }
0x2d4: {  	[tilespmem:s10+$0x0] =	vst.add.f32.msk $0xffff, v3  }
0x2d5: {  	v3 =	vld @!p0 [tilespmem:s31+$0xA0];
	_ =	sdelay $0x4  }
0x2d6: {  	v4 =	vshll.u32 @!p0 v3, $0x3  }
0x2d7: {  	v5 =	vlaneseq.u32 @!p0;
	v3 =	vand.u32 @!p0 $0x7, v3;
	v4 =	vand.u32 @!p0 $0xFFFFFFC0, v4  }
0x2d8: {  	v6 =	vshrl.u32 @!p0 v5, $0x3;
	v3 =	vor.u32 @!p0 v3, v4;
	v4 =	vand.u32 @!p0 $0x7, v5  }
0x2d9: {  	v6 =	vmul.u32 @!p0 $0x8, v6;
	v7 =	vperm.xlane @!p0 v3, v4;
	_ =	sdelay $0x1  }
0x2da: {  	v7 =	vadd.s32 @!p0 v6, v7;
	_ =	sdelay $0x3  }
0x2db: {  	s0 =	simm.s32 @!p0 $0x0;
	s2 =	simm.s32 @!p0 $0xB000  }
0x2dc: {  	v5 =	vor.u32 @!p0 $0x8, v5;
	[tilespmem:s2], [sflag:$0x2] =	stream.indirect_vreg.gather @!p0 [hbm4b:s1+s0], $0x80, v7, vm1, $0xb8;
	[tilespmem:$0x13400] =	vst v63  }
0x2dd: {  	v3 =	vperm.xlane @!p0 v3, v5;
	s2 =	simm.s32 @!p0 $0xB800  }
0x2de: {  	[tilespmem:s2], [sflag:$0x2] =	stream.indirect_vreg.gather @!p0 [hbm4b:s6+s0], $0x80, v7, vm1, $0xb8;
	[tilespmem:$0x13400] =	vst v63  }
0x2df: {  	v3 =	vadd.s32 @!p0 v6, v3;
	s2 =	simm.s32 @!p0 $0xC000  }
0x2e0: {  	[tilespmem:s2], [sflag:$0x2] =	stream.indirect_vreg.gather @!p0 [hbm4b:s7+s0], $0x80, v7, vm1, $0xb8;
	[tilespmem:$0x13400] =	vst v63  }
0x2e1: {  	s2 =	simm.s32 @!p0 $0xC800  }
0x2e2: {  	[tilespmem:s2], [sflag:$0x2] =	stream.indirect_vreg.gather @!p0 [hbm4b:s8+s0], $0x80, v7, vm1, $0xb8;
	[tilespmem:$0x13400] =	vst v63  }
0x2e3: {  	s2 =	simm.s32 @!p0 $0xD000  }
0x2e4: {  	[tilespmem:s2], [sflag:$0x2] =	stream.indirect_vreg.gather @!p0 [hbm4b:s1+s0], $0x80, v3, vm1, $0xb8;
	[tilespmem:$0x13400] =	vst v63  }
0x2e5: {  	s2 =	simm.s32 @!p0 $0xD800  }
0x2e6: {  	[tilespmem:s2], [sflag:$0x2] =	stream.indirect_vreg.gather @!p0 [hbm4b:s6+s0], $0x80, v3, vm1, $0xb8;
	[tilespmem:$0x13400] =	vst v63  }
0x2e7: {  	s2 =	simm.s32 @!p0 $0xE000  }
0x2e8: {  	[tilespmem:s2], [sflag:$0x2] =	stream.indirect_vreg.gather @!p0 [hbm4b:s7+s0], $0x80, v3, vm1, $0xb8;
	[tilespmem:$0x13400] =	vst v63  }
0x2e9: {  	s2 =	simm.s32 @!p0 $0xE800  }
0x2ea: {  	[tilespmem:s2], [sflag:$0x2] =	stream.indirect_vreg.gather @!p0 [hbm4b:s8+s0], $0x80, v3, vm1, $0xb8;
	[tilespmem:$0x13400] =	vst v63  }
0x2eb: {  	v3 =	vld @!p0 [tilespmem:s31+$0xB0];
	_ =	sdelay $0x4  }
0x2ec: {  	v7 =	vshll.u32 @!p0 v3, $0x3  }
0x2ed: {  	v3 =	vand.u32 @!p0 $0x7, v3;
	v7 =	vand.u32 @!p0 $0xFFFFFFC0, v7  }
0x2ee: {  	v3 =	vor.u32 @!p0 v3, v7  }
0x2ef: {  	v4 =	vperm.xlane @!p0 v3, v4;
	_ =	sdelay $0x1  }
0x2f0: {  	v4 =	vadd.s32 @!p0 v6, v4;
	_ =	sdelay $0x3  }
0x2f1: {  	s2 =	simm.s32 @!p0 $0xF000  }
0x2f2: {  	[tilespmem:s2], [sflag:$0x2] =	stream.indirect_vreg.gather @!p0 [hbm4b:s1+s0], $0x80, v4, vm1, $0xb8;
	[tilespmem:$0x13400] =	vst v63  }
0x2f3: {  	v3 =	vperm.xlane @!p0 v3, v5;
	s2 =	simm.s32 @!p0 $0xF800  }
0x2f4: {  	[tilespmem:s2], [sflag:$0x2] =	stream.indirect_vreg.gather @!p0 [hbm4b:s6+s0], $0x80, v4, vm1, $0xb8;
	[tilespmem:$0x13400] =	vst v63  }
0x2f5: {  	v3 =	vadd.s32 @!p0 v6, v3;
	s2 =	simm.s32 @!p0 $0x10000  }
0x2f6: {  	[tilespmem:s2], [sflag:$0x2] =	stream.indirect_vreg.gather @!p0 [hbm4b:s7+s0], $0x80, v4, vm1, $0xb8;
	[tilespmem:$0x13400] =	vst v63  }
0x2f7: {  	s2 =	simm.s32 @!p0 $0x10800  }
0x2f8: {  	[tilespmem:s2], [sflag:$0x2] =	stream.indirect_vreg.gather @!p0 [hbm4b:s8+s0], $0x80, v4, vm1, $0xb8;
	[tilespmem:$0x13400] =	vst v63  }
0x2f9: {  	s2 =	simm.s32 @!p0 $0x11000  }
0x2fa: {  	[tilespmem:s2], [sflag:$0x2] =	stream.indirect_vreg.gather @!p0 [hbm4b:s1+s0], $0x80, v3, vm1, $0xb8;
	[tilespmem:$0x13400] =	vst v63  }
0x2fb: {  	s2 =	simm.s32 @!p0 $0x11800  }
0x2fc: {  	[tilespmem:s2], [sflag:$0x2] =	stream.indirect_vreg.gather @!p0 [hbm4b:s6+s0], $0x80, v3, vm1, $0xb8;
	[tilespmem:$0x13400] =	vst v63  }
0x2fd: {  	s2 =	simm.s32 @!p0 $0x12000  }
0x2fe: {  	[tilespmem:s2], [sflag:$0x2] =	stream.indirect_vreg.gather @!p0 [hbm4b:s7+s0], $0x80, v3, vm1, $0xb8;
	[tilespmem:$0x13400] =	vst v63  }
0x2ff: {  	s23 =	sshll.u32 s30, $0x7;
	s2 =	simm.s32 @!p0 $0x12800  }
0x300: {  	[tilespmem:s2], [sflag:$0x2] =	stream.indirect_vreg.gather @!p0 [hbm4b:s8+s0], $0x80, v3, vm1, $0xb8;
	[tilespmem:$0x13400] =	vst v63  }
0x301: {  	s31 =	sshll.u32 s30, $0x4;
	s30 =	sadd.s32 $0x1, s30;
	s0 =	sand.u32 $0x1C00, s23  }
0x302: {  	s2 =	sand.u32 $0x70, s31;
	p0 =	sne.s32 s30, $0x40;
	s0 =	sadd.s32 s0, s9  }
.Ltmp8:
0x303: {  	s0 =	sadd.s32 s2, s0;
	(pc) =	sbr.rel @p0 .LBB2_2-.Ltmp8, $4  }
0x304: {  	[hbm4b:s0+s28] =	stream.strided.scatter [tilespmem:s26], [sflag:$0x3], $0x400, s29, s28, $0x38;
	[tilespmem:$0x13400] =	vst v63  }
0x305: {  	_ =	swait.ge [sflag:s11], $0x400  }
0x306: {  	[sflag:s11] =	ssyncset.done $0x0  }
0x307: {  	[sflag:s11] =	ssyncadd.s32 $0xFFFFFC00  }
0x308: {  	s2 =	rddreg [dreg:$0x7]  }
0x309: {  	s0 =	rddreg [dreg:$0x6];
	s2 =	sadd.s32 $0x1, s2  }
0x30a: {  	p0 =	sne.s32 s2, s0  }
.Ltmp9:
0x30b: {  	_ = 	snop;
	(pc) =	sbr.rel @p0 .LBB2_1-.Ltmp9, $1  }
0x30c: {  	_ =	sdelay $0x3  }
0x30d: {  	_ =	sfence.sel $0x180000  }
0x30e: {  	[bflag:$0x0] =	sbarrier.arrive $0xFFFF  }
0x30f: {  	_ =	strace $0x90000047  }
0x310: {  	s0 =	stileid.u32;
	[bflag:$0x2] =	sbarrier.arrive $0xFFFF  }
0x311: {  	p0 =	sne.s32 s0, $0x0;
	s0 =	rddreg [dreg:$0x3]  }
0x312: {  	s0 =	sadd.s32 @!p0 $0x100000, s0  }
0x313: {  	[sflag:s0] =	ssyncadd.tile.s32 @!p0 $0x1;
	_ =	shalt  }
.Lfunc_end2:
_tile_overlayer_lowered:
.L_overlay_start_2:
0x314: {  	(tag) =	ssettag $0x2  }
0x315: {  	s0 =	rddreg [dreg:$0x0];
	s2 =	stileid.u32  }
0x316: {  	s1 =	rddreg [dreg:$0x1];
	p0 =	sne.s32 s2, $0x0  }
0x317: {  	s3 =	rddreg [dreg:$0x2];
	[bflag:$0x3] =	sbarrier.arrive $0xFFFF;
	s2 =	simm.s32 @!p0 $0x1C03  }
0x318: {  	[timem:s3], [sflag:s2] =	dma.local @!p0 [hbm:s0], s1  }
0x319: {  	s0 =	simm.s32 @!p0 $0x3  }
0x31a: {  	_ =	swait.ge @!p0 [sflag:s0], s1  }
0x31b: {  	s1 =	ssub.s32 @!p0 $0x0, s1;
	[sflag:s0] =	ssyncset.done @!p0 $0x0  }
0x31c: {  	[sflag:s0] =	ssyncadd.s32 @!p0 s1  }
0x31d: {  	[bflag:$0x3] =	sbarrier.arrive $0xFFFF  }
0x31e: {  	_ =	shalt  }

</sc_bundles>
